<compile_context>
chip_gen: v7x
topology: tpu7x:2x2x1
jax: 0.10.2.dev20260603
libtpu: 0.0.44.dev20260713+nightly
codegen_flags: <defaults>
</compile_context>

<pallas_src>
import jax
import jax.numpy as jnp
from jax.experimental import pallas as pl

_NEG_SLOPE = 0.2
_TOPK = 128


def _bs(shape, imap):
    return pl.BlockSpec(shape, imap)


def _conv_pre(x, w, deg2):
    n, d = x.shape
    bn = 1000 if n % 1000 == 0 else n
    grid = n // bn

    def body(x_ref, w_ref, deg_ref, o_ref):
        dinv = jax.lax.rsqrt(jnp.maximum(deg_ref[...], 1e-12))
        o_ref[...] = dinv * jnp.dot(x_ref[...], w_ref[...],
                                    preferred_element_type=jnp.float32)

    return pl.pallas_call(
        body, grid=(grid,),
        in_specs=[_bs((bn, d), lambda i: (i, 0)),
                  _bs((d, d), lambda i: (0, 0)),
                  _bs((bn, 1), lambda i: (i, 0))],
        out_specs=_bs((bn, d), lambda i: (i, 0)),
        out_shape=jax.ShapeDtypeStruct((n, d), jnp.float32),
    )(x, w, deg2)


def _conv_post(s1, deg2, b2, wb):
    n, d = s1.shape
    bn = 1000 if n % 1000 == 0 else n
    grid = n // bn

    def body(s_ref, deg_ref, b_ref, wb_ref, x1_ref, p_ref):
        dinv = jax.lax.rsqrt(jnp.maximum(deg_ref[...], 1e-12))
        x1 = jnp.maximum(dinv * s_ref[...] + b_ref[...], 0.0)
        x1_ref[...] = x1
        p_ref[...] = jnp.dot(x1, wb_ref[...], preferred_element_type=jnp.float32)

    return pl.pallas_call(
        body, grid=(grid,),
        in_specs=[_bs((bn, d), lambda i: (i, 0)),
                  _bs((bn, 1), lambda i: (i, 0)),
                  _bs((1, d), lambda i: (0, 0)),
                  _bs((d, 1), lambda i: (0, 0))],
        out_specs=[_bs((bn, d), lambda i: (i, 0)),
                   _bs((bn, 1), lambda i: (i, 0))],
        out_shape=[jax.ShapeDtypeStruct((n, d), jnp.float32),
                   jax.ShapeDtypeStruct((n, 1), jnp.float32)],
    )(s1, deg2, b2, wb)


def _attn_q(x_q, w_lin, bl2, wa, ba2):
    n, d = x_q.shape
    bn = 1000 if n % 1000 == 0 else n
    grid = n // bn

    def body(xq_ref, wl_ref, bl_ref, wa_ref, ba_ref, q_ref):
        h = jnp.dot(xq_ref[...], wl_ref[...],
                    preferred_element_type=jnp.float32) + bl_ref[...]
        q_ref[...] = jnp.dot(h, wa_ref[...],
                             preferred_element_type=jnp.float32) + ba_ref[...]

    return pl.pallas_call(
        body, grid=(grid,),
        in_specs=[_bs((bn, d), lambda i: (i, 0)),
                  _bs((d, d), lambda i: (0, 0)),
                  _bs((1, d), lambda i: (0, 0)),
                  _bs((d, 1), lambda i: (0, 0)),
                  _bs((1, 1), lambda i: (0, 0))],
        out_specs=_bs((bn, 1), lambda i: (i, 0)),
        out_shape=jax.ShapeDtypeStruct((n, 1), jnp.float32),
    )(x_q, w_lin, bl2, wa, ba2)


def _leconv_mm(x_new, w123):
    n, d = x_new.shape
    bn = 1000 if n % 1000 == 0 else n
    grid = n // bn

    def body(x_ref, w_ref, o_ref):
        o_ref[...] = jnp.dot(x_ref[...], w_ref[...],
                             preferred_element_type=jnp.float32)

    return pl.pallas_call(
        body, grid=(grid,),
        in_specs=[_bs((bn, d), lambda i: (i, 0)),
                  _bs((d, 8), lambda i: (0, 0))],
        out_specs=_bs((bn, 8), lambda i: (i, 0)),
        out_shape=jax.ShapeDtypeStruct((n, 8), jnp.float32),
    )(x_new, w123)


def _fitness(sa2, deg2, bv2, c2):
    n = sa2.shape[0]
    bn = 1000 if n % 1000 == 0 else n
    grid = n // bn

    def body(sa_ref, deg_ref, bv_ref, c_ref, o_ref):
        t = sa_ref[...] - deg_ref[...] * bv_ref[...] + c_ref[...]
        o_ref[...] = 1.0 / (1.0 + jnp.exp(-t))

    return pl.pallas_call(
        body, grid=(grid,),
        in_specs=[_bs((bn, 1), lambda i: (i, 0)) for _ in range(4)],
        out_specs=_bs((bn, 1), lambda i: (i, 0)),
        out_shape=jax.ShapeDtypeStruct((n, 1), jnp.float32),
    )(sa2, deg2, bv2, c2)


def _topk(fit2d, k):
    r, cdim = fit2d.shape
    kc = k // r

    def body(f_ref, v_ref, i_ref):
        f0 = f_ref[...]
        rix = jax.lax.broadcasted_iota(jnp.int32, (r, cdim), 0)
        cix = jax.lax.broadcasted_iota(jnp.int32, (r, cdim), 1)
        flat = rix * cdim + cix
        krix = jax.lax.broadcasted_iota(jnp.int32, (r, kc), 0)
        kcix = jax.lax.broadcasted_iota(jnp.int32, (r, kc), 1)
        kflat = krix * kc + kcix
        big = jnp.int32(2 ** 30)

        def step(j, carry):
            f, vals, idxs = carry
            m = jnp.max(f)
            cand = jnp.where(f == m, flat, big)
            sel = jnp.min(cand)
            hit = kflat == j
            vals = jnp.where(hit, m, vals)
            idxs = jnp.where(hit, sel, idxs)
            f = jnp.where(flat == sel, -jnp.inf, f)
            return f, vals, idxs

        _, vals, idxs = jax.lax.fori_loop(
            0, k, step,
            (f0, jnp.zeros((r, kc), jnp.float32), jnp.zeros((r, kc), jnp.int32)))
        v_ref[...] = vals
        i_ref[...] = idxs

    return pl.pallas_call(
        body,
        out_shape=[jax.ShapeDtypeStruct((r, kc), jnp.float32),
                   jax.ShapeDtypeStruct((r, kc), jnp.int32)],
    )(fit2d)


def _coarsen_mm(g_mat, h_mat, k):
    n = g_mat.shape[0]
    bn = 1000 if n % 1000 == 0 else n
    grid = n // bn

    def body(s_ref, t_ref, o_ref):
        i = pl.program_id(0)

        @pl.when(i == 0)
        def _():
            o_ref[...] = jnp.zeros_like(o_ref)

        o_ref[...] += jax.lax.dot_general(
            s_ref[...], t_ref[...], (((0,), (0,)), ((), ())),
            preferred_element_type=jnp.float32)

        @pl.when(i == grid - 1)
        def _():
            rix = jax.lax.broadcasted_iota(jnp.int32, (k, k), 0)
            cix = jax.lax.broadcasted_iota(jnp.int32, (k, k), 1)
            o_ref[...] = jnp.where(rix == cix, 0.0, o_ref[...])

    return pl.pallas_call(
        body, grid=(grid,),
        in_specs=[_bs((bn, k), lambda i: (i, 0)),
                  _bs((bn, k), lambda i: (i, 0))],
        out_specs=_bs((k, k), lambda i: (0, 0)),
        out_shape=jax.ShapeDtypeStruct((k, k), jnp.float32),
    )(g_mat, h_mat)


def _scale_rows(xg, fitk2):
    k, d = xg.shape

    def body(x_ref, f_ref, o_ref):
        o_ref[...] = x_ref[...] * f_ref[...]

    return pl.pallas_call(
        body,
        out_shape=jax.ShapeDtypeStruct((k, d), jnp.float32),
    )(xg, fitk2)


def kernel(x, edge_index, batch, W_gcn, b_gcn, W_lin, b_lin, W_att, b_att,
           W1, b1, W2, W3, b3):
    n, d = x.shape
    loop = jnp.arange(n, dtype=edge_index.dtype)
    row = jnp.concatenate([edge_index[0], loop])
    col = jnp.concatenate([edge_index[1], loop])

    deg = jax.ops.segment_sum(jnp.ones(row.shape[0], jnp.float32), col, n)
    deg2 = deg[:, None]
    z = _conv_pre(x, W_gcn, deg2)
    s1 = jax.ops.segment_sum(z[row], col, n)
    x1, p = _conv_post(s1, deg2, b_gcn[None, :], W_att[d:, :])

    x_q = jax.ops.segment_max(x1[row], col, n)
    q = _attn_q(x_q, W_lin, b_lin[None, :], W_att[:d, :], b_att[None, None, 0])
    score = q[:, 0][col] + p[:, 0][row]
    score = jnp.where(score > 0, score, _NEG_SLOPE * score)

    smax = jax.ops.segment_max(score, col, n)
    sexp = jnp.exp(score - smax[col])
    ssum = jax.ops.segment_sum(sexp, col, n)
    score = sexp / (ssum[col] + 1e-16)
    x_new = jax.ops.segment_sum(x1[row] * score[:, None], col, n)

    w123 = jnp.concatenate(
        [W1, W2, W3, jnp.zeros((d, 5), jnp.float32)], axis=1)
    abc = _leconv_mm(x_new, w123)
    a = abc[:, 0] + b1[0]
    bv = abc[:, 1:2]
    c = abc[:, 2:3] + b3[0]
    sa = jax.ops.segment_sum(a[row], col, n)[:, None]
    fitness = _fitness(sa, deg2, bv, c)[:, 0]

    vals, idxs = _topk(fitness.reshape(8, n // 8), _TOPK)
    fit_k = vals.reshape(-1)
    perm = idxs.reshape(-1)
    new_batch = batch[perm]

    pos = jnp.full((n,), -1, jnp.int32).at[perm].set(
        jnp.arange(_TOPK, dtype=jnp.int32))
    col_pos = pos[col]
    valid = col_pos >= 0
    s_mat = jnp.zeros((n, _TOPK), jnp.float32).at[
        row, jnp.where(valid, col_pos, 0)].add(jnp.where(valid, score, 0.0))
    a_new = _coarsen_mm(s_mat[row], s_mat[col], _TOPK)

    new_x = _scale_rows(x_new[perm], fit_k[:, None])
    return (new_x, a_new, perm, fitness, score, x1, new_batch)

# --- scband reference (transcript-rebuilt; emitter-appended) ---
"""Pipeline reference for scband-asapblock-53120155517526 (READ-ONLY COPY).

The authoritative reference and input builder live on the scoring server;
editing this copy changes nothing except your own understanding.
"""

import jax, jax.numpy as jnp
import numpy as np

N = 10000
E = 160000
D = 128
K = 128
NEG_SLOPE = 0.2

def _glorot(key, shape):
    fan_in = shape[0]
    fan_out = shape[-1]
    lim = (6.0 / (fan_in + fan_out)) ** 0.5
    return jax.random.uniform(key, shape, jnp.float32, -lim, lim)

def setup_inputs(seed: int = 0) -> dict:
    key = jax.random.key(seed)
    ks = jax.random.split(key, 14)
    x = jax.random.normal(ks[0], (N, D), jnp.float32)
    edge_index = jax.random.randint(ks[1], (2, E), 0, N)
    batch = jnp.zeros((N,), jnp.int32)
    W_gcn = _glorot(ks[2], (D, D)); b_gcn = jnp.zeros((D,), jnp.float32)
    W_lin = _glorot(ks[3], (D, D)); b_lin = jnp.zeros((D,), jnp.float32)
    W_att = _glorot(ks[4], (2 * D, 1)); b_att = jnp.zeros((1,), jnp.float32)
    W1 = _glorot(ks[5], (D, 1)); b1 = jnp.zeros((1,), jnp.float32)
    W2 = _glorot(ks[6], (D, 1))
    W3 = _glorot(ks[7], (D, 1)); b3 = jnp.zeros((1,), jnp.float32)
    return {"x": x, "edge_index": edge_index, "batch": batch,
            "W_gcn": W_gcn, "b_gcn": b_gcn, "W_lin": W_lin, "b_lin": b_lin,
            "W_att": W_att, "b_att": b_att, "W1": W1, "b1": b1,
            "W2": W2, "W3": W3, "b3": b3}

def _with_self_loops(edge_index, n):
    loop = jnp.arange(n, dtype=edge_index.dtype)
    row = jnp.concatenate([edge_index[0], loop])
    col = jnp.concatenate([edge_index[1], loop])
    return row, col

def _gcn_conv(x, edge_index, W, b):
    n = x.shape[0]
    row, col = _with_self_loops(edge_index, n)
    deg = jax.ops.segment_sum(jnp.ones(row.shape[0], jnp.float32), col, n)
    dinv = jax.lax.rsqrt(jnp.maximum(deg, 1e-12))
    norm = dinv[row] * dinv[col]
    xw = x @ W
    return jax.ops.segment_sum(norm[:, None] * xw[row], col, n) + b

def reference(x, edge_index, batch, W_gcn, b_gcn, W_lin, b_lin, W_att, b_att, W1, b1, W2, W3, b3):
    # embedding conv stack (embedding_sizes=[128,128] -> one GCN conv) + relu activation
    x = jax.nn.relu(_gcn_conv(x, edge_index, W_gcn, b_gcn))
    n = x.shape[0]
    # ASAPooling: add self loops with edge_weight = 1
    row, col = _with_self_loops(edge_index, n)
    ew = jnp.ones(row.shape[0], jnp.float32)
    # master-node attention (GNN=None so x_pool = x)
    x_pool_j = x[row]
    x_q = jax.ops.segment_max(x_pool_j, col, n)
    x_q = (x_q @ W_lin + b_lin)[col]
    score = (jnp.concatenate([x_q, x_pool_j], axis=-1) @ W_att + b_att).reshape(-1)
    score = jax.nn.leaky_relu(score, NEG_SLOPE)
    # per-destination-segment softmax
    smax = jax.ops.segment_max(score, col, n)
    sexp = jnp.exp(score - smax[col])
    ssum = jax.ops.segment_sum(sexp, col, n)
    score = sexp / (ssum[col] + 1e-16)
    v_j = x[row] * score[:, None]
    x_new = jax.ops.segment_sum(v_j, col, n)
    # LEConv fitness: out[i] = sum_{j->i} (a[j] - b[i]) + c[i]
    a = x_new @ W1 + b1
    bvec = x_new @ W2
    c = x_new @ W3 + b3
    agg = jax.ops.segment_sum(a[row] - bvec[col], col, n)
    fitness = jax.nn.sigmoid((agg + c).reshape(-1))
    # top-k cluster selection
    fit_k, perm = jax.lax.top_k(fitness, K)
    new_x = x_new[perm] * fit_k[:, None]
    new_batch = batch[perm]
    # graph coarsening: A_new = S^T A S, diagonal removed (add_self_loops=False)
    pos = jnp.full((n,), -1, jnp.int32).at[perm].set(jnp.arange(K, dtype=jnp.int32))
    col_pos = pos[col]
    valid = col_pos >= 0
    S = jnp.zeros((n, K), jnp.float32).at[row, jnp.where(valid, col_pos, 0)].add(jnp.where(valid, score, 0.0))
    T = jax.ops.segment_sum(ew[:, None] * S[col], row, n)  # A @ S
    A_new = S.T @ T
    A_new = A_new * (1.0 - jnp.eye(K, dtype=jnp.float32))
    return (new_x, A_new, perm, fitness, score, x, new_batch)

if __name__ == "__main__":
    import jax
    _d = setup_inputs()
    print(jax.jit(kernel)(*tuple(_d.values())))

</pallas_src>

<mosaic_0001>
module attributes {stable_mosaic.version = 14 : i64} {
  func.func @body(%arg0: i32, %arg1: memref<1000x128xf32, #tpu.memory_space<vmem>>, %arg2: memref<128x128xf32, #tpu.memory_space<vmem>>, %arg3: memref<1000x1xf32, #tpu.memory_space<vmem>>, %arg4: memref<1000x128xf32, #tpu.memory_space<vmem>>) attributes {dimension_semantics = [#tpu.dimension_semantics<arbitrary>], iteration_bounds = array<i64: 10>, scalar_prefetch = 0 : i64, scratch_operands = 0 : i64, tpu.core_type = #tpu.core_type<tc>, window_params = [{transform_indices = @transform_0, window_bounds = array<i64: 1000, 128>}, {pipeline_mode = #tpu.pipeline_mode<synchronous>, transform_indices = @transform_1, window_bounds = array<i64: 128, 128>}, {transform_indices = @transform_2, window_bounds = array<i64: 1000, 1>}, {transform_indices = @transform_3, window_bounds = array<i64: 1000, 128>}]} {
    %get3A = arith.constant 0 : index
    %get3A_0 = arith.constant 0 : index
    %get3A_1 = vector.load %arg3[%get3A, %get3A_0] : memref<1000x1xf32, #tpu.memory_space<vmem>>, vector<1000x1xf32>
    %max3A = arith.constant 9.99999996E-13 : f32
    %max3A_2 = vector.broadcast %max3A : f32 to vector<1000x1xf32>
    %max3A_3 = arith.maximumf %get3A_1, %max3A_2 : vector<1000x1xf32>
    %rsqrt3A = math.rsqrt %max3A_3 : vector<1000x1xf32>
    %get3A_4 = arith.constant 0 : index
    %get3A_5 = arith.constant 0 : index
    %get3A_6 = vector.load %arg1[%get3A_4, %get3A_5] : memref<1000x128xf32, #tpu.memory_space<vmem>>, vector<1000x128xf32>
    %get3A_7 = arith.constant 0 : index
    %get3A_8 = arith.constant 0 : index
    %get3A_9 = vector.load %arg2[%get3A_7, %get3A_8] : memref<128x128xf32, #tpu.memory_space<vmem>>, vector<128x128xf32>
    %dot_general3A = arith.constant dense<0.000000e+00> : vector<1000x128xf32>
    %dot_general3A_10 = tpu.matmul %get3A_6, %get3A_9, %dot_general3A {dimension_numbers = #tpu.dot_dimension_numbers<[1], [0], [0], [1], [0, 0, 1, 1], [], []>, transpose_lhs_hint = false} : vector<1000x128xf32>, vector<128x128xf32>, vector<1000x128xf32> -> vector<1000x128xf32>
    %mul3A = vector.broadcast %rsqrt3A : vector<1000x1xf32> to vector<1000x128xf32>
    %mul3A_11 = arith.mulf %mul3A, %dot_general3A_10 : vector<1000x128xf32>
    %swap3A = arith.constant 0 : index
    %swap3A_12 = arith.constant 0 : index
    %swap3A_13 = vector.load %arg4[%swap3A, %swap3A_12] : memref<1000x128xf32, #tpu.memory_space<vmem>>, vector<1000x128xf32>
    tpu.vector_store %arg4[%swap3A, %swap3A_12], %mul3A_11 {strides = array<i32>} : memref<1000x128xf32, #tpu.memory_space<vmem>>, vector<1000x128xf32>,
    return
  }
  func.func @transform_0(%arg0: i32) -> (i32, i32) {
    %c0_i32 = arith.constant 0 : i32
    %c0_i32_0 = arith.constant 0 : i32
    return %arg0, %c0_i32 : i32, i32
  }
  func.func @transform_1(%arg0: i32) -> (i32, i32) {
    %c0_i32 = arith.constant 0 : i32
    %c0_i32_0 = arith.constant 0 : i32
    %c0_i32_1 = arith.constant 0 : i32
    return %c0_i32, %c0_i32_0 : i32, i32
  }
  func.func @transform_2(%arg0: i32) -> (i32, i32) {
    %c0_i32 = arith.constant 0 : i32
    %c0_i32_0 = arith.constant 0 : i32
    return %arg0, %c0_i32 : i32, i32
  }
  func.func @transform_3(%arg0: i32) -> (i32, i32) {
    %c0_i32 = arith.constant 0 : i32
    %c0_i32_0 = arith.constant 0 : i32
    return %arg0, %c0_i32 : i32, i32
  }
}

module attributes {stable_mosaic.version = 14 : i64} {
  func.func @body(%arg0: i32, %arg1: memref<1000x128xf32, #tpu.memory_space<vmem>>, %arg2: memref<1000x1xf32, #tpu.memory_space<vmem>>, %arg3: memref<1x128xf32, #tpu.memory_space<vmem>>, %arg4: memref<128x1xf32, #tpu.memory_space<vmem>>, %arg5: memref<1000x128xf32, #tpu.memory_space<vmem>>, %arg6: memref<1000x1xf32, #tpu.memory_space<vmem>>) attributes {dimension_semantics = [#tpu.dimension_semantics<arbitrary>], iteration_bounds = array<i64: 10>, scalar_prefetch = 0 : i64, scratch_operands = 0 : i64, tpu.core_type = #tpu.core_type<tc>, window_params = [{transform_indices = @transform_0, window_bounds = array<i64: 1000, 128>}, {transform_indices = @transform_1, window_bounds = array<i64: 1000, 1>}, {pipeline_mode = #tpu.pipeline_mode<synchronous>, transform_indices = @transform_2, window_bounds = array<i64: 1, 128>}, {pipeline_mode = #tpu.pipeline_mode<synchronous>, transform_indices = @transform_3, window_bounds = array<i64: 128, 1>}, {transform_indices = @transform_4, window_bounds = array<i64: 1000, 128>}, {transform_indices = @transform_5, window_bounds = array<i64: 1000, 1>}]} {
    %get3A = arith.constant 0 : index
    %get3A_0 = arith.constant 0 : index
    %get3A_1 = vector.load %arg2[%get3A, %get3A_0] : memref<1000x1xf32, #tpu.memory_space<vmem>>, vector<1000x1xf32>
    %max3A = arith.constant 9.99999996E-13 : f32
    %max3A_2 = vector.broadcast %max3A : f32 to vector<1000x1xf32>
    %max3A_3 = arith.maximumf %get3A_1, %max3A_2 : vector<1000x1xf32>
    %rsqrt3A = math.rsqrt %max3A_3 : vector<1000x1xf32>
    %get3A_4 = arith.constant 0 : index
    %get3A_5 = arith.constant 0 : index
    %get3A_6 = vector.load %arg1[%get3A_4, %get3A_5] : memref<1000x128xf32, #tpu.memory_space<vmem>>, vector<1000x128xf32>
    %mul3A = vector.broadcast %rsqrt3A : vector<1000x1xf32> to vector<1000x128xf32>
    %mul3A_7 = arith.mulf %mul3A, %get3A_6 : vector<1000x128xf32>
    %get3A_8 = arith.constant 0 : index
    %get3A_9 = arith.constant 0 : index
    %get3A_10 = vector.load %arg3[%get3A_8, %get3A_9] : memref<1x128xf32, #tpu.memory_space<vmem>>, vector<1x128xf32>
    %add3A = vector.broadcast %get3A_10 : vector<1x128xf32> to vector<1000x128xf32>
    %add3A_11 = arith.addf %mul3A_7, %add3A : vector<1000x128xf32>
    %max3A_12 = arith.constant 0.000000e+00 : f32
    %max3A_13 = vector.broadcast %max3A_12 : f32 to vector<1000x128xf32>
    %max3A_14 = arith.maximumf %add3A_11, %max3A_13 : vector<1000x128xf32>
    %swap3A = arith.constant 0 : index
    %swap3A_15 = arith.constant 0 : index
    %swap3A_16 = vector.load %arg5[%swap3A, %swap3A_15] : memref<1000x128xf32, #tpu.memory_space<vmem>>, vector<1000x128xf32>
    tpu.vector_store %arg5[%swap3A, %swap3A_15], %max3A_14 {strides = array<i32>} : memref<1000x128xf32, #tpu.memory_space<vmem>>, vector<1000x128xf32>,
    %get3A_17 = arith.constant 0 : index
    %get3A_18 = arith.constant 0 : index
    %get3A_19 = vector.load %arg4[%get3A_17, %get3A_18] : memref<128x1xf32, #tpu.memory_space<vmem>>, vector<128x1xf32>
    %dot_general3A = arith.constant dense<0.000000e+00> : vector<1000x1xf32>
    %dot_general3A_20 = tpu.matmul %max3A_14, %get3A_19, %dot_general3A {dimension_numbers = #tpu.dot_dimension_numbers<[1], [0], [0], [1], [0, 0, 1, 1], [], []>, transpose_lhs_hint = false} : vector<1000x128xf32>, vector<128x1xf32>, vector<1000x1xf32> -> vector<1000x1xf32>
    %swap3A_21 = arith.constant 0 : index
    %swap3A_22 = arith.constant 0 : index
    %swap3A_23 = vector.load %arg6[%swap3A_21, %swap3A_22] : memref<1000x1xf32, #tpu.memory_space<vmem>>, vector<1000x1xf32>
    tpu.vector_store %arg6[%swap3A_21, %swap3A_22], %dot_general3A_20 {strides = array<i32>} : memref<1000x1xf32, #tpu.memory_space<vmem>>, vector<1000x1xf32>,
    return
  }
  func.func @transform_0(%arg0: i32) -> (i32, i32) {
    %c0_i32 = arith.constant 0 : i32
    %c0_i32_0 = arith.constant 0 : i32
    return %arg0, %c0_i32 : i32, i32
  }
  func.func @transform_1(%arg0: i32) -> (i32, i32) {
    %c0_i32 = arith.constant 0 : i32
    %c0_i32_0 = arith.constant 0 : i32
    return %arg0, %c0_i32 : i32, i32
  }
  func.func @transform_2(%arg0: i32) -> (i32, i32) {
    %c0_i32 = arith.constant 0 : i32
    %c0_i32_0 = arith.constant 0 : i32
    %c0_i32_1 = arith.constant 0 : i32
    return %c0_i32, %c0_i32_0 : i32, i32
  }
  func.func @transform_3(%arg0: i32) -> (i32, i32) {
    %c0_i32 = arith.constant 0 : i32
    %c0_i32_0 = arith.constant 0 : i32
    %c0_i32_1 = arith.constant 0 : i32
    return %c0_i32, %c0_i32_0 : i32, i32
  }
  func.func @transform_4(%arg0: i32) -> (i32, i32) {
    %c0_i32 = arith.constant 0 : i32
    %c0_i32_0 = arith.constant 0 : i32
    return %arg0, %c0_i32 : i32, i32
  }
  func.func @transform_5(%arg0: i32) -> (i32, i32) {
    %c0_i32 = arith.constant 0 : i32
    %c0_i32_0 = arith.constant 0 : i32
    return %arg0, %c0_i32 : i32, i32
  }
}

module attributes {stable_mosaic.version = 14 : i64} {
  func.func @body(%arg0: i32, %arg1: memref<1000x128xf32, #tpu.memory_space<vmem>>, %arg2: memref<128x128xf32, #tpu.memory_space<vmem>>, %arg3: memref<1x128xf32, #tpu.memory_space<vmem>>, %arg4: memref<128x1xf32, #tpu.memory_space<vmem>>, %arg5: memref<1x1xf32, #tpu.memory_space<vmem>>, %arg6: memref<1000x1xf32, #tpu.memory_space<vmem>>) attributes {dimension_semantics = [#tpu.dimension_semantics<arbitrary>], iteration_bounds = array<i64: 10>, scalar_prefetch = 0 : i64, scratch_operands = 0 : i64, tpu.core_type = #tpu.core_type<tc>, window_params = [{transform_indices = @transform_0, window_bounds = array<i64: 1000, 128>}, {pipeline_mode = #tpu.pipeline_mode<synchronous>, transform_indices = @transform_1, window_bounds = array<i64: 128, 128>}, {pipeline_mode = #tpu.pipeline_mode<synchronous>, transform_indices = @transform_2, window_bounds = array<i64: 1, 128>}, {pipeline_mode = #tpu.pipeline_mode<synchronous>, transform_indices = @transform_3, window_bounds = array<i64: 128, 1>}, {pipeline_mode = #tpu.pipeline_mode<synchronous>, transform_indices = @transform_4, window_bounds = array<i64: 1, 1>}, {transform_indices = @transform_5, window_bounds = array<i64: 1000, 1>}]} {
    %get3A = arith.constant 0 : index
    %get3A_0 = arith.constant 0 : index
    %get3A_1 = vector.load %arg1[%get3A, %get3A_0] : memref<1000x128xf32, #tpu.memory_space<vmem>>, vector<1000x128xf32>
    %get3A_2 = arith.constant 0 : index
    %get3A_3 = arith.constant 0 : index
    %get3A_4 = vector.load %arg2[%get3A_2, %get3A_3] : memref<128x128xf32, #tpu.memory_space<vmem>>, vector<128x128xf32>
    %dot_general3A = arith.constant dense<0.000000e+00> : vector<1000x128xf32>
    %dot_general3A_5 = tpu.matmul %get3A_1, %get3A_4, %dot_general3A {dimension_numbers = #tpu.dot_dimension_numbers<[1], [0], [0], [1], [0, 0, 1, 1], [], []>, transpose_lhs_hint = false} : vector<1000x128xf32>, vector<128x128xf32>, vector<1000x128xf32> -> vector<1000x128xf32>
    %get3A_6 = arith.constant 0 : index
    %get3A_7 = arith.constant 0 : index
    %get3A_8 = vector.load %arg3[%get3A_6, %get3A_7] : memref<1x128xf32, #tpu.memory_space<vmem>>, vector<1x128xf32>
    %add3A = vector.broadcast %get3A_8 : vector<1x128xf32> to vector<1000x128xf32>
    %add3A_9 = arith.addf %dot_general3A_5, %add3A : vector<1000x128xf32>
    %get3A_10 = arith.constant 0 : index
    %get3A_11 = arith.constant 0 : index
    %get3A_12 = vector.load %arg4[%get3A_10, %get3A_11] : memref<128x1xf32, #tpu.memory_space<vmem>>, vector<128x1xf32>
    %dot_general3A_13 = arith.constant dense<0.000000e+00> : vector<1000x1xf32>
    %dot_general3A_14 = tpu.matmul %add3A_9, %get3A_12, %dot_general3A_13 {dimension_numbers = #tpu.dot_dimension_numbers<[1], [0], [0], [1], [0, 0, 1, 1], [], []>, transpose_lhs_hint = false} : vector<1000x128xf32>, vector<128x1xf32>, vector<1000x1xf32> -> vector<1000x1xf32>
    %get3A_15 = arith.constant 0 : index
    %get3A_16 = arith.constant 0 : index
    %get3A_17 = vector.load %arg5[%get3A_15, %get3A_16] : memref<1x1xf32, #tpu.memory_space<vmem>>, vector<1x1xf32>
    %add3A_18 = vector.broadcast %get3A_17 : vector<1x1xf32> to vector<1000x1xf32>
    %add3A_19 = arith.addf %dot_general3A_14, %add3A_18 : vector<1000x1xf32>
    %swap3A = arith.constant 0 : index
    %swap3A_20 = arith.constant 0 : index
    %swap3A_21 = vector.load %arg6[%swap3A, %swap3A_20] : memref<1000x1xf32, #tpu.memory_space<vmem>>, vector<1000x1xf32>
    tpu.vector_store %arg6[%swap3A, %swap3A_20], %add3A_19 {strides = array<i32>} : memref<1000x1xf32, #tpu.memory_space<vmem>>, vector<1000x1xf32>,
    return
  }
  func.func @transform_0(%arg0: i32) -> (i32, i32) {
    %c0_i32 = arith.constant 0 : i32
    %c0_i32_0 = arith.constant 0 : i32
    return %arg0, %c0_i32 : i32, i32
  }
  func.func @transform_1(%arg0: i32) -> (i32, i32) {
    %c0_i32 = arith.constant 0 : i32
    %c0_i32_0 = arith.constant 0 : i32
    %c0_i32_1 = arith.constant 0 : i32
    return %c0_i32, %c0_i32_0 : i32, i32
  }
  func.func @transform_2(%arg0: i32) -> (i32, i32) {
    %c0_i32 = arith.constant 0 : i32
    %c0_i32_0 = arith.constant 0 : i32
    %c0_i32_1 = arith.constant 0 : i32
    return %c0_i32, %c0_i32_0 : i32, i32
  }
  func.func @transform_3(%arg0: i32) -> (i32, i32) {
    %c0_i32 = arith.constant 0 : i32
    %c0_i32_0 = arith.constant 0 : i32
    %c0_i32_1 = arith.constant 0 : i32
    return %c0_i32, %c0_i32_0 : i32, i32
  }
  func.func @transform_4(%arg0: i32) -> (i32, i32) {
    %c0_i32 = arith.constant 0 : i32
    %c0_i32_0 = arith.constant 0 : i32
    %c0_i32_1 = arith.constant 0 : i32
    return %c0_i32, %c0_i32_0 : i32, i32
  }
  func.func @transform_5(%arg0: i32) -> (i32, i32) {
    %c0_i32 = arith.constant 0 : i32
    %c0_i32_0 = arith.constant 0 : i32
    return %arg0, %c0_i32 : i32, i32
  }
}

module attributes {stable_mosaic.version = 14 : i64} {
  func.func @body(%arg0: i32, %arg1: memref<1000x128xf32, #tpu.memory_space<vmem>>, %arg2: memref<128x8xf32, #tpu.memory_space<vmem>>, %arg3: memref<1000x8xf32, #tpu.memory_space<vmem>>) attributes {dimension_semantics = [#tpu.dimension_semantics<arbitrary>], iteration_bounds = array<i64: 10>, scalar_prefetch = 0 : i64, scratch_operands = 0 : i64, tpu.core_type = #tpu.core_type<tc>, window_params = [{transform_indices = @transform_0, window_bounds = array<i64: 1000, 128>}, {pipeline_mode = #tpu.pipeline_mode<synchronous>, transform_indices = @transform_1, window_bounds = array<i64: 128, 8>}, {transform_indices = @transform_2, window_bounds = array<i64: 1000, 8>}]} {
    %get3A = arith.constant 0 : index
    %get3A_0 = arith.constant 0 : index
    %get3A_1 = vector.load %arg1[%get3A, %get3A_0] : memref<1000x128xf32, #tpu.memory_space<vmem>>, vector<1000x128xf32>
    %get3A_2 = arith.constant 0 : index
    %get3A_3 = arith.constant 0 : index
    %get3A_4 = vector.load %arg2[%get3A_2, %get3A_3] : memref<128x8xf32, #tpu.memory_space<vmem>>, vector<128x8xf32>
    %dot_general3A = arith.constant dense<0.000000e+00> : vector<1000x8xf32>
    %dot_general3A_5 = tpu.matmul %get3A_1, %get3A_4, %dot_general3A {dimension_numbers = #tpu.dot_dimension_numbers<[1], [0], [0], [1], [0, 0, 1, 1], [], []>, transpose_lhs_hint = false} : vector<1000x128xf32>, vector<128x8xf32>, vector<1000x8xf32> -> vector<1000x8xf32>
    %swap3A = arith.constant 0 : index
    %swap3A_6 = arith.constant 0 : index
    %swap3A_7 = vector.load %arg3[%swap3A, %swap3A_6] : memref<1000x8xf32, #tpu.memory_space<vmem>>, vector<1000x8xf32>
    tpu.vector_store %arg3[%swap3A, %swap3A_6], %dot_general3A_5 {strides = array<i32>} : memref<1000x8xf32, #tpu.memory_space<vmem>>, vector<1000x8xf32>,
    return
  }
  func.func @transform_0(%arg0: i32) -> (i32, i32) {
    %c0_i32 = arith.constant 0 : i32
    %c0_i32_0 = arith.constant 0 : i32
    return %arg0, %c0_i32 : i32, i32
  }
  func.func @transform_1(%arg0: i32) -> (i32, i32) {
    %c0_i32 = arith.constant 0 : i32
    %c0_i32_0 = arith.constant 0 : i32
    %c0_i32_1 = arith.constant 0 : i32
    return %c0_i32, %c0_i32_0 : i32, i32
  }
  func.func @transform_2(%arg0: i32) -> (i32, i32) {
    %c0_i32 = arith.constant 0 : i32
    %c0_i32_0 = arith.constant 0 : i32
    return %arg0, %c0_i32 : i32, i32
  }
}

module attributes {stable_mosaic.version = 14 : i64} {
  func.func @body(%arg0: i32, %arg1: memref<1000x1xf32, #tpu.memory_space<vmem>>, %arg2: memref<1000x1xf32, #tpu.memory_space<vmem>>, %arg3: memref<1000x1xf32, #tpu.memory_space<vmem>>, %arg4: memref<1000x1xf32, #tpu.memory_space<vmem>>, %arg5: memref<1000x1xf32, #tpu.memory_space<vmem>>) attributes {dimension_semantics = [#tpu.dimension_semantics<arbitrary>], iteration_bounds = array<i64: 10>, scalar_prefetch = 0 : i64, scratch_operands = 0 : i64, tpu.core_type = #tpu.core_type<tc>, window_params = [{transform_indices = @transform_0, window_bounds = array<i64: 1000, 1>}, {transform_indices = @transform_1, window_bounds = array<i64: 1000, 1>}, {transform_indices = @transform_2, window_bounds = array<i64: 1000, 1>}, {transform_indices = @transform_3, window_bounds = array<i64: 1000, 1>}, {transform_indices = @transform_4, window_bounds = array<i64: 1000, 1>}]} {
    %get3A = arith.constant 0 : index
    %get3A_0 = arith.constant 0 : index
    %get3A_1 = vector.load %arg1[%get3A, %get3A_0] : memref<1000x1xf32, #tpu.memory_space<vmem>>, vector<1000x1xf32>
    %get3A_2 = arith.constant 0 : index
    %get3A_3 = arith.constant 0 : index
    %get3A_4 = vector.load %arg2[%get3A_2, %get3A_3] : memref<1000x1xf32, #tpu.memory_space<vmem>>, vector<1000x1xf32>
    %get3A_5 = arith.constant 0 : index
    %get3A_6 = arith.constant 0 : index
    %get3A_7 = vector.load %arg3[%get3A_5, %get3A_6] : memref<1000x1xf32, #tpu.memory_space<vmem>>, vector<1000x1xf32>
    %mul3A = arith.mulf %get3A_4, %get3A_7 : vector<1000x1xf32>
    %sub3A = arith.subf %get3A_1, %mul3A : vector<1000x1xf32>
    %get3A_8 = arith.constant 0 : index
    %get3A_9 = arith.constant 0 : index
    %get3A_10 = vector.load %arg4[%get3A_8, %get3A_9] : memref<1000x1xf32, #tpu.memory_space<vmem>>, vector<1000x1xf32>
    %add3A = arith.addf %sub3A, %get3A_10 : vector<1000x1xf32>
    %neg3A = arith.constant 0.000000e+00 : f32
    %neg3A_11 = vector.broadcast %neg3A : f32 to vector<1000x1xf32>
    %neg3A_12 = arith.subf %neg3A_11, %add3A : vector<1000x1xf32>
    %exp3A = math.exp %neg3A_12 : vector<1000x1xf32>
    %add3A_13 = arith.constant 1.000000e+00 : f32
    %add3A_14 = vector.broadcast %add3A_13 : f32 to vector<1000x1xf32>
    %add3A_15 = arith.addf %add3A_14, %exp3A : vector<1000x1xf32>
    %div3A = arith.constant 1.000000e+00 : f32
    %div3A_16 = vector.broadcast %div3A : f32 to vector<1000x1xf32>
    %div3A_17 = arith.divf %div3A_16, %add3A_15 : vector<1000x1xf32>
    %swap3A = arith.constant 0 : index
    %swap3A_18 = arith.constant 0 : index
    %swap3A_19 = vector.load %arg5[%swap3A, %swap3A_18] : memref<1000x1xf32, #tpu.memory_space<vmem>>, vector<1000x1xf32>
    tpu.vector_store %arg5[%swap3A, %swap3A_18], %div3A_17 {strides = array<i32>} : memref<1000x1xf32, #tpu.memory_space<vmem>>, vector<1000x1xf32>,
    return
  }
  func.func @transform_0(%arg0: i32) -> (i32, i32) {
    %c0_i32 = arith.constant 0 : i32
    %c0_i32_0 = arith.constant 0 : i32
    return %arg0, %c0_i32 : i32, i32
  }
  func.func @transform_1(%arg0: i32) -> (i32, i32) {
    %c0_i32 = arith.constant 0 : i32
    %c0_i32_0 = arith.constant 0 : i32
    return %arg0, %c0_i32 : i32, i32
  }
  func.func @transform_2(%arg0: i32) -> (i32, i32) {
    %c0_i32 = arith.constant 0 : i32
    %c0_i32_0 = arith.constant 0 : i32
    return %arg0, %c0_i32 : i32, i32
  }
  func.func @transform_3(%arg0: i32) -> (i32, i32) {
    %c0_i32 = arith.constant 0 : i32
    %c0_i32_0 = arith.constant 0 : i32
    return %arg0, %c0_i32 : i32, i32
  }
  func.func @transform_4(%arg0: i32) -> (i32, i32) {
    %c0_i32 = arith.constant 0 : i32
    %c0_i32_0 = arith.constant 0 : i32
    return %arg0, %c0_i32 : i32, i32
  }
}

module attributes {stable_mosaic.version = 14 : i64} {
  func.func @body(%arg0: memref<8x1250xf32, #tpu.memory_space<vmem>>, %arg1: memref<8x16xf32, #tpu.memory_space<vmem>>, %arg2: memref<8x16xi32, #tpu.memory_space<vmem>>) attributes {dimension_semantics = [], scalar_prefetch = 0 : i64, scratch_operands = 0 : i64, tpu.core_type = #tpu.core_type<tc>} {
    %get3A = arith.constant 0 : index
    %get3A_0 = arith.constant 0 : index
    %get3A_1 = vector.load %arg0[%get3A, %get3A_0] : memref<8x1250xf32, #tpu.memory_space<vmem>>, vector<8x1250xf32>
    %iota3A = tpu.iota {dimensions = array<i32: 0>} : vector<8x1250xi32>
    %iota3A_2 = tpu.iota {dimensions = array<i32: 1>} : vector<8x1250xi32>
    %mul3A = arith.constant 1250 : i32
    %mul3A_3 = vector.broadcast %mul3A : i32 to vector<8x1250xi32>
    %mul3A_4 = arith.muli %iota3A, %mul3A_3 : vector<8x1250xi32>
    %add3A = arith.addi %mul3A_4, %iota3A_2 : vector<8x1250xi32>
    %iota3A_5 = tpu.iota {dimensions = array<i32: 0>} : vector<8x16xi32>
    %iota3A_6 = tpu.iota {dimensions = array<i32: 1>} : vector<8x16xi32>
    %mul3A_7 = arith.constant 16 : i32
    %mul3A_8 = vector.broadcast %mul3A_7 : i32 to vector<8x16xi32>
    %mul3A_9 = arith.muli %iota3A_5, %mul3A_8 : vector<8x16xi32>
    %add3A_10 = arith.addi %mul3A_9, %iota3A_6 : vector<8x16xi32>
    %broadcast_in_dim3A = arith.constant 0.000000e+00 : f32
    %broadcast_in_dim3A_11 = vector.broadcast %broadcast_in_dim3A : f32 to vector<8x16xf32>
    %broadcast_in_dim3A_12 = arith.constant 0 : i32
    %broadcast_in_dim3A_13 = vector.broadcast %broadcast_in_dim3A_12 : i32 to vector<8x16xi32>
    %scan3A = arith.constant 1073741824 : i32
    %scan3A_14 = arith.constant 0 : i32
    %scan3A_15 = arith.constant 128 : i32
    %scan3A_16 = arith.addi %scan3A_14, %scan3A_15 : i32
    %scan3A_17 = arith.constant 1 : i32
    %scan3A_18:3 = scf.for %scan3A_25 = %scan3A_14 to %scan3A_16 step %scan3A_17 iter_args(%scan3A_26 = %get3A_1, %scan3A_27 = %broadcast_in_dim3A_11, %scan3A_28 = %broadcast_in_dim3A_13) -> (vector<8x1250xf32>, vector<8x16xf32>, vector<8x16xi32>)  : i32 {
      %reduce_max3A = vector.shape_cast %scan3A_26 : vector<8x1250xf32> to vector<1x8x1250xf32>
      %reduce_max3A_29 = arith.constant dense<0xFF800000> : vector<1xf32>
      %reduce_max3A_30 = vector.multi_reduction <maximumf>, %reduce_max3A, %reduce_max3A_29 [1, 2] : vector<1x8x1250xf32> to vector<1xf32>
      %reduce_max3A_31 = vector.shape_cast %reduce_max3A_30 : vector<1xf32> to vector<1x1x1xf32>
      %reduce_max3A_32 = vector.extract %reduce_max3A_31[0, 0, 0] : f32 from vector<1x1x1xf32>
      %eq3A = vector.broadcast %reduce_max3A_32 : f32 to vector<8x1250xf32>
      %eq3A_33 = arith.cmpf oeq, %scan3A_26, %eq3A : vector<8x1250xf32>
      %broadcast_in_dim3A_34 = vector.broadcast %scan3A : i32 to vector<8x1250xi32>
      %select_n3A = arith.select %eq3A_33, %add3A, %broadcast_in_dim3A_34 : vector<8x1250xi1>, vector<8x1250xi32>
      %reduce_min3A = vector.shape_cast %select_n3A : vector<8x1250xi32> to vector<1x8x1250xi32>
      %reduce_min3A_35 = arith.constant dense<2147483647> : vector<1xi32>
      %reduce_min3A_36 = vector.multi_reduction <minsi>, %reduce_min3A, %reduce_min3A_35 [1, 2] : vector<1x8x1250xi32> to vector<1xi32>
      %reduce_min3A_37 = vector.shape_cast %reduce_min3A_36 : vector<1xi32> to vector<1x1x1xi32>
      %reduce_min3A_38 = vector.extract %reduce_min3A_37[0, 0, 0] : i32 from vector<1x1x1xi32>
      %eq3A_39 = vector.broadcast %scan3A_25 : i32 to vector<8x16xi32>
      %eq3A_40 = arith.cmpi eq, %add3A_10, %eq3A_39 : vector<8x16xi32>
      %broadcast_in_dim3A_41 = vector.broadcast %reduce_max3A_32 : f32 to vector<8x16xf32>
      %select_n3A_42 = arith.select %eq3A_40, %broadcast_in_dim3A_41, %scan3A_27 : vector<8x16xi1>, vector<8x16xf32>
      %broadcast_in_dim3A_43 = vector.broadcast %reduce_min3A_38 : i32 to vector<8x16xi32>
      %select_n3A_44 = arith.select %eq3A_40, %broadcast_in_dim3A_43, %scan3A_28 : vector<8x16xi1>, vector<8x16xi32>
      %eq3A_45 = vector.broadcast %reduce_min3A_38 : i32 to vector<8x1250xi32>
      %eq3A_46 = arith.cmpi eq, %add3A, %eq3A_45 : vector<8x1250xi32>
      %jit3A = arith.constant 0xFF800000 : f32
      %broadcast_in_dim3A_47 = vector.broadcast %jit3A : f32 to vector<8x1250xf32>
      %select_n3A_48 = arith.select %eq3A_46, %broadcast_in_dim3A_47, %scan3A_26 : vector<8x1250xi1>, vector<8x1250xf32>
      scf.yield %select_n3A_48, %select_n3A_42, %select_n3A_44 : vector<8x1250xf32>, vector<8x16xf32>, vector<8x16xi32>
    }
    %scan3A_19 = arith.constant 128 : i32
    %swap3A = arith.constant 0 : index
    %swap3A_20 = arith.constant 0 : index
    %swap3A_21 = vector.load %arg1[%swap3A, %swap3A_20] : memref<8x16xf32, #tpu.memory_space<vmem>>, vector<8x16xf32>
    tpu.vector_store %arg1[%swap3A, %swap3A_20], %scan3A_18#1 {strides = array<i32>} : memref<8x16xf32, #tpu.memory_space<vmem>>, vector<8x16xf32>,
    %swap3A_22 = arith.constant 0 : index
    %swap3A_23 = arith.constant 0 : index
    %swap3A_24 = vector.load %arg2[%swap3A_22, %swap3A_23] : memref<8x16xi32, #tpu.memory_space<vmem>>, vector<8x16xi32>
    tpu.vector_store %arg2[%swap3A_22, %swap3A_23], %scan3A_18#2 {strides = array<i32>} : memref<8x16xi32, #tpu.memory_space<vmem>>, vector<8x16xi32>,
    return
  }
}

module attributes {stable_mosaic.version = 14 : i64} {
  func.func @body(%arg0: memref<128x128xf32, #tpu.memory_space<vmem>>, %arg1: memref<128x1xf32, #tpu.memory_space<vmem>>, %arg2: memref<128x128xf32, #tpu.memory_space<vmem>>) attributes {dimension_semantics = [], scalar_prefetch = 0 : i64, scratch_operands = 0 : i64, tpu.core_type = #tpu.core_type<tc>} {
    %get3A = arith.constant 0 : index
    %get3A_0 = arith.constant 0 : index
    %get3A_1 = vector.load %arg0[%get3A, %get3A_0] : memref<128x128xf32, #tpu.memory_space<vmem>>, vector<128x128xf32>
    %get3A_2 = arith.constant 0 : index
    %get3A_3 = arith.constant 0 : index
    %get3A_4 = vector.load %arg1[%get3A_2, %get3A_3] : memref<128x1xf32, #tpu.memory_space<vmem>>, vector<128x1xf32>
    %mul3A = vector.broadcast %get3A_4 : vector<128x1xf32> to vector<128x128xf32>
    %mul3A_5 = arith.mulf %get3A_1, %mul3A : vector<128x128xf32>
    %swap3A = arith.constant 0 : index
    %swap3A_6 = arith.constant 0 : index
    %swap3A_7 = vector.load %arg2[%swap3A, %swap3A_6] : memref<128x128xf32, #tpu.memory_space<vmem>>, vector<128x128xf32>
    tpu.vector_store %arg2[%swap3A, %swap3A_6], %mul3A_5 {strides = array<i32>} : memref<128x128xf32, #tpu.memory_space<vmem>>, vector<128x128xf32>,
    return
  }
}

module attributes {stable_mosaic.version = 14 : i64} {
  func.func @body(%arg0: i32, %arg1: memref<1000x128xf32, #tpu.memory_space<vmem>>, %arg2: memref<1000x128xf32, #tpu.memory_space<vmem>>, %arg3: memref<128x128xf32, #tpu.memory_space<vmem>>) attributes {dimension_semantics = [#tpu.dimension_semantics<arbitrary>], iteration_bounds = array<i64: 170>, scalar_prefetch = 0 : i64, scratch_operands = 0 : i64, tpu.core_type = #tpu.core_type<tc>, window_params = [{transform_indices = @transform_0, window_bounds = array<i64: 1000, 128>}, {transform_indices = @transform_1, window_bounds = array<i64: 1000, 128>}, {pipeline_mode = #tpu.pipeline_mode<synchronous>, transform_indices = @transform_2, window_bounds = array<i64: 128, 128>}]} {
    %eq3A = arith.constant 0 : i32
    %eq3A_0 = arith.cmpi eq, %arg0, %eq3A : i32
    %convert_element_type3A = arith.extui %eq3A_0 : i1 to i32
    %cond3A = arith.constant 0 : i32
    %cond3A_1 = arith.cmpi ne, %convert_element_type3A, %cond3A : i32
    scf.if %cond3A_1 {
      %broadcast_in_dim3A = arith.constant 0.000000e+00 : f32
      %broadcast_in_dim3A_18 = vector.broadcast %broadcast_in_dim3A : f32 to vector<128x128xf32>
      %swap3A_19 = arith.constant 0 : index
      %swap3A_20 = arith.constant 0 : index
      %swap3A_21 = vector.load %arg3[%swap3A_19, %swap3A_20] : memref<128x128xf32, #tpu.memory_space<vmem>>, vector<128x128xf32>
      tpu.vector_store %arg3[%swap3A_19, %swap3A_20], %broadcast_in_dim3A_18 {strides = array<i32>} : memref<128x128xf32, #tpu.memory_space<vmem>>, vector<128x128xf32>,
    } else {
    }
    %get3A = arith.constant 0 : index
    %get3A_2 = arith.constant 0 : index
    %get3A_3 = vector.load %arg3[%get3A, %get3A_2] : memref<128x128xf32, #tpu.memory_space<vmem>>, vector<128x128xf32>
    %get3A_4 = arith.constant 0 : index
    %get3A_5 = arith.constant 0 : index
    %get3A_6 = vector.load %arg1[%get3A_4, %get3A_5] : memref<1000x128xf32, #tpu.memory_space<vmem>>, vector<1000x128xf32>
    %get3A_7 = arith.constant 0 : index
    %get3A_8 = arith.constant 0 : index
    %get3A_9 = vector.load %arg2[%get3A_7, %get3A_8] : memref<1000x128xf32, #tpu.memory_space<vmem>>, vector<1000x128xf32>
    %dot_general3A = arith.constant dense<0.000000e+00> : vector<128x128xf32>
    %dot_general3A_10 = tpu.matmul %get3A_6, %get3A_9, %dot_general3A {dimension_numbers = #tpu.dot_dimension_numbers<[0], [0], [1], [1], [0, 1, 1, 1], [], []>, transpose_lhs_hint = false} : vector<1000x128xf32>, vector<1000x128xf32>, vector<128x128xf32> -> vector<128x128xf32>
    %add3A = arith.addf %get3A_3, %dot_general3A_10 : vector<128x128xf32>
    %swap3A = arith.constant 0 : index
    %swap3A_11 = arith.constant 0 : index
    %swap3A_12 = vector.load %arg3[%swap3A, %swap3A_11] : memref<128x128xf32, #tpu.memory_space<vmem>>, vector<128x128xf32>
    tpu.vector_store %arg3[%swap3A, %swap3A_11], %add3A {strides = array<i32>} : memref<128x128xf32, #tpu.memory_space<vmem>>, vector<128x128xf32>,
    %eq3A_13 = arith.constant 169 : i32
    %eq3A_14 = arith.cmpi eq, %arg0, %eq3A_13 : i32
    %convert_element_type3A_15 = arith.extui %eq3A_14 : i1 to i32
    %cond3A_16 = arith.constant 0 : i32
    %cond3A_17 = arith.cmpi ne, %convert_element_type3A_15, %cond3A_16 : i32
    scf.if %cond3A_17 {
      %iota3A = tpu.iota {dimensions = array<i32: 0>} : vector<128x128xi32>
      %iota3A_18 = tpu.iota {dimensions = array<i32: 1>} : vector<128x128xi32>
      %eq3A_19 = arith.cmpi eq, %iota3A, %iota3A_18 : vector<128x128xi32>
      %get3A_20 = arith.constant 0 : index
      %get3A_21 = arith.constant 0 : index
      %get3A_22 = vector.load %arg3[%get3A_20, %get3A_21] : memref<128x128xf32, #tpu.memory_space<vmem>>, vector<128x128xf32>
      %jit3A = arith.constant 0.000000e+00 : f32
      %broadcast_in_dim3A = vector.broadcast %jit3A : f32 to vector<128x128xf32>
      %select_n3A = arith.select %eq3A_19, %broadcast_in_dim3A, %get3A_22 : vector<128x128xi1>, vector<128x128xf32>
      %swap3A_23 = arith.constant 0 : index
      %swap3A_24 = arith.constant 0 : index
      %swap3A_25 = vector.load %arg3[%swap3A_23, %swap3A_24] : memref<128x128xf32, #tpu.memory_space<vmem>>, vector<128x128xf32>
      tpu.vector_store %arg3[%swap3A_23, %swap3A_24], %select_n3A {strides = array<i32>} : memref<128x128xf32, #tpu.memory_space<vmem>>, vector<128x128xf32>,
    } else {
    }
    return
  }
  func.func @transform_0(%arg0: i32) -> (i32, i32) {
    %c0_i32 = arith.constant 0 : i32
    %c0_i32_0 = arith.constant 0 : i32
    return %arg0, %c0_i32 : i32, i32
  }
  func.func @transform_1(%arg0: i32) -> (i32, i32) {
    %c0_i32 = arith.constant 0 : i32
    %c0_i32_0 = arith.constant 0 : i32
    return %arg0, %c0_i32 : i32, i32
  }
  func.func @transform_2(%arg0: i32) -> (i32, i32) {
    %c0_i32 = arith.constant 0 : i32
    %c0_i32_0 = arith.constant 0 : i32
    %c0_i32_1 = arith.constant 0 : i32
    return %c0_i32, %c0_i32_0 : i32, i32
  }
}

</mosaic_0001>

<sc_bundles>
// kernel: scatter_offload_async_start.1
scs
__scs_entry_jumppad:
0x0: {  	(pc) =	sbr.rel $0x88, $3  }
0x1: {  	(tag) =	ssettag $0x0;
	lr =	simm.s32 $0x1  }
0x2: {  	[smem:$0x3F93] =	sst lr;
	_ =	strace $0xD0000000  }
0x3: {  	_ = 	snop  }
0x4: {  	_ = 	snop  }
0x5: {  	_ = 	snop  }
0x6: {  	_ = 	snop  }
0x7: {  	_ = 	snop  }
__scs_overlays_trampoline_lowered:
0x8: {  	[smem:$0x3FA2] =	sst s0  }
0x9: {  	[smem:$0x3FA3] =	sst s1  }
0xa: {  	[smem:$0x3FA4] =	sst s2  }
0xb: {  	[smem:$0x3FA5] =	sst s3  }
0xc: {  	[smem:$0x3FA6] =	sst s4  }
0xd: {  	[smem:$0x3FA7] =	sst s5  }
0xe: {  	[smem:$0x3FA8] =	sst s6  }
0xf: {  	[smem:$0x3FA9] =	sst s7  }
0x10: {  	[smem:$0x3FAA] =	sst s8  }
0x11: {  	[smem:$0x3FAB] =	sst s9;
	s0 =	simm.s32 @!p0 $0x0  }
0x12: {  	s1 =	sld [smem:$0x3F91];
	s0 =	simm.s32 @p0 $0x1  }
0x13: {  	[smem:$0x3FAC] =	sst s0;
	s0 =	simm.s32 @!p1 $0x0  }
0x14: {  	s2 =	sld [smem:$0x3F90];
	s0 =	simm.s32 @p1 $0x1  }
0x15: {  	[smem:$0x3FAD] =	sst s0;
	s0 =	simm.s32 @!p2 $0x0  }
0x16: {  	s3 =	sld [smem:$0x3FDB];
	s0 =	simm.s32 @p2 $0x1  }
0x17: {  	s4 =	simm.s32 $0x1BF5;
	[smem:$0x3FAF] =	sst s0  }
0x18: {  	s0 =	sld [smem:$0x3F92];
	_ =	swait.ge [sflag:s4], $0x0  }
0x19: {  	s7 =	sld [smem:$0x3F93]  }
0x1a: {  	s8 =	sadd.s32 $0xFFFFE003, lr  }
0x1b: {  	s9 =	sadd.s32 $0xFFFFFEF7, lr;
	s5 =	simm.s32 $0xFFFFFFFF;
	p2 =	slt.u32 s8, $0xFFFFF086  }
0x1c: {  	p1 =	slt.u32 s9, $0xF7A;
	s5 =	simm.s32 @!p2 $0x0  }
0x1d: {  	s5 =	simm.s32 @p1 $0x1;
	p0 =	seq.s32 s7, s2  }
0x1e: {  	s7 =	smul.u32 @!p0 $0xF7A, s2;
	p2 =	seq.s32 @!p0 s5, $0x0  }
0x1f: {  	s9 =	smul.u32 $0xF7A, s1;
	s8 =	simm.s32 @!p0 $0x1BF5;
	p2 =	por !p2, p0  }
0x20: {  	[sflag:s8] =	ssyncset.s32 @!p0 $0xFFFFF086;
	s6 =	sadd.s32 @!p0 s3, s7;
	s7 =	simm.s32 @!p0 $0x108  }
0x21: {  	s3 =	sadd.s32 s3, s9;
	s6 =	sadd.s32 @!p0 $0x88, s6;
	s7 =	simm.s32 @p2 $0x1082  }
0x22: {  	[simem:s7], [sflag:s8] =	dma.local @!p0 [hbm:s6], $0xF7A  }
0x23: {  	s9 =	sor.u32 $0xD0000000, s2;
	s6 =	simm.s32 $0x108;
	_ =	swait.ge @!p0 [sflag:s8], $0x0  }
0x24: {  	s3 =	sadd.s32 $0x88, s3;
	s6 =	simm.s32 @!p1 $0x1082;
	[sflag:s4] =	ssyncset.s32 $0xFFFFF086  }
0x25: {  	[simem:s6], [sflag:s4] =	dma.local [hbm:s3], $0xF7A  }
0x26: {  	[smem:$0x3F93] =	sst s1;
	(tag) =	ssettag s2;
	_ =	strace s9  }
0x27: {  	s1 =	sld [smem:$0x3FA3]  }
0x28: {  	s2 =	sld [smem:$0x3FA4]  }
0x29: {  	s4 =	sld [smem:$0x3FA6]  }
0x2a: {  	p0 =	seq.s32 s5, $0x0;
	s5 =	sld [smem:$0x3FA7]  }
0x2b: {  	s6 =	sld [smem:$0x3FA8]  }
0x2c: {  	s7 =	sld [smem:$0x3FA9]  }
0x2d: {  	s3 =	simm.s32 $0x108;
	s8 =	sld [smem:$0x3FAA]  }
0x2e: {  	s3 =	simm.s32 @!p0 $0x1082;
	s9 =	sld [smem:$0x3FAB]  }
0x2f: {  	lr =	sadd.s32 s0, s3;
	s0 =	sld [smem:$0x3FA2]  }
0x30: {  	s3 =	sld [smem:$0x3FA5]  }
0x31: {  	[smem:$0x3FAE] =	sst s10  }
0x32: {  	s10 =	sld [smem:$0x3FAC];
	_ =	sdelay $0x3  }
0x33: {  	p0 =	seq.s32 s10, $0x1;
	s10 =	sld [smem:$0x3FAE];
	_ =	sdelay $0x3  }
0x34: {  	[smem:$0x3FAE] =	sst s10  }
0x35: {  	s10 =	sld [smem:$0x3FAD];
	_ =	sdelay $0x3  }
0x36: {  	p1 =	seq.s32 s10, $0x1;
	s10 =	sld [smem:$0x3FAE];
	_ =	sdelay $0x3  }
0x37: {  	[smem:$0x3FAE] =	sst s10  }
0x38: {  	s10 =	sld [smem:$0x3FAF]  }
0x39: {  	_ = 	snop;
	(pc) =	sbr.ind lr, $3  }
0x3a: {  	_ = 	snop  }
0x3b: {  	_ = 	snop  }
0x3c: {  	p2 =	seq.s32 s10, $0x1;
	s10 =	sld [smem:$0x3FAE]  }
0x3d: {  	_ =	shalt  }
0x3e: {  	_ =	shalt  }
0x3f: {  	_ =	shalt  }
0x40: {  	_ =	shalt  }
0x41: {  	_ =	shalt  }
0x42: {  	_ =	shalt  }
0x43: {  	_ =	shalt  }
0x44: {  	_ =	shalt  }
0x45: {  	_ =	shalt  }
0x46: {  	_ =	shalt  }
0x47: {  	_ =	shalt  }
0x48: {  	_ =	shalt  }
0x49: {  	_ =	shalt  }
0x4a: {  	_ =	shalt  }
0x4b: {  	_ =	shalt  }
0x4c: {  	_ =	shalt  }
0x4d: {  	_ =	shalt  }
0x4e: {  	_ =	shalt  }
0x4f: {  	_ =	shalt  }
0x50: {  	_ =	shalt  }
0x51: {  	_ =	shalt  }
0x52: {  	_ =	shalt  }
0x53: {  	_ =	shalt  }
0x54: {  	_ =	shalt  }
0x55: {  	_ =	shalt  }
0x56: {  	_ =	shalt  }
0x57: {  	_ =	shalt  }
0x58: {  	_ =	shalt  }
0x59: {  	_ =	shalt  }
0x5a: {  	_ =	shalt  }
0x5b: {  	_ =	shalt  }
0x5c: {  	_ =	shalt  }
0x5d: {  	_ =	shalt  }
0x5e: {  	_ =	shalt  }
0x5f: {  	_ =	shalt  }
0x60: {  	_ =	shalt  }
0x61: {  	_ =	shalt  }
0x62: {  	_ =	shalt  }
0x63: {  	_ =	shalt  }
0x64: {  	_ =	shalt  }
0x65: {  	_ =	shalt  }
0x66: {  	_ =	shalt  }
0x67: {  	_ =	shalt  }
0x68: {  	_ =	shalt  }
0x69: {  	_ =	shalt  }
0x6a: {  	_ =	shalt  }
0x6b: {  	_ =	shalt  }
0x6c: {  	_ =	shalt  }
0x6d: {  	_ =	shalt  }
0x6e: {  	_ =	shalt  }
0x6f: {  	_ =	shalt  }
0x70: {  	_ =	shalt  }
0x71: {  	_ =	shalt  }
0x72: {  	_ =	shalt  }
0x73: {  	_ =	shalt  }
0x74: {  	_ =	shalt  }
0x75: {  	_ =	shalt  }
0x76: {  	_ =	shalt  }
0x77: {  	_ =	shalt  }
0x78: {  	_ =	shalt  }
0x79: {  	_ =	shalt  }
0x7a: {  	_ =	shalt  }
0x7b: {  	_ =	shalt  }
0x7c: {  	_ =	shalt  }
0x7d: {  	_ =	shalt  }
0x7e: {  	_ =	shalt  }
0x7f: {  	_ =	shalt  }
0x80: {  	_ =	shalt  }
0x81: {  	_ =	shalt  }
0x82: {  	_ =	shalt  }
0x83: {  	_ =	shalt  }
0x84: {  	_ =	shalt  }
0x85: {  	_ =	shalt  }
0x86: {  	_ =	shalt  }
0x87: {  	_ =	shalt  }
.Lfunc_end0:
.L_simem_size_0:
called_computation.1_lowered:
.L_overlay_start_0:
0x88: {  	s0 =	sld [smem:$0x3FD9]  }
0x89: {  	s1 =	sld [smem:$0x3FFE];
	_ =	sdelay $0x3  }
0x8a: {  	s0 =	sadd.s32 s1, s0  }
0x8b: {  	[smem:$0x3FBA] =	sst s0  }
0x8c: {  	_ = 	snop  }
0x8d: {  	s0 =	sld [smem:$0x3FD0];
	_ =	sdelay $0x2  }
0x8e: {  	s12 =	simm.s32 $0xB;
	s2 =	simm.s32 $0x10  }
0x8f: {  	[smem:s2], [sflag:s12] =	dma.local [hbm:s0], $0x1  }
0x90: {  	_ =	swait.eq [sflag:s12], $0x1  }
0x91: {  	[sflag:s12] =	ssyncset.done $0x0  }
0x92: {  	[sflag:s12] =	ssyncadd.s32 $0xFFFFFFFF  }
0x93: {  	s13 =	sld [smem:$0x15];
	(tm) =	ssettm $0x1  }
0x94: {  	s14 =	sld [smem:$0x3FFB];
	_ =	sdelay $0x3  }
0x95: {  	_ =	strace s14  }
0x96: {  	s0 =	sld [smem:$0x3FFC];
	_ =	sdelay $0x3  }
0x97: {  	_ =	strace s0  }
0x98: {  	s0 =	sld [smem:$0x3FFD];
	_ =	sdelay $0x3  }
0x99: {  	_ =	strace s0  }
0x9a: {  	_ =	strace $0x8FFFFFFF  }
0x9b: {  	s15 =	sld [smem:$0x3FDB];
	_ =	sdelay $0x1  }
0x9c: {  	s16 =	simm.s32 $_scs_section_size  }
0x9d: {  	s3 =	simm.s32 $_size__tile_overlayer_lowered;
	s4 =	simm.s32 $_tile_overlayer_lowered  }
0x9e: {  	s5 =	simm.s32 $0x1BFF;
	s17 =	sshll.u32 s4, $0x1;
	s2 =	sadd.s32 s16, s15  }
0x9f: {  	s18 =	simm.s32 $0x0;
	s3 =	sshll.u32 s3, $0x1;
	s4 =	sadd.s32 s17, s2  }
0xa0: {  	[timem:s18], [sflag:s5] =	dma.local [hbm:s4], s3  }
0xa1: {  	_ =	swait.ge [sflag:s5], s3  }
0xa2: {  	s3 =	ssub.s32 $0x0, s3;
	[sflag:s5] =	ssyncset.done $0x0  }
0xa3: {  	[sflag:s5] =	ssyncadd.s32 s3;
	_ =	sdelay $0x1  }
0xa4: {  	s19 =	simm.s32 $0x1B8B  }
0xa5: {  	_ =	swait.ge [sflag:s19], $0x1  }
0xa6: {  	[sflag:s19] =	ssyncset.done $0x0  }
0xa7: {  	s21 =	simm.s32 $0x1B8E;
	s20 =	sld [smem:$0x3FFE];
	[sflag:s19] =	ssyncadd.s32 $0xFFFFFFFF  }
0xa8: {  	s22 =	simm.s32 $execute0_lowered;
	[smem:$0x3FD2] =	sst s21  }
0xa9: {  	s4 =	sshll.u32 s22, $0x1;
	_ =	strace $0x8000004C;
	[dreg:$0x1] =	wrdreg $0xFFFFFFFF  }
0xaa: {  	s23 =	simm.s32 $_size_execute0_lowered;
	s4 =	sadd.s32 s2, s4;
	[dreg:$0x0] =	wrdreg $0x0  }
0xab: {  	s5 =	sshll.u32 s23, $0x1;
	[dreg:$0x2] =	wrdreg s4  }
0xac: {  	[dreg:$0x3] =	wrdreg s5  }
0xad: {  	[dreg:$0x4] =	wrdreg $0xC0  }
0xae: {  	s24 =	simm.s32 $execute1_lowered;
	_ =	task [dreg:s18], $0x5FFFF  }
0xaf: {  	s4 =	sshll.u32 s24, $0x1;
	[dreg:$0x1] =	wrdreg $0xFFFFFFFF  }
0xb0: {  	s2 =	sadd.s32 s2, s4;
	[dreg:$0x0] =	wrdreg $0x60  }
0xb1: {  	[dreg:$0x2] =	wrdreg s2  }
0xb2: {  	[dreg:$0x3] =	wrdreg s20  }
0xb3: {  	[dreg:$0x4] =	wrdreg s13  }
0xb4: {  	[dreg:$0x5] =	wrdreg $0x9  }
0xb5: {  	_ =	task.clear_ibuf [dreg:s18], $0x6FFFF;
	_ =	strace $0x9000004C  }
0xb6: {  	s25 =	simm.s32 $0x9;
	_ =	strace $0x8000004E  }
0xb7: {  	_ =	swait.ge [sflag:s25], $0x1  }
0xb8: {  	[sflag:s25] =	ssyncadd.s32 $0xFFFFFFFF  }
0xb9: {  	_ =	strace $0x9000004E  }
0xba: {  	_ =	strace $0x8000004F;
	[dreg:$0x1] =	wrdreg $0xFFFFFFFF  }
0xbb: {  	[dreg:$0x0] =	wrdreg $0x2030  }
0xbc: {  	[dreg:$0x2] =	wrdreg s13  }
0xbd: {  	[dreg:$0x3] =	wrdreg s20  }
0xbe: {  	[dreg:$0x4] =	wrdreg $0xA  }
0xbf: {  	_ =	task.clear_ibuf [dreg:s18], $0x5FFFF;
	_ =	strace $0x9000004F  }
0xc0: {  	s26 =	simm.s32 $0xA;
	_ =	strace $0x80000051  }
0xc1: {  	_ =	swait.ge [sflag:s26], $0x1  }
0xc2: {  	[sflag:s26] =	ssyncadd.s32 $0xFFFFFFFF  }
0xc3: {  	_ =	strace $0x90000051  }
0xc4: {  	_ =	sfence  }
0xc5: {  	s28 =	sld [smem:$0x0];
	_ =	sdelay $0x1  }
0xc6: {  	s29 =	srdreg.scid  }
0xc7: {  	s30 =	sshll.u32 s29, $0xD;
	s31 =	sshrl.u32 s29, $0x2  }
0xc8: {  	s3 =	sand.u32 $0x4000, s30;
	s2 =	sand.u32 $0x1, s29;
	s1 =	sadd.s32 s31, s28  }
0xc9: {  	s2 =	sor.u32 s3, s2;
	s1 =	sshll.u32 s1, $0x11  }
0xca: {  	s1 =	sor.u32 s1, s2  }
0xcb: {  	s1 =	sadd.s32 $0x8F2B, s1  }
0xcc: {  	[sflag:s1] =	ssyncadd.remote.s32 $0x1  }
0xcd: {  	_ =	sfence.sel $0xFFFF  }
0xce: {  	[dreg:$0x0] =	wrdreg $0xFFFFFFFF;
	(pc) =	sbr.abs _section_cstart, $3  }
0xcf: {  	[dreg:$0x1] =	wrdreg $0xFFFFFFFF  }
0xd0: {  	_ =	task.clear_ibuf [dreg:s18], $0x2FFFF;
	_ =	strace $0x9FFFFFFF  }
0xd1: {  	(tm) =	ssettm $0x7FFFFFFF  }
tec
execute0_lowered:
.L_overlay_start_1:
0x0: {  	(tag) =	ssettag $0x1  }
0x1: {  	s3 =	rddreg [dreg:$0x0]  }
0x2: {  	s4 =	rddreg [dreg:$0x1]  }
0x3: {  	s2 =	rddreg [dreg:$0x2]  }
0x4: {  	s0 =	rddreg [dreg:$0x3];
	s5 =	stileid.u32;
	[bflag:$0x3] =	sbarrier.arrive $0xFFFF  }
0x5: {  	s1 =	simm.s32 $_size_execute1_lowered;
	s31 =	simm.s32 $0x2;
	p0 =	sne.s32 s5, $0x0  }
0x6: {  	s1 =	sshll.u32 s1, $0x1;
	s6 =	simm.s32 @!p0 $0x1C3F;
	s7 =	simm.s32 @!p0 $0x4060  }
0x7: {  	[timem:s7], [sflag:s6] =	dma.local @!p0 [hbm:s3], s1  }
.Ltmp0:
0x8: {  	s8 =	simm.s32 $0x0;
	s12 =	simm.s32 $0x0;
	(pc) =	sbr.rel .LBB2_1-.Ltmp0, $4  }
0x9: {  	s10 =	simm.s32 $0x0;
	s11 =	simm.s32 $0x0;
	s3 =	sshll.u32 s5, $0x7  }
0xa: {  	s5 =	simm.s32 $0x1;
	_ =	strace $0x8000004D;
	s30 =	ssub.s32 $0x2700, s3  }
0xb: {  	s4 =	sadd.s32 $0x2DEC00, s4;
	[sflag:s5] =	ssyncpa.u1 $0x0;
	s6 =	sshrl.u32 s30, $0xB  }
0xc: {  	s9 =	smov.u32 s3;
	[sflag:s31] =	ssyncpa.u1 $0x0;
	s7 =	sadd.s32 $0x2, s6  }
.LBB2_4:
0xd: {  	_ = 	snop  }
.LBB2_7:
0xe: {  	_ =	sdelay $0x3  }
0xf: {  	[tilespmem:v0+s16+$0x0 ss:$0x1] =	vst.idx.msk @p1 $0xffff, v2  }
0x10: {  	v56 =	vld.idx.msk [tilespmem:v1+s15+$0x0 ss:$0x1], $0xffff;
	s24 =	sor.u32 $0x70, s15;
	[tilespmem:v0+s17+$0x0 ss:$0x1] =	vst.idx.msk @p1 $0xffff, v4  }
0x11: {  	s25 =	sor.u32 $0x10, s15;
	[tilespmem:v0+s18+$0x0 ss:$0x1] =	vst.idx.msk @p1 $0xffff, v3;
	v57 =	vld.idx.msk [tilespmem:v1+s24+$0x0 ss:$0x1], $0xffff  }
0x12: {  	s26 =	sor.u32 $0x20, s15;
	[tilespmem:v0+s19+$0x0 ss:$0x1] =	vst.idx.msk @p1 $0xffff, v5;
	v58 =	vld.idx.msk [tilespmem:v1+s25+$0x0 ss:$0x1], $0xffff  }
0x13: {  	s28 =	sor.u32 $0x30, s15;
	[tilespmem:v0+s20+$0x0 ss:$0x1] =	vst.idx.msk @p1 $0xffff, v6;
	v59 =	vld.idx.msk [tilespmem:v1+s26+$0x0 ss:$0x1], $0xffff  }
0x14: {  	s29 =	sor.u32 $0x40, s15;
	[tilespmem:v0+s21+$0x0 ss:$0x1] =	vst.idx.msk @p1 $0xffff, v7;
	v60 =	vld.idx.msk [tilespmem:v1+s28+$0x0 ss:$0x1], $0xffff  }
0x15: {  	s30 =	sor.u32 $0x50, s15;
	v61 =	vld.idx.msk [tilespmem:v1+s29+$0x0 ss:$0x1], $0xffff;
	[tilespmem:v0+s15+$0x0 ss:$0x1] =	vst.idx.msk $0xffff, v56  }
0x16: {  	s31 =	sor.u32 $0x60, s15;
	v62 =	vld.idx.msk [tilespmem:v1+s30+$0x0 ss:$0x1], $0xffff;
	[tilespmem:v0+s24+$0x0 ss:$0x1] =	vst.idx.msk $0xffff, v57  }
0x17: {  	v63 =	vld.idx.msk [tilespmem:v1+s31+$0x0 ss:$0x1], $0xffff;
	[tilespmem:v0+s25+$0x0 ss:$0x1] =	vst.idx.msk $0xffff, v58  }
0x18: {  	[tilespmem:v0+s26+$0x0 ss:$0x1] =	vst.idx.msk $0xffff, v59  }
0x19: {  	[tilespmem:v0+s28+$0x0 ss:$0x1] =	vst.idx.msk $0xffff, v60  }
0x1a: {  	[tilespmem:v0+s29+$0x0 ss:$0x1] =	vst.idx.msk $0xffff, v61  }
0x1b: {  	[tilespmem:v0+s30+$0x0 ss:$0x1] =	vst.idx.msk $0xffff, v62  }
0x1c: {  	[tilespmem:v0+s31+$0x0 ss:$0x1] =	vst.idx.msk $0xffff, v63  }
.LBB2_8:
0x1d: {  	s15 =	sand.u32 $0x1FFFFFF, s10  }
0x1e: {  	s16 =	smulhi.u32 $0x1A36E2F, s15;
	_ =	sdelay $0x1  }
0x1f: {  	s16 =	sshrl.u32 s16, $0x6  }
0x20: {  	s16 =	smul.u32 $0x2710, s16;
	_ =	sdelay $0x1  }
0x21: {  	s15 =	ssub.s32 s15, s16  }
0x22: {  	s15 =	sshll.u32 s15, $0x4  }
0x23: {  	s15 =	sadd.s32 s2, s15  }
0x24: {  	[hbm4b:s15+s8] =	stream.linear.scatter [tilespmem:s14], [sflag:$0x2], s13, $0x38;
	[tilespmem:$0x10000] =	vst v63  }
.LBB2_9:
0x25: {  	p1 =	slt.u32 s11, $0x2  }
0x26: {  	p2 =	sgt.s32 @!p1 s12, $0x2690  }
0x27: {  	s13 =	smov.u32 s12;
	s14 =	sshra.s32 @!p1 s12, $0x1F;
	p2 =	por !p2, p1  }
0x28: {  	s12 =	sand.u32 @!p1 s14, s12;
	s13 =	simm.s32 @p2 $0x2690  }
0x29: {  	s12 =	ssub.s32 @!p1 s13, s12  }
0x2a: {  	s12 =	sadd.s32 @!p1 $0xFFFFD970, s12  }
0x2b: {  	s13 =	sshll.u32 @!p1 s12, $0x9  }
0x2c: {  	p2 =	sgt.s32 @!p1 s12, $0x7F;
	s12 =	ssub.s32 @!p1 $0x10000, s13  }
0x2d: {  	s14 =	sadd.s32 $0x800, s9;
	p2 =	por !p2, p1;
	s12 =	sshrl.u32 @!p1 s12, $0x2  }
0x2e: {  	s12 =	simm.s32 @!p2 $0x0;
	p2 =	sgt.s32 s14, $0x270F  }
0x2f: {  	s14 =	smov.u32 @p2 s3;
	p2 =	sne.s32 s11, s7  }
.Ltmp1:
0x30: {  	_ = 	snop;
	(pc) =	sbr.rel @!p2 .LBB2_10-.Ltmp1, $4  }
0x31: {  	s13 =	simm.s32 @!p1 $0x2  }
0x32: {  	_ =	swait.ge @!p1 [sflag:s13], s12;
	s15 =	ssub.s32 @!p1 $0x0, s12  }
0x33: {  	s12 =	smov.u32 s10;
	s11 =	sadd.s32 $0x1, s11;
	[sflag:s13] =	ssyncset.done @!p1 $0x0  }
0x34: {  	s10 =	smov.u32 s9;
	s9 =	smov.u32 s14;
	[sflag:s13] =	ssyncadd.s32 @!p1 s15  }
.LBB2_1:
0x35: {  	p1 =	sgt.u32 s11, s6  }
0x36: {  	s13 =	sand.u32 @!p1 $0x1FFFFFF, s9  }
0x37: {  	p2 =	sgt.s32 @!p1 s9, $0x2690;
	s14 =	smulhi.u32 @!p1 $0x1A36E2F, s13  }
0x38: {  	s15 =	smov.u32 s9;
	s16 =	sshra.s32 @!p1 s9, $0x1F;
	p2 =	por !p2, p1  }
0x39: {  	s16 =	sand.u32 @!p1 s16, s9;
	s15 =	simm.s32 @p2 $0x2690;
	s14 =	sshrl.u32 @!p1 s14, $0x6  }
0x3a: {  	s15 =	ssub.s32 @!p1 s15, s16;
	s14 =	smul.u32 @!p1 $0x2710, s14  }
0x3b: {  	s16 =	sxor.u32 @!p1 $0xFFFFFFFF, s11;
	s15 =	sadd.s32 @!p1 $0xFFFFD970, s15  }
0x3c: {  	s16 =	sshll.u32 @!p1 s16, $0xE;
	s13 =	ssub.s32 @!p1 s13, s14;
	s14 =	sshll.u32 @!p1 s15, $0x9  }
0x3d: {  	s16 =	sand.u32 @!p1 $0x4000, s16;
	p2 =	sgt.s32 @!p1 s15, $0x7F;
	s14 =	ssub.s32 @!p1 $0x10000, s14  }
0x3e: {  	p2 =	por !p2, p1;
	s13 =	sshll.u32 @!p1 s13, $0x4;
	s14 =	sshrl.u32 @!p1 s14, $0x2  }
0x3f: {  	s15 =	simm.s32 @!p1 $0x0;
	s13 =	sadd.s32 @!p1 s4, s13;
	s14 =	simm.s32 @!p2 $0x0  }
0x40: {  	[tilespmem:s16], [sflag:$0x1] =	stream.linear.gather @!p1 [hbm4b:s13+s15], s14, $0x38;
	[tilespmem:$0x10000] =	vst v63  }
0x41: {  	p1 =	seq.s32 s11, $0x0  }
0x42: {  	p2 =	sge.u32 @!p1 s11, s7  }
0x43: {  	p1 =	por p1, p2  }
.Ltmp2:
0x44: {  	_ = 	snop;
	(pc) =	sbr.rel @p1 .LBB2_9-.Ltmp2, $1  }
0x45: {  	_ =	sdelay $0x3  }
0x46: {  	p1 =	sgt.s32 s10, $0x2690;
	s13 =	smov.u32 s10;
	s14 =	sshra.s32 s10, $0x1F  }
0x47: {  	s13 =	simm.s32 @!p1 $0x2690;
	s14 =	sand.u32 s14, s10  }
0x48: {  	s13 =	ssub.s32 s13, s14  }
0x49: {  	s13 =	sadd.s32 $0xFFFFD970, s13  }
0x4a: {  	s31 =	sshll.u32 s13, $0x9  }
0x4b: {  	s14 =	ssub.s32 $0x10000, s31  }
0x4c: {  	p1 =	sgt.s32 s13, $0x7F;
	s13 =	sshrl.u32 s14, $0x2;
	s14 =	sadd.s32 $0x80, s10  }
0x4d: {  	s13 =	simm.s32 @p1 $0x0;
	p1 =	slt.s32 s14, $0x2710  }
0x4e: {  	s14 =	simm.s32 @!p1 $0x2710  }
0x4f: {  	s16 =	ssub.s32 s14, s10  }
0x50: {  	p1 =	slt.s32 s16, $0x1  }
.Ltmp3:
0x51: {  	_ = 	snop;
	(pc) =	sbr.rel @p1 .LBB2_8-.Ltmp3, $4  }
0x52: {  	_ = 	snop  }
0x53: {  	s15 =	sshll.u32 s11, $0xE;
	_ =	swait.ge [sflag:s5], s13  }
0x54: {  	s15 =	sand.u32 $0x4000, s15;
	s17 =	ssub.s32 $0x0, s13;
	[sflag:s5] =	ssyncset.done $0x0  }
0x55: {  	s14 =	sor.u32 $0x8000, s15;
	[sflag:s5] =	ssyncadd.s32 s17  }
0x56: {  	p2 =	sne.s32 s16, $0x1  }
.Ltmp4:
0x57: {  	v1 =	vmov s15;
	v0 =	vmov s14;
	(pc) =	sbr.rel @!p2 .LBB2_4-.Ltmp4, $3  }
0x58: {  	_ =	sdelay $0x1  }
0x59: {  	s17 =	simm.s32 $0x0  }
0x5a: {  	s23 =	sadd.s32 $0xFFFFFFFF, s16;
	p1 =	por $0x0, $0x0;
	s15 =	sand.u32 $0x3F80, s17  }
0x5b: {  	_ =	sdelay $0x3  }
0x5c: {  	v6 =	vld.idx.msk [tilespmem:v1+s15+$0x0 ss:$0x1], $0xffff;
	s24 =	sor.u32 $0x70, s15  }
0x5d: {  	s16 =	sor.u32 $0x10, s15;
	v8 =	vld.idx.msk [tilespmem:v1+s24+$0x0 ss:$0x1], $0xffff  }
0x5e: {  	s17 =	sor.u32 $0x20, s15;
	p2 =	sne.s32 s23, $0x1;
	v2 =	vld.idx.msk [tilespmem:v1+s16+$0x0 ss:$0x1], $0xffff  }
.Ltmp5:
0x5f: {  	s18 =	sor.u32 $0x30, s15;
	v4 =	vld.idx.msk [tilespmem:v1+s17+$0x0 ss:$0x1], $0xffff;
	(pc) =	sbr.rel @!p2 .LBB2_7-.Ltmp5, $4  }
0x60: {  	s19 =	sor.u32 $0x40, s15;
	v3 =	vld.idx.msk [tilespmem:v1+s18+$0x0 ss:$0x1], $0xffff  }
0x61: {  	s21 =	sor.u32 $0x60, s15;
	v5 =	vld.idx.msk [tilespmem:v1+s19+$0x0 ss:$0x1], $0xffff  }
0x62: {  	s20 =	sor.u32 $0x50, s15;
	s22 =	simm.s32 $0x80;
	v7 =	vld.idx.msk [tilespmem:v1+s21+$0x0 ss:$0x1], $0xffff;
	[tilespmem:v0+s15+$0x0 ss:$0x1] =	vst.idx.msk $0xffff, v6  }
0x63: {  	s23 =	sadd.s32 $0xFFFFFFFF, s23;
	p1 =	por $0x1, $0x1;
	v6 =	vld.idx.msk [tilespmem:v1+s20+$0x0 ss:$0x1], $0xffff;
	s15 =	sand.u32 $0x3F80, s22;
	[tilespmem:v0+s24+$0x0 ss:$0x1] =	vst.idx.msk $0xffff, v8  }
.LBB2_6:
0x64: {  	p2 =	sne.s32 s23, $0x1;
	v8 =	vld.idx.msk [tilespmem:v1+s15+$0x0 ss:$0x1], $0xffff;
	s24 =	sor.u32 $0x70, s15;
	[tilespmem:v0+s16+$0x0 ss:$0x1] =	vst.idx.msk $0xffff, v2;
	s16 =	sor.u32 $0x10, s15  }
0x65: {  	s25 =	sor.u32 $0x30, s15;
	s26 =	sor.u32 $0x40, s15;
	v9 =	vld.idx.msk [tilespmem:v1+s24+$0x0 ss:$0x1], $0xffff;
	[tilespmem:v0+s17+$0x0 ss:$0x1] =	vst.idx.msk $0xffff, v4;
	s17 =	sor.u32 $0x20, s15  }
0x66: {  	s28 =	sor.u32 $0x50, s15;
	s29 =	sor.u32 $0x60, s15;
	v2 =	vld.idx.msk [tilespmem:v1+s16+$0x0 ss:$0x1], $0xffff;
	[tilespmem:v0+s18+$0x0 ss:$0x1] =	vst.idx.msk $0xffff, v3;
	s18 =	smov.u32 s25  }
.Ltmp6:
0x67: {  	v4 =	vld.idx.msk [tilespmem:v1+s17+$0x0 ss:$0x1], $0xffff;
	[tilespmem:v0+s19+$0x0 ss:$0x1] =	vst.idx.msk $0xffff, v5;
	s19 =	smov.u32 s26;
	(pc) =	sbr.rel @p2 .LBB2_6-.Ltmp6, $4  }
0x68: {  	v3 =	vld.idx.msk [tilespmem:v1+s18+$0x0 ss:$0x1], $0xffff;
	[tilespmem:v0+s20+$0x0 ss:$0x1] =	vst.idx.msk $0xffff, v6;
	s20 =	smov.u32 s28  }
0x69: {  	v5 =	vld.idx.msk [tilespmem:v1+s19+$0x0 ss:$0x1], $0xffff;
	[tilespmem:v0+s21+$0x0 ss:$0x1] =	vst.idx.msk $0xffff, v7;
	s21 =	smov.u32 s29  }
0x6a: {  	s22 =	sadd.s32 $0x80, s22;
	[tilespmem:v0+s15+$0x0 ss:$0x1] =	vst.idx.msk $0xffff, v8;
	v6 =	vld.idx.msk [tilespmem:v1+s20+$0x0 ss:$0x1], $0xffff  }
0x6b: {  	s23 =	sadd.s32 $0xFFFFFFFF, s23;
	s15 =	sand.u32 $0x3F80, s22;
	v7 =	vld.idx.msk [tilespmem:v1+s21+$0x0 ss:$0x1], $0xffff;
	[tilespmem:v0+s24+$0x0 ss:$0x1] =	vst.idx.msk $0xffff, v9  }
.Ltmp7:
0x6c: {  	_ = 	snop;
	(pc) =	sbr.rel .LBB2_7-.Ltmp7, $1  }
0x6d: {  	_ =	sdelay $0x3  }
.LBB2_10:
0x6e: {  	_ =	sfence.sel $0x180000  }
0x6f: {  	s2 =	simm.s32 $0x1;
	[bflag:$0x0] =	sbarrier.arrive $0xFFFF  }
0x70: {  	s31 =	simm.s32 $0x2;
	[sflag:s2] =	ssyncpa.u1 $0x1  }
0x71: {  	[sflag:s31] =	ssyncpa.u1 $0x1  }
0x72: {  	_ =	strace $0x9000004D  }
0x73: {  	s0 =	sadd.s32 @!p0 $0x100000, s0;
	[bflag:$0x2] =	sbarrier.arrive $0xFFFF  }
0x74: {  	[sflag:s0] =	ssyncadd.tile.s32 @!p0 $0x1;
	s0 =	simm.s32 @!p0 $0x3F  }
0x75: {  	_ =	swait.ge @!p0 [sflag:s0], s1  }
0x76: {  	s1 =	ssub.s32 @!p0 $0x0, s1;
	[sflag:s0] =	ssyncset.done @!p0 $0x0  }
0x77: {  	[sflag:s0] =	ssyncadd.s32 @!p0 s1  }
0x78: {  	[bflag:$0x3] =	sbarrier.arrive $0xFFFF  }
0x79: {  	_ =	shalt  }
.Lfunc_end2:
execute1_lowered:
.L_overlay_start_2:
0x7a: {  	(tag) =	ssettag $0x2  }
0x7b: {  	s1 =	rddreg [dreg:$0x0]  }
0x7c: {  	s0 =	rddreg [dreg:$0x1];
	_ =	strace $0x80000050;
	s2 =	simm.s32 $0x1  }
0x7d: {  	s8 =	simm.s32 $0x108;
	v0 =	vimm.s32 $0x0;
	[sflag:s2] =	ssyncpa.u1 $0x0  }
0x7e: {  	[tilespmem:s8+$0x70] =	vst v0  }
0x7f: {  	[tilespmem:s8+$0x60] =	vst v0  }
0x80: {  	[tilespmem:s8+$0x50] =	vst v0  }
0x81: {  	[tilespmem:s8+$0x40] =	vst v0  }
0x82: {  	[tilespmem:s8+$0x30] =	vst v0  }
0x83: {  	s3 =	sadd.s32 $0x15000, s0;
	[tilespmem:s8+$0x20] =	vst v0  }
0x84: {  	s4 =	sadd.s32 $0x46A00, s0;
	s5 =	sadd.s32 $0x1A400, s0;
	s2 =	simm.s32 $0x40;
	[tilespmem:s8+$0x10] =	vst v0  }
.LBB3_1:
0x85: {  	s2 =	sadd.s32 $0x40, s2;
	[tilespmem:s8+$0x0] =	vst v0;
	s8 =	sadd.s32 $0x80, s8  }
0x86: {  	p0 =	slt.u32 s2, $0x3C40;
	[tilespmem:s8+$0x70] =	vst v0  }
0x87: {  	[tilespmem:s8+$0x60] =	vst v0  }
.Ltmp8:
0x88: {  	[tilespmem:s8+$0x50] =	vst v0;
	(pc) =	sbr.rel @p0 .LBB3_1-.Ltmp8, $4  }
0x89: {  	[tilespmem:s8+$0x40] =	vst v0  }
0x8a: {  	[tilespmem:s8+$0x30] =	vst v0  }
0x8b: {  	[tilespmem:s8+$0x20] =	vst v0  }
0x8c: {  	[tilespmem:s8+$0x10] =	vst v0  }
0x8d: {  	s13 =	stileid.u32  }
0x8e: {  	s0 =	smul.u32 $0x2C, s13  }
0x8f: {  	s2 =	smin.u32 s13, $0x5  }
0x90: {  	s0 =	sadd.s32 s2, s0  }
0x91: {  	p0 =	slt.u32 s13, $0x5;
	s6 =	smul.u32 $0xF0, s0;
	s0 =	simm.s32 $0x2A30  }
0x92: {  	s0 =	simm.s32 @!p0 $0x2940  }
0x93: {  	s0 =	sadd.s32 s0, s6  }
0x94: {  	s7 =	smin.u32 s0, $0x29810  }
0x95: {  	s0 =	ssub.s32 s7, s6  }
0x96: {  	p0 =	sgt.s32 s0, $0x0  }
0x97: {  	s0 =	simm.s32 @!p0 $0x0  }
0x98: {  	s31 =	smulhi.u32 $0x88888889, s0  }
0x99: {  	s30 =	simm.s32 $0x2;
	s9 =	simm.s32 $0x7;
	s10 =	simm.s32 $0x8  }
0x9a: {  	s19 =	simm.s32 $0x0;
	s15 =	simm.s32 $0xA;
	s2 =	sshrl.u32 s31, $0x7  }
0x9b: {  	s17 =	simm.s32 $0x0;
	s18 =	simm.s32 $0x0;
	s11 =	smul.u32 $0xF0, s2  }
.Ltmp9:
0x9c: {  	[tilespmem:s8+$0x0] =	vst v0;
	v0 =	vimm.s32 $0xFFFFFFFF;
	[sflag:s30] =	ssyncpa.u1 $0x0;
	s13 =	sshll.u32 s13, $0x8;
	(pc) =	sbr.rel .LBB3_3-.Ltmp9, $4  }
0x9d: {  	[tilespmem:$0xF208] =	vst v0;
	[sflag:s9] =	ssyncpa.u1 $0x0;
	p0 =	sne.s32 s0, s11;
	s0 =	simm.s32 $0x1  }
0x9e: {  	[sflag:s10] =	ssyncpa.u1 $0x0;
	s10 =	simm.s32 $0x9;
	s0 =	simm.s32 @!p0 $0x0  }
0x9f: {  	[sflag:s10] =	ssyncpa.u1 $0x0;
	s16 =	smov.u32 s6;
	s12 =	sadd.s32 s0, s2  }
0xa0: {  	v0 =	vlaneseq.u32;
	s11 =	simm.s32 $0x1;
	p0 =	por $0x0, $0x0;
	s14 =	sadd.s32 $0x1, s12  }
.LBB3_18:
0xa1: {  	s0 =	sshrl.u32 s28, $0x2  }
.LBB3_20:
0xa2: {  	_ =	swait.ge [sflag:s15], s0  }
0xa3: {  	s31 =	ssub.s32 $0x0, s0;
	v1 =	vmov s21;
	vm0 =	veq.s32 v0, $0x0;
	[sflag:s15] =	ssyncset.done $0x0  }
0xa4: {  	vm15 =	veq.s32 v0, $0x2;
	v1 =	vsel vm0, s26, v1;
	[sflag:s15] =	ssyncadd.s32 s31  }
0xa5: {  	v1 =	vsel vm15, s19, v1;
	[sflag:s15] =	ssyncpa.u1 $0x1  }
0xa6: {  	[tilespmem:$0xF208] =	vst v1  }
.LBB3_21:
0xa7: {  	s0 =	sadd.s32 $0xF0, s16  }
0xa8: {  	s2 =	smov.u32 s6;
	p1 =	slt.s32 s0, s7  }
0xa9: {  	s2 =	smov.u32 @p1 s0;
	p1 =	sne.s32 s18, s14  }
.Ltmp10:
0xaa: {  	_ = 	snop;
	(pc) =	sbr.rel @!p1 .LBB3_22-.Ltmp10, $3  }
0xab: {  	_ =	sdelay $0x1  }
0xac: {  	s19 =	smov.u32 s17;
	s31 =	sadd.s32 $0x1, s18;
	s17 =	smov.u32 s16  }
0xad: {  	p0 =	por !p0, !p0;
	s18 =	smov.u32 s31;
	s16 =	smov.u32 s2  }
.LBB3_3:
0xae: {  	p1 =	sge.u32 s18, s12  }
0xaf: {  	s0 =	smulhi.u32 @!p1 $0xAAAAAAAB, s18  }
0xb0: {  	s2 =	smov.u32 s16;
	p2 =	sgt.s32 @!p1 s16, $0x29720  }
0xb1: {  	s20 =	sshra.s32 @!p1 s16, $0x1F;
	p2 =	por !p2, p1;
	s0 =	sshrl.u32 @!p1 s0, $0x1  }
0xb2: {  	s20 =	sand.u32 @!p1 s20, s16;
	s2 =	simm.s32 @p2 $0x29720;
	s0 =	smul.u32 @!p1 $0x3, s0  }
0xb3: {  	s2 =	ssub.s32 @!p1 s2, s20  }
0xb4: {  	s2 =	sadd.s32 @!p1 $0xFFFD68E0, s2;
	s0 =	ssub.s32 @!p1 s18, s0  }
0xb5: {  	s20 =	sshll.u32 @!p1 s2, $0x2;
	p2 =	sgt.s32 @!p1 s2, $0xEF;
	s0 =	smul.u32 @!p1 $0x3C0, s0  }
0xb6: {  	s21 =	sand.u32 @!p1 $0x7, s16;
	s2 =	ssub.s32 @!p1 $0x3C0, s20;
	p2 =	por !p2, p1  }
0xb7: {  	s20 =	sshrl.u32 @!p1 s16, $0x3;
	s2 =	sshrl.u32 @!p1 s2, $0x2;
	s0 =	sshrl.u32 @!p1 s0, $0x2  }
0xb8: {  	s20 =	sadd.s32 @!p1 s5, s20;
	s2 =	simm.s32 @!p2 $0x0;
	s0 =	sadd.s32 @!p1 $0x10238, s0  }
0xb9: {  	[tilespmem:s0], [sflag:$0x8] =	stream.linear.gather @!p1 [hbm4b:s20+s21], s2, $0x38;
	[tilespmem:$0x1F6E8] =	vst v63  }
0xba: {  	s0 =	sadd.s32 $0xFFFFFFFF, s18  }
0xbb: {  	p1 =	sge.u32 s0, s12  }
0xbc: {  	p2 =	sgt.s32 @!p1 s17, $0x29720  }
0xbd: {  	s2 =	smov.u32 s17;
	s20 =	sshra.s32 @!p1 s17, $0x1F;
	p2 =	por !p2, p1  }
0xbe: {  	s20 =	sand.u32 @!p1 s20, s17;
	s2 =	simm.s32 @p2 $0x29720  }
0xbf: {  	s2 =	ssub.s32 @!p1 s2, s20  }
0xc0: {  	s2 =	sadd.s32 @!p1 $0xFFFD68E0, s2  }
0xc1: {  	s21 =	sand.u32 @!p1 $0x1, s0;
	s20 =	sshll.u32 @!p1 s2, $0x2  }
0xc2: {  	p2 =	sgt.s32 @!p1 s2, $0xEF;
	s2 =	ssub.s32 @!p1 $0x3C0, s20;
	s20 =	smulhi.u32 @!p1 $0xAAAAAAAB, s0  }
0xc3: {  	s23 =	smul.u32 @!p1 $0x3C0, s21;
	p2 =	por !p2, p1;
	s2 =	sshrl.u32 @!p1 s2, $0x2  }
0xc4: {  	s22 =	simm.s32 @!p1 $0x8;
	s2 =	simm.s32 @!p2 $0x0;
	s20 =	sshrl.u32 @!p1 s20, $0x1  }
0xc5: {  	s23 =	sshrl.u32 @!p1 s23, $0x2;
	_ =	swait.ge @!p1 [sflag:s22], s2;
	s20 =	smul.u32 @!p1 $0x3, s20  }
0xc6: {  	s23 =	sor.u32 @!p1 $0x10508, s23;
	s24 =	ssub.s32 @!p1 $0x0, s2;
	[sflag:s22] =	ssyncset.done @!p1 $0x0  }
0xc7: {  	[sflag:s22] =	ssyncadd.s32 @!p1 s24;
	s22 =	sshrl.u32 @!p1 s17, $0x3;
	s0 =	ssub.s32 @!p1 s0, s20  }
0xc8: {  	s24 =	sand.u32 @!p1 $0x7, s17;
	s22 =	sadd.s32 @!p1 s3, s22;
	s0 =	smul.u32 @!p1 $0x3C0, s0  }
0xc9: {  	[tilespmem:s23], [sflag:$0x9] =	stream.linear.gather @!p1 [hbm4b:s22+s24], s2, $0x38;
	[tilespmem:$0x1F6E8] =	vst v63  }
0xca: {  	s20 =	ssub.s32 @!p1 $0x29810, s17;
	s2 =	smul.u32 @!p1 $0x1E000, s21  }
0xcb: {  	p2 =	slt.s32 @!p1 s20, $0xF0  }
0xcc: {  	p2 =	por !p2, p1;
	s0 =	sshrl.u32 @!p1 s0, $0x2;
	s2 =	sshrl.u32 @!p1 s2, $0x2  }
0xcd: {  	s20 =	simm.s32 @p2 $0xF0;
	s0 =	sadd.s32 @!p1 $0x10238, s0;
	s2 =	sor.u32 @!p1 $0x106E8, s2  }
0xce: {  	[tilespmem:s2], [sflag:$0x7] =	stream.indirect.gather @!p1 [hbm4b:s4+s20], $0x80, s0, s20, $0xb8;
	[tilespmem:$0x1F6E8] =	vst v63  }
0xcf: {  	p1 =	slt.u32 s18, $0x2  }
.Ltmp11:
0xd0: {  	_ = 	snop;
	(pc) =	sbr.rel @p1 .LBB3_21-.Ltmp11, $1  }
0xd1: {  	_ =	sdelay $0x3  }
0xd2: {  	p1 =	sgt.s32 s19, $0x29720;
	s0 =	smov.u32 s19  }
0xd3: {  	s2 =	sshra.s32 s19, $0x1F;
	s20 =	ssub.s32 $0x29810, s19;
	s0 =	simm.s32 @!p1 $0x29720  }
0xd4: {  	s2 =	sand.u32 s2, s19;
	p1 =	slt.s32 s20, $0xF0;
	s21 =	smov.u32 s20  }
0xd5: {  	s0 =	ssub.s32 s0, s2;
	s21 =	simm.s32 @!p1 $0xF0  }
0xd6: {  	s0 =	sadd.s32 $0xFFFD68E0, s0;
	s28 =	sshll.u32 s21, $0x7  }
0xd7: {  	s29 =	sshll.u32 s0, $0x2;
	s2 =	sand.u32 $0x3FFFFF80, s28  }
0xd8: {  	p1 =	sgt.s32 s0, $0xEF;
	s30 =	ssub.s32 $0x3C0, s29;
	_ =	swait.ge [sflag:s9], s2  }
0xd9: {  	s2 =	ssub.s32 $0x0, s2;
	[sflag:s9] =	ssyncset.done $0x0;
	s0 =	sshrl.u32 s30, $0x2  }
0xda: {  	[sflag:s9] =	ssyncadd.s32 s2;
	s0 =	simm.s32 @p1 $0x0  }
0xdb: {  	_ =	swait.ge [sflag:s10], s0  }
0xdc: {  	s0 =	ssub.s32 $0x0, s0;
	[sflag:s10] =	ssyncset.done $0x0  }
0xdd: {  	[sflag:s10] =	ssyncadd.s32 s0  }
0xde: {  	v1 =	vld [tilespmem:$0xF208];
	_ =	sdelay $0x4  }
0xdf: {  	(v2sf) =	vpush v1, $0x0  }
0xe0: {  	(v2sf) =	vpush v1, $0x1  }
0xe1: {  	(v2sf) =	vpush v1, $0x2;
	_ =	sdelay $0x3  }
0xe2: {  	s0 =	sadd.s32 $0xF0, s19  }
0xe3: {  	p1 =	slt.s32 s7, s0  }
0xe4: {  	s0 =	smov.u32 @p1 s7;
	p1 =	sgt.s32 s20, $0x0  }
0xe5: {  	s23 =	ssub.s32 s0, s19;
	s20 =	simm.s32 @!p1 $0x0  }
0xe6: {  	p1 =	slt.s32 s20, s23  }
0xe7: {  	s23 =	smov.u32 @p1 s20  }
0xe8: {  	s22 =	simm.s32 $0x1;
	p1 =	slt.s32 s23, $0x1  }
.Ltmp12:
0xe9: {  	s22 =	simm.s32 @!p0 $0x0;
	(pc) =	sbr.rel @p1 .LBB3_8-.Ltmp12, $4  }
0xea: {  	s31 =	smul.u32 $0x3C0, s22  }
0xeb: {  	s24 =	spop (v2sf)  }
0xec: {  	s0 =	sshrl.u32 s31, $0x2;
	s26 =	spop (v2sf)  }
0xed: {  	s20 =	sor.u32 $0x10508, s0;
	s19 =	spop (v2sf)  }
0xee: {  	s0 =	smin.u32 s23, $0x10  }
0xef: {  	v1 =	vmov s0  }
0xf0: {  	p2 =	sgt.s32 s23, $0x10;
	vm1 =	vgt.u32 v1, v0  }
.Ltmp13:
0xf1: {  	_ = 	snop;
	(pc) =	sbr.rel @!p2 .LBB3_7-.Ltmp13, $2  }
0xf2: {  	_ =	sdelay $0x2  }
0xf3: {  	s25 =	simm.s32 $0x10;
	s28 =	sadd.s32 $0xFFFFFFF0, s23;
	s21 =	smov.u32 s20;
	vm0 =	vmmov vm1  }
.LBB3_6:
0xf4: {  	s0 =	smin.u32 s28, $0x10;
	s25 =	sadd.s32 $0x10, s25;
	v1 =	vld.msk [tilespmem:s21+$0x0 ss:$0x1], vm1  }
0xf5: {  	v2 =	vmov s0;
	p2 =	slt.s32 s25, s23  }
0xf6: {  	vm1 =	vgt.u32 v2, v0  }
.Ltmp14:
0xf7: {  	(pc) =	sbr.rel @p2 .LBB3_6-.Ltmp14, $3  }
0xf8: {  	_ =	sdelay $0x1  }
0xf9: {  	v1 =	vshll.u32 v1, $0x4  }
0xfa: {  	s28 =	sadd.s32 $0xFFFFFFF0, s28;
	[tilespmem:s21+$0x0] =	vst.msk vm0, v1;
	s21 =	sadd.s32 $0x10, s21;
	vm0 =	vmmov vm1  }
.LBB3_7:
0xfb: {  	_ =	sdelay $0x4  }
0xfc: {  	v1 =	vld.msk [tilespmem:s21+$0x0 ss:$0x1], vm1;
	_ =	sdelay $0x4  }
0xfd: {  	v1 =	vshll.u32 v1, $0x4  }
0xfe: {  	[tilespmem:s21+$0x0] =	vst.msk vm0, v1  }
.LBB3_8:
0xff: {  	s0 =	sand.u32 $0x1, s18  }
0x100: {  	s0 =	smul.u32 $0xF0, s0  }
0x101: {  	p2 =	sne.s32 s26, $0xFFFFFFFF  }
0x102: {  	v1 =	vld.msk @!p2 [tilespmem:s0+$0x10508], $0x1;
	_ =	sdelay $0x4  }
0x103: {  	(v2sf) =	vpush @!p2 v1, $0x0;
	_ =	sdelay $0xc  }
.Ltmp15:
0x104: {  	_ = 	snop;
	(pc) =	sbr.rel @p1 .LBB3_19-.Ltmp15, $4  }
0x105: {  	_ = 	snop  }
0x106: {  	s25 =	spop @!p2 (v2sf)  }
0x107: {  	s19 =	simm.s32 @!p2 $0x0;
	s21 =	smov.u32 s25  }
0x108: {  	[sflag:s15] =	ssyncpa.u1 $0x0;
	s25 =	smov.u32 @p2 s24;
	s21 =	smov.u32 @p2 s26  }
0x109: {  	v1 =	vld.msk [tilespmem:s20+$0x0], $0x1;
	_ =	sdelay $0x4  }
0x10a: {  	(v2sf) =	vpush v1, $0x0;
	_ =	sdelay $0xe  }
0x10b: {  	s0 =	smul.u32 $0x1E000, s22;
	s29 =	spop (v2sf)  }
0x10c: {  	s23 =	ssub.s32 $0x0, s23;
	p1 =	seq.s32 s25, s29  }
0x10d: {  	s26 =	sadd.s32 $0x1, s23;
	s0 =	sshrl.u32 s0, $0x2;
	p2 =	sgt.s32 @!p1 s25, $0x0  }
0x10e: {  	s22 =	sor.u32 $0x10728, s0;
	s0 =	smov.u32 s25;
	p2 =	por !p2, p1  }
0x10f: {  	s0 =	simm.s32 @p2 $0x0;
	p2 =	seq.s32 s26, $0x0  }
.Ltmp16:
0x110: {  	_ = 	snop;
	(pc) =	sbr.rel @p2 .LBB3_11-.Ltmp16, $4  }
0x111: {  	_ = 	snop  }
0x112: {  	s24 =	simm.s32 $0x0;
	s28 =	sadd.s32 $0x1, s20;
	s0 =	smin.u32 @!p1 s0, $0x270F0  }
0x113: {  	s30 =	simm.s32 @!p1 $0x1;
	s31 =	simm.s32 @!p1 $0x7988;
	s2 =	sand.u32 @!p1 $0x3FFF8, s0  }
0x114: {  	s30 =	smov.u32 @p1 s24;
	s0 =	sand.u32 @!p1 $0x7, s0;
	s2 =	sadd.s32 @!p1 s1, s2  }
.LBB3_10:
0x115: {  	s8 =	smov.u32 s30  }
0x116: {  	[tilespmem:s31], [sflag:$0x2] =	stream.linear.gather @!p1 [hbm4b:s2+s0], $0x80, $0x38;
	[tilespmem:$0x1F6E8] =	vst v63  }
0x117: {  	s26 =	sadd.s32 $0x1, s26;
	s0 =	smov.u32 s29;
	v1 =	vld.msk [tilespmem:s28+$0x0], $0x1  }
0x118: {  	p2 =	seq.s32 s26, $0x0;
	_ =	sdelay $0x3  }
0x119: {  	(v2sf) =	vpush v1, $0x0;
	_ =	sdelay $0xe  }
0x11a: {  	s29 =	spop (v2sf)  }
0x11b: {  	p1 =	seq.s32 s0, s29  }
0x11c: {  	p3 =	sgt.s32 @!p1 s0, $0x0;
	s2 =	sshll.u32 @!p1 s30, $0x9;
	s30 =	sadd.s32 @!p1 $0x1, s30  }
.Ltmp17:
0x11d: {  	p3 =	por !p3, p1;
	s2 =	sshra.s32 @!p1 s2, $0x2;
	(pc) =	sbr.rel @!p2 .LBB3_10-.Ltmp17, $4  }
0x11e: {  	s30 =	smov.u32 @p1 s8;
	s0 =	simm.s32 @p3 $0x0;
	s31 =	sadd.s32 @!p1 $0x7988, s2  }
0x11f: {  	s0 =	smin.u32 @!p1 s0, $0x270F0  }
0x120: {  	s2 =	sand.u32 @!p1 $0x3FFF8, s0;
	s0 =	sand.u32 @!p1 $0x7, s0  }
0x121: {  	s28 =	sadd.s32 $0x1, s28;
	s2 =	sadd.s32 @!p1 s1, s2  }
.LBB3_11:
0x122: {  	[tilespmem:s31], [sflag:$0x2] =	stream.linear.gather @!p1 [hbm4b:s2+s0], $0x80, $0x38;
	[tilespmem:$0x1F6E8] =	vst v63  }
.Ltmp18:
0x123: {  	s30 =	sshll.u32 s30, $0x7;
	(pc) =	sbr.rel .LBB3_12-.Ltmp18, $4  }
0x124: {  	s31 =	simm.s32 $0x2;
	s0 =	sand.u32 $0x3FFFFF80, s30  }
0x125: {  	_ =	swait.ge [sflag:s31], s0  }
0x126: {  	s0 =	ssub.s32 $0x0, s0;
	[sflag:s31] =	ssyncset.done $0x0  }
0x127: {  	s28 =	simm.s32 $0x0;
	[sflag:s31] =	ssyncadd.s32 s0  }
.LBB3_13:
0x128: {  	v1 =	vld [tilespmem:s22+$0xFFFFFFC0];
	_ =	sdelay $0x3  }
0x129: {  	s0 =	sshra.s32 s0, $0x2  }
0x12a: {  	[tilespmem:s0+$0x108] =	vst.add.f32.msk $0xffff, v1  }
0x12b: {  	v1 =	vld [tilespmem:s22+$0xFFFFFFD0];
	_ =	sdelay $0x4  }
0x12c: {  	[tilespmem:s0+$0x118] =	vst.add.f32.msk $0xffff, v1  }
0x12d: {  	v1 =	vld [tilespmem:s22+$0xFFFFFFE0];
	_ =	sdelay $0x4  }
0x12e: {  	[tilespmem:s0+$0x128] =	vst.add.f32.msk $0xffff, v1  }
0x12f: {  	v1 =	vld [tilespmem:s22+$0xFFFFFFF0];
	_ =	sdelay $0x4  }
0x130: {  	[tilespmem:s0+$0x138] =	vst.add.f32.msk $0xffff, v1  }
0x131: {  	v1 =	vld [tilespmem:s22+$0x0];
	_ =	sdelay $0x4  }
0x132: {  	[tilespmem:s0+$0x148] =	vst.add.f32.msk $0xffff, v1  }
0x133: {  	v1 =	vld [tilespmem:s22+$0x10];
	_ =	sdelay $0x4  }
0x134: {  	[tilespmem:s0+$0x158] =	vst.add.f32.msk $0xffff, v1  }
0x135: {  	v1 =	vld [tilespmem:s22+$0x20];
	_ =	sdelay $0x4  }
0x136: {  	[tilespmem:s0+$0x168] =	vst.add.f32.msk $0xffff, v1  }
0x137: {  	v1 =	vld [tilespmem:s22+$0x30];
	_ =	sdelay $0x4  }
0x138: {  	[tilespmem:s0+$0x178] =	vst.add.f32.msk $0xffff, v1  }
.LBB3_17:
0x139: {  	s23 =	sadd.s32 $0x1, s23  }
0x13a: {  	p1 =	seq.s32 s23, $0x0  }
.Ltmp19:
0x13b: {  	_ = 	snop;
	(pc) =	sbr.rel @p1 .LBB3_18-.Ltmp19, $2  }
0x13c: {  	_ =	sdelay $0x2  }
0x13d: {  	s20 =	sadd.s32 $0x1, s20;
	s22 =	sadd.s32 $0x80, s22;
	s25 =	smov.u32 s26  }
.LBB3_12:
0x13e: {  	v1 =	vld.msk [tilespmem:s20+$0x0], $0x1;
	_ =	sdelay $0x4  }
0x13f: {  	(v2sf) =	vpush v1, $0x0;
	_ =	sdelay $0xe  }
0x140: {  	s26 =	spop (v2sf)  }
0x141: {  	p1 =	sne.s32 s25, s26  }
.Ltmp20:
0x142: {  	_ = 	snop;
	(pc) =	sbr.rel @!p1 .LBB3_13-.Ltmp20, $2  }
0x143: {  	_ =	sdelay $0x2  }
0x144: {  	s0 =	sshll.u32 s19, $0x9  }
0x145: {  	p1 =	seq.s32 s25, s21  }
.Ltmp21:
0x146: {  	_ = 	snop;
	(pc) =	sbr.rel @!p1 .LBB3_15-.Ltmp21, $1  }
0x147: {  	_ =	sdelay $0x3  }
0x148: {  	s0 =	sshra.s32 s0, $0x2  }
.Ltmp22:
0x149: {  	s0 =	sadd.s32 $0x108, s0;
	(pc) =	sbr.rel .LBB3_16-.Ltmp22, $4  }
0x14a: {  	[spmem:s13] =	stream.linear.scatter [tilespmem:s0], [sflag:$0x1], $0x80, $0x38;
	[tilespmem:$0x1F6E8] =	vst v63  }
0x14b: {  	_ =	swait.ge [sflag:s11], $0x80  }
0x14c: {  	[sflag:s11] =	ssyncset.done $0x0  }
0x14d: {  	[sflag:s11] =	ssyncadd.s32 $0xFFFFFF80  }
.LBB3_15:
0x14e: {  	s2 =	sshll.u32 s24, $0x9  }
0x14f: {  	s2 =	sshra.s32 s2, $0x2  }
0x150: {  	v1 =	vld [tilespmem:s2+$0x7988];
	_ =	sdelay $0x3  }
0x151: {  	s0 =	sshra.s32 s0, $0x2  }
0x152: {  	[tilespmem:s0+$0x108] =	vst.add.f32.msk $0xffff, v1  }
0x153: {  	v1 =	vld [tilespmem:s2+$0x7998];
	_ =	sdelay $0x4  }
0x154: {  	[tilespmem:s0+$0x118] =	vst.add.f32.msk $0xffff, v1  }
0x155: {  	v1 =	vld [tilespmem:s2+$0x79A8];
	_ =	sdelay $0x4  }
0x156: {  	[tilespmem:s0+$0x128] =	vst.add.f32.msk $0xffff, v1  }
0x157: {  	v1 =	vld [tilespmem:s2+$0x79B8];
	_ =	sdelay $0x4  }
0x158: {  	[tilespmem:s0+$0x138] =	vst.add.f32.msk $0xffff, v1  }
0x159: {  	v1 =	vld [tilespmem:s2+$0x79C8];
	_ =	sdelay $0x4  }
0x15a: {  	[tilespmem:s0+$0x148] =	vst.add.f32.msk $0xffff, v1  }
0x15b: {  	v1 =	vld [tilespmem:s2+$0x79D8];
	_ =	sdelay $0x4  }
0x15c: {  	[tilespmem:s0+$0x158] =	vst.add.f32.msk $0xffff, v1  }
0x15d: {  	v1 =	vld [tilespmem:s2+$0x79E8];
	_ =	sdelay $0x4  }
0x15e: {  	[tilespmem:s0+$0x168] =	vst.add.f32.msk $0xffff, v1  }
0x15f: {  	v1 =	vld [tilespmem:s2+$0x79F8];
	_ =	sdelay $0x2  }
0x160: {  	p1 =	sgt.u32 s25, $0x270F0  }
0x161: {  	s2 =	sand.u32 @!p1 $0x3FFF8, s25  }
0x162: {  	s8 =	sadd.s32 $0x108, s0;
	[tilespmem:s0+$0x178] =	vst.add.f32.msk $0xffff, v1;
	s0 =	sadd.s32 @!p1 s1, s2;
	s2 =	sand.u32 @!p1 $0x7, s25  }
0x163: {  	[hbm4b:s0+s2] =	stream.linear.scatter @!p1 [tilespmem:s8], [sflag:$0xA], $0x80, $0x38;
	[tilespmem:$0x1F6E8] =	vst v63  }
0x164: {  	s0 =	simm.s32 $0x0  }
0x165: {  	s0 =	simm.s32 @!p1 $0x200  }
0x166: {  	s28 =	sadd.s32 s0, s28  }
.LBB3_16:
0x167: {  	s0 =	sadd.s32 $0x1, s19  }
0x168: {  	s2 =	smulhi.u32 $0x88888889, s0;
	_ =	sdelay $0x1  }
0x169: {  	v1 =	vld [tilespmem:s22+$0xFFFFFFC0];
	s2 =	sshrl.u32 s2, $0x7  }
0x16a: {  	s2 =	smul.u32 $0xF0, s2;
	_ =	sdelay $0x1  }
0x16b: {  	s19 =	ssub.s32 s0, s2  }
0x16c: {  	s0 =	sshll.u32 s19, $0x7  }
0x16d: {  	[tilespmem:s0+$0x108] =	vst v1  }
0x16e: {  	v1 =	vld [tilespmem:s22+$0xFFFFFFD0];
	_ =	sdelay $0x4  }
0x16f: {  	[tilespmem:s0+$0x118] =	vst v1  }
0x170: {  	v1 =	vld [tilespmem:s22+$0xFFFFFFE0];
	_ =	sdelay $0x4  }
0x171: {  	[tilespmem:s0+$0x128] =	vst v1  }
0x172: {  	v1 =	vld [tilespmem:s22+$0xFFFFFFF0];
	_ =	sdelay $0x4  }
0x173: {  	[tilespmem:s0+$0x138] =	vst v1  }
0x174: {  	v1 =	vld [tilespmem:s22+$0x0];
	_ =	sdelay $0x4  }
0x175: {  	[tilespmem:s0+$0x148] =	vst v1  }
0x176: {  	v1 =	vld [tilespmem:s22+$0x10];
	_ =	sdelay $0x4  }
0x177: {  	[tilespmem:s0+$0x158] =	vst v1  }
0x178: {  	v1 =	vld [tilespmem:s22+$0x20];
	_ =	sdelay $0x4  }
0x179: {  	[tilespmem:s0+$0x168] =	vst v1  }
0x17a: {  	v1 =	vld [tilespmem:s22+$0x30]  }
.Ltmp23:
0x17b: {  	_ = 	snop;
	(pc) =	sbr.rel .LBB3_17-.Ltmp23, $2  }
0x17c: {  	_ =	sdelay $0x2  }
0x17d: {  	s24 =	sadd.s32 $0x1, s24;
	[tilespmem:s0+$0x178] =	vst v1  }
.LBB3_19:
.Ltmp24:
0x17e: {  	(pc) =	sbr.rel .LBB3_20-.Ltmp24, $4  }
0x17f: {  	_ = 	snop  }
0x180: {  	s0 =	simm.s32 $0x2  }
0x181: {  	_ =	swait.ge [sflag:s0], $0x0  }
0x182: {  	s26 =	smov.u32 s25;
	[sflag:s0] =	ssyncset.done $0x0;
	s0 =	simm.s32 $0x0  }
.LBB3_22:
0x183: {  	_ =	sfence.sel $0x180000  }
0x184: {  	s0 =	simm.s32 $0x7;
	[bflag:$0x0] =	sbarrier.arrive $0xFFFF  }
0x185: {  	s25 =	simm.s32 $0x8;
	[sflag:s0] =	ssyncpa.u1 $0x1  }
0x186: {  	s26 =	simm.s32 $0x9;
	[sflag:s25] =	ssyncpa.u1 $0x1  }
0x187: {  	s28 =	simm.s32 $0x2;
	[sflag:s26] =	ssyncpa.u1 $0x1  }
0x188: {  	[sflag:s28] =	ssyncpa.u1 $0x1  }
0x189: {  	v0 =	vld [tilespmem:$0xF208];
	_ =	sdelay $0x4  }
0x18a: {  	(v2sf) =	vpush v0, $0x0  }
0x18b: {  	(v2sf) =	vpush v0, $0x1;
	_ =	sdelay $0x1  }
0x18c: {  	(v2sf) =	vpush v0, $0x2;
	_ =	sdelay $0xb  }
0x18d: {  	s0 =	spop (v2sf)  }
0x18e: {  	s2 =	spop (v2sf)  }
0x18f: {  	s3 =	smov.u32 s0;
	p0 =	sne.s32 s0, s2  }
0x190: {  	s4 =	spop (v2sf);
	s3 =	simm.s32 @!p0 $0xFFFFFFFF  }
0x191: {  	v2 =	vimm.s32 $0x1;
	v3 =	vlaneseq.u32;
	p0 =	seq.s32 s4, $0xFFFFFFFF;
	v1 =	vmov s3  }
0x192: {  	s7 =	stileid.u32;
	v0 =	vperm.xlane v0, v2;
	p1 =	sne.s32 @!p0 s0, s2;
	v1 =	vperm.xlane v1, v3  }
0x193: {  	vm0 =	vcmask $0x3F04;
	s6 =	simm.s32 $0xF208;
	s0 =	simm.s32 @!p0 $0x1;
	p1 =	por !p1, p0  }
0x194: {  	s3 =	sshll.u32 s7, $0x1;
	s2 =	sshll.u32 @!p0 s4, $0x9;
	s0 =	simm.s32 @p1 $0x0;
	v0 =	vsel vm0, v1, v0  }
0x195: {  	s5 =	sor.u32 $0x1000, s3;
	s2 =	sshra.s32 @!p0 s2, $0x2;
	s0 =	sor.u32 @!p0 s0, s3;
	[tilespmem:$0xF208] =	vst v0  }
0x196: {  	[spmem:s5] =	stream.linear.scatter [tilespmem:s6], [sflag:$0x1], $0x2, $0x38;
	[tilespmem:$0x1F6E8] =	vst v63  }
0x197: {  	s2 =	sadd.s32 @!p0 $0x108, s2;
	s0 =	sshll.u32 @!p0 s0, $0x7  }
0x198: {  	[spmem:s0] =	stream.linear.scatter @!p0 [tilespmem:s2], [sflag:$0x1], $0x80, $0x38;
	[tilespmem:$0x1F6E8] =	vst v63  }
0x199: {  	s0 =	simm.s32 @!p0 $0x82  }
0x19a: {  	s3 =	simm.s32 $0x1;
	s0 =	simm.s32 @p0 $0x2  }
0x19b: {  	_ =	swait.ge [sflag:s3], s0  }
0x19c: {  	s0 =	ssub.s32 $0x0, s0;
	[sflag:s3] =	ssyncset.done $0x0  }
0x19d: {  	[sflag:s3] =	ssyncadd.s32 s0  }
0x19e: {  	_ =	sfence.stream.spmem  }
0x19f: {  	s29 =	simm.s32 $0x3;
	[bflag:$0x0] =	sbarrier.arrive $0xFFFF  }
0x1a0: {  	s30 =	simm.s32 $0x4;
	[sflag:s29] =	ssyncpa.u1 $0x1  }
0x1a1: {  	s31 =	simm.s32 $0x3C;
	[sflag:s30] =	ssyncpa.u1 $0x1  }
0x1a2: {  	p0 =	sne.s32 s7, $0x0;
	[sflag:s31] =	ssyncpa.u1 $0x1  }
0x1a3: {  	_ =	sfence @p0  }
0x1a4: {  	[sflag:s3] =	ssyncpa.u1 @p0 $0x1  }
0x1a5: {  	_ =	strace @p0 $0x90000050  }
0x1a6: {  	[bflag:$0x2] =	sbarrier.arrive @p0 $0xFFFF  }
0x1a7: {  	_ =	shalt @p0  }
.LBB3_23:
0x1a8: {  	_ =	sfence.stream.spmem;
	s0 =	simm.s32 $0x5  }
0x1a9: {  	s2 =	simm.s32 $0x1000;
	s3 =	simm.s32 $0xF218;
	[sflag:s0] =	ssyncpa.u1 $0x0  }
0x1aa: {  	[tilespmem:s3], [sflag:$0x5] =	stream.linear.gather [spmem:s2], $0x20, $0x38;
	[tilespmem:$0x1F6E8] =	vst v63  }
0x1ab: {  	s30 =	simm.s32 $0xF238;
	s2 =	simm.s32 $0x0  }
0x1ac: {  	[tilespmem:s30], [sflag:$0x5] =	stream.linear.gather [spmem:s2], $0x1000, $0x38;
	[tilespmem:$0x1F6E8] =	vst v63  }
.Ltmp25:
0x1ad: {  	_ = 	snop;
	(pc) =	sbr.rel .LBB3_24-.Ltmp25, $4  }
0x1ae: {  	_ =	swait.ge [sflag:s0], $0x1020  }
0x1af: {  	[sflag:s0] =	ssyncset.done $0x0  }
0x1b0: {  	s31 =	simm.s32 $0x6;
	[sflag:s0] =	ssyncadd.s32 $0xFFFFEFE0  }
0x1b1: {  	s3 =	simm.s32 $0x0;
	[sflag:s31] =	ssyncpa.u1 $0x0  }
.LBB3_30:
0x1b2: {  	p0 =	slt.u32 s4, $0x270F1  }
0x1b3: {  	s0 =	sand.u32 @p0 $0x3FFF8, s4  }
0x1b4: {  	s4 =	sand.u32 @p0 $0x7, s4;
	s5 =	simm.s32 @p0 $0xF188;
	s0 =	sadd.s32 @p0 s1, s0  }
0x1b5: {  	[tilespmem:s5], [sflag:$0x6] =	stream.linear.gather @p0 [hbm4b:s0+s4], $0x80, $0x38;
	[tilespmem:$0x1F6E8] =	vst v63  }
0x1b6: {  	s0 =	simm.s32 @p0 $0x6  }
0x1b7: {  	_ =	swait.ge @p0 [sflag:s0], $0x80  }
0x1b8: {  	[sflag:s0] =	ssyncset.done @p0 $0x0  }
0x1b9: {  	[sflag:s0] =	ssyncadd.s32 @p0 $0xFFFFFF80  }
0x1ba: {  	v1 =	vld @p0 [tilespmem:$0xF188];
	_ =	sdelay $0x2  }
0x1bb: {  	s0 =	sshll.u32 @p0 s3, $0x9  }
0x1bc: {  	s4 =	sshrl.u32 @p0 s0, $0x2  }
0x1bd: {  	[tilespmem:s4+$0xF238] =	vst.add.f32.msk @p0 $0xffff, v1  }
0x1be: {  	v1 =	vld @p0 [tilespmem:$0xF198];
	_ =	sdelay $0x4  }
0x1bf: {  	[tilespmem:s4+$0xF248] =	vst.add.f32.msk @p0 $0xffff, v1  }
0x1c0: {  	v1 =	vld @p0 [tilespmem:$0xF1A8];
	_ =	sdelay $0x4  }
0x1c1: {  	[tilespmem:s4+$0xF258] =	vst.add.f32.msk @p0 $0xffff, v1  }
0x1c2: {  	v1 =	vld @p0 [tilespmem:$0xF1B8];
	_ =	sdelay $0x4  }
0x1c3: {  	[tilespmem:s4+$0xF268] =	vst.add.f32.msk @p0 $0xffff, v1  }
0x1c4: {  	v1 =	vld @p0 [tilespmem:$0xF1C8];
	_ =	sdelay $0x4  }
0x1c5: {  	[tilespmem:s4+$0xF278] =	vst.add.f32.msk @p0 $0xffff, v1  }
0x1c6: {  	v1 =	vld @p0 [tilespmem:$0xF1D8];
	_ =	sdelay $0x4  }
0x1c7: {  	[tilespmem:s4+$0xF288] =	vst.add.f32.msk @p0 $0xffff, v1  }
0x1c8: {  	v1 =	vld @p0 [tilespmem:$0xF1E8];
	_ =	sdelay $0x4  }
0x1c9: {  	[tilespmem:s4+$0xF298] =	vst.add.f32.msk @p0 $0xffff, v1  }
0x1ca: {  	v1 =	vld @p0 [tilespmem:$0xF1F8];
	_ =	sdelay $0x3  }
0x1cb: {  	s5 =	sshll.u32 @!p0 s3, $0x9  }
0x1cc: {  	s5 =	smov.u32 @p0 s0;
	[tilespmem:s4+$0xF2A8] =	vst.add.f32.msk @p0 $0xffff, v1  }
0x1cd: {  	s0 =	sshrl.u32 s5, $0x2;
	[tilespmem:s2+$0xF218] =	vst.msk $0x1, v0  }
0x1ce: {  	v0 =	vld [tilespmem:s0+$0xF238];
	_ =	sdelay $0x2  }
0x1cf: {  	s31 =	sshll.u32 s2, $0x9  }
0x1d0: {  	s4 =	sshra.s32 s31, $0x2  }
0x1d1: {  	[tilespmem:s4+$0xF238] =	vst v0  }
0x1d2: {  	v0 =	vld [tilespmem:s0+$0xF248];
	_ =	sdelay $0x4  }
0x1d3: {  	[tilespmem:s4+$0xF248] =	vst v0  }
0x1d4: {  	v0 =	vld [tilespmem:s0+$0xF258];
	_ =	sdelay $0x4  }
0x1d5: {  	[tilespmem:s4+$0xF258] =	vst v0  }
0x1d6: {  	v0 =	vld [tilespmem:s0+$0xF268];
	_ =	sdelay $0x4  }
0x1d7: {  	[tilespmem:s4+$0xF268] =	vst v0  }
0x1d8: {  	v0 =	vld [tilespmem:s0+$0xF278];
	_ =	sdelay $0x4  }
0x1d9: {  	[tilespmem:s4+$0xF278] =	vst v0  }
0x1da: {  	v0 =	vld [tilespmem:s0+$0xF288];
	_ =	sdelay $0x4  }
0x1db: {  	[tilespmem:s4+$0xF288] =	vst v0  }
0x1dc: {  	v0 =	vld [tilespmem:s0+$0xF298];
	_ =	sdelay $0x4  }
0x1dd: {  	[tilespmem:s4+$0xF298] =	vst v0  }
0x1de: {  	v0 =	vld [tilespmem:s0+$0xF2A8];
	_ =	sdelay $0x4  }
0x1df: {  	s2 =	sadd.s32 $0x1, s2;
	[tilespmem:s4+$0xF2A8] =	vst v0  }
.LBB3_31:
0x1e0: {  	s3 =	sadd.s32 $0x1, s3  }
0x1e1: {  	p0 =	sne.s32 s3, $0x20  }
.Ltmp26:
0x1e2: {  	_ = 	snop;
	(pc) =	sbr.rel @!p0 .LBB3_32-.Ltmp26, $1  }
0x1e3: {  	_ =	sdelay $0x3  }
.LBB3_24:
0x1e4: {  	v0 =	vld.msk [tilespmem:s3+$0xF218], $0x1;
	_ =	sdelay $0x4  }
0x1e5: {  	(v2sf) =	vpush v0, $0x0;
	_ =	sdelay $0xe  }
0x1e6: {  	s4 =	spop (v2sf)  }
0x1e7: {  	p0 =	seq.s32 s4, $0xFFFFFFFF  }
.Ltmp27:
0x1e8: {  	_ = 	snop;
	(pc) =	sbr.rel @p0 .LBB3_31-.Ltmp27, $1  }
0x1e9: {  	_ =	sdelay $0x3  }
0x1ea: {  	p0 =	slt.s32 s2, $0x1  }
.Ltmp28:
0x1eb: {  	_ = 	snop;
	(pc) =	sbr.rel @p0 .LBB3_30-.Ltmp28, $1  }
0x1ec: {  	_ =	sdelay $0x3  }
0x1ed: {  	s5 =	simm.s32 $0xF218;
	p0 =	por $0x0, $0x0  }
0x1ee: {  	v1 =	vld.msk @!p0 [tilespmem:s5+$0x0], $0x1;
	_ =	sdelay $0x4  }
0x1ef: {  	(v2sf) =	vpush @!p0 v1, $0x0;
	_ =	sdelay $0xd  }
0x1f0: {  	p2 =	sne.s32 s2, $0x1  }
.Ltmp29:
0x1f1: {  	s0 =	spop @!p0 (v2sf);
	(pc) =	sbr.rel @!p2 .LBB3_28-.Ltmp29, $4  }
0x1f2: {  	p1 =	seq.s32 @!p0 s4, s0  }
0x1f3: {  	s6 =	simm.s32 $0x0;
	p1 =	por !p1, p0  }
0x1f4: {  	s0 =	simm.s32 $0xFFFFFFFF;
	s6 =	simm.s32 @p1 $0xFFFFFFFF  }
0x1f5: {  	s7 =	simm.s32 $0x1;
	s6 =	smov.u32 @p0 s0  }
.LBB3_27:
0x1f6: {  	s0 =	smov.u32 s6;
	p0 =	sne.s32 s6, $0xFFFFFFFF  }
0x1f7: {  	s5 =	sadd.s32 $0x1, s5;
	s6 =	smov.u32 s7;
	s7 =	sadd.s32 $0x1, s7  }
0x1f8: {  	p1 =	sne.s32 s2, s7;
	v1 =	vld.msk @!p0 [tilespmem:s5+$0x0], $0x1;
	_ =	sdelay $0x4  }
0x1f9: {  	(v2sf) =	vpush @!p0 v1, $0x0;
	_ =	sdelay $0xe  }
.Ltmp30:
0x1fa: {  	s8 =	spop @!p0 (v2sf);
	(pc) =	sbr.rel @p1 .LBB3_27-.Ltmp30, $4  }
0x1fb: {  	p2 =	seq.s32 @!p0 s4, s8  }
0x1fc: {  	p2 =	por !p2, p0  }
0x1fd: {  	s6 =	simm.s32 @p2 $0xFFFFFFFF  }
0x1fe: {  	s6 =	smov.u32 @p0 s0  }
.LBB3_28:
0x1ff: {  	p0 =	seq.s32 s6, $0xFFFFFFFF  }
.Ltmp31:
0x200: {  	_ = 	snop;
	(pc) =	sbr.rel @p0 .LBB3_30-.Ltmp31, $1  }
0x201: {  	_ =	sdelay $0x3  }
0x202: {  	s0 =	sshll.u32 s3, $0x7  }
0x203: {  	s0 =	sand.u32 $0x3FFFFF80, s0  }
0x204: {  	v0 =	vld [tilespmem:s0+$0xF238];
	_ =	sdelay $0x2  }
0x205: {  	s4 =	sshll.u32 s6, $0x9  }
0x206: {  	s4 =	sshra.s32 s4, $0x2  }
0x207: {  	[tilespmem:s4+$0xF238] =	vst.add.f32.msk $0xffff, v0  }
0x208: {  	v0 =	vld [tilespmem:s0+$0xF248];
	_ =	sdelay $0x4  }
0x209: {  	[tilespmem:s4+$0xF248] =	vst.add.f32.msk $0xffff, v0  }
0x20a: {  	v0 =	vld [tilespmem:s0+$0xF258];
	_ =	sdelay $0x4  }
0x20b: {  	[tilespmem:s4+$0xF258] =	vst.add.f32.msk $0xffff, v0  }
0x20c: {  	v0 =	vld [tilespmem:s0+$0xF268];
	_ =	sdelay $0x4  }
0x20d: {  	[tilespmem:s4+$0xF268] =	vst.add.f32.msk $0xffff, v0  }
0x20e: {  	v0 =	vld [tilespmem:s0+$0xF278];
	_ =	sdelay $0x4  }
0x20f: {  	[tilespmem:s4+$0xF278] =	vst.add.f32.msk $0xffff, v0  }
0x210: {  	v0 =	vld [tilespmem:s0+$0xF288];
	_ =	sdelay $0x4  }
0x211: {  	[tilespmem:s4+$0xF288] =	vst.add.f32.msk $0xffff, v0  }
0x212: {  	v0 =	vld [tilespmem:s0+$0xF298];
	_ =	sdelay $0x4  }
0x213: {  	[tilespmem:s4+$0xF298] =	vst.add.f32.msk $0xffff, v0  }
0x214: {  	v0 =	vld [tilespmem:s0+$0xF2A8]  }
.Ltmp32:
0x215: {  	_ = 	snop;
	(pc) =	sbr.rel .LBB3_31-.Ltmp32, $2  }
0x216: {  	_ =	sdelay $0x2  }
0x217: {  	[tilespmem:s4+$0xF2A8] =	vst.add.f32.msk $0xffff, v0  }
.LBB3_32:
0x218: {  	p0 =	slt.s32 s2, $0x1  }
.Ltmp33:
0x219: {  	_ = 	snop;
	(pc) =	sbr.rel @p0 .LBB3_36-.Ltmp33, $3  }
0x21a: {  	_ =	sdelay $0x1  }
0x21b: {  	s0 =	simm.s32 $0x6  }
0x21c: {  	s3 =	simm.s32 $0x0;
	[sflag:s0] =	ssyncpa.u1 $0x1  }
0x21d: {  	s0 =	simm.s32 $0xF218  }
0x21e: {  	v0 =	vld.msk [tilespmem:s0+$0x0], $0x1;
	_ =	sdelay $0x4  }
0x21f: {  	(v2sf) =	vpush v0, $0x0;
	_ =	sdelay $0xd  }
0x220: {  	s2 =	sadd.s32 $0xFFFFFFFF, s2  }
0x221: {  	p1 =	sne.s32 s2, $0x0;
	s0 =	spop (v2sf)  }
.Ltmp34:
0x222: {  	p0 =	sgt.u32 s0, $0x270F0;
	(pc) =	sbr.rel @!p1 .LBB3_35-.Ltmp34, $4  }
0x223: {  	s4 =	simm.s32 $0xF238;
	s5 =	sand.u32 @!p0 $0x3FFF8, s0  }
0x224: {  	s6 =	simm.s32 $0x0;
	s0 =	sand.u32 @!p0 $0x7, s0;
	s5 =	sadd.s32 @!p0 s1, s5  }
0x225: {  	[hbm4b:s5+s0] =	stream.linear.scatter @!p0 [tilespmem:s4], [sflag:$0x5], $0x80, $0x38;
	[tilespmem:$0x1F6E8] =	vst v63  }
0x226: {  	s6 =	simm.s32 @!p0 $0x200;
	s5 =	simm.s32 $0xF219  }
.LBB3_34:
0x227: {  	v0 =	vld.msk [tilespmem:s5+$0x0], $0x1;
	s2 =	sadd.s32 $0xFFFFFFFF, s2;
	s3 =	sadd.s32 s3, s6  }
0x228: {  	p0 =	sne.s32 s2, $0x0;
	_ =	sdelay $0x3  }
0x229: {  	(v2sf) =	vpush v0, $0x0;
	_ =	sdelay $0xe  }
.Ltmp35:
0x22a: {  	s0 =	spop (v2sf);
	(pc) =	sbr.rel @p0 .LBB3_34-.Ltmp35, $4  }
0x22b: {  	s6 =	simm.s32 $0x0;
	p1 =	sgt.u32 s0, $0x270F0  }
0x22c: {  	s4 =	sadd.s32 $0x80, s4;
	s6 =	simm.s32 @!p1 $0x200;
	s7 =	sand.u32 @!p1 $0x3FFF8, s0  }
0x22d: {  	s5 =	sadd.s32 $0x1, s5;
	s0 =	sand.u32 @!p1 $0x7, s0;
	s7 =	sadd.s32 @!p1 s1, s7  }
0x22e: {  	[hbm4b:s7+s0] =	stream.linear.scatter @!p1 [tilespmem:s4], [sflag:$0x5], $0x80, $0x38;
	[tilespmem:$0x1F6E8] =	vst v63  }
.LBB3_35:
0x22f: {  	s0 =	sadd.s32 s3, s6  }
0x230: {  	s3 =	sshrl.u32 s0, $0x2  }
.LBB3_36:
0x231: {  	s0 =	simm.s32 $0x5  }
0x232: {  	_ =	swait.ge [sflag:s0], s3  }
0x233: {  	s1 =	ssub.s32 $0x0, s3;
	[sflag:s0] =	ssyncset.done $0x0  }
0x234: {  	[sflag:s0] =	ssyncadd.s32 s1  }
0x235: {  	[sflag:s0] =	ssyncpa.u1 $0x1  }
0x236: {  	s30 =	simm.s32 $0x1;
	_ =	sfence  }
0x237: {  	[sflag:s30] =	ssyncpa.u1 $0x1  }
0x238: {  	_ =	strace $0x90000050  }
0x239: {  	[bflag:$0x2] =	sbarrier.arrive $0xFFFF  }
0x23a: {  	s31 =	rddreg [dreg:$0x2]  }
0x23b: {  	s0 =	sadd.s32 $0x100000, s31  }
0x23c: {  	[sflag:s0] =	ssyncadd.tile.s32 $0x1;
	_ =	shalt  }
.Lfunc_end3:
_tile_overlayer_lowered:
.L_overlay_start_3:
0x23d: {  	(tag) =	ssettag $0x3  }
0x23e: {  	s0 =	rddreg [dreg:$0x0];
	s2 =	stileid.u32  }
0x23f: {  	s1 =	rddreg [dreg:$0x1];
	p0 =	sne.s32 s2, $0x0  }
0x240: {  	s3 =	rddreg [dreg:$0x2];
	[bflag:$0x3] =	sbarrier.arrive $0xFFFF;
	s2 =	simm.s32 @!p0 $0x1C01  }
0x241: {  	[timem:s3], [sflag:s2] =	dma.local @!p0 [hbm:s0], s1  }
0x242: {  	s0 =	simm.s32 @!p0 $0x1  }
0x243: {  	_ =	swait.ge @!p0 [sflag:s0], s1  }
0x244: {  	s1 =	ssub.s32 @!p0 $0x0, s1;
	[sflag:s0] =	ssyncset.done @!p0 $0x0  }
0x245: {  	[sflag:s0] =	ssyncadd.s32 @!p0 s1  }
0x246: {  	[bflag:$0x3] =	sbarrier.arrive $0xFFFF  }
0x247: {  	_ =	shalt  }

// kernel: scatter_offload_async_start.2
scs
__scs_entry_jumppad:
0x0: {  	(pc) =	sbr.rel $0x88, $3  }
0x1: {  	(tag) =	ssettag $0x0;
	lr =	simm.s32 $0x1  }
0x2: {  	[smem:$0x3F93] =	sst lr;
	_ =	strace $0xD0000000  }
0x3: {  	_ = 	snop  }
0x4: {  	_ = 	snop  }
0x5: {  	_ = 	snop  }
0x6: {  	_ = 	snop  }
0x7: {  	_ = 	snop  }
__scs_overlays_trampoline_lowered:
0x8: {  	[smem:$0x3FA2] =	sst s0  }
0x9: {  	[smem:$0x3FA3] =	sst s1  }
0xa: {  	[smem:$0x3FA4] =	sst s2  }
0xb: {  	[smem:$0x3FA5] =	sst s3  }
0xc: {  	[smem:$0x3FA6] =	sst s4  }
0xd: {  	[smem:$0x3FA7] =	sst s5  }
0xe: {  	[smem:$0x3FA8] =	sst s6  }
0xf: {  	[smem:$0x3FA9] =	sst s7  }
0x10: {  	[smem:$0x3FAA] =	sst s8  }
0x11: {  	[smem:$0x3FAB] =	sst s9;
	s0 =	simm.s32 @!p0 $0x0  }
0x12: {  	s1 =	sld [smem:$0x3F91];
	s0 =	simm.s32 @p0 $0x1  }
0x13: {  	[smem:$0x3FAC] =	sst s0;
	s0 =	simm.s32 @!p1 $0x0  }
0x14: {  	s2 =	sld [smem:$0x3F90];
	s0 =	simm.s32 @p1 $0x1  }
0x15: {  	[smem:$0x3FAD] =	sst s0;
	s0 =	simm.s32 @!p2 $0x0  }
0x16: {  	s3 =	sld [smem:$0x3FDB];
	s0 =	simm.s32 @p2 $0x1  }
0x17: {  	s4 =	simm.s32 $0x1BF5;
	[smem:$0x3FAF] =	sst s0  }
0x18: {  	s0 =	sld [smem:$0x3F92];
	_ =	swait.ge [sflag:s4], $0x0  }
0x19: {  	s7 =	sld [smem:$0x3F93]  }
0x1a: {  	s8 =	sadd.s32 $0xFFFFE003, lr  }
0x1b: {  	s9 =	sadd.s32 $0xFFFFFEF7, lr;
	s5 =	simm.s32 $0xFFFFFFFF;
	p2 =	slt.u32 s8, $0xFFFFF086  }
0x1c: {  	p1 =	slt.u32 s9, $0xF7A;
	s5 =	simm.s32 @!p2 $0x0  }
0x1d: {  	s5 =	simm.s32 @p1 $0x1;
	p0 =	seq.s32 s7, s2  }
0x1e: {  	s7 =	smul.u32 @!p0 $0xF7A, s2;
	p2 =	seq.s32 @!p0 s5, $0x0  }
0x1f: {  	s9 =	smul.u32 $0xF7A, s1;
	s8 =	simm.s32 @!p0 $0x1BF5;
	p2 =	por !p2, p0  }
0x20: {  	[sflag:s8] =	ssyncset.s32 @!p0 $0xFFFFF086;
	s6 =	sadd.s32 @!p0 s3, s7;
	s7 =	simm.s32 @!p0 $0x108  }
0x21: {  	s3 =	sadd.s32 s3, s9;
	s6 =	sadd.s32 @!p0 $0x88, s6;
	s7 =	simm.s32 @p2 $0x1082  }
0x22: {  	[simem:s7], [sflag:s8] =	dma.local @!p0 [hbm:s6], $0xF7A  }
0x23: {  	s9 =	sor.u32 $0xD0000000, s2;
	s6 =	simm.s32 $0x108;
	_ =	swait.ge @!p0 [sflag:s8], $0x0  }
0x24: {  	s3 =	sadd.s32 $0x88, s3;
	s6 =	simm.s32 @!p1 $0x1082;
	[sflag:s4] =	ssyncset.s32 $0xFFFFF086  }
0x25: {  	[simem:s6], [sflag:s4] =	dma.local [hbm:s3], $0xF7A  }
0x26: {  	[smem:$0x3F93] =	sst s1;
	(tag) =	ssettag s2;
	_ =	strace s9  }
0x27: {  	s1 =	sld [smem:$0x3FA3]  }
0x28: {  	s2 =	sld [smem:$0x3FA4]  }
0x29: {  	s4 =	sld [smem:$0x3FA6]  }
0x2a: {  	p0 =	seq.s32 s5, $0x0;
	s5 =	sld [smem:$0x3FA7]  }
0x2b: {  	s6 =	sld [smem:$0x3FA8]  }
0x2c: {  	s7 =	sld [smem:$0x3FA9]  }
0x2d: {  	s3 =	simm.s32 $0x108;
	s8 =	sld [smem:$0x3FAA]  }
0x2e: {  	s3 =	simm.s32 @!p0 $0x1082;
	s9 =	sld [smem:$0x3FAB]  }
0x2f: {  	lr =	sadd.s32 s0, s3;
	s0 =	sld [smem:$0x3FA2]  }
0x30: {  	s3 =	sld [smem:$0x3FA5]  }
0x31: {  	[smem:$0x3FAE] =	sst s10  }
0x32: {  	s10 =	sld [smem:$0x3FAC];
	_ =	sdelay $0x3  }
0x33: {  	p0 =	seq.s32 s10, $0x1;
	s10 =	sld [smem:$0x3FAE];
	_ =	sdelay $0x3  }
0x34: {  	[smem:$0x3FAE] =	sst s10  }
0x35: {  	s10 =	sld [smem:$0x3FAD];
	_ =	sdelay $0x3  }
0x36: {  	p1 =	seq.s32 s10, $0x1;
	s10 =	sld [smem:$0x3FAE];
	_ =	sdelay $0x3  }
0x37: {  	[smem:$0x3FAE] =	sst s10  }
0x38: {  	s10 =	sld [smem:$0x3FAF]  }
0x39: {  	_ = 	snop;
	(pc) =	sbr.ind lr, $3  }
0x3a: {  	_ = 	snop  }
0x3b: {  	_ = 	snop  }
0x3c: {  	p2 =	seq.s32 s10, $0x1;
	s10 =	sld [smem:$0x3FAE]  }
0x3d: {  	_ =	shalt  }
0x3e: {  	_ =	shalt  }
0x3f: {  	_ =	shalt  }
0x40: {  	_ =	shalt  }
0x41: {  	_ =	shalt  }
0x42: {  	_ =	shalt  }
0x43: {  	_ =	shalt  }
0x44: {  	_ =	shalt  }
0x45: {  	_ =	shalt  }
0x46: {  	_ =	shalt  }
0x47: {  	_ =	shalt  }
0x48: {  	_ =	shalt  }
0x49: {  	_ =	shalt  }
0x4a: {  	_ =	shalt  }
0x4b: {  	_ =	shalt  }
0x4c: {  	_ =	shalt  }
0x4d: {  	_ =	shalt  }
0x4e: {  	_ =	shalt  }
0x4f: {  	_ =	shalt  }
0x50: {  	_ =	shalt  }
0x51: {  	_ =	shalt  }
0x52: {  	_ =	shalt  }
0x53: {  	_ =	shalt  }
0x54: {  	_ =	shalt  }
0x55: {  	_ =	shalt  }
0x56: {  	_ =	shalt  }
0x57: {  	_ =	shalt  }
0x58: {  	_ =	shalt  }
0x59: {  	_ =	shalt  }
0x5a: {  	_ =	shalt  }
0x5b: {  	_ =	shalt  }
0x5c: {  	_ =	shalt  }
0x5d: {  	_ =	shalt  }
0x5e: {  	_ =	shalt  }
0x5f: {  	_ =	shalt  }
0x60: {  	_ =	shalt  }
0x61: {  	_ =	shalt  }
0x62: {  	_ =	shalt  }
0x63: {  	_ =	shalt  }
0x64: {  	_ =	shalt  }
0x65: {  	_ =	shalt  }
0x66: {  	_ =	shalt  }
0x67: {  	_ =	shalt  }
0x68: {  	_ =	shalt  }
0x69: {  	_ =	shalt  }
0x6a: {  	_ =	shalt  }
0x6b: {  	_ =	shalt  }
0x6c: {  	_ =	shalt  }
0x6d: {  	_ =	shalt  }
0x6e: {  	_ =	shalt  }
0x6f: {  	_ =	shalt  }
0x70: {  	_ =	shalt  }
0x71: {  	_ =	shalt  }
0x72: {  	_ =	shalt  }
0x73: {  	_ =	shalt  }
0x74: {  	_ =	shalt  }
0x75: {  	_ =	shalt  }
0x76: {  	_ =	shalt  }
0x77: {  	_ =	shalt  }
0x78: {  	_ =	shalt  }
0x79: {  	_ =	shalt  }
0x7a: {  	_ =	shalt  }
0x7b: {  	_ =	shalt  }
0x7c: {  	_ =	shalt  }
0x7d: {  	_ =	shalt  }
0x7e: {  	_ =	shalt  }
0x7f: {  	_ =	shalt  }
0x80: {  	_ =	shalt  }
0x81: {  	_ =	shalt  }
0x82: {  	_ =	shalt  }
0x83: {  	_ =	shalt  }
0x84: {  	_ =	shalt  }
0x85: {  	_ =	shalt  }
0x86: {  	_ =	shalt  }
0x87: {  	_ =	shalt  }
.Lfunc_end0:
.L_simem_size_0:
called_computation.2_lowered:
.L_overlay_start_0:
0x88: {  	s0 =	sld [smem:$0x3FD9]  }
0x89: {  	s1 =	sld [smem:$0x3FFE];
	_ =	sdelay $0x3  }
0x8a: {  	s0 =	sadd.s32 s1, s0  }
0x8b: {  	[smem:$0x3FBA] =	sst s0  }
0x8c: {  	_ = 	snop  }
0x8d: {  	(tm) =	ssettm $0x1  }
0x8e: {  	s15 =	sld [smem:$0x3FFB];
	_ =	sdelay $0x3  }
0x8f: {  	_ =	strace s15  }
0x90: {  	s0 =	sld [smem:$0x3FFC];
	_ =	sdelay $0x3  }
0x91: {  	_ =	strace s0  }
0x92: {  	s0 =	sld [smem:$0x3FFD];
	_ =	sdelay $0x3  }
0x93: {  	_ =	strace s0  }
0x94: {  	_ =	strace $0x8FFFFFFF  }
0x95: {  	s16 =	sld [smem:$0x3FDB];
	_ =	sdelay $0x1  }
0x96: {  	s17 =	simm.s32 $_scs_section_size  }
0x97: {  	s2 =	simm.s32 $_size__tile_overlayer_lowered;
	s3 =	simm.s32 $_tile_overlayer_lowered  }
0x98: {  	s20 =	simm.s32 $0x1BFF;
	s19 =	sshll.u32 s3, $0x1;
	s0 =	sadd.s32 s17, s16  }
0x99: {  	s4 =	simm.s32 $0x0;
	s18 =	sshll.u32 s2, $0x1;
	s2 =	sadd.s32 s19, s0  }
0x9a: {  	[timem:s4], [sflag:s20] =	dma.local [hbm:s2], s18  }
0x9b: {  	_ =	swait.ge [sflag:s20], s18  }
0x9c: {  	s1 =	ssub.s32 $0x0, s18;
	[sflag:s20] =	ssyncset.done $0x0  }
0x9d: {  	[sflag:s20] =	ssyncadd.s32 s1;
	_ =	sdelay $0x1  }
0x9e: {  	s21 =	simm.s32 $0x1B8B  }
0x9f: {  	_ =	swait.ge [sflag:s21], $0x1  }
0xa0: {  	[sflag:s21] =	ssyncset.done $0x0  }
0xa1: {  	s23 =	simm.s32 $0x1B8E;
	s22 =	sld [smem:$0x3FFE];
	[sflag:s21] =	ssyncadd.s32 $0xFFFFFFFF  }
0xa2: {  	s24 =	simm.s32 $execute0_lowered;
	[smem:$0x3FD2] =	sst s23  }
0xa3: {  	s2 =	sshll.u32 s24, $0x1;
	_ =	strace $0x80000052;
	[dreg:$0x1] =	wrdreg $0xFFFFFFFF  }
0xa4: {  	s25 =	simm.s32 $_size_execute0_lowered;
	s0 =	sadd.s32 s0, s2;
	[dreg:$0x0] =	wrdreg $0x0  }
0xa5: {  	s2 =	sshll.u32 s25, $0x1;
	[dreg:$0x2] =	wrdreg s0  }
0xa6: {  	[dreg:$0x3] =	wrdreg s2  }
0xa7: {  	[dreg:$0x4] =	wrdreg $0xC0  }
0xa8: {  	_ =	task [dreg:s4], $0x5FFFF  }
0xa9: {  	[dreg:$0x1] =	wrdreg $0xFFFFFFFF  }
0xaa: {  	[dreg:$0x0] =	wrdreg $0x60  }
0xab: {  	[dreg:$0x2] =	wrdreg s22  }
0xac: {  	[dreg:$0x3] =	wrdreg $0x9  }
0xad: {  	_ =	task.clear_ibuf [dreg:s4], $0x4FFFF;
	_ =	strace $0x90000052  }
0xae: {  	s26 =	simm.s32 $0x9;
	_ =	strace $0x80000054  }
0xaf: {  	_ =	swait.ge [sflag:s26], $0x1  }
0xb0: {  	[sflag:s26] =	ssyncadd.s32 $0xFFFFFFFF  }
0xb1: {  	_ =	strace $0x90000054  }
0xb2: {  	_ =	sfence  }
0xb3: {  	s28 =	sld [smem:$0x0];
	_ =	sdelay $0x1  }
0xb4: {  	s29 =	srdreg.scid  }
0xb5: {  	s30 =	sshll.u32 s29, $0xD;
	s31 =	sshrl.u32 s29, $0x2  }
0xb6: {  	s1 =	sand.u32 $0x1, s29;
	s2 =	sand.u32 $0x4000, s30;
	s0 =	sadd.s32 s31, s28  }
0xb7: {  	s1 =	sor.u32 s2, s1;
	s0 =	sshll.u32 s0, $0x11  }
0xb8: {  	s0 =	sor.u32 s0, s1  }
0xb9: {  	s0 =	sadd.s32 $0x8F2B, s0  }
0xba: {  	[sflag:s0] =	ssyncadd.remote.s32 $0x1  }
0xbb: {  	_ =	sfence.sel $0xFFFF  }
0xbc: {  	[dreg:$0x0] =	wrdreg $0xFFFFFFFF;
	(pc) =	sbr.abs _section_cstart, $3  }
0xbd: {  	[dreg:$0x1] =	wrdreg $0xFFFFFFFF  }
0xbe: {  	_ =	task.clear_ibuf [dreg:s4], $0x2FFFF;
	_ =	strace $0x9FFFFFFF  }
0xbf: {  	(tm) =	ssettm $0x7FFFFFFF  }
tec
execute0_lowered:
.L_overlay_start_1:
0x0: {  	(tag) =	ssettag $0x1  }
0x1: {  	s0 =	rddreg [dreg:$0x0];
	_ =	strace $0x80000053;
	s1 =	simm.s32 $0x1  }
0x2: {  	s8 =	simm.s32 $0x108;
	v0 =	vimm.s32 $0x0;
	[sflag:s1] =	ssyncpa.u1 $0x0  }
0x3: {  	[tilespmem:s8+$0x70] =	vst v0  }
0x4: {  	[tilespmem:s8+$0x60] =	vst v0  }
0x5: {  	[tilespmem:s8+$0x50] =	vst v0  }
0x6: {  	[tilespmem:s8+$0x40] =	vst v0  }
0x7: {  	[tilespmem:s8+$0x30] =	vst v0  }
0x8: {  	s2 =	simm.s32 $0x40;
	s1 =	sadd.s32 $0x6DC00, s0;
	[tilespmem:s8+$0x20] =	vst v0  }
0x9: {  	s3 =	sadd.s32 $0x15000, s0;
	s4 =	sadd.s32 $0x305E00, s0;
	s5 =	sadd.s32 $0x1A400, s0;
	[tilespmem:s8+$0x10] =	vst v0  }
.LBB2_1:
0xa: {  	s2 =	sadd.s32 $0x40, s2;
	[tilespmem:s8+$0x0] =	vst v0;
	s8 =	sadd.s32 $0x80, s8  }
0xb: {  	p0 =	slt.u32 s2, $0x3C40;
	[tilespmem:s8+$0x70] =	vst v0  }
0xc: {  	[tilespmem:s8+$0x60] =	vst v0  }
.Ltmp0:
0xd: {  	[tilespmem:s8+$0x50] =	vst v0;
	(pc) =	sbr.rel @p0 .LBB2_1-.Ltmp0, $4  }
0xe: {  	[tilespmem:s8+$0x40] =	vst v0  }
0xf: {  	[tilespmem:s8+$0x30] =	vst v0  }
0x10: {  	[tilespmem:s8+$0x20] =	vst v0  }
0x11: {  	[tilespmem:s8+$0x10] =	vst v0  }
0x12: {  	s13 =	stileid.u32  }
0x13: {  	s0 =	smul.u32 $0x2C, s13  }
0x14: {  	s2 =	smin.u32 s13, $0x5  }
0x15: {  	s0 =	sadd.s32 s2, s0  }
0x16: {  	p0 =	slt.u32 s13, $0x5;
	s6 =	smul.u32 $0xF0, s0;
	s0 =	simm.s32 $0x2A30  }
0x17: {  	s0 =	simm.s32 @!p0 $0x2940  }
0x18: {  	s0 =	sadd.s32 s0, s6  }
0x19: {  	s7 =	smin.u32 s0, $0x29810  }
0x1a: {  	s0 =	ssub.s32 s7, s6  }
0x1b: {  	p0 =	sgt.s32 s0, $0x0  }
0x1c: {  	s0 =	simm.s32 @!p0 $0x0  }
0x1d: {  	s31 =	smulhi.u32 $0x88888889, s0  }
0x1e: {  	s30 =	simm.s32 $0x2;
	s9 =	simm.s32 $0x7;
	s10 =	simm.s32 $0x8  }
0x1f: {  	s19 =	simm.s32 $0x0;
	s15 =	simm.s32 $0xA;
	s2 =	sshrl.u32 s31, $0x7  }
0x20: {  	s17 =	simm.s32 $0x0;
	s18 =	simm.s32 $0x0;
	s11 =	smul.u32 $0xF0, s2  }
.Ltmp1:
0x21: {  	[tilespmem:s8+$0x0] =	vst v0;
	v0 =	vimm.s32 $0xFFFFFFFF;
	[sflag:s30] =	ssyncpa.u1 $0x0;
	s13 =	sshll.u32 s13, $0x8;
	(pc) =	sbr.rel .LBB2_3-.Ltmp1, $4  }
0x22: {  	[tilespmem:$0xF208] =	vst v0;
	[sflag:s9] =	ssyncpa.u1 $0x0;
	p0 =	sne.s32 s0, s11;
	s0 =	simm.s32 $0x1  }
0x23: {  	[sflag:s10] =	ssyncpa.u1 $0x0;
	s10 =	simm.s32 $0x9;
	s0 =	simm.s32 @!p0 $0x0  }
0x24: {  	[sflag:s10] =	ssyncpa.u1 $0x0;
	s16 =	smov.u32 s6;
	s12 =	sadd.s32 s0, s2  }
0x25: {  	v0 =	vlaneseq.u32;
	s11 =	simm.s32 $0x1;
	p0 =	por $0x0, $0x0;
	s14 =	sadd.s32 $0x1, s12  }
.LBB2_18:
0x26: {  	s0 =	sshrl.u32 s28, $0x2  }
.LBB2_20:
0x27: {  	_ =	swait.ge [sflag:s15], s0  }
0x28: {  	s31 =	ssub.s32 $0x0, s0;
	v1 =	vmov s21;
	vm0 =	veq.s32 v0, $0x0;
	[sflag:s15] =	ssyncset.done $0x0  }
0x29: {  	vm15 =	veq.s32 v0, $0x2;
	v1 =	vsel vm0, s26, v1;
	[sflag:s15] =	ssyncadd.s32 s31  }
0x2a: {  	v1 =	vsel vm15, s19, v1;
	[sflag:s15] =	ssyncpa.u1 $0x1  }
0x2b: {  	[tilespmem:$0xF208] =	vst v1  }
.LBB2_21:
0x2c: {  	s0 =	sadd.s32 $0xF0, s16  }
0x2d: {  	s2 =	smov.u32 s6;
	p1 =	slt.s32 s0, s7  }
0x2e: {  	s2 =	smov.u32 @p1 s0;
	p1 =	sne.s32 s18, s14  }
.Ltmp2:
0x2f: {  	_ = 	snop;
	(pc) =	sbr.rel @!p1 .LBB2_22-.Ltmp2, $3  }
0x30: {  	_ =	sdelay $0x1  }
0x31: {  	s19 =	smov.u32 s17;
	s31 =	sadd.s32 $0x1, s18;
	s17 =	smov.u32 s16  }
0x32: {  	p0 =	por !p0, !p0;
	s18 =	smov.u32 s31;
	s16 =	smov.u32 s2  }
.LBB2_3:
0x33: {  	p1 =	sge.u32 s18, s12  }
0x34: {  	s0 =	smulhi.u32 @!p1 $0xAAAAAAAB, s18  }
0x35: {  	s2 =	smov.u32 s16;
	p2 =	sgt.s32 @!p1 s16, $0x29720  }
0x36: {  	s20 =	sshra.s32 @!p1 s16, $0x1F;
	p2 =	por !p2, p1;
	s0 =	sshrl.u32 @!p1 s0, $0x1  }
0x37: {  	s20 =	sand.u32 @!p1 s20, s16;
	s2 =	simm.s32 @p2 $0x29720;
	s0 =	smul.u32 @!p1 $0x3, s0  }
0x38: {  	s2 =	ssub.s32 @!p1 s2, s20  }
0x39: {  	s2 =	sadd.s32 @!p1 $0xFFFD68E0, s2;
	s0 =	ssub.s32 @!p1 s18, s0  }
0x3a: {  	s20 =	sshll.u32 @!p1 s2, $0x2;
	p2 =	sgt.s32 @!p1 s2, $0xEF;
	s0 =	smul.u32 @!p1 $0x3C0, s0  }
0x3b: {  	s21 =	sand.u32 @!p1 $0x7, s16;
	s2 =	ssub.s32 @!p1 $0x3C0, s20;
	p2 =	por !p2, p1  }
0x3c: {  	s20 =	sshrl.u32 @!p1 s16, $0x3;
	s2 =	sshrl.u32 @!p1 s2, $0x2;
	s0 =	sshrl.u32 @!p1 s0, $0x2  }
0x3d: {  	s20 =	sadd.s32 @!p1 s5, s20;
	s2 =	simm.s32 @!p2 $0x0;
	s0 =	sadd.s32 @!p1 $0x10238, s0  }
0x3e: {  	[tilespmem:s0], [sflag:$0x8] =	stream.linear.gather @!p1 [hbm4b:s20+s21], s2, $0x38;
	[tilespmem:$0x1F6E8] =	vst v63  }
0x3f: {  	s0 =	sadd.s32 $0xFFFFFFFF, s18  }
0x40: {  	p1 =	sge.u32 s0, s12  }
0x41: {  	p2 =	sgt.s32 @!p1 s17, $0x29720  }
0x42: {  	s2 =	smov.u32 s17;
	s20 =	sshra.s32 @!p1 s17, $0x1F;
	p2 =	por !p2, p1  }
0x43: {  	s20 =	sand.u32 @!p1 s20, s17;
	s2 =	simm.s32 @p2 $0x29720  }
0x44: {  	s2 =	ssub.s32 @!p1 s2, s20  }
0x45: {  	s2 =	sadd.s32 @!p1 $0xFFFD68E0, s2  }
0x46: {  	s21 =	sand.u32 @!p1 $0x1, s0;
	s20 =	sshll.u32 @!p1 s2, $0x2  }
0x47: {  	p2 =	sgt.s32 @!p1 s2, $0xEF;
	s2 =	ssub.s32 @!p1 $0x3C0, s20;
	s20 =	smulhi.u32 @!p1 $0xAAAAAAAB, s0  }
0x48: {  	s23 =	smul.u32 @!p1 $0x3C0, s21;
	p2 =	por !p2, p1;
	s2 =	sshrl.u32 @!p1 s2, $0x2  }
0x49: {  	s22 =	simm.s32 @!p1 $0x8;
	s2 =	simm.s32 @!p2 $0x0;
	s20 =	sshrl.u32 @!p1 s20, $0x1  }
0x4a: {  	s23 =	sshrl.u32 @!p1 s23, $0x2;
	_ =	swait.ge @!p1 [sflag:s22], s2;
	s20 =	smul.u32 @!p1 $0x3, s20  }
0x4b: {  	s23 =	sor.u32 @!p1 $0x10508, s23;
	s24 =	ssub.s32 @!p1 $0x0, s2;
	[sflag:s22] =	ssyncset.done @!p1 $0x0  }
0x4c: {  	[sflag:s22] =	ssyncadd.s32 @!p1 s24;
	s22 =	sshrl.u32 @!p1 s17, $0x3;
	s0 =	ssub.s32 @!p1 s0, s20  }
0x4d: {  	s24 =	sand.u32 @!p1 $0x7, s17;
	s22 =	sadd.s32 @!p1 s3, s22;
	s0 =	smul.u32 @!p1 $0x3C0, s0  }
0x4e: {  	[tilespmem:s23], [sflag:$0x9] =	stream.linear.gather @!p1 [hbm4b:s22+s24], s2, $0x38;
	[tilespmem:$0x1F6E8] =	vst v63  }
0x4f: {  	s20 =	ssub.s32 @!p1 $0x29810, s17;
	s2 =	smul.u32 @!p1 $0x1E000, s21  }
0x50: {  	p2 =	slt.s32 @!p1 s20, $0xF0  }
0x51: {  	p2 =	por !p2, p1;
	s0 =	sshrl.u32 @!p1 s0, $0x2;
	s2 =	sshrl.u32 @!p1 s2, $0x2  }
0x52: {  	s20 =	simm.s32 @p2 $0xF0;
	s0 =	sadd.s32 @!p1 $0x10238, s0;
	s2 =	sor.u32 @!p1 $0x106E8, s2  }
0x53: {  	[tilespmem:s2], [sflag:$0x7] =	stream.indirect.gather @!p1 [hbm4b:s4+s20], $0x80, s0, s20, $0xb8;
	[tilespmem:$0x1F6E8] =	vst v63  }
0x54: {  	p1 =	slt.u32 s18, $0x2  }
.Ltmp3:
0x55: {  	_ = 	snop;
	(pc) =	sbr.rel @p1 .LBB2_21-.Ltmp3, $1  }
0x56: {  	_ =	sdelay $0x3  }
0x57: {  	p1 =	sgt.s32 s19, $0x29720;
	s0 =	smov.u32 s19  }
0x58: {  	s2 =	sshra.s32 s19, $0x1F;
	s20 =	ssub.s32 $0x29810, s19;
	s0 =	simm.s32 @!p1 $0x29720  }
0x59: {  	s2 =	sand.u32 s2, s19;
	p1 =	slt.s32 s20, $0xF0;
	s21 =	smov.u32 s20  }
0x5a: {  	s0 =	ssub.s32 s0, s2;
	s21 =	simm.s32 @!p1 $0xF0  }
0x5b: {  	s0 =	sadd.s32 $0xFFFD68E0, s0;
	s28 =	sshll.u32 s21, $0x7  }
0x5c: {  	s29 =	sshll.u32 s0, $0x2;
	s2 =	sand.u32 $0x3FFFFF80, s28  }
0x5d: {  	p1 =	sgt.s32 s0, $0xEF;
	s30 =	ssub.s32 $0x3C0, s29;
	_ =	swait.ge [sflag:s9], s2  }
0x5e: {  	s2 =	ssub.s32 $0x0, s2;
	[sflag:s9] =	ssyncset.done $0x0;
	s0 =	sshrl.u32 s30, $0x2  }
0x5f: {  	[sflag:s9] =	ssyncadd.s32 s2;
	s0 =	simm.s32 @p1 $0x0  }
0x60: {  	_ =	swait.ge [sflag:s10], s0  }
0x61: {  	s0 =	ssub.s32 $0x0, s0;
	[sflag:s10] =	ssyncset.done $0x0  }
0x62: {  	[sflag:s10] =	ssyncadd.s32 s0  }
0x63: {  	v1 =	vld [tilespmem:$0xF208];
	_ =	sdelay $0x4  }
0x64: {  	(v2sf) =	vpush v1, $0x0  }
0x65: {  	(v2sf) =	vpush v1, $0x1  }
0x66: {  	(v2sf) =	vpush v1, $0x2;
	_ =	sdelay $0x3  }
0x67: {  	s0 =	sadd.s32 $0xF0, s19  }
0x68: {  	p1 =	slt.s32 s7, s0  }
0x69: {  	s0 =	smov.u32 @p1 s7;
	p1 =	sgt.s32 s20, $0x0  }
0x6a: {  	s23 =	ssub.s32 s0, s19;
	s20 =	simm.s32 @!p1 $0x0  }
0x6b: {  	p1 =	slt.s32 s20, s23  }
0x6c: {  	s23 =	smov.u32 @p1 s20  }
0x6d: {  	s22 =	simm.s32 $0x1;
	p1 =	slt.s32 s23, $0x1  }
.Ltmp4:
0x6e: {  	s22 =	simm.s32 @!p0 $0x0;
	(pc) =	sbr.rel @p1 .LBB2_8-.Ltmp4, $4  }
0x6f: {  	s31 =	smul.u32 $0x3C0, s22  }
0x70: {  	s24 =	spop (v2sf)  }
0x71: {  	s0 =	sshrl.u32 s31, $0x2;
	s26 =	spop (v2sf)  }
0x72: {  	s20 =	sor.u32 $0x10508, s0;
	s19 =	spop (v2sf)  }
0x73: {  	s0 =	smin.u32 s23, $0x10  }
0x74: {  	v1 =	vmov s0  }
0x75: {  	p2 =	sgt.s32 s23, $0x10;
	vm1 =	vgt.u32 v1, v0  }
.Ltmp5:
0x76: {  	_ = 	snop;
	(pc) =	sbr.rel @!p2 .LBB2_7-.Ltmp5, $2  }
0x77: {  	_ =	sdelay $0x2  }
0x78: {  	s25 =	simm.s32 $0x10;
	s28 =	sadd.s32 $0xFFFFFFF0, s23;
	s21 =	smov.u32 s20;
	vm0 =	vmmov vm1  }
.LBB2_6:
0x79: {  	s0 =	smin.u32 s28, $0x10;
	s25 =	sadd.s32 $0x10, s25;
	v1 =	vld.msk [tilespmem:s21+$0x0 ss:$0x1], vm1  }
0x7a: {  	v2 =	vmov s0;
	p2 =	slt.s32 s25, s23  }
0x7b: {  	vm1 =	vgt.u32 v2, v0  }
.Ltmp6:
0x7c: {  	(pc) =	sbr.rel @p2 .LBB2_6-.Ltmp6, $3  }
0x7d: {  	_ =	sdelay $0x1  }
0x7e: {  	v1 =	vshll.u32 v1, $0x4  }
0x7f: {  	s28 =	sadd.s32 $0xFFFFFFF0, s28;
	[tilespmem:s21+$0x0] =	vst.msk vm0, v1;
	s21 =	sadd.s32 $0x10, s21;
	vm0 =	vmmov vm1  }
.LBB2_7:
0x80: {  	_ =	sdelay $0x4  }
0x81: {  	v1 =	vld.msk [tilespmem:s21+$0x0 ss:$0x1], vm1;
	_ =	sdelay $0x4  }
0x82: {  	v1 =	vshll.u32 v1, $0x4  }
0x83: {  	[tilespmem:s21+$0x0] =	vst.msk vm0, v1  }
.LBB2_8:
0x84: {  	s0 =	sand.u32 $0x1, s18  }
0x85: {  	s2 =	smul.u32 $0x7800, s0  }
0x86: {  	p2 =	sne.s32 s26, $0xFFFFFFFF  }
0x87: {  	v1 =	vld @!p2 [tilespmem:s2+$0x106E8];
	_ =	sdelay $0x2  }
0x88: {  	s0 =	smul.u32 $0xF0, s0;
	_ =	sdelay $0x1  }
0x89: {  	v2 =	vld.msk @!p2 [tilespmem:s0+$0x10508], $0x1;
	[tilespmem:$0x108] =	vst @!p2 v1  }
0x8a: {  	v1 =	vld @!p2 [tilespmem:s2+$0x106F8];
	_ =	sdelay $0x4  }
0x8b: {  	[tilespmem:$0x118] =	vst @!p2 v1  }
0x8c: {  	v1 =	vld @!p2 [tilespmem:s2+$0x10708];
	_ =	sdelay $0x4  }
0x8d: {  	[tilespmem:$0x128] =	vst @!p2 v1  }
0x8e: {  	v1 =	vld @!p2 [tilespmem:s2+$0x10718];
	_ =	sdelay $0x4  }
0x8f: {  	[tilespmem:$0x138] =	vst @!p2 v1  }
0x90: {  	v1 =	vld @!p2 [tilespmem:s2+$0x10728];
	_ =	sdelay $0x4  }
0x91: {  	[tilespmem:$0x148] =	vst @!p2 v1  }
0x92: {  	(v2sf) =	vpush @!p2 v2, $0x0;
	v1 =	vld @!p2 [tilespmem:s2+$0x10738];
	_ =	sdelay $0x4  }
0x93: {  	[tilespmem:$0x158] =	vst @!p2 v1  }
0x94: {  	v1 =	vld @!p2 [tilespmem:s2+$0x10748];
	_ =	sdelay $0x4  }
0x95: {  	[tilespmem:$0x168] =	vst @!p2 v1  }
0x96: {  	v1 =	vld @!p2 [tilespmem:s2+$0x10758]  }
.Ltmp7:
0x97: {  	_ = 	snop;
	(pc) =	sbr.rel @p1 .LBB2_19-.Ltmp7, $4  }
0x98: {  	_ = 	snop  }
0x99: {  	s25 =	spop @!p2 (v2sf)  }
0x9a: {  	s19 =	simm.s32 @!p2 $0x0;
	s21 =	smov.u32 s25  }
0x9b: {  	s25 =	smov.u32 @p2 s24;
	s21 =	smov.u32 @p2 s26;
	[tilespmem:$0x178] =	vst @!p2 v1;
	[sflag:s15] =	ssyncpa.u1 $0x0  }
0x9c: {  	v1 =	vld.msk [tilespmem:s20+$0x0], $0x1;
	_ =	sdelay $0x4  }
0x9d: {  	(v2sf) =	vpush v1, $0x0;
	_ =	sdelay $0xe  }
0x9e: {  	s0 =	smul.u32 $0x1E000, s22;
	s29 =	spop (v2sf)  }
0x9f: {  	s23 =	ssub.s32 $0x0, s23;
	p1 =	seq.s32 s25, s29  }
0xa0: {  	s26 =	sadd.s32 $0x1, s23;
	s0 =	sshrl.u32 s0, $0x2;
	p2 =	sgt.s32 @!p1 s25, $0x0  }
0xa1: {  	s22 =	sor.u32 $0x10728, s0;
	s0 =	smov.u32 s25;
	p2 =	por !p2, p1  }
0xa2: {  	s0 =	simm.s32 @p2 $0x0;
	p2 =	seq.s32 s26, $0x0  }
.Ltmp8:
0xa3: {  	_ = 	snop;
	(pc) =	sbr.rel @p2 .LBB2_11-.Ltmp8, $4  }
0xa4: {  	_ = 	snop  }
0xa5: {  	s24 =	simm.s32 $0x0;
	s28 =	sadd.s32 $0x1, s20;
	s0 =	smin.u32 @!p1 s0, $0x270F0  }
0xa6: {  	s30 =	simm.s32 @!p1 $0x1;
	s31 =	simm.s32 @!p1 $0x7988;
	s2 =	sand.u32 @!p1 $0x3FFF8, s0  }
0xa7: {  	s30 =	smov.u32 @p1 s24;
	s0 =	sand.u32 @!p1 $0x7, s0;
	s2 =	sadd.s32 @!p1 s1, s2  }
.LBB2_10:
0xa8: {  	s8 =	smov.u32 s30  }
0xa9: {  	[tilespmem:s31], [sflag:$0x2] =	stream.linear.gather @!p1 [hbm4b:s2+s0], $0x80, $0x38;
	[tilespmem:$0x1F6E8] =	vst v63  }
0xaa: {  	s26 =	sadd.s32 $0x1, s26;
	s0 =	smov.u32 s29;
	v1 =	vld.msk [tilespmem:s28+$0x0], $0x1  }
0xab: {  	p2 =	seq.s32 s26, $0x0;
	_ =	sdelay $0x3  }
0xac: {  	(v2sf) =	vpush v1, $0x0;
	_ =	sdelay $0xe  }
0xad: {  	s29 =	spop (v2sf)  }
0xae: {  	p1 =	seq.s32 s0, s29  }
0xaf: {  	p3 =	sgt.s32 @!p1 s0, $0x0;
	s2 =	sshll.u32 @!p1 s30, $0x9;
	s30 =	sadd.s32 @!p1 $0x1, s30  }
.Ltmp9:
0xb0: {  	p3 =	por !p3, p1;
	s2 =	sshra.s32 @!p1 s2, $0x2;
	(pc) =	sbr.rel @!p2 .LBB2_10-.Ltmp9, $4  }
0xb1: {  	s30 =	smov.u32 @p1 s8;
	s0 =	simm.s32 @p3 $0x0;
	s31 =	sadd.s32 @!p1 $0x7988, s2  }
0xb2: {  	s0 =	smin.u32 @!p1 s0, $0x270F0  }
0xb3: {  	s2 =	sand.u32 @!p1 $0x3FFF8, s0;
	s0 =	sand.u32 @!p1 $0x7, s0  }
0xb4: {  	s28 =	sadd.s32 $0x1, s28;
	s2 =	sadd.s32 @!p1 s1, s2  }
.LBB2_11:
0xb5: {  	[tilespmem:s31], [sflag:$0x2] =	stream.linear.gather @!p1 [hbm4b:s2+s0], $0x80, $0x38;
	[tilespmem:$0x1F6E8] =	vst v63  }
.Ltmp10:
0xb6: {  	s30 =	sshll.u32 s30, $0x7;
	(pc) =	sbr.rel .LBB2_12-.Ltmp10, $4  }
0xb7: {  	s31 =	simm.s32 $0x2;
	s0 =	sand.u32 $0x3FFFFF80, s30  }
0xb8: {  	_ =	swait.ge [sflag:s31], s0  }
0xb9: {  	s0 =	ssub.s32 $0x0, s0;
	[sflag:s31] =	ssyncset.done $0x0  }
0xba: {  	s28 =	simm.s32 $0x0;
	[sflag:s31] =	ssyncadd.s32 s0  }
.LBB2_13:
0xbb: {  	s0 =	sshra.s32 s0, $0x2;
	v1 =	vld [tilespmem:s22+$0xFFFFFFC0]  }
0xbc: {  	v2 =	vld [tilespmem:s0+$0x108];
	_ =	sdelay $0x4  }
0xbd: {  	v1 =	vmax.f32 v1, v2  }
0xbe: {  	v2 =	vld [tilespmem:s0+$0x118];
	[tilespmem:s0+$0x108] =	vst v1  }
0xbf: {  	v1 =	vld [tilespmem:s22+$0xFFFFFFD0];
	_ =	sdelay $0x4  }
0xc0: {  	v1 =	vmax.f32 v1, v2  }
0xc1: {  	v2 =	vld [tilespmem:s0+$0x128];
	[tilespmem:s0+$0x118] =	vst v1  }
0xc2: {  	v1 =	vld [tilespmem:s22+$0xFFFFFFE0];
	_ =	sdelay $0x4  }
0xc3: {  	v1 =	vmax.f32 v1, v2  }
0xc4: {  	v2 =	vld [tilespmem:s0+$0x138];
	[tilespmem:s0+$0x128] =	vst v1  }
0xc5: {  	v1 =	vld [tilespmem:s22+$0xFFFFFFF0];
	_ =	sdelay $0x4  }
0xc6: {  	v1 =	vmax.f32 v1, v2  }
0xc7: {  	v2 =	vld [tilespmem:s0+$0x148];
	[tilespmem:s0+$0x138] =	vst v1  }
0xc8: {  	v1 =	vld [tilespmem:s22+$0x0];
	_ =	sdelay $0x4  }
0xc9: {  	v1 =	vmax.f32 v1, v2  }
0xca: {  	v2 =	vld [tilespmem:s0+$0x158];
	[tilespmem:s0+$0x148] =	vst v1  }
0xcb: {  	v1 =	vld [tilespmem:s22+$0x10];
	_ =	sdelay $0x4  }
0xcc: {  	v1 =	vmax.f32 v1, v2  }
0xcd: {  	v2 =	vld [tilespmem:s0+$0x168];
	[tilespmem:s0+$0x158] =	vst v1  }
0xce: {  	v1 =	vld [tilespmem:s22+$0x20];
	_ =	sdelay $0x4  }
0xcf: {  	v1 =	vmax.f32 v1, v2  }
0xd0: {  	v2 =	vld [tilespmem:s0+$0x178];
	[tilespmem:s0+$0x168] =	vst v1  }
0xd1: {  	v1 =	vld [tilespmem:s22+$0x30];
	_ =	sdelay $0x4  }
0xd2: {  	v1 =	vmax.f32 v1, v2  }
0xd3: {  	[tilespmem:s0+$0x178] =	vst v1  }
.LBB2_17:
0xd4: {  	s23 =	sadd.s32 $0x1, s23  }
0xd5: {  	p1 =	seq.s32 s23, $0x0  }
.Ltmp11:
0xd6: {  	_ = 	snop;
	(pc) =	sbr.rel @p1 .LBB2_18-.Ltmp11, $2  }
0xd7: {  	_ =	sdelay $0x2  }
0xd8: {  	s20 =	sadd.s32 $0x1, s20;
	s22 =	sadd.s32 $0x80, s22;
	s25 =	smov.u32 s26  }
.LBB2_12:
0xd9: {  	v1 =	vld.msk [tilespmem:s20+$0x0], $0x1;
	_ =	sdelay $0x4  }
0xda: {  	(v2sf) =	vpush v1, $0x0;
	_ =	sdelay $0xe  }
0xdb: {  	s26 =	spop (v2sf)  }
0xdc: {  	p1 =	sne.s32 s25, s26  }
.Ltmp12:
0xdd: {  	_ = 	snop;
	(pc) =	sbr.rel @!p1 .LBB2_13-.Ltmp12, $2  }
0xde: {  	_ =	sdelay $0x2  }
0xdf: {  	s0 =	sshll.u32 s19, $0x9  }
0xe0: {  	p1 =	seq.s32 s25, s21  }
.Ltmp13:
0xe1: {  	_ = 	snop;
	(pc) =	sbr.rel @!p1 .LBB2_15-.Ltmp13, $1  }
0xe2: {  	_ =	sdelay $0x3  }
0xe3: {  	s0 =	sshra.s32 s0, $0x2  }
.Ltmp14:
0xe4: {  	s0 =	sadd.s32 $0x108, s0;
	(pc) =	sbr.rel .LBB2_16-.Ltmp14, $4  }
0xe5: {  	[spmem:s13] =	stream.linear.scatter [tilespmem:s0], [sflag:$0x1], $0x80, $0x38;
	[tilespmem:$0x1F6E8] =	vst v63  }
0xe6: {  	_ =	swait.ge [sflag:s11], $0x80  }
0xe7: {  	[sflag:s11] =	ssyncset.done $0x0  }
0xe8: {  	[sflag:s11] =	ssyncadd.s32 $0xFFFFFF80  }
.LBB2_15:
0xe9: {  	s2 =	sshll.u32 s24, $0x9;
	s0 =	sshra.s32 s0, $0x2  }
0xea: {  	s2 =	sshra.s32 s2, $0x2;
	v2 =	vld [tilespmem:s0+$0x108]  }
0xeb: {  	v1 =	vld [tilespmem:s2+$0x7988];
	_ =	sdelay $0x4  }
0xec: {  	v1 =	vmax.f32 v1, v2  }
0xed: {  	v2 =	vld [tilespmem:s0+$0x118];
	[tilespmem:s0+$0x108] =	vst v1  }
0xee: {  	v1 =	vld [tilespmem:s2+$0x7998];
	_ =	sdelay $0x4  }
0xef: {  	v1 =	vmax.f32 v1, v2  }
0xf0: {  	v2 =	vld [tilespmem:s0+$0x128];
	[tilespmem:s0+$0x118] =	vst v1  }
0xf1: {  	v1 =	vld [tilespmem:s2+$0x79A8];
	_ =	sdelay $0x4  }
0xf2: {  	v1 =	vmax.f32 v1, v2  }
0xf3: {  	v2 =	vld [tilespmem:s0+$0x138];
	[tilespmem:s0+$0x128] =	vst v1  }
0xf4: {  	v1 =	vld [tilespmem:s2+$0x79B8];
	_ =	sdelay $0x4  }
0xf5: {  	v1 =	vmax.f32 v1, v2  }
0xf6: {  	v2 =	vld [tilespmem:s0+$0x148];
	[tilespmem:s0+$0x138] =	vst v1  }
0xf7: {  	v1 =	vld [tilespmem:s2+$0x79C8];
	_ =	sdelay $0x4  }
0xf8: {  	v1 =	vmax.f32 v1, v2  }
0xf9: {  	v2 =	vld [tilespmem:s0+$0x158];
	[tilespmem:s0+$0x148] =	vst v1  }
0xfa: {  	v1 =	vld [tilespmem:s2+$0x79D8];
	_ =	sdelay $0x4  }
0xfb: {  	v1 =	vmax.f32 v1, v2  }
0xfc: {  	v2 =	vld [tilespmem:s0+$0x168];
	[tilespmem:s0+$0x158] =	vst v1  }
0xfd: {  	v1 =	vld [tilespmem:s2+$0x79E8];
	_ =	sdelay $0x4  }
0xfe: {  	v1 =	vmax.f32 v1, v2  }
0xff: {  	v2 =	vld [tilespmem:s0+$0x178];
	[tilespmem:s0+$0x168] =	vst v1  }
0x100: {  	v1 =	vld [tilespmem:s2+$0x79F8];
	_ =	sdelay $0x3  }
0x101: {  	p1 =	sgt.u32 s25, $0x270F0  }
0x102: {  	s2 =	sand.u32 @!p1 $0x3FFF8, s25;
	v1 =	vmax.f32 v1, v2  }
0x103: {  	s8 =	sadd.s32 $0x108, s0;
	[tilespmem:s0+$0x178] =	vst v1;
	s0 =	sadd.s32 @!p1 s1, s2;
	s2 =	sand.u32 @!p1 $0x7, s25  }
0x104: {  	[hbm4b:s0+s2] =	stream.linear.scatter @!p1 [tilespmem:s8], [sflag:$0xA], $0x80, $0x38;
	[tilespmem:$0x1F6E8] =	vst v63  }
0x105: {  	s0 =	simm.s32 $0x0  }
0x106: {  	s0 =	simm.s32 @!p1 $0x200  }
0x107: {  	s28 =	sadd.s32 s0, s28  }
.LBB2_16:
0x108: {  	s0 =	sadd.s32 $0x1, s19  }
0x109: {  	s2 =	smulhi.u32 $0x88888889, s0;
	_ =	sdelay $0x1  }
0x10a: {  	v1 =	vld [tilespmem:s22+$0xFFFFFFC0];
	s2 =	sshrl.u32 s2, $0x7  }
0x10b: {  	s2 =	smul.u32 $0xF0, s2;
	_ =	sdelay $0x1  }
0x10c: {  	s19 =	ssub.s32 s0, s2  }
0x10d: {  	s0 =	sshll.u32 s19, $0x7  }
0x10e: {  	[tilespmem:s0+$0x108] =	vst v1  }
0x10f: {  	v1 =	vld [tilespmem:s22+$0xFFFFFFD0];
	_ =	sdelay $0x4  }
0x110: {  	[tilespmem:s0+$0x118] =	vst v1  }
0x111: {  	v1 =	vld [tilespmem:s22+$0xFFFFFFE0];
	_ =	sdelay $0x4  }
0x112: {  	[tilespmem:s0+$0x128] =	vst v1  }
0x113: {  	v1 =	vld [tilespmem:s22+$0xFFFFFFF0];
	_ =	sdelay $0x4  }
0x114: {  	[tilespmem:s0+$0x138] =	vst v1  }
0x115: {  	v1 =	vld [tilespmem:s22+$0x0];
	_ =	sdelay $0x4  }
0x116: {  	[tilespmem:s0+$0x148] =	vst v1  }
0x117: {  	v1 =	vld [tilespmem:s22+$0x10];
	_ =	sdelay $0x4  }
0x118: {  	[tilespmem:s0+$0x158] =	vst v1  }
0x119: {  	v1 =	vld [tilespmem:s22+$0x20];
	_ =	sdelay $0x4  }
0x11a: {  	[tilespmem:s0+$0x168] =	vst v1  }
0x11b: {  	v1 =	vld [tilespmem:s22+$0x30]  }
.Ltmp15:
0x11c: {  	_ = 	snop;
	(pc) =	sbr.rel .LBB2_17-.Ltmp15, $2  }
0x11d: {  	_ =	sdelay $0x2  }
0x11e: {  	s24 =	sadd.s32 $0x1, s24;
	[tilespmem:s0+$0x178] =	vst v1  }
.LBB2_19:
.Ltmp16:
0x11f: {  	(pc) =	sbr.rel .LBB2_20-.Ltmp16, $4  }
0x120: {  	_ = 	snop  }
0x121: {  	s0 =	simm.s32 $0x2  }
0x122: {  	_ =	swait.ge [sflag:s0], $0x0  }
0x123: {  	s26 =	smov.u32 s25;
	[sflag:s0] =	ssyncset.done $0x0;
	s0 =	simm.s32 $0x0  }
.LBB2_22:
0x124: {  	_ =	sfence.sel $0x180000  }
0x125: {  	s0 =	simm.s32 $0x7;
	[bflag:$0x0] =	sbarrier.arrive $0xFFFF  }
0x126: {  	s25 =	simm.s32 $0x8;
	[sflag:s0] =	ssyncpa.u1 $0x1  }
0x127: {  	s26 =	simm.s32 $0x9;
	[sflag:s25] =	ssyncpa.u1 $0x1  }
0x128: {  	s28 =	simm.s32 $0x2;
	[sflag:s26] =	ssyncpa.u1 $0x1  }
0x129: {  	[sflag:s28] =	ssyncpa.u1 $0x1  }
0x12a: {  	v0 =	vld [tilespmem:$0xF208];
	_ =	sdelay $0x4  }
0x12b: {  	(v2sf) =	vpush v0, $0x0  }
0x12c: {  	(v2sf) =	vpush v0, $0x1;
	_ =	sdelay $0x1  }
0x12d: {  	(v2sf) =	vpush v0, $0x2;
	_ =	sdelay $0xb  }
0x12e: {  	s0 =	spop (v2sf)  }
0x12f: {  	s2 =	spop (v2sf)  }
0x130: {  	s3 =	smov.u32 s0;
	p0 =	sne.s32 s0, s2  }
0x131: {  	s4 =	spop (v2sf);
	s3 =	simm.s32 @!p0 $0xFFFFFFFF  }
0x132: {  	v2 =	vimm.s32 $0x1;
	v3 =	vlaneseq.u32;
	p0 =	seq.s32 s4, $0xFFFFFFFF;
	v1 =	vmov s3  }
0x133: {  	s7 =	stileid.u32;
	v0 =	vperm.xlane v0, v2;
	p1 =	sne.s32 @!p0 s0, s2;
	v1 =	vperm.xlane v1, v3  }
0x134: {  	vm0 =	vcmask $0x3F04;
	s6 =	simm.s32 $0xF208;
	s0 =	simm.s32 @!p0 $0x1;
	p1 =	por !p1, p0  }
0x135: {  	s3 =	sshll.u32 s7, $0x1;
	s2 =	sshll.u32 @!p0 s4, $0x9;
	s0 =	simm.s32 @p1 $0x0;
	v0 =	vsel vm0, v1, v0  }
0x136: {  	s5 =	sor.u32 $0x1000, s3;
	s2 =	sshra.s32 @!p0 s2, $0x2;
	s0 =	sor.u32 @!p0 s0, s3;
	[tilespmem:$0xF208] =	vst v0  }
0x137: {  	[spmem:s5] =	stream.linear.scatter [tilespmem:s6], [sflag:$0x1], $0x2, $0x38;
	[tilespmem:$0x1F6E8] =	vst v63  }
0x138: {  	s2 =	sadd.s32 @!p0 $0x108, s2;
	s0 =	sshll.u32 @!p0 s0, $0x7  }
0x139: {  	[spmem:s0] =	stream.linear.scatter @!p0 [tilespmem:s2], [sflag:$0x1], $0x80, $0x38;
	[tilespmem:$0x1F6E8] =	vst v63  }
0x13a: {  	s0 =	simm.s32 @!p0 $0x82  }
0x13b: {  	s3 =	simm.s32 $0x1;
	s0 =	simm.s32 @p0 $0x2  }
0x13c: {  	_ =	swait.ge [sflag:s3], s0  }
0x13d: {  	s0 =	ssub.s32 $0x0, s0;
	[sflag:s3] =	ssyncset.done $0x0  }
0x13e: {  	[sflag:s3] =	ssyncadd.s32 s0  }
0x13f: {  	_ =	sfence.stream.spmem  }
0x140: {  	s29 =	simm.s32 $0x3;
	[bflag:$0x0] =	sbarrier.arrive $0xFFFF  }
0x141: {  	s30 =	simm.s32 $0x4;
	[sflag:s29] =	ssyncpa.u1 $0x1  }
0x142: {  	s31 =	simm.s32 $0x3C;
	[sflag:s30] =	ssyncpa.u1 $0x1  }
0x143: {  	p0 =	sne.s32 s7, $0x0;
	[sflag:s31] =	ssyncpa.u1 $0x1  }
0x144: {  	_ =	sfence @p0  }
0x145: {  	[sflag:s3] =	ssyncpa.u1 @p0 $0x1  }
0x146: {  	_ =	strace @p0 $0x90000053  }
0x147: {  	[bflag:$0x2] =	sbarrier.arrive @p0 $0xFFFF  }
0x148: {  	_ =	shalt @p0  }
.LBB2_23:
0x149: {  	_ =	sfence.stream.spmem;
	s0 =	simm.s32 $0x5  }
0x14a: {  	s2 =	simm.s32 $0x1000;
	s3 =	simm.s32 $0xF218;
	[sflag:s0] =	ssyncpa.u1 $0x0  }
0x14b: {  	[tilespmem:s3], [sflag:$0x5] =	stream.linear.gather [spmem:s2], $0x20, $0x38;
	[tilespmem:$0x1F6E8] =	vst v63  }
0x14c: {  	s30 =	simm.s32 $0xF238;
	s2 =	simm.s32 $0x0  }
0x14d: {  	[tilespmem:s30], [sflag:$0x5] =	stream.linear.gather [spmem:s2], $0x1000, $0x38;
	[tilespmem:$0x1F6E8] =	vst v63  }
.Ltmp17:
0x14e: {  	_ = 	snop;
	(pc) =	sbr.rel .LBB2_24-.Ltmp17, $4  }
0x14f: {  	_ =	swait.ge [sflag:s0], $0x1020  }
0x150: {  	[sflag:s0] =	ssyncset.done $0x0  }
0x151: {  	s31 =	simm.s32 $0x6;
	[sflag:s0] =	ssyncadd.s32 $0xFFFFEFE0  }
0x152: {  	s3 =	simm.s32 $0x0;
	[sflag:s31] =	ssyncpa.u1 $0x0  }
.LBB2_30:
0x153: {  	p0 =	slt.u32 s4, $0x270F1  }
0x154: {  	s0 =	sand.u32 @p0 $0x3FFF8, s4  }
0x155: {  	s4 =	sand.u32 @p0 $0x7, s4;
	s5 =	simm.s32 @p0 $0xF188;
	s0 =	sadd.s32 @p0 s1, s0  }
0x156: {  	[tilespmem:s5], [sflag:$0x6] =	stream.linear.gather @p0 [hbm4b:s0+s4], $0x80, $0x38;
	[tilespmem:$0x1F6E8] =	vst v63  }
0x157: {  	s0 =	simm.s32 @p0 $0x6  }
0x158: {  	_ =	swait.ge @p0 [sflag:s0], $0x80  }
0x159: {  	[sflag:s0] =	ssyncset.done @p0 $0x0  }
0x15a: {  	[sflag:s0] =	ssyncadd.s32 @p0 $0xFFFFFF80;
	s0 =	sshll.u32 @p0 s3, $0x9  }
0x15b: {  	s4 =	sshrl.u32 @p0 s0, $0x2;
	v1 =	vld @p0 [tilespmem:$0xF188]  }
0x15c: {  	v2 =	vld @p0 [tilespmem:s4+$0xF238];
	_ =	sdelay $0x4  }
0x15d: {  	v1 =	vmax.f32 @p0 v1, v2  }
0x15e: {  	v2 =	vld @p0 [tilespmem:s4+$0xF248];
	[tilespmem:s4+$0xF238] =	vst @p0 v1  }
0x15f: {  	v1 =	vld @p0 [tilespmem:$0xF198];
	_ =	sdelay $0x4  }
0x160: {  	v1 =	vmax.f32 @p0 v1, v2  }
0x161: {  	v2 =	vld @p0 [tilespmem:s4+$0xF258];
	[tilespmem:s4+$0xF248] =	vst @p0 v1  }
0x162: {  	v1 =	vld @p0 [tilespmem:$0xF1A8];
	_ =	sdelay $0x4  }
0x163: {  	v1 =	vmax.f32 @p0 v1, v2  }
0x164: {  	v2 =	vld @p0 [tilespmem:s4+$0xF268];
	[tilespmem:s4+$0xF258] =	vst @p0 v1  }
0x165: {  	v1 =	vld @p0 [tilespmem:$0xF1B8];
	_ =	sdelay $0x4  }
0x166: {  	v1 =	vmax.f32 @p0 v1, v2  }
0x167: {  	v2 =	vld @p0 [tilespmem:s4+$0xF278];
	[tilespmem:s4+$0xF268] =	vst @p0 v1  }
0x168: {  	v1 =	vld @p0 [tilespmem:$0xF1C8];
	_ =	sdelay $0x4  }
0x169: {  	v1 =	vmax.f32 @p0 v1, v2  }
0x16a: {  	v2 =	vld @p0 [tilespmem:s4+$0xF288];
	[tilespmem:s4+$0xF278] =	vst @p0 v1  }
0x16b: {  	v1 =	vld @p0 [tilespmem:$0xF1D8];
	_ =	sdelay $0x4  }
0x16c: {  	v1 =	vmax.f32 @p0 v1, v2  }
0x16d: {  	v2 =	vld @p0 [tilespmem:s4+$0xF298];
	[tilespmem:s4+$0xF288] =	vst @p0 v1  }
0x16e: {  	v1 =	vld @p0 [tilespmem:$0xF1E8];
	_ =	sdelay $0x4  }
0x16f: {  	v1 =	vmax.f32 @p0 v1, v2  }
0x170: {  	v2 =	vld @p0 [tilespmem:s4+$0xF2A8];
	[tilespmem:s4+$0xF298] =	vst @p0 v1  }
0x171: {  	v1 =	vld @p0 [tilespmem:$0xF1F8];
	_ =	sdelay $0x4  }
0x172: {  	s5 =	sshll.u32 @!p0 s3, $0x9;
	v1 =	vmax.f32 @p0 v1, v2  }
0x173: {  	s5 =	smov.u32 @p0 s0;
	[tilespmem:s4+$0xF2A8] =	vst @p0 v1  }
0x174: {  	s0 =	sshrl.u32 s5, $0x2;
	[tilespmem:s2+$0xF218] =	vst.msk $0x1, v0  }
0x175: {  	v0 =	vld [tilespmem:s0+$0xF238];
	_ =	sdelay $0x2  }
0x176: {  	s31 =	sshll.u32 s2, $0x9  }
0x177: {  	s4 =	sshra.s32 s31, $0x2  }
0x178: {  	[tilespmem:s4+$0xF238] =	vst v0  }
0x179: {  	v0 =	vld [tilespmem:s0+$0xF248];
	_ =	sdelay $0x4  }
0x17a: {  	[tilespmem:s4+$0xF248] =	vst v0  }
0x17b: {  	v0 =	vld [tilespmem:s0+$0xF258];
	_ =	sdelay $0x4  }
0x17c: {  	[tilespmem:s4+$0xF258] =	vst v0  }
0x17d: {  	v0 =	vld [tilespmem:s0+$0xF268];
	_ =	sdelay $0x4  }
0x17e: {  	[tilespmem:s4+$0xF268] =	vst v0  }
0x17f: {  	v0 =	vld [tilespmem:s0+$0xF278];
	_ =	sdelay $0x4  }
0x180: {  	[tilespmem:s4+$0xF278] =	vst v0  }
0x181: {  	v0 =	vld [tilespmem:s0+$0xF288];
	_ =	sdelay $0x4  }
0x182: {  	[tilespmem:s4+$0xF288] =	vst v0  }
0x183: {  	v0 =	vld [tilespmem:s0+$0xF298];
	_ =	sdelay $0x4  }
0x184: {  	[tilespmem:s4+$0xF298] =	vst v0  }
0x185: {  	v0 =	vld [tilespmem:s0+$0xF2A8];
	_ =	sdelay $0x4  }
0x186: {  	s2 =	sadd.s32 $0x1, s2;
	[tilespmem:s4+$0xF2A8] =	vst v0  }
.LBB2_31:
0x187: {  	s3 =	sadd.s32 $0x1, s3  }
0x188: {  	p0 =	sne.s32 s3, $0x20  }
.Ltmp18:
0x189: {  	_ = 	snop;
	(pc) =	sbr.rel @!p0 .LBB2_32-.Ltmp18, $1  }
0x18a: {  	_ =	sdelay $0x3  }
.LBB2_24:
0x18b: {  	v0 =	vld.msk [tilespmem:s3+$0xF218], $0x1;
	_ =	sdelay $0x4  }
0x18c: {  	(v2sf) =	vpush v0, $0x0;
	_ =	sdelay $0xe  }
0x18d: {  	s4 =	spop (v2sf)  }
0x18e: {  	p0 =	seq.s32 s4, $0xFFFFFFFF  }
.Ltmp19:
0x18f: {  	_ = 	snop;
	(pc) =	sbr.rel @p0 .LBB2_31-.Ltmp19, $1  }
0x190: {  	_ =	sdelay $0x3  }
0x191: {  	p0 =	slt.s32 s2, $0x1  }
.Ltmp20:
0x192: {  	_ = 	snop;
	(pc) =	sbr.rel @p0 .LBB2_30-.Ltmp20, $1  }
0x193: {  	_ =	sdelay $0x3  }
0x194: {  	s5 =	simm.s32 $0xF218;
	p0 =	por $0x0, $0x0  }
0x195: {  	v1 =	vld.msk @!p0 [tilespmem:s5+$0x0], $0x1;
	_ =	sdelay $0x4  }
0x196: {  	(v2sf) =	vpush @!p0 v1, $0x0;
	_ =	sdelay $0xd  }
0x197: {  	p2 =	sne.s32 s2, $0x1  }
.Ltmp21:
0x198: {  	s0 =	spop @!p0 (v2sf);
	(pc) =	sbr.rel @!p2 .LBB2_28-.Ltmp21, $4  }
0x199: {  	p1 =	seq.s32 @!p0 s4, s0  }
0x19a: {  	s6 =	simm.s32 $0x0;
	p1 =	por !p1, p0  }
0x19b: {  	s0 =	simm.s32 $0xFFFFFFFF;
	s6 =	simm.s32 @p1 $0xFFFFFFFF  }
0x19c: {  	s7 =	simm.s32 $0x1;
	s6 =	smov.u32 @p0 s0  }
.LBB2_27:
0x19d: {  	s0 =	smov.u32 s6;
	p0 =	sne.s32 s6, $0xFFFFFFFF  }
0x19e: {  	s5 =	sadd.s32 $0x1, s5;
	s6 =	smov.u32 s7;
	s7 =	sadd.s32 $0x1, s7  }
0x19f: {  	p1 =	sne.s32 s2, s7;
	v1 =	vld.msk @!p0 [tilespmem:s5+$0x0], $0x1;
	_ =	sdelay $0x4  }
0x1a0: {  	(v2sf) =	vpush @!p0 v1, $0x0;
	_ =	sdelay $0xe  }
.Ltmp22:
0x1a1: {  	s8 =	spop @!p0 (v2sf);
	(pc) =	sbr.rel @p1 .LBB2_27-.Ltmp22, $4  }
0x1a2: {  	p2 =	seq.s32 @!p0 s4, s8  }
0x1a3: {  	p2 =	por !p2, p0  }
0x1a4: {  	s6 =	simm.s32 @p2 $0xFFFFFFFF  }
0x1a5: {  	s6 =	smov.u32 @p0 s0  }
.LBB2_28:
0x1a6: {  	p0 =	seq.s32 s6, $0xFFFFFFFF  }
.Ltmp23:
0x1a7: {  	_ = 	snop;
	(pc) =	sbr.rel @p0 .LBB2_30-.Ltmp23, $1  }
0x1a8: {  	_ =	sdelay $0x3  }
0x1a9: {  	s0 =	sshll.u32 s3, $0x7  }
0x1aa: {  	s4 =	sshll.u32 s6, $0x9;
	s0 =	sand.u32 $0x3FFFFF80, s0  }
0x1ab: {  	s4 =	sshra.s32 s4, $0x2;
	v0 =	vld [tilespmem:s0+$0xF238]  }
0x1ac: {  	v1 =	vld [tilespmem:s4+$0xF238];
	_ =	sdelay $0x4  }
0x1ad: {  	v0 =	vmax.f32 v0, v1  }
0x1ae: {  	v57 =	vld [tilespmem:s4+$0xF248];
	[tilespmem:s4+$0xF238] =	vst v0  }
0x1af: {  	v0 =	vld [tilespmem:s0+$0xF248];
	_ =	sdelay $0x4  }
0x1b0: {  	v0 =	vmax.f32 v0, v57  }
0x1b1: {  	v58 =	vld [tilespmem:s4+$0xF258];
	[tilespmem:s4+$0xF248] =	vst v0  }
0x1b2: {  	v0 =	vld [tilespmem:s0+$0xF258];
	_ =	sdelay $0x4  }
0x1b3: {  	v0 =	vmax.f32 v0, v58  }
0x1b4: {  	v59 =	vld [tilespmem:s4+$0xF268];
	[tilespmem:s4+$0xF258] =	vst v0  }
0x1b5: {  	v0 =	vld [tilespmem:s0+$0xF268];
	_ =	sdelay $0x4  }
0x1b6: {  	v0 =	vmax.f32 v0, v59  }
0x1b7: {  	v60 =	vld [tilespmem:s4+$0xF278];
	[tilespmem:s4+$0xF268] =	vst v0  }
0x1b8: {  	v0 =	vld [tilespmem:s0+$0xF278];
	_ =	sdelay $0x4  }
0x1b9: {  	v0 =	vmax.f32 v0, v60  }
0x1ba: {  	v61 =	vld [tilespmem:s4+$0xF288];
	[tilespmem:s4+$0xF278] =	vst v0  }
0x1bb: {  	v0 =	vld [tilespmem:s0+$0xF288];
	_ =	sdelay $0x4  }
0x1bc: {  	v0 =	vmax.f32 v0, v61  }
0x1bd: {  	v62 =	vld [tilespmem:s4+$0xF298];
	[tilespmem:s4+$0xF288] =	vst v0  }
0x1be: {  	v0 =	vld [tilespmem:s0+$0xF298];
	_ =	sdelay $0x4  }
0x1bf: {  	v0 =	vmax.f32 v0, v62  }
0x1c0: {  	v63 =	vld [tilespmem:s4+$0xF2A8];
	[tilespmem:s4+$0xF298] =	vst v0  }
0x1c1: {  	v0 =	vld [tilespmem:s0+$0xF2A8];
	_ =	sdelay $0x1  }
.Ltmp24:
0x1c2: {  	_ = 	snop;
	(pc) =	sbr.rel .LBB2_31-.Ltmp24, $3  }
0x1c3: {  	_ =	sdelay $0x1  }
0x1c4: {  	v0 =	vmax.f32 v0, v63  }
0x1c5: {  	[tilespmem:s4+$0xF2A8] =	vst v0  }
.LBB2_32:
0x1c6: {  	p0 =	slt.s32 s2, $0x1  }
.Ltmp25:
0x1c7: {  	_ = 	snop;
	(pc) =	sbr.rel @p0 .LBB2_36-.Ltmp25, $3  }
0x1c8: {  	_ =	sdelay $0x1  }
0x1c9: {  	s0 =	simm.s32 $0x6  }
0x1ca: {  	s3 =	simm.s32 $0x0;
	[sflag:s0] =	ssyncpa.u1 $0x1  }
0x1cb: {  	s0 =	simm.s32 $0xF218  }
0x1cc: {  	v0 =	vld.msk [tilespmem:s0+$0x0], $0x1;
	_ =	sdelay $0x4  }
0x1cd: {  	(v2sf) =	vpush v0, $0x0;
	_ =	sdelay $0xd  }
0x1ce: {  	s2 =	sadd.s32 $0xFFFFFFFF, s2  }
0x1cf: {  	p1 =	sne.s32 s2, $0x0;
	s0 =	spop (v2sf)  }
.Ltmp26:
0x1d0: {  	p0 =	sgt.u32 s0, $0x270F0;
	(pc) =	sbr.rel @!p1 .LBB2_35-.Ltmp26, $4  }
0x1d1: {  	s4 =	simm.s32 $0xF238;
	s5 =	sand.u32 @!p0 $0x3FFF8, s0  }
0x1d2: {  	s6 =	simm.s32 $0x0;
	s0 =	sand.u32 @!p0 $0x7, s0;
	s5 =	sadd.s32 @!p0 s1, s5  }
0x1d3: {  	[hbm4b:s5+s0] =	stream.linear.scatter @!p0 [tilespmem:s4], [sflag:$0x5], $0x80, $0x38;
	[tilespmem:$0x1F6E8] =	vst v63  }
0x1d4: {  	s6 =	simm.s32 @!p0 $0x200;
	s5 =	simm.s32 $0xF219  }
.LBB2_34:
0x1d5: {  	v0 =	vld.msk [tilespmem:s5+$0x0], $0x1;
	s2 =	sadd.s32 $0xFFFFFFFF, s2;
	s3 =	sadd.s32 s3, s6  }
0x1d6: {  	p0 =	sne.s32 s2, $0x0;
	_ =	sdelay $0x3  }
0x1d7: {  	(v2sf) =	vpush v0, $0x0;
	_ =	sdelay $0xe  }
.Ltmp27:
0x1d8: {  	s0 =	spop (v2sf);
	(pc) =	sbr.rel @p0 .LBB2_34-.Ltmp27, $4  }
0x1d9: {  	s6 =	simm.s32 $0x0;
	p1 =	sgt.u32 s0, $0x270F0  }
0x1da: {  	s4 =	sadd.s32 $0x80, s4;
	s6 =	simm.s32 @!p1 $0x200;
	s7 =	sand.u32 @!p1 $0x3FFF8, s0  }
0x1db: {  	s5 =	sadd.s32 $0x1, s5;
	s0 =	sand.u32 @!p1 $0x7, s0;
	s7 =	sadd.s32 @!p1 s1, s7  }
0x1dc: {  	[hbm4b:s7+s0] =	stream.linear.scatter @!p1 [tilespmem:s4], [sflag:$0x5], $0x80, $0x38;
	[tilespmem:$0x1F6E8] =	vst v63  }
.LBB2_35:
0x1dd: {  	s0 =	sadd.s32 s3, s6  }
0x1de: {  	s3 =	sshrl.u32 s0, $0x2  }
.LBB2_36:
0x1df: {  	s0 =	simm.s32 $0x5  }
0x1e0: {  	_ =	swait.ge [sflag:s0], s3  }
0x1e1: {  	s1 =	ssub.s32 $0x0, s3;
	[sflag:s0] =	ssyncset.done $0x0  }
0x1e2: {  	[sflag:s0] =	ssyncadd.s32 s1  }
0x1e3: {  	[sflag:s0] =	ssyncpa.u1 $0x1  }
0x1e4: {  	s30 =	simm.s32 $0x1;
	_ =	sfence  }
0x1e5: {  	[sflag:s30] =	ssyncpa.u1 $0x1  }
0x1e6: {  	_ =	strace $0x90000053  }
0x1e7: {  	[bflag:$0x2] =	sbarrier.arrive $0xFFFF  }
0x1e8: {  	s31 =	rddreg [dreg:$0x1]  }
0x1e9: {  	s0 =	sadd.s32 $0x100000, s31  }
0x1ea: {  	[sflag:s0] =	ssyncadd.tile.s32 $0x1;
	_ =	shalt  }
.Lfunc_end2:
_tile_overlayer_lowered:
.L_overlay_start_2:
0x1eb: {  	(tag) =	ssettag $0x2  }
0x1ec: {  	s0 =	rddreg [dreg:$0x0];
	s2 =	stileid.u32  }
0x1ed: {  	s1 =	rddreg [dreg:$0x1];
	p0 =	sne.s32 s2, $0x0  }
0x1ee: {  	s3 =	rddreg [dreg:$0x2];
	[bflag:$0x3] =	sbarrier.arrive $0xFFFF;
	s2 =	simm.s32 @!p0 $0x1C01  }
0x1ef: {  	[timem:s3], [sflag:s2] =	dma.local @!p0 [hbm:s0], s1  }
0x1f0: {  	s0 =	simm.s32 @!p0 $0x1  }
0x1f1: {  	_ =	swait.ge @!p0 [sflag:s0], s1  }
0x1f2: {  	s1 =	ssub.s32 @!p0 $0x0, s1;
	[sflag:s0] =	ssyncset.done @!p0 $0x0  }
0x1f3: {  	[sflag:s0] =	ssyncadd.s32 @!p0 s1  }
0x1f4: {  	[bflag:$0x3] =	sbarrier.arrive $0xFFFF  }
0x1f5: {  	_ =	shalt  }

// kernel: scatter_offload_async_start.3
scs
__scs_entry_jumppad:
0x0: {  	(pc) =	sbr.rel $0x88, $3  }
0x1: {  	(tag) =	ssettag $0x0;
	lr =	simm.s32 $0x1  }
0x2: {  	[smem:$0x3F93] =	sst lr;
	_ =	strace $0xD0000000  }
0x3: {  	_ = 	snop  }
0x4: {  	_ = 	snop  }
0x5: {  	_ = 	snop  }
0x6: {  	_ = 	snop  }
0x7: {  	_ = 	snop  }
__scs_overlays_trampoline_lowered:
0x8: {  	[smem:$0x3FA2] =	sst s0  }
0x9: {  	[smem:$0x3FA3] =	sst s1  }
0xa: {  	[smem:$0x3FA4] =	sst s2  }
0xb: {  	[smem:$0x3FA5] =	sst s3  }
0xc: {  	[smem:$0x3FA6] =	sst s4  }
0xd: {  	[smem:$0x3FA7] =	sst s5  }
0xe: {  	[smem:$0x3FA8] =	sst s6  }
0xf: {  	[smem:$0x3FA9] =	sst s7  }
0x10: {  	[smem:$0x3FAA] =	sst s8  }
0x11: {  	[smem:$0x3FAB] =	sst s9;
	s0 =	simm.s32 @!p0 $0x0  }
0x12: {  	s1 =	sld [smem:$0x3F91];
	s0 =	simm.s32 @p0 $0x1  }
0x13: {  	[smem:$0x3FAC] =	sst s0;
	s0 =	simm.s32 @!p1 $0x0  }
0x14: {  	s2 =	sld [smem:$0x3F90];
	s0 =	simm.s32 @p1 $0x1  }
0x15: {  	[smem:$0x3FAD] =	sst s0;
	s0 =	simm.s32 @!p2 $0x0  }
0x16: {  	s3 =	sld [smem:$0x3FDB];
	s0 =	simm.s32 @p2 $0x1  }
0x17: {  	s4 =	simm.s32 $0x1BF5;
	[smem:$0x3FAF] =	sst s0  }
0x18: {  	s0 =	sld [smem:$0x3F92];
	_ =	swait.ge [sflag:s4], $0x0  }
0x19: {  	s7 =	sld [smem:$0x3F93]  }
0x1a: {  	s8 =	sadd.s32 $0xFFFFE003, lr  }
0x1b: {  	s9 =	sadd.s32 $0xFFFFFEF7, lr;
	s5 =	simm.s32 $0xFFFFFFFF;
	p2 =	slt.u32 s8, $0xFFFFF086  }
0x1c: {  	p1 =	slt.u32 s9, $0xF7A;
	s5 =	simm.s32 @!p2 $0x0  }
0x1d: {  	s5 =	simm.s32 @p1 $0x1;
	p0 =	seq.s32 s7, s2  }
0x1e: {  	s7 =	smul.u32 @!p0 $0xF7A, s2;
	p2 =	seq.s32 @!p0 s5, $0x0  }
0x1f: {  	s9 =	smul.u32 $0xF7A, s1;
	s8 =	simm.s32 @!p0 $0x1BF5;
	p2 =	por !p2, p0  }
0x20: {  	[sflag:s8] =	ssyncset.s32 @!p0 $0xFFFFF086;
	s6 =	sadd.s32 @!p0 s3, s7;
	s7 =	simm.s32 @!p0 $0x108  }
0x21: {  	s3 =	sadd.s32 s3, s9;
	s6 =	sadd.s32 @!p0 $0x88, s6;
	s7 =	simm.s32 @p2 $0x1082  }
0x22: {  	[simem:s7], [sflag:s8] =	dma.local @!p0 [hbm:s6], $0xF7A  }
0x23: {  	s9 =	sor.u32 $0xD0000000, s2;
	s6 =	simm.s32 $0x108;
	_ =	swait.ge @!p0 [sflag:s8], $0x0  }
0x24: {  	s3 =	sadd.s32 $0x88, s3;
	s6 =	simm.s32 @!p1 $0x1082;
	[sflag:s4] =	ssyncset.s32 $0xFFFFF086  }
0x25: {  	[simem:s6], [sflag:s4] =	dma.local [hbm:s3], $0xF7A  }
0x26: {  	[smem:$0x3F93] =	sst s1;
	(tag) =	ssettag s2;
	_ =	strace s9  }
0x27: {  	s1 =	sld [smem:$0x3FA3]  }
0x28: {  	s2 =	sld [smem:$0x3FA4]  }
0x29: {  	s4 =	sld [smem:$0x3FA6]  }
0x2a: {  	p0 =	seq.s32 s5, $0x0;
	s5 =	sld [smem:$0x3FA7]  }
0x2b: {  	s6 =	sld [smem:$0x3FA8]  }
0x2c: {  	s7 =	sld [smem:$0x3FA9]  }
0x2d: {  	s3 =	simm.s32 $0x108;
	s8 =	sld [smem:$0x3FAA]  }
0x2e: {  	s3 =	simm.s32 @!p0 $0x1082;
	s9 =	sld [smem:$0x3FAB]  }
0x2f: {  	lr =	sadd.s32 s0, s3;
	s0 =	sld [smem:$0x3FA2]  }
0x30: {  	s3 =	sld [smem:$0x3FA5]  }
0x31: {  	[smem:$0x3FAE] =	sst s10  }
0x32: {  	s10 =	sld [smem:$0x3FAC];
	_ =	sdelay $0x3  }
0x33: {  	p0 =	seq.s32 s10, $0x1;
	s10 =	sld [smem:$0x3FAE];
	_ =	sdelay $0x3  }
0x34: {  	[smem:$0x3FAE] =	sst s10  }
0x35: {  	s10 =	sld [smem:$0x3FAD];
	_ =	sdelay $0x3  }
0x36: {  	p1 =	seq.s32 s10, $0x1;
	s10 =	sld [smem:$0x3FAE];
	_ =	sdelay $0x3  }
0x37: {  	[smem:$0x3FAE] =	sst s10  }
0x38: {  	s10 =	sld [smem:$0x3FAF]  }
0x39: {  	_ = 	snop;
	(pc) =	sbr.ind lr, $3  }
0x3a: {  	_ = 	snop  }
0x3b: {  	_ = 	snop  }
0x3c: {  	p2 =	seq.s32 s10, $0x1;
	s10 =	sld [smem:$0x3FAE]  }
0x3d: {  	_ =	shalt  }
0x3e: {  	_ =	shalt  }
0x3f: {  	_ =	shalt  }
0x40: {  	_ =	shalt  }
0x41: {  	_ =	shalt  }
0x42: {  	_ =	shalt  }
0x43: {  	_ =	shalt  }
0x44: {  	_ =	shalt  }
0x45: {  	_ =	shalt  }
0x46: {  	_ =	shalt  }
0x47: {  	_ =	shalt  }
0x48: {  	_ =	shalt  }
0x49: {  	_ =	shalt  }
0x4a: {  	_ =	shalt  }
0x4b: {  	_ =	shalt  }
0x4c: {  	_ =	shalt  }
0x4d: {  	_ =	shalt  }
0x4e: {  	_ =	shalt  }
0x4f: {  	_ =	shalt  }
0x50: {  	_ =	shalt  }
0x51: {  	_ =	shalt  }
0x52: {  	_ =	shalt  }
0x53: {  	_ =	shalt  }
0x54: {  	_ =	shalt  }
0x55: {  	_ =	shalt  }
0x56: {  	_ =	shalt  }
0x57: {  	_ =	shalt  }
0x58: {  	_ =	shalt  }
0x59: {  	_ =	shalt  }
0x5a: {  	_ =	shalt  }
0x5b: {  	_ =	shalt  }
0x5c: {  	_ =	shalt  }
0x5d: {  	_ =	shalt  }
0x5e: {  	_ =	shalt  }
0x5f: {  	_ =	shalt  }
0x60: {  	_ =	shalt  }
0x61: {  	_ =	shalt  }
0x62: {  	_ =	shalt  }
0x63: {  	_ =	shalt  }
0x64: {  	_ =	shalt  }
0x65: {  	_ =	shalt  }
0x66: {  	_ =	shalt  }
0x67: {  	_ =	shalt  }
0x68: {  	_ =	shalt  }
0x69: {  	_ =	shalt  }
0x6a: {  	_ =	shalt  }
0x6b: {  	_ =	shalt  }
0x6c: {  	_ =	shalt  }
0x6d: {  	_ =	shalt  }
0x6e: {  	_ =	shalt  }
0x6f: {  	_ =	shalt  }
0x70: {  	_ =	shalt  }
0x71: {  	_ =	shalt  }
0x72: {  	_ =	shalt  }
0x73: {  	_ =	shalt  }
0x74: {  	_ =	shalt  }
0x75: {  	_ =	shalt  }
0x76: {  	_ =	shalt  }
0x77: {  	_ =	shalt  }
0x78: {  	_ =	shalt  }
0x79: {  	_ =	shalt  }
0x7a: {  	_ =	shalt  }
0x7b: {  	_ =	shalt  }
0x7c: {  	_ =	shalt  }
0x7d: {  	_ =	shalt  }
0x7e: {  	_ =	shalt  }
0x7f: {  	_ =	shalt  }
0x80: {  	_ =	shalt  }
0x81: {  	_ =	shalt  }
0x82: {  	_ =	shalt  }
0x83: {  	_ =	shalt  }
0x84: {  	_ =	shalt  }
0x85: {  	_ =	shalt  }
0x86: {  	_ =	shalt  }
0x87: {  	_ =	shalt  }
.Lfunc_end0:
.L_simem_size_0:
called_computation.3_lowered:
.L_overlay_start_0:
0x88: {  	s0 =	sld [smem:$0x3FD9]  }
0x89: {  	s1 =	sld [smem:$0x3FFE];
	_ =	sdelay $0x3  }
0x8a: {  	s0 =	sadd.s32 s1, s0  }
0x8b: {  	[smem:$0x3FBA] =	sst s0  }
0x8c: {  	_ = 	snop  }
0x8d: {  	s0 =	sld [smem:$0x3FD0];
	_ =	sdelay $0x2  }
0x8e: {  	s13 =	simm.s32 $0xB;
	s2 =	simm.s32 $0x10  }
0x8f: {  	[smem:s2], [sflag:s13] =	dma.local [hbm:s0], $0x1  }
0x90: {  	_ =	swait.eq [sflag:s13], $0x1  }
0x91: {  	[sflag:s13] =	ssyncset.done $0x0  }
0x92: {  	[sflag:s13] =	ssyncadd.s32 $0xFFFFFFFF  }
0x93: {  	s14 =	sld [smem:$0x11];
	(tm) =	ssettm $0x1  }
0x94: {  	s15 =	sld [smem:$0x3FFB];
	_ =	sdelay $0x3  }
0x95: {  	_ =	strace s15  }
0x96: {  	s1 =	sld [smem:$0x3FFC];
	_ =	sdelay $0x3  }
0x97: {  	_ =	strace s1  }
0x98: {  	s1 =	sld [smem:$0x3FFD];
	_ =	sdelay $0x3  }
0x99: {  	_ =	strace s1  }
0x9a: {  	_ =	strace $0x8FFFFFFF  }
0x9b: {  	s16 =	sld [smem:$0x3FDB];
	_ =	sdelay $0x1  }
0x9c: {  	s17 =	simm.s32 $_scs_section_size  }
0x9d: {  	s3 =	simm.s32 $_size__tile_overlayer_lowered;
	s4 =	simm.s32 $_tile_overlayer_lowered  }
0x9e: {  	s20 =	simm.s32 $0x1BFF;
	s19 =	sshll.u32 s4, $0x1;
	s1 =	sadd.s32 s17, s16  }
0x9f: {  	s5 =	simm.s32 $0x0;
	s18 =	sshll.u32 s3, $0x1;
	s3 =	sadd.s32 s19, s1  }
0xa0: {  	[timem:s5], [sflag:s20] =	dma.local [hbm:s3], s18  }
0xa1: {  	_ =	swait.ge [sflag:s20], s18  }
0xa2: {  	s2 =	ssub.s32 $0x0, s18;
	[sflag:s20] =	ssyncset.done $0x0  }
0xa3: {  	[sflag:s20] =	ssyncadd.s32 s2;
	_ =	sdelay $0x1  }
0xa4: {  	s21 =	simm.s32 $0x1B8B  }
0xa5: {  	_ =	swait.ge [sflag:s21], $0x1  }
0xa6: {  	[sflag:s21] =	ssyncset.done $0x0  }
0xa7: {  	s23 =	simm.s32 $0x1B8E;
	s22 =	sld [smem:$0x3FFE];
	[sflag:s21] =	ssyncadd.s32 $0xFFFFFFFF  }
0xa8: {  	s24 =	simm.s32 $execute0_lowered;
	[smem:$0x3FD2] =	sst s23  }
0xa9: {  	s3 =	sshll.u32 s24, $0x1;
	_ =	strace $0x80000055;
	[dreg:$0x1] =	wrdreg $0xFFFFFFFF  }
0xaa: {  	s25 =	simm.s32 $_size_execute0_lowered;
	s1 =	sadd.s32 s1, s3;
	[dreg:$0x0] =	wrdreg $0x0  }
0xab: {  	s3 =	sshll.u32 s25, $0x1;
	[dreg:$0x2] =	wrdreg s1  }
0xac: {  	[dreg:$0x3] =	wrdreg s3  }
0xad: {  	[dreg:$0x4] =	wrdreg $0xC0  }
0xae: {  	_ =	task [dreg:s5], $0x5FFFF  }
0xaf: {  	[dreg:$0x1] =	wrdreg $0xFFFFFFFF  }
0xb0: {  	[dreg:$0x0] =	wrdreg $0x60  }
0xb1: {  	[dreg:$0x2] =	wrdreg s14  }
0xb2: {  	[dreg:$0x3] =	wrdreg s22  }
0xb3: {  	[dreg:$0x4] =	wrdreg $0x9  }
0xb4: {  	_ =	task.clear_ibuf [dreg:s5], $0x5FFFF;
	_ =	strace $0x90000055  }
0xb5: {  	s26 =	simm.s32 $0x9;
	_ =	strace $0x80000057  }
0xb6: {  	_ =	swait.ge [sflag:s26], $0x1  }
0xb7: {  	[sflag:s26] =	ssyncadd.s32 $0xFFFFFFFF  }
0xb8: {  	_ =	strace $0x90000057  }
0xb9: {  	_ =	sfence  }
0xba: {  	s28 =	sld [smem:$0x0];
	_ =	sdelay $0x1  }
0xbb: {  	s29 =	srdreg.scid  }
0xbc: {  	s30 =	sshll.u32 s29, $0xD;
	s31 =	sshrl.u32 s29, $0x2  }
0xbd: {  	s2 =	sand.u32 $0x4000, s30;
	s1 =	sand.u32 $0x1, s29;
	s0 =	sadd.s32 s31, s28  }
0xbe: {  	s1 =	sor.u32 s2, s1;
	s0 =	sshll.u32 s0, $0x11  }
0xbf: {  	s0 =	sor.u32 s0, s1  }
0xc0: {  	s0 =	sadd.s32 $0x8F2B, s0  }
0xc1: {  	[sflag:s0] =	ssyncadd.remote.s32 $0x1  }
0xc2: {  	_ =	sfence.sel $0xFFFF  }
0xc3: {  	[dreg:$0x0] =	wrdreg $0xFFFFFFFF;
	(pc) =	sbr.abs _section_cstart, $3  }
0xc4: {  	[dreg:$0x1] =	wrdreg $0xFFFFFFFF  }
0xc5: {  	_ =	task.clear_ibuf [dreg:s5], $0x2FFFF;
	_ =	strace $0x9FFFFFFF  }
0xc6: {  	(tm) =	ssettm $0x7FFFFFFF  }
0xc7: {  	_ =	shalt  }
tec
execute0_lowered:
.L_overlay_start_1:
0x0: {  	(tag) =	ssettag $0x1  }
0x1: {  	s1 =	rddreg [dreg:$0x0]  }
0x2: {  	s0 =	rddreg [dreg:$0x1];
	_ =	strace $0x80000056;
	s2 =	simm.s32 $0x1  }
0x3: {  	s11 =	stileid.u32;
	v1 =	vimm.s32 $0xFFFFFFFF;
	[sflag:s2] =	ssyncpa.u1 $0x0  }
0x4: {  	s3 =	smin.u32 s11, $0x9;
	[tilespmem:$0x10] =	vst v1  }
0x5: {  	v0 =	vimm.f32 $-Inf;
	s3 =	sadd.s32 s11, s3;
	[tilespmem:$0x20] =	vst v1  }
0x6: {  	s4 =	simm.s32 $0x3520;
	p0 =	slt.u32 s11, $0x9;
	[tilespmem:$0x30] =	vst v0;
	s3 =	smul.u32 $0x1A90, s3  }
0x7: {  	s4 =	simm.s32 @!p0 $0x1A90;
	[tilespmem:$0x40] =	vst v0  }
0x8: {  	[tilespmem:$0x50] =	vst v0;
	s4 =	sadd.s32 s4, s3  }
0x9: {  	[tilespmem:$0x60] =	vst v1;
	s4 =	smin.u32 s4, $0x29810  }
0xa: {  	s7 =	simm.s32 $0x2;
	s8 =	simm.s32 $0x8;
	[tilespmem:$0x70] =	vst v1;
	s6 =	ssub.s32 s4, s3  }
0xb: {  	s29 =	simm.s32 $0x9;
	s16 =	simm.s32 $0x0;
	[tilespmem:$0x80] =	vst v1;
	p0 =	sgt.s32 s6, $0x0  }
0xc: {  	s17 =	simm.s32 $0xF0;
	s18 =	simm.s32 $0xFFFFFFFF;
	v1 =	vimm.s32 $0x0;
	[tilespmem:$0xB0] =	vst v0;
	s6 =	simm.s32 @!p0 $0x0  }
0xd: {  	s19 =	simm.s32 $0xFFFFCBE0;
	s20 =	simm.s32 $0xFFFFFFFE;
	[tilespmem:$0x90] =	vst v1;
	s5 =	smulhi.u32 $0x134679AD, s6  }
0xe: {  	s21 =	simm.s32 $0xF;
	[tilespmem:$0xA0] =	vst v1;
	[sflag:s7] =	ssyncpa.u1 $0x0;
	s7 =	simm.s32 $0x7  }
0xf: {  	s25 =	simm.s32 $0x0;
	[sflag:s7] =	ssyncpa.u1 $0x0;
	s9 =	sshrl.u32 s5, $0x9  }
0x10: {  	s24 =	simm.s32 $0x0;
	[sflag:s8] =	ssyncpa.u1 $0x0;
	s10 =	smul.u32 $0x1A90, s9  }
0x11: {  	s14 =	sshllo.u32 s11, $0x1;
	s23 =	smov.u32 s3;
	[sflag:s29] =	ssyncpa.u1 $0x0  }
.Ltmp0:
0x12: {  	s5 =	sadd.s32 $0x46A00, s0;
	p0 =	sne.s32 s6, s10;
	(pc) =	sbr.rel .LBB2_1-.Ltmp0, $4  }
0x13: {  	s0 =	sadd.s32 $0x4BE00, s0;
	s10 =	sshll.u32 s11, $0x1;
	s2 =	simm.s32 @!p0 $0x0  }
0x14: {  	[dreg:$0x3] =	wrdreg s0;
	s31 =	sor.u32 $0x81, s10;
	s9 =	sadd.s32 s2, s9  }
0x15: {  	vm0 =	vmmov $0xffff;
	v2 =	vlaneseq.u32;
	vm1 =	vmxor vm1, vm1;
	s15 =	sor.u32 $0x80, s10;
	[dreg:$0x5] =	wrdreg s31;
	s30 =	sadd.s32 $0x1, s9  }
0x16: {  	vm2 =	vmmov $0x1;
	v3 =	vimm.f32 $0.0e+00;
	vm3 =	vcmask $0x3F3C;
	p0 =	por $0x0, $0x0;
	s12 =	sadd.s32 $0x2, s9;
	[dreg:$0x4] =	wrdreg s30  }
.LBB2_9:
0x17: {  	p1 =	slt.u32 s24, $0x3  }
0x18: {  	s0 =	simm.s32 @!p1 $0x2  }
0x19: {  	_ =	swait.ge @!p1 [sflag:s0], $0x1A90  }
0x1a: {  	[sflag:s0] =	ssyncset.done @!p1 $0x0  }
0x1b: {  	[sflag:s0] =	ssyncadd.s32 @!p1 $0xFFFFE570;
	s0 =	simm.s32 @!p1 $0x9  }
0x1c: {  	_ =	swait.ge @!p1 [sflag:s0], $0x10  }
0x1d: {  	[sflag:s0] =	ssyncset.done @!p1 $0x0  }
0x1e: {  	[sflag:s0] =	ssyncadd.s32 @!p1 $0xFFFFFFF0;
	p1 =	sne.s32 s24, s12  }
.Ltmp1:
0x1f: {  	s2 =	sadd.s32 $0x1A90, s23;
	(pc) =	sbr.rel @!p1 .LBB2_10-.Ltmp1, $4  }
0x20: {  	s6 =	smov.u32 s3;
	s31 =	sadd.s32 $0x1, s24;
	s17 =	sadd.s32 $0x1A90, s17  }
0x21: {  	s18 =	sadd.s32 $0x1, s18;
	s25 =	smov.u32 s23;
	p2 =	slt.s32 s2, s4  }
0x22: {  	p0 =	por !p0, !p0;
	s19 =	sadd.s32 $0x1A90, s19;
	s6 =	smov.u32 @p2 s2  }
0x23: {  	s20 =	sadd.s32 $0x1, s20;
	s23 =	smov.u32 s6;
	s24 =	smov.u32 s31  }
.LBB2_1:
0x24: {  	p1 =	sge.u32 s24, s9  }
0x25: {  	s0 =	smulhi.u32 @!p1 $0xAAAAAAAB, s24;
	_ =	sdelay $0x1  }
0x26: {  	s0 =	sshrl.u32 @!p1 s0, $0x1  }
0x27: {  	s0 =	smul.u32 @!p1 $0x3, s0;
	_ =	sdelay $0x1  }
0x28: {  	s0 =	ssub.s32 @!p1 s24, s0  }
0x29: {  	s0 =	smul.u32 @!p1 $0x6A40, s0;
	_ =	sdelay $0x1  }
0x2a: {  	s2 =	sshrl.u32 @!p1 s23, $0x3;
	s0 =	sshrl.u32 @!p1 s0, $0x2  }
0x2b: {  	s6 =	sand.u32 @!p1 $0x7, s23;
	s2 =	sadd.s32 @!p1 s5, s2;
	s0 =	sadd.s32 @!p1 $0x100, s0  }
0x2c: {  	[tilespmem:s0], [sflag:$0x7] =	stream.linear.gather @!p1 [hbm4b:s2+s6], $0x1A90, $0x38;
	[tilespmem:$0xF030] =	vst v63  }
0x2d: {  	s0 =	sadd.s32 $0xFFFFFFFF, s24  }
0x2e: {  	p1 =	sge.u32 s0, s9  }
.Ltmp2:
0x2f: {  	_ = 	snop;
	(pc) =	sbr.rel @p1 .LBB2_5-.Ltmp2, $1  }
0x30: {  	_ =	sdelay $0x3  }
0x31: {  	s2 =	smulhi.u32 $0xAAAAAAAB, s0;
	_ =	sdelay $0x1  }
0x32: {  	s2 =	sshrl.u32 s2, $0x1  }
0x33: {  	s2 =	smul.u32 $0x3, s2;
	_ =	sdelay $0x1  }
0x34: {  	s2 =	ssub.s32 s0, s2  }
0x35: {  	s2 =	smul.u32 $0x6A40, s2  }
0x36: {  	_ =	swait.ge [sflag:s7], $0x1A90  }
0x37: {  	[sflag:s7] =	ssyncset.done $0x0;
	s2 =	sshrl.u32 s2, $0x2  }
0x38: {  	[sflag:s7] =	ssyncadd.s32 $0xFFFFE570;
	(ifvalue) =	ssetifvalue $0xFFFFFFFF;
	v4 =	vld.msk [tilespmem:s2+$0x100 ss:$0x1], $0xffff;
	_ =	sdelay $0x2  }
0x39: {  	s29 =	smulhi.u32 $0xAAAAAAAB, s18;
	p1 =	sne.s32 s24, $0x1  }
0x3a: {  	v5 =	vimm.s32 @!p1 $0x0  }
0x3b: {  	s2 =	sshrl.u32 s29, $0x1;
	v5 =	vperm.xlane @!p1 v4, v5  }
0x3c: {  	s6 =	sshll.u32 s24, $0x4;
	s2 =	smul.u32 $0xFFFEC140, s2;
	vm4 =	vlt.u32 v4, $0x2800  }
0x3d: {  	s6 =	sand.u32 $0x10, s6;
	v4 =	vnsel vm4, $0xFFFFFFFE, v4;
	vm4 =	vlt.u32 @!p1 v5, $0x2800  }
0x3e: {  	s2 =	sshra.s32 s2, $0x2;
	[tilespmem:s6+$0x60] =	vst v4;
	v4 =	vnsel @!p1 vm4, $0xFFFFFFFE, v5  }
0x3f: {  	s30 =	sadd.s32 s2, s17;
	[tilespmem:$0x80] =	vst @!p1 v4  }
0x40: {  	v4 =	vld.msk [tilespmem:s30+$0x0 ss:$0x1], $0xffff;
	_ =	sdelay $0x4  }
0x41: {  	(xrf1) =	vunique.msk.u32 $0xffff, v4;
	_ =	sdelay $0xd  }
0x42: {  	v5 =	vimm.s32 $0xFFFFFFFF;
	v6, _, _ =	vpop (xrf1)  }
0x43: {  	vm5 =	vne.s32 v4, v5;
	vm4 =	veq.s32 v6, v2  }
0x44: {  	vm6 =	vlt.u32 v4, $0x2800;
	vm4 =	vmand vm5, vm4  }
0x45: {  	vm4 =	vmand vm6, vm4  }
0x46: {  	v5 =	vnsel vm4, $0xFFFFFFFF, v4  }
0x47: {  	s31 =	sand.u32 $0x1, s0  }
0x48: {  	s26 =	simm.s32 $0x1A90;
	p1 =	seq.s32 s31, $0x1  }
0x49: {  	s26 =	simm.s32 @!p1 $0x0  }
0x4a: {  	s28 =	sadd.s32 $0x6B30, s26;
	(ifvalue) =	ssetifvalue $0xFFFFFFFF  }
0x4b: {  	v4 =	vperm.xlane v4, v1;
	[tilespmem:s28], [sflag:$0x8] =	stream.indirect_vreg.gather [hbm4b:s1+s16], $0x1, v5, vm0, $0x4038;
	v5 =	vnsel vm6, $0xFFFFFFFE, v5;
	[tilespmem:$0xF030] =	vst v63  }
0x4c: {  	s0 =	simm.s32 $0x0;
	s2 =	sadd.s32 $0xFFFFFFF0, s30;
	[tilespmem:s30+$0x0] =	vst v5  }
.LBB2_3:
0x4d: {  	v5 =	vld.msk [tilespmem:s2+$0x0 ss:$0x1], $0xffff;
	s0 =	sadd.s32 $0x10, s0;
	v6 =	vmov v4;
	s6 =	smov.u32 s2  }
0x4e: {  	p1 =	slt.u32 s0, $0x1A80;
	_ =	sdelay $0x4  }
0x4f: {  	v4 =	vperm.xlane v5, v1;
	(xrf1) =	vunique.msk.u32 $0xffff, v5;
	_ =	sdelay $0xd  }
0x50: {  	v7, _, _ =	vpop (xrf1)  }
0x51: {  	vm5 =	vne.s32 v5, v6;
	vm4 =	veq.s32 v7, v2  }
0x52: {  	vm6 =	vlt.u32 v5, $0x2800;
	vm4 =	vmand vm5, vm4  }
0x53: {  	vm4 =	vmand vm6, vm4  }
0x54: {  	v5 =	vnsel vm4, $0xFFFFFFFF, v5  }
.Ltmp3:
0x55: {  	v6 =	vnsel vm6, $0xFFFFFFFE, v5;
	(pc) =	sbr.rel @p1 .LBB2_3-.Ltmp3, $3  }
0x56: {  	_ =	sdelay $0x1  }
0x57: {  	s2 =	sadd.s32 $0xFFFFFFF0, s2;
	s28 =	sadd.s32 $0xFFFFFFF0, s28;
	(ifvalue) =	ssetifvalue $0xFFFFFFFF  }
0x58: {  	[tilespmem:s28], [sflag:$0x8] =	stream.indirect_vreg.gather [hbm4b:s1+s16], $0x1, v5, vm0, $0x4038;
	[tilespmem:s6+$0x0] =	vst v6  }
0x59: {  	s0 =	sshrl.u32 s25, $0x3;
	s2 =	rddreg [dreg:$0x3]  }
0x5a: {  	s31 =	sadd.s32 $0x85D0, s26;
	s0 =	sadd.s32 s2, s0  }
0x5b: {  	[tilespmem:s31], [sflag:$0x8] =	stream.linear.gather [hbm:s0], $0x1A90, $0x38;
	[tilespmem:$0xF030] =	vst v63  }
.LBB2_5:
0x5c: {  	p1 =	slt.u32 s24, $0x2  }
0x5d: {  	p2 =	sge.u32 @!p1 s24, s12  }
0x5e: {  	p1 =	por p1, p2  }
.Ltmp4:
0x5f: {  	_ = 	snop;
	(pc) =	sbr.rel @p1 .LBB2_9-.Ltmp4, $1  }
0x60: {  	_ =	sdelay $0x3  }
0x61: {  	s0 =	sadd.s32 $0xFFFFFFFE, s24  }
0x62: {  	s2 =	smulhi.u32 $0xAAAAAAAB, s0;
	_ =	sdelay $0x1  }
0x63: {  	s2 =	sshrl.u32 s2, $0x1  }
0x64: {  	s2 =	smul.u32 $0x3, s2;
	_ =	sdelay $0x1  }
0x65: {  	_ =	swait.ge [sflag:s8], $0x3520;
	s0 =	ssub.s32 s0, s2  }
0x66: {  	s6 =	rddreg [dreg:$0x4];
	s0 =	smul.u32 $0x1A90, s0  }
0x67: {  	[sflag:s8] =	ssyncset.done $0x0;
	p1 =	sne.s32 s24, s6  }
0x68: {  	[sflag:s8] =	ssyncadd.s32 $0xFFFFCAE0;
	s6 =	rddreg [dreg:$0x5];
	s2 =	sadd.s32 @!p1 $0x1B8F, s0  }
0x69: {  	[spmem:s6] =	stream.linear.scatter @!p1 [tilespmem:s2], [sflag:$0x1], $0x1, $0x38;
	[tilespmem:$0xF030] =	vst v63  }
0x6a: {  	s2 =	simm.s32 @!p1 $0x1  }
0x6b: {  	_ =	swait.ge @!p1 [sflag:s2], $0x1  }
0x6c: {  	s11 =	sshll.u32 s24, $0x4;
	[sflag:s2] =	ssyncset.done @!p1 $0x0  }
0x6d: {  	s25 =	sand.u32 $0x10, s11;
	[sflag:s2] =	ssyncadd.s32 @!p1 $0xFFFFFFFF  }
0x6e: {  	s2 =	sxor.u32 $0x10, s25;
	v5 =	vld [tilespmem:s25+$0x10]  }
0x6f: {  	v6 =	vld [tilespmem:s2+$0x60]  }
0x70: {  	v4 =	vld [tilespmem:$0x80];
	_ =	sdelay $0x2  }
0x71: {  	(v2sf) =	vpush v5, $0x0  }
0x72: {  	(v2sf) =	vpush v6, $0x0  }
0x73: {  	(v2sf) =	vpush v4, $0x0;
	_ =	sdelay $0xc  }
0x74: {  	s13 =	spop (v2sf)  }
0x75: {  	s22 =	spop (v2sf)  }
0x76: {  	s26 =	spop (v2sf)  }
0x77: {  	p2 =	seq.s32 s13, s22;
	p3 =	seq.s32 s26, s13  }
0x78: {  	p3 =	por p2, p3  }
0x79: {  	s22 =	sand.u32 $0x1, s24;
	v5 =	vpsel p3, $0xFFFFFFFF, v5  }
0x7a: {  	s28 =	smul.u32 $0x1A90, s22;
	[tilespmem:s25+$0x10] =	vst.msk $0x1, v5  }
0x7b: {  	v5 =	vld [tilespmem:$0x30]  }
0x7c: {  	v6 =	vld [tilespmem:s28+$0x85D0]  }
0x7d: {  	v7 =	vld [tilespmem:s25+$0x40];
	_ =	sdelay $0x2  }
0x7e: {  	vm4 =	vmmov vm1  }
0x7f: {  	vm5 =	vmmov vm2;
	vm4 =	vmmov @p2 vm2;
	v6 =	vmax.f32 v5, v6  }
0x80: {  	s6 =	sshll.u32 s22, $0x4;
	vm5 =	vmmov @p3 vm1;
	v5 =	vmax.f32 v5, v7;
	[tilespmem:s28+$0x85D0] =	vst.msk vm4, v6  }
0x81: {  	[tilespmem:s6+$0xF010] =	vst.msk vm5, v5  }
0x82: {  	v5 =	vld [tilespmem:s28+$0x6B30];
	_ =	sdelay $0x4  }
0x83: {  	v5 =	vshift.insert v5, v3, s21  }
0x84: {  	s11 =	sor.u32 $0x40, s2  }
0x85: {  	v6 =	vimm.f32 $-Inf;
	[tilespmem:s11+$0x0] =	vst.msk $0x1, v5  }
0x86: {  	[tilespmem:s28+$0x6B3F] =	vst.msk $0x1, v6  }
0x87: {  	v5 =	vld [tilespmem:s0+$0x1B80]  }
0x88: {  	s13 =	smulhi.u32 $0xAAAAAAAB, s20;
	_ =	sdelay $0x1  }
0x89: {  	s22 =	simm.s32 $0x1;
	s0 =	sshrl.u32 s13, $0x1  }
0x8a: {  	s22 =	simm.s32 @!p0 $0x0;
	s0 =	smul.u32 $0xFFFEC140, s0  }
0x8b: {  	s22 =	smul.u32 $0x6A40, s22;
	v5 =	vshift.insert v5, v1, s21  }
0x8c: {  	s0 =	sshra.s32 s0, $0x2  }
0x8d: {  	s22 =	sshrl.u32 s22, $0x2;
	s11 =	sadd.s32 s0, s19;
	[tilespmem:s2+$0x10] =	vst.msk $0x1, v5  }
0x8e: {  	s2 =	sadd.s32 $0x85D0, s22;
	v7 =	vld [tilespmem:s11+$0x0]  }
0x8f: {  	v8 =	vld [tilespmem:s2+$0x0];
	_ =	sdelay $0x4  }
0x90: {  	vm4 =	vne.s32 v7, $0xFFFFFFFF;
	v6 =	vmax.f32 v8, v6  }
0x91: {  	(xrf0) =	vmax.seg.scan.f32 vm4, v6  }
0x92: {  	s13 =	sadd.s32 $0x50B0, s22;
	v8 =	vld [tilespmem:$0xA0]  }
0x93: {  	v9 =	vld [tilespmem:s13+$0x0];
	_ =	sdelay $0x1  }
0x94: {  	v6 =	vperm.xlane v5, v1;
	_ =	sdelay $0x1  }
0x95: {  	vm6 =	veq.s32 v7, v4;
	vm7 =	veq.s32 v7, v6;
	vm5 =	veq.s32 v8, $0x1;
	v8, _, _ =	vpop (xrf0)  }
0x96: {  	vm8 =	vgt.u32 v7, $0xFFFFFFFD;
	vm7 =	vmor vm7, vm6;
	v9 =	vmax.f32 v8, v9  }
0x97: {  	s30 =	sadd.s32 $0xBAF0, s22;
	v10 =	vld [tilespmem:$0x90];
	vm7 =	vmor vm7, vm8;
	v9 =	vsel vm6, v8, v9  }
0x98: {  	[tilespmem:s30+$0x0] =	vst v9;
	v9 =	vsel vm7, $0xFFFFFFFF, v7;
	_ =	sdelay $0x1  }
0x99: {  	s31 =	simm.s32 $0x0;
	vm9 =	vmand vm4, vm3  }
0x9a: {  	s29 =	sadd.s32 $0xF010, s6;
	s6 =	sadd.s32 $0x10, s13;
	s22 =	sadd.s32 $0x10, s30;
	v11 =	vsel vm9, $0xFF800000, v8  }
0x9b: {  	s0 =	sadd.s32 $0x10, s2;
	s2 =	sadd.s32 $0x10, s11;
	vm4 =	vmor vm5, vm6;
	v7 =	vsel vm6, v8, v10;
	v8 =	vshift.insert v11, v0, s21;
	(ifvalue) =	ssetifvalue $0xFFFFFFFF  }
.LBB2_7:
0x9c: {  	[hbm4b:s1+s16] =	stream.indirect_vreg.scatter [tilespmem:s30], [sflag:$0x2], $0x1, v9, vm0, $0x4038;
	[tilespmem:$0xF030] =	vst v63  }
0x9d: {  	s31 =	sadd.s32 $0x10, s31;
	s30 =	smov.u32 s22;
	v9 =	vld [tilespmem:s2+$0x0]  }
0x9e: {  	p2 =	slt.u32 s31, $0x1A80;
	v10 =	vld [tilespmem:s0+$0x0];
	_ =	sdelay $0x4  }
0x9f: {  	vm5 =	vne.s32 v9, $0xFFFFFFFF;
	v8 =	vmax.f32 v10, v8  }
0xa0: {  	(xrf0) =	vmax.seg.scan.f32 vm5, v8;
	_ =	sdelay $0x1  }
0xa1: {  	v8 =	vld [tilespmem:s6+$0x0]  }
0xa2: {  	vm6 =	veq.s32 v9, v4;
	vm7 =	veq.s32 v9, v6  }
0xa3: {  	vm8 =	vgt.u32 v9, $0xFFFFFFFD;
	vm4 =	vmor vm4, vm6;
	vm7 =	vmor vm7, vm6  }
0xa4: {  	vm7 =	vmor vm7, vm8  }
.Ltmp5:
0xa5: {  	vm5 =	vmand vm5, vm3;
	v9 =	vsel vm7, $0xFFFFFFFF, v9;
	v10, _, _ =	vpop (xrf0);
	(pc) =	sbr.rel @p2 .LBB2_7-.Ltmp5, $4  }
0xa6: {  	v7 =	vsel vm6, v10, v7;
	v8 =	vmax.f32 v10, v8;
	v11 =	vsel vm5, $0xFF800000, v10  }
0xa7: {  	v10 =	vsel vm6, v10, v8;
	v8 =	vshift.insert v11, v0, s21  }
0xa8: {  	s2 =	sadd.s32 $0x10, s2;
	s0 =	sadd.s32 $0x10, s0;
	[tilespmem:s22+$0x0] =	vst v10  }
0xa9: {  	s6 =	sadd.s32 $0x10, s6;
	s22 =	sadd.s32 $0x10, s22;
	(ifvalue) =	ssetifvalue $0xFFFFFFFF  }
0xaa: {  	_ =	sdelay $0x3  }
0xab: {  	[hbm4b:s1+s16] =	stream.indirect_vreg.scatter [tilespmem:s30], [sflag:$0x2], $0x1, v9, vm0, $0x4038;
	[tilespmem:$0xF030] =	vst v63  }
0xac: {  	v4 =	vld [tilespmem:s28+$0xD570];
	_ =	sdelay $0x4  }
0xad: {  	v4 =	vshift.insert v4, v3, s21  }
0xae: {  	s0 =	simm.s32 $0x30  }
0xaf: {  	[tilespmem:s0+$0x0] =	vst.msk $0x1, v4  }
0xb0: {  	v4 =	vsel vm4, $0x1, v1;
	[tilespmem:$0x90] =	vst v7  }
0xb1: {  	s0 =	sadd.s32 @!p1 $0xD57F, s28;
	[tilespmem:$0xA0] =	vst v4  }
0xb2: {  	[spmem:s14] =	stream.linear.scatter @!p1 [tilespmem:s0], [sflag:$0x1], $0x1, $0x38;
	[tilespmem:$0xF030] =	vst v63  }
0xb3: {  	s0 =	simm.s32 @!p1 $0x1  }
0xb4: {  	v4 =	vmctz.xlane @!p1 vm4;
	_ =	swait.ge @!p1 [sflag:s0], $0x1  }
0xb5: {  	(v2sf) =	vpush @!p1 v5, $0x0  }
0xb6: {  	(v2sf) =	vpush @!p1 v4, $0x0;
	_ =	sdelay $0xd  }
0xb7: {  	s2 =	spop @!p1 (v2sf)  }
0xb8: {  	s6 =	spop @!p1 (v2sf)  }
0xb9: {  	p2 =	sne.s32 @!p1 s26, s2;
	p3 =	slt.s32 @!p1 s6, $0xF  }
0xba: {  	[sflag:s0] =	ssyncset.done @!p1 $0x0;
	p2 =	por p2, p1;
	p3 =	por !p3, p1  }
0xbb: {  	[sflag:s0] =	ssyncadd.s32 @!p1 $0xFFFFFFFF;
	v4 =	vimm.s32 @!p2 $0xFFFFFFFF;
	s6 =	simm.s32 @p3 $0xF  }
0xbc: {  	[tilespmem:$0x80] =	vst @!p2 v4;
	s2 =	sadd.s32 @!p1 $0x90, s6  }
0xbd: {  	[spmem:s10] =	stream.linear.scatter @!p1 [tilespmem:s2], [sflag:$0x1], $0x1, $0x38;
	[tilespmem:$0xF030] =	vst v63  }
0xbe: {  	_ =	swait.ge @!p1 [sflag:s0], $0x1  }
0xbf: {  	[sflag:s0] =	ssyncset.done @!p1 $0x0  }
0xc0: {  	s2 =	simm.s32 @!p1 $0x80;
	[sflag:s0] =	ssyncadd.s32 @!p1 $0xFFFFFFFF  }
0xc1: {  	[spmem:s15] =	stream.linear.scatter @!p1 [tilespmem:s2], [sflag:$0x1], $0x1, $0x38;
	[tilespmem:$0xF030] =	vst v63  }
0xc2: {  	_ =	swait.ge @!p1 [sflag:s0], $0x1  }
0xc3: {  	[sflag:s0] =	ssyncset.done @!p1 $0x0  }
0xc4: {  	[sflag:s0] =	ssyncadd.s32 @!p1 $0xFFFFFFFF;
	(ifvalue) =	ssetifvalue $0xFFFFFFFF;
	v4 =	vld [tilespmem:s25+$0x10];
	_ =	sdelay $0x3  }
.Ltmp6:
0xc5: {  	_ = 	snop;
	(pc) =	sbr.rel .LBB2_9-.Ltmp6, $3  }
0xc6: {  	_ =	sdelay $0x1  }
0xc7: {  	(ifvalue) =	ssetifvalue $0xFFFFFFFF  }
0xc8: {  	[hbm4b:s1+s16] =	stream.indirect_vreg.scatter [tilespmem:s29], [sflag:$0x9], $0x1, v4, vm0, $0x4038;
	[tilespmem:$0xF030] =	vst v63  }
.LBB2_10:
0xc9: {  	_ =	sfence.sel $0x180000  }
0xca: {  	s0 =	simm.s32 $0x7;
	[bflag:$0x0] =	sbarrier.arrive $0xFFFF  }
0xcb: {  	s26 =	simm.s32 $0x8;
	[sflag:s0] =	ssyncpa.u1 $0x1  }
0xcc: {  	s28 =	simm.s32 $0x9;
	[sflag:s26] =	ssyncpa.u1 $0x1  }
0xcd: {  	[sflag:s28] =	ssyncpa.u1 $0x1  }
0xce: {  	_ =	sfence.stream.spmem  }
0xcf: {  	s29 =	simm.s32 $0x3;
	[bflag:$0x0] =	sbarrier.arrive $0xFFFF  }
0xd0: {  	s30 =	simm.s32 $0x4;
	[sflag:s29] =	ssyncpa.u1 $0x1  }
0xd1: {  	s31 =	simm.s32 $0x3C;
	s2 =	stileid.u32;
	[sflag:s30] =	ssyncpa.u1 $0x1  }
0xd2: {  	p0 =	sne.s32 s2, $0x0;
	[sflag:s31] =	ssyncpa.u1 $0x1  }
0xd3: {  	s0 =	simm.s32 @p0 $0x1;
	_ =	sfence @p0  }
0xd4: {  	[sflag:s0] =	ssyncpa.u1 @p0 $0x1;
	s0 =	simm.s32 @p0 $0x2  }
0xd5: {  	[sflag:s0] =	ssyncpa.u1 @p0 $0x1  }
0xd6: {  	_ =	strace @p0 $0x90000056  }
0xd7: {  	[bflag:$0x2] =	sbarrier.arrive @p0 $0xFFFF  }
0xd8: {  	_ =	shalt @p0  }
.LBB2_11:
0xd9: {  	_ =	sfence.stream.spmem;
	s0 =	simm.s32 $0x5  }
0xda: {  	s2 =	simm.s32 $0x80;
	s3 =	simm.s32 $0xC0;
	[sflag:s0] =	ssyncpa.u1 $0x0  }
0xdb: {  	[tilespmem:s3], [sflag:$0x5] =	stream.linear.gather [spmem:s2], $0x20, $0x38;
	[tilespmem:$0xF030] =	vst v63  }
0xdc: {  	s30 =	simm.s32 $0xE0;
	s2 =	simm.s32 $0x0  }
0xdd: {  	[tilespmem:s30], [sflag:$0x5] =	stream.linear.gather [spmem:s2], $0x20, $0x38;
	[tilespmem:$0xF030] =	vst v63  }
.Ltmp7:
0xde: {  	_ = 	snop;
	(pc) =	sbr.rel .LBB2_12-.Ltmp7, $4  }
0xdf: {  	_ =	swait.ge [sflag:s0], $0x40  }
0xe0: {  	[sflag:s0] =	ssyncset.done $0x0  }
0xe1: {  	s31 =	simm.s32 $0x6;
	[sflag:s0] =	ssyncadd.s32 $0xFFFFFFC0  }
0xe2: {  	s3 =	simm.s32 $0x0;
	[sflag:s31] =	ssyncpa.u1 $0x0  }
.LBB2_17:
0xe3: {  	p0 =	sgt.u32 s4, $0x27FF  }
0xe4: {  	s0 =	sshrl.u32 @!p0 s4, $0x3  }
0xe5: {  	s4 =	sand.u32 @!p0 $0x7, s4;
	s5 =	simm.s32 @!p0 $0xB0;
	s0 =	sadd.s32 @!p0 s1, s0  }
0xe6: {  	[tilespmem:s5], [sflag:$0x6] =	stream.linear.gather @!p0 [hbm4b:s0+s4], $0x1, $0x38;
	[tilespmem:$0xF030] =	vst v63  }
0xe7: {  	s0 =	simm.s32 @!p0 $0x6  }
0xe8: {  	_ =	swait.ge @!p0 [sflag:s0], $0x1  }
0xe9: {  	[sflag:s0] =	ssyncset.done @!p0 $0x0  }
0xea: {  	[sflag:s0] =	ssyncadd.s32 @!p0 $0xFFFFFFFF  }
0xeb: {  	v1 =	vld.msk @!p0 [tilespmem:$0xB0], $0x1  }
0xec: {  	v2 =	vld.msk @!p0 [tilespmem:s3+$0xE0], $0x1;
	_ =	sdelay $0x4  }
0xed: {  	v1 =	vmax.f32 @!p0 v2, v1  }
0xee: {  	[tilespmem:s3+$0xE0] =	vst.msk @!p0 $0x1, v1  }
0xef: {  	[tilespmem:s2+$0xC0] =	vst.msk $0x1, v0  }
0xf0: {  	v0 =	vld.msk [tilespmem:s3+$0xE0], $0x1;
	_ =	sdelay $0x4  }
0xf1: {  	[tilespmem:s2+$0xE0] =	vst.msk $0x1, v0;
	s2 =	sadd.s32 $0x1, s2  }
.LBB2_19:
0xf2: {  	s3 =	sadd.s32 $0x1, s3  }
0xf3: {  	p0 =	sne.s32 s3, $0x20  }
.Ltmp8:
0xf4: {  	_ = 	snop;
	(pc) =	sbr.rel @!p0 .LBB2_20-.Ltmp8, $1  }
0xf5: {  	_ =	sdelay $0x3  }
.LBB2_12:
0xf6: {  	v0 =	vld.msk [tilespmem:s3+$0xC0], $0x1;
	_ =	sdelay $0x4  }
0xf7: {  	(v2sf) =	vpush v0, $0x0;
	_ =	sdelay $0xe  }
0xf8: {  	s4 =	spop (v2sf)  }
0xf9: {  	p0 =	seq.s32 s4, $0xFFFFFFFF  }
.Ltmp9:
0xfa: {  	_ = 	snop;
	(pc) =	sbr.rel @p0 .LBB2_19-.Ltmp9, $1  }
0xfb: {  	_ =	sdelay $0x3  }
0xfc: {  	p0 =	slt.s32 s2, $0x1  }
.Ltmp10:
0xfd: {  	_ = 	snop;
	(pc) =	sbr.rel @p0 .LBB2_17-.Ltmp10, $1  }
0xfe: {  	_ =	sdelay $0x3  }
0xff: {  	s0 =	simm.s32 $0xC0;
	p0 =	por $0x0, $0x0  }
0x100: {  	v1 =	vld.msk @!p0 [tilespmem:s0+$0x0], $0x1;
	_ =	sdelay $0x4  }
0x101: {  	(v2sf) =	vpush @!p0 v1, $0x0;
	_ =	sdelay $0xd  }
0x102: {  	p2 =	sne.s32 s2, $0x1  }
.Ltmp11:
0x103: {  	s5 =	spop @!p0 (v2sf);
	(pc) =	sbr.rel @!p2 .LBB2_16-.Ltmp11, $4  }
0x104: {  	p1 =	seq.s32 @!p0 s4, s5  }
0x105: {  	s5 =	simm.s32 $0x0;
	p1 =	por !p1, p0  }
0x106: {  	s7 =	simm.s32 $0xFFFFFFFF;
	s5 =	simm.s32 @p1 $0xFFFFFFFF  }
0x107: {  	s6 =	simm.s32 $0x1;
	s5 =	smov.u32 @p0 s7  }
.LBB2_15:
0x108: {  	s7 =	smov.u32 s5;
	p0 =	sne.s32 s5, $0xFFFFFFFF  }
0x109: {  	s0 =	sadd.s32 $0x1, s0;
	s5 =	smov.u32 s6;
	s6 =	sadd.s32 $0x1, s6  }
0x10a: {  	p1 =	sne.s32 s2, s6;
	v1 =	vld.msk @!p0 [tilespmem:s0+$0x0], $0x1;
	_ =	sdelay $0x4  }
0x10b: {  	(v2sf) =	vpush @!p0 v1, $0x0;
	_ =	sdelay $0xe  }
.Ltmp12:
0x10c: {  	s8 =	spop @!p0 (v2sf);
	(pc) =	sbr.rel @p1 .LBB2_15-.Ltmp12, $4  }
0x10d: {  	p2 =	seq.s32 @!p0 s4, s8  }
0x10e: {  	p2 =	por !p2, p0  }
0x10f: {  	s5 =	simm.s32 @p2 $0xFFFFFFFF  }
0x110: {  	s5 =	smov.u32 @p0 s7  }
.LBB2_16:
0x111: {  	p0 =	sne.s32 s5, $0xFFFFFFFF  }
.Ltmp13:
0x112: {  	_ = 	snop;
	(pc) =	sbr.rel @!p0 .LBB2_17-.Ltmp13, $1  }
0x113: {  	_ =	sdelay $0x3  }
0x114: {  	v0 =	vld.msk [tilespmem:s3+$0xE0], $0x1  }
0x115: {  	v1 =	vld.msk [tilespmem:s5+$0xE0], $0x1;
	_ =	sdelay $0x1  }
.Ltmp14:
0x116: {  	_ = 	snop;
	(pc) =	sbr.rel .LBB2_19-.Ltmp14, $3  }
0x117: {  	_ =	sdelay $0x1  }
0x118: {  	v0 =	vmax.f32 v1, v0  }
0x119: {  	[tilespmem:s5+$0xE0] =	vst.msk $0x1, v0  }
.LBB2_20:
0x11a: {  	p0 =	slt.s32 s2, $0x1  }
.Ltmp15:
0x11b: {  	_ = 	snop;
	(pc) =	sbr.rel @p0 .LBB2_24-.Ltmp15, $3  }
0x11c: {  	_ =	sdelay $0x1  }
0x11d: {  	s0 =	simm.s32 $0x6  }
0x11e: {  	s3 =	simm.s32 $0x0;
	[sflag:s0] =	ssyncpa.u1 $0x1  }
0x11f: {  	s0 =	simm.s32 $0xC0  }
0x120: {  	v0 =	vld.msk [tilespmem:s0+$0x0], $0x1;
	_ =	sdelay $0x4  }
0x121: {  	(v2sf) =	vpush v0, $0x0;
	_ =	sdelay $0xe  }
0x122: {  	s2 =	sadd.s32 $0xFFFFFFFF, s2;
	s4 =	spop (v2sf)  }
0x123: {  	p1 =	sne.s32 s2, $0x0;
	p0 =	sgt.u32 s4, $0x27FF  }
.Ltmp16:
0x124: {  	s5 =	sshrl.u32 @!p0 s4, $0x3;
	(pc) =	sbr.rel @!p1 .LBB2_23-.Ltmp16, $4  }
0x125: {  	s0 =	simm.s32 $0xE0;
	s4 =	sand.u32 @!p0 $0x7, s4;
	s5 =	sadd.s32 @!p0 s1, s5  }
0x126: {  	[hbm4b:s5+s4] =	stream.linear.scatter @!p0 [tilespmem:s0], [sflag:$0x5], $0x1, $0x38;
	[tilespmem:$0xF030] =	vst v63  }
0x127: {  	s5 =	simm.s32 $0x0  }
0x128: {  	s4 =	simm.s32 $0xC1;
	s5 =	simm.s32 @!p0 $0x4  }
.LBB2_22:
0x129: {  	v0 =	vld.msk [tilespmem:s4+$0x0], $0x1;
	s2 =	sadd.s32 $0xFFFFFFFF, s2;
	s3 =	sadd.s32 s3, s5  }
0x12a: {  	p0 =	sne.s32 s2, $0x0;
	_ =	sdelay $0x3  }
0x12b: {  	(v2sf) =	vpush v0, $0x0;
	_ =	sdelay $0xe  }
.Ltmp17:
0x12c: {  	s6 =	spop (v2sf);
	(pc) =	sbr.rel @p0 .LBB2_22-.Ltmp17, $4  }
0x12d: {  	s5 =	simm.s32 $0x0;
	p1 =	sgt.u32 s6, $0x27FF  }
0x12e: {  	s0 =	sadd.s32 $0x1, s0;
	s5 =	simm.s32 @!p1 $0x4;
	s7 =	sshrl.u32 @!p1 s6, $0x3  }
0x12f: {  	s4 =	sadd.s32 $0x1, s4;
	s6 =	sand.u32 @!p1 $0x7, s6;
	s7 =	sadd.s32 @!p1 s1, s7  }
0x130: {  	[hbm4b:s7+s6] =	stream.linear.scatter @!p1 [tilespmem:s0], [sflag:$0x5], $0x1, $0x38;
	[tilespmem:$0xF030] =	vst v63  }
.LBB2_23:
0x131: {  	s0 =	sadd.s32 s3, s5  }
0x132: {  	s3 =	sshrl.u32 s0, $0x2  }
.LBB2_24:
0x133: {  	s0 =	simm.s32 $0x5  }
0x134: {  	_ =	swait.ge [sflag:s0], s3  }
0x135: {  	s1 =	ssub.s32 $0x0, s3;
	[sflag:s0] =	ssyncset.done $0x0  }
0x136: {  	[sflag:s0] =	ssyncadd.s32 s1  }
0x137: {  	[sflag:s0] =	ssyncpa.u1 $0x1  }
0x138: {  	s29 =	simm.s32 $0x1;
	_ =	sfence  }
0x139: {  	s30 =	simm.s32 $0x2;
	[sflag:s29] =	ssyncpa.u1 $0x1  }
0x13a: {  	[sflag:s30] =	ssyncpa.u1 $0x1  }
0x13b: {  	_ =	strace $0x90000056  }
0x13c: {  	[bflag:$0x2] =	sbarrier.arrive $0xFFFF  }
0x13d: {  	s31 =	rddreg [dreg:$0x2]  }
0x13e: {  	s0 =	sadd.s32 $0x100000, s31  }
0x13f: {  	[sflag:s0] =	ssyncadd.tile.s32 $0x1;
	_ =	shalt  }
.Lfunc_end2:
_tile_overlayer_lowered:
.L_overlay_start_2:
0x140: {  	(tag) =	ssettag $0x2  }
0x141: {  	s0 =	rddreg [dreg:$0x0];
	s2 =	stileid.u32  }
0x142: {  	s1 =	rddreg [dreg:$0x1];
	p0 =	sne.s32 s2, $0x0  }
0x143: {  	s3 =	rddreg [dreg:$0x2];
	[bflag:$0x3] =	sbarrier.arrive $0xFFFF;
	s2 =	simm.s32 @!p0 $0x1C01  }
0x144: {  	[timem:s3], [sflag:s2] =	dma.local @!p0 [hbm:s0], s1  }
0x145: {  	s0 =	simm.s32 @!p0 $0x1  }
0x146: {  	_ =	swait.ge @!p0 [sflag:s0], s1  }
0x147: {  	s1 =	ssub.s32 @!p0 $0x0, s1;
	[sflag:s0] =	ssyncset.done @!p0 $0x0  }
0x148: {  	[sflag:s0] =	ssyncadd.s32 @!p0 s1  }
0x149: {  	[bflag:$0x3] =	sbarrier.arrive $0xFFFF  }
0x14a: {  	_ =	shalt  }

// kernel: scatter_offload_async_start.4
scs
__scs_entry_jumppad:
0x0: {  	(pc) =	sbr.rel $0x88, $3  }
0x1: {  	(tag) =	ssettag $0x0;
	lr =	simm.s32 $0x1  }
0x2: {  	[smem:$0x3F93] =	sst lr;
	_ =	strace $0xD0000000  }
0x3: {  	_ = 	snop  }
0x4: {  	_ = 	snop  }
0x5: {  	_ = 	snop  }
0x6: {  	_ = 	snop  }
0x7: {  	_ = 	snop  }
__scs_overlays_trampoline_lowered:
0x8: {  	[smem:$0x3FA2] =	sst s0  }
0x9: {  	[smem:$0x3FA3] =	sst s1  }
0xa: {  	[smem:$0x3FA4] =	sst s2  }
0xb: {  	[smem:$0x3FA5] =	sst s3  }
0xc: {  	[smem:$0x3FA6] =	sst s4  }
0xd: {  	[smem:$0x3FA7] =	sst s5  }
0xe: {  	[smem:$0x3FA8] =	sst s6  }
0xf: {  	[smem:$0x3FA9] =	sst s7  }
0x10: {  	[smem:$0x3FAA] =	sst s8  }
0x11: {  	[smem:$0x3FAB] =	sst s9;
	s0 =	simm.s32 @!p0 $0x0  }
0x12: {  	s1 =	sld [smem:$0x3F91];
	s0 =	simm.s32 @p0 $0x1  }
0x13: {  	[smem:$0x3FAC] =	sst s0;
	s0 =	simm.s32 @!p1 $0x0  }
0x14: {  	s2 =	sld [smem:$0x3F90];
	s0 =	simm.s32 @p1 $0x1  }
0x15: {  	[smem:$0x3FAD] =	sst s0;
	s0 =	simm.s32 @!p2 $0x0  }
0x16: {  	s3 =	sld [smem:$0x3FDB];
	s0 =	simm.s32 @p2 $0x1  }
0x17: {  	s4 =	simm.s32 $0x1BF5;
	[smem:$0x3FAF] =	sst s0  }
0x18: {  	s0 =	sld [smem:$0x3F92];
	_ =	swait.ge [sflag:s4], $0x0  }
0x19: {  	s7 =	sld [smem:$0x3F93]  }
0x1a: {  	s8 =	sadd.s32 $0xFFFFE003, lr  }
0x1b: {  	s9 =	sadd.s32 $0xFFFFFEF7, lr;
	s5 =	simm.s32 $0xFFFFFFFF;
	p2 =	slt.u32 s8, $0xFFFFF086  }
0x1c: {  	p1 =	slt.u32 s9, $0xF7A;
	s5 =	simm.s32 @!p2 $0x0  }
0x1d: {  	s5 =	simm.s32 @p1 $0x1;
	p0 =	seq.s32 s7, s2  }
0x1e: {  	s7 =	smul.u32 @!p0 $0xF7A, s2;
	p2 =	seq.s32 @!p0 s5, $0x0  }
0x1f: {  	s9 =	smul.u32 $0xF7A, s1;
	s8 =	simm.s32 @!p0 $0x1BF5;
	p2 =	por !p2, p0  }
0x20: {  	[sflag:s8] =	ssyncset.s32 @!p0 $0xFFFFF086;
	s6 =	sadd.s32 @!p0 s3, s7;
	s7 =	simm.s32 @!p0 $0x108  }
0x21: {  	s3 =	sadd.s32 s3, s9;
	s6 =	sadd.s32 @!p0 $0x88, s6;
	s7 =	simm.s32 @p2 $0x1082  }
0x22: {  	[simem:s7], [sflag:s8] =	dma.local @!p0 [hbm:s6], $0xF7A  }
0x23: {  	s9 =	sor.u32 $0xD0000000, s2;
	s6 =	simm.s32 $0x108;
	_ =	swait.ge @!p0 [sflag:s8], $0x0  }
0x24: {  	s3 =	sadd.s32 $0x88, s3;
	s6 =	simm.s32 @!p1 $0x1082;
	[sflag:s4] =	ssyncset.s32 $0xFFFFF086  }
0x25: {  	[simem:s6], [sflag:s4] =	dma.local [hbm:s3], $0xF7A  }
0x26: {  	[smem:$0x3F93] =	sst s1;
	(tag) =	ssettag s2;
	_ =	strace s9  }
0x27: {  	s1 =	sld [smem:$0x3FA3]  }
0x28: {  	s2 =	sld [smem:$0x3FA4]  }
0x29: {  	s4 =	sld [smem:$0x3FA6]  }
0x2a: {  	p0 =	seq.s32 s5, $0x0;
	s5 =	sld [smem:$0x3FA7]  }
0x2b: {  	s6 =	sld [smem:$0x3FA8]  }
0x2c: {  	s7 =	sld [smem:$0x3FA9]  }
0x2d: {  	s3 =	simm.s32 $0x108;
	s8 =	sld [smem:$0x3FAA]  }
0x2e: {  	s3 =	simm.s32 @!p0 $0x1082;
	s9 =	sld [smem:$0x3FAB]  }
0x2f: {  	lr =	sadd.s32 s0, s3;
	s0 =	sld [smem:$0x3FA2]  }
0x30: {  	s3 =	sld [smem:$0x3FA5]  }
0x31: {  	[smem:$0x3FAE] =	sst s10  }
0x32: {  	s10 =	sld [smem:$0x3FAC];
	_ =	sdelay $0x3  }
0x33: {  	p0 =	seq.s32 s10, $0x1;
	s10 =	sld [smem:$0x3FAE];
	_ =	sdelay $0x3  }
0x34: {  	[smem:$0x3FAE] =	sst s10  }
0x35: {  	s10 =	sld [smem:$0x3FAD];
	_ =	sdelay $0x3  }
0x36: {  	p1 =	seq.s32 s10, $0x1;
	s10 =	sld [smem:$0x3FAE];
	_ =	sdelay $0x3  }
0x37: {  	[smem:$0x3FAE] =	sst s10  }
0x38: {  	s10 =	sld [smem:$0x3FAF]  }
0x39: {  	_ = 	snop;
	(pc) =	sbr.ind lr, $3  }
0x3a: {  	_ = 	snop  }
0x3b: {  	_ = 	snop  }
0x3c: {  	p2 =	seq.s32 s10, $0x1;
	s10 =	sld [smem:$0x3FAE]  }
0x3d: {  	_ =	shalt  }
0x3e: {  	_ =	shalt  }
0x3f: {  	_ =	shalt  }
0x40: {  	_ =	shalt  }
0x41: {  	_ =	shalt  }
0x42: {  	_ =	shalt  }
0x43: {  	_ =	shalt  }
0x44: {  	_ =	shalt  }
0x45: {  	_ =	shalt  }
0x46: {  	_ =	shalt  }
0x47: {  	_ =	shalt  }
0x48: {  	_ =	shalt  }
0x49: {  	_ =	shalt  }
0x4a: {  	_ =	shalt  }
0x4b: {  	_ =	shalt  }
0x4c: {  	_ =	shalt  }
0x4d: {  	_ =	shalt  }
0x4e: {  	_ =	shalt  }
0x4f: {  	_ =	shalt  }
0x50: {  	_ =	shalt  }
0x51: {  	_ =	shalt  }
0x52: {  	_ =	shalt  }
0x53: {  	_ =	shalt  }
0x54: {  	_ =	shalt  }
0x55: {  	_ =	shalt  }
0x56: {  	_ =	shalt  }
0x57: {  	_ =	shalt  }
0x58: {  	_ =	shalt  }
0x59: {  	_ =	shalt  }
0x5a: {  	_ =	shalt  }
0x5b: {  	_ =	shalt  }
0x5c: {  	_ =	shalt  }
0x5d: {  	_ =	shalt  }
0x5e: {  	_ =	shalt  }
0x5f: {  	_ =	shalt  }
0x60: {  	_ =	shalt  }
0x61: {  	_ =	shalt  }
0x62: {  	_ =	shalt  }
0x63: {  	_ =	shalt  }
0x64: {  	_ =	shalt  }
0x65: {  	_ =	shalt  }
0x66: {  	_ =	shalt  }
0x67: {  	_ =	shalt  }
0x68: {  	_ =	shalt  }
0x69: {  	_ =	shalt  }
0x6a: {  	_ =	shalt  }
0x6b: {  	_ =	shalt  }
0x6c: {  	_ =	shalt  }
0x6d: {  	_ =	shalt  }
0x6e: {  	_ =	shalt  }
0x6f: {  	_ =	shalt  }
0x70: {  	_ =	shalt  }
0x71: {  	_ =	shalt  }
0x72: {  	_ =	shalt  }
0x73: {  	_ =	shalt  }
0x74: {  	_ =	shalt  }
0x75: {  	_ =	shalt  }
0x76: {  	_ =	shalt  }
0x77: {  	_ =	shalt  }
0x78: {  	_ =	shalt  }
0x79: {  	_ =	shalt  }
0x7a: {  	_ =	shalt  }
0x7b: {  	_ =	shalt  }
0x7c: {  	_ =	shalt  }
0x7d: {  	_ =	shalt  }
0x7e: {  	_ =	shalt  }
0x7f: {  	_ =	shalt  }
0x80: {  	_ =	shalt  }
0x81: {  	_ =	shalt  }
0x82: {  	_ =	shalt  }
0x83: {  	_ =	shalt  }
0x84: {  	_ =	shalt  }
0x85: {  	_ =	shalt  }
0x86: {  	_ =	shalt  }
0x87: {  	_ =	shalt  }
.Lfunc_end0:
.L_simem_size_0:
called_computation.4_lowered:
.L_overlay_start_0:
0x88: {  	s0 =	sld [smem:$0x3FD9]  }
0x89: {  	s1 =	sld [smem:$0x3FFE];
	_ =	sdelay $0x3  }
0x8a: {  	s0 =	sadd.s32 s1, s0  }
0x8b: {  	[smem:$0x3FBA] =	sst s0  }
0x8c: {  	_ = 	snop  }
0x8d: {  	s0 =	sld [smem:$0x3FD0];
	_ =	sdelay $0x2  }
0x8e: {  	s2 =	simm.s32 $0xB;
	s12 =	simm.s32 $0x10  }
0x8f: {  	[smem:s12], [sflag:s2] =	dma.local [hbm:s0], $0x1  }
0x90: {  	_ =	swait.eq [sflag:s2], $0x1  }
0x91: {  	[sflag:s2] =	ssyncset.done $0x0  }
0x92: {  	s13 =	sld [smem:$0x11];
	[sflag:s2] =	ssyncadd.s32 $0xFFFFFFFF  }
0x93: {  	s14 =	sld [smem:$0x13];
	(tm) =	ssettm $0x1  }
0x94: {  	s15 =	sld [smem:$0x3FFB];
	_ =	sdelay $0x3  }
0x95: {  	_ =	strace s15  }
0x96: {  	s0 =	sld [smem:$0x3FFC];
	_ =	sdelay $0x3  }
0x97: {  	_ =	strace s0  }
0x98: {  	s0 =	sld [smem:$0x3FFD];
	_ =	sdelay $0x3  }
0x99: {  	_ =	strace s0  }
0x9a: {  	_ =	strace $0x8FFFFFFF  }
0x9b: {  	s16 =	sld [smem:$0x3FDB];
	_ =	sdelay $0x1  }
0x9c: {  	s3 =	simm.s32 $_scs_section_size  }
0x9d: {  	s4 =	simm.s32 $_size__tile_overlayer_lowered;
	s5 =	simm.s32 $_tile_overlayer_lowered  }
0x9e: {  	s6 =	simm.s32 $0x1BFF;
	s17 =	sshll.u32 s5, $0x1;
	s3 =	sadd.s32 s3, s16  }
0x9f: {  	s18 =	simm.s32 $0x0;
	s4 =	sshll.u32 s4, $0x1;
	s5 =	sadd.s32 s17, s3  }
0xa0: {  	[timem:s18], [sflag:s6] =	dma.local [hbm:s5], s4  }
0xa1: {  	_ =	swait.ge [sflag:s6], s4  }
0xa2: {  	s4 =	ssub.s32 $0x0, s4;
	[sflag:s6] =	ssyncset.done $0x0  }
0xa3: {  	[sflag:s6] =	ssyncadd.s32 s4;
	_ =	sdelay $0x1  }
0xa4: {  	s19 =	simm.s32 $0x1B8B  }
0xa5: {  	_ =	swait.ge [sflag:s19], $0x1  }
0xa6: {  	[sflag:s19] =	ssyncset.done $0x0  }
0xa7: {  	s21 =	simm.s32 $0x1B8E;
	s20 =	sld [smem:$0x3FFE];
	[sflag:s19] =	ssyncadd.s32 $0xFFFFFFFF  }
0xa8: {  	s22 =	simm.s32 $execute0_lowered;
	[smem:$0x3FD2] =	sst s21  }
0xa9: {  	s5 =	sshll.u32 s22, $0x1;
	_ =	strace $0x80000058;
	[dreg:$0x1] =	wrdreg $0xFFFFFFFF  }
0xaa: {  	s23 =	simm.s32 $_size_execute0_lowered;
	s5 =	sadd.s32 s3, s5;
	[dreg:$0x0] =	wrdreg $0x0  }
0xab: {  	s6 =	sshll.u32 s23, $0x1;
	[dreg:$0x2] =	wrdreg s5  }
0xac: {  	[dreg:$0x3] =	wrdreg s6  }
0xad: {  	[dreg:$0x4] =	wrdreg $0xC0  }
0xae: {  	s24 =	simm.s32 $execute1_lowered;
	_ =	task [dreg:s18], $0x5FFFF  }
0xaf: {  	s5 =	sshll.u32 s24, $0x1;
	[dreg:$0x1] =	wrdreg $0xFFFFFFFF  }
0xb0: {  	s3 =	sadd.s32 s3, s5;
	[dreg:$0x0] =	wrdreg $0x60  }
0xb1: {  	[dreg:$0x2] =	wrdreg s3  }
0xb2: {  	[dreg:$0x3] =	wrdreg s14  }
0xb3: {  	[dreg:$0x4] =	wrdreg s13  }
0xb4: {  	[dreg:$0x5] =	wrdreg $0x9  }
0xb5: {  	_ =	task.clear_ibuf [dreg:s18], $0x6FFFF;
	_ =	strace $0x90000058  }
0xb6: {  	s25 =	simm.s32 $0x9;
	_ =	strace $0x8000005A  }
0xb7: {  	_ =	swait.ge [sflag:s25], $0x1  }
0xb8: {  	[sflag:s25] =	ssyncadd.s32 $0xFFFFFFFF  }
0xb9: {  	_ =	strace $0x9000005A  }
0xba: {  	_ =	strace $0x8000005B;
	[dreg:$0x1] =	wrdreg $0xFFFFFFFF  }
0xbb: {  	[dreg:$0x0] =	wrdreg $0x2030  }
0xbc: {  	[dreg:$0x2] =	wrdreg s13  }
0xbd: {  	[dreg:$0x3] =	wrdreg s20  }
0xbe: {  	[dreg:$0x4] =	wrdreg $0xA  }
0xbf: {  	_ =	task.clear_ibuf [dreg:s18], $0x5FFFF;
	_ =	strace $0x9000005B  }
0xc0: {  	s26 =	simm.s32 $0xA;
	_ =	strace $0x8000005D  }
0xc1: {  	_ =	swait.ge [sflag:s26], $0x1  }
0xc2: {  	[sflag:s26] =	ssyncadd.s32 $0xFFFFFFFF  }
0xc3: {  	_ =	strace $0x9000005D  }
0xc4: {  	_ =	sfence  }
0xc5: {  	s28 =	sld [smem:$0x0];
	_ =	sdelay $0x1  }
0xc6: {  	s29 =	srdreg.scid  }
0xc7: {  	s30 =	sshll.u32 s29, $0xD;
	s31 =	sshrl.u32 s29, $0x2  }
0xc8: {  	s2 =	sand.u32 $0x1, s29;
	s3 =	sand.u32 $0x4000, s30;
	s1 =	sadd.s32 s31, s28  }
0xc9: {  	s2 =	sor.u32 s3, s2;
	s1 =	sshll.u32 s1, $0x11  }
0xca: {  	s1 =	sor.u32 s1, s2  }
0xcb: {  	s1 =	sadd.s32 $0x8F2B, s1  }
0xcc: {  	[sflag:s1] =	ssyncadd.remote.s32 $0x1  }
0xcd: {  	_ =	sfence.sel $0xFFFF  }
0xce: {  	[dreg:$0x0] =	wrdreg $0xFFFFFFFF;
	(pc) =	sbr.abs _section_cstart, $3  }
0xcf: {  	[dreg:$0x1] =	wrdreg $0xFFFFFFFF  }
0xd0: {  	_ =	task.clear_ibuf [dreg:s18], $0x2FFFF;
	_ =	strace $0x9FFFFFFF  }
0xd1: {  	(tm) =	ssettm $0x7FFFFFFF  }
tec
execute0_lowered:
.L_overlay_start_1:
0x0: {  	(tag) =	ssettag $0x1  }
0x1: {  	s3 =	rddreg [dreg:$0x0]  }
0x2: {  	s5 =	rddreg [dreg:$0x1]  }
0x3: {  	s2 =	rddreg [dreg:$0x2]  }
0x4: {  	s0 =	rddreg [dreg:$0x3];
	s4 =	stileid.u32  }
0x5: {  	[bflag:$0x3] =	sbarrier.arrive $0xFFFF;
	s1 =	simm.s32 $_size_execute1_lowered;
	p0 =	sne.s32 s4, $0x0  }
0x6: {  	s1 =	sshll.u32 s1, $0x1;
	s6 =	simm.s32 @!p0 $0x1C3F;
	s7 =	simm.s32 @!p0 $0x4060  }
0x7: {  	[timem:s7], [sflag:s6] =	dma.local @!p0 [hbm:s3], s1  }
.Ltmp0:
0x8: {  	s30 =	simm.s32 $0x2;
	(pc) =	sbr.rel .LBB2_1-.Ltmp0, $4  }
0x9: {  	s8 =	simm.s32 $0x780;
	s10 =	simm.s32 $0x0;
	s3 =	smul.u32 $0x280, s4  }
0xa: {  	s9 =	simm.s32 $0x0;
	s4 =	simm.s32 $0x1;
	_ =	strace $0x80000059  }
0xb: {  	s6 =	simm.s32 $0x0;
	[sflag:s4] =	ssyncpa.u1 $0x0;
	s31 =	sshrl.u32 s3, $0x3  }
0xc: {  	s7 =	simm.s32 $0x280;
	[sflag:s30] =	ssyncpa.u1 $0x0;
	s5 =	sadd.s32 s31, s5  }
.LBB2_8:
0xd: {  	p1 =	seq.s32 s9, $0x2  }
.Ltmp1:
0xe: {  	_ = 	snop;
	(pc) =	sbr.rel @p1 .LBB2_10-.Ltmp1, $1  }
0xf: {  	_ =	sdelay $0x3  }
.LBB2_9:
0x10: {  	s9 =	sadd.s32 $0x1, s9;
	s10 =	smov.u32 s3  }
.LBB2_1:
0x11: {  	p1 =	sne.s32 s9, $0x0  }
.Ltmp2:
0x12: {  	_ = 	snop;
	(pc) =	sbr.rel @!p1 .LBB2_2-.Ltmp2, $1  }
0x13: {  	_ =	sdelay $0x3  }
0x14: {  	s11 =	sand.u32 $0x1, s9  }
0x15: {  	p1 =	seq.s32 s11, $0x0  }
.Ltmp3:
0x16: {  	_ = 	snop;
	(pc) =	sbr.rel @p1 .LBB2_8-.Ltmp3, $1  }
0x17: {  	_ =	sdelay $0x3  }
0x18: {  	_ =	swait.ge [sflag:s4], $0x280  }
0x19: {  	[sflag:s4] =	ssyncset.done $0x0  }
0x1a: {  	s11 =	simm.s32 $0x0;
	p1 =	por $0x1, $0x1;
	[sflag:s4] =	ssyncadd.s32 $0xFFFFFD80  }
.LBB2_5:
0x1b: {  	v0 =	vld [tilespmem:s11+$0x280]  }
0x1c: {  	v1 =	vld [tilespmem:s11+$0x290]  }
0x1d: {  	v2 =	vld [tilespmem:s11+$0x2A0]  }
0x1e: {  	v3 =	vld [tilespmem:s11+$0x2B0]  }
0x1f: {  	v4 =	vld [tilespmem:s11+$0x2C0]  }
0x20: {  	v53 =	vld [tilespmem:s11+$0x2D0];
	[tilespmem:s11+$0x780] =	vst v0  }
0x21: {  	v54 =	vld [tilespmem:s11+$0x2E0];
	[tilespmem:s11+$0x790] =	vst v1  }
0x22: {  	v55 =	vld [tilespmem:s11+$0x2F0];
	[tilespmem:s11+$0x7A0] =	vst v2  }
0x23: {  	v56 =	vld [tilespmem:s11+$0x300];
	[tilespmem:s11+$0x7B0] =	vst v3  }
0x24: {  	v57 =	vld [tilespmem:s11+$0x310];
	[tilespmem:s11+$0x7C0] =	vst v4  }
0x25: {  	v58 =	vld [tilespmem:s11+$0x320];
	[tilespmem:s11+$0x7D0] =	vst v53  }
0x26: {  	v59 =	vld [tilespmem:s11+$0x330];
	[tilespmem:s11+$0x7E0] =	vst v54  }
0x27: {  	v60 =	vld [tilespmem:s11+$0x340];
	[tilespmem:s11+$0x7F0] =	vst v55  }
0x28: {  	v61 =	vld [tilespmem:s11+$0x350];
	[tilespmem:s11+$0x800] =	vst v56  }
0x29: {  	v62 =	vld [tilespmem:s11+$0x360];
	[tilespmem:s11+$0x810] =	vst v57  }
0x2a: {  	v63 =	vld [tilespmem:s11+$0x370];
	p2 =	por p1, p1;
	[tilespmem:s11+$0x820] =	vst v58  }
.Ltmp4:
0x2b: {  	[tilespmem:s11+$0x830] =	vst v59;
	(pc) =	sbr.rel @p2 .LBB2_5-.Ltmp4, $4  }
0x2c: {  	[tilespmem:s11+$0x840] =	vst v60  }
0x2d: {  	[tilespmem:s11+$0x850] =	vst v61  }
0x2e: {  	s12 =	simm.s32 $0x1F0;
	s13 =	simm.s32 $0x980;
	[tilespmem:s11+$0x860] =	vst v62  }
0x2f: {  	s14 =	simm.s32 $0x480;
	p1 =	por $0x0, $0x0;
	[tilespmem:s11+$0x870] =	vst v63;
	s11 =	simm.s32 $0x100  }
.LBB2_6:
0x30: {  	s12 =	sadd.s32 $0x10, s12  }
0x31: {  	v0 =	vld [tilespmem:s14+$0x0];
	p1 =	slt.u32 s12, $0x270  }
.Ltmp5:
0x32: {  	_ = 	snop;
	(pc) =	sbr.rel @p1 .LBB2_6-.Ltmp5, $2  }
0x33: {  	_ =	sdelay $0x2  }
0x34: {  	s14 =	sadd.s32 $0x10, s14;
	[tilespmem:s13+$0x0] =	vst v0;
	s13 =	sadd.s32 $0x10, s13  }
.Ltmp6:
0x35: {  	(pc) =	sbr.rel .LBB2_8-.Ltmp6, $4  }
0x36: {  	_ = 	snop  }
0x37: {  	s10 =	sshrl.u32 s10, $0x3  }
0x38: {  	s10 =	sadd.s32 s2, s10  }
0x39: {  	[hbm4b:s10+s6] =	stream.linear.scatter [tilespmem:s8], [sflag:$0x2], $0x280, $0x38;
	[tilespmem:$0xA00] =	vst v63  }
.LBB2_2:
.Ltmp7:
0x3a: {  	(pc) =	sbr.rel .LBB2_9-.Ltmp7, $2  }
0x3b: {  	_ =	sdelay $0x2  }
0x3c: {  	[tilespmem:s7], [sflag:$0x1] =	stream.linear.gather [hbm4b:s5+s6], $0x280, $0x38;
	[tilespmem:$0xA00] =	vst v63  }
.LBB2_10:
0x3d: {  	s2 =	simm.s32 $0x2  }
0x3e: {  	_ =	swait.ge [sflag:s2], $0x280  }
0x3f: {  	[sflag:s2] =	ssyncset.done $0x0  }
0x40: {  	[sflag:s2] =	ssyncadd.s32 $0xFFFFFD80  }
0x41: {  	_ =	sfence.sel $0x180000  }
0x42: {  	s3 =	simm.s32 $0x1;
	[bflag:$0x0] =	sbarrier.arrive $0xFFFF  }
0x43: {  	[sflag:s3] =	ssyncpa.u1 $0x1  }
0x44: {  	[sflag:s2] =	ssyncpa.u1 $0x1  }
0x45: {  	_ =	strace $0x90000059  }
0x46: {  	s0 =	sadd.s32 @!p0 $0x100000, s0;
	[bflag:$0x2] =	sbarrier.arrive $0xFFFF  }
0x47: {  	[sflag:s0] =	ssyncadd.tile.s32 @!p0 $0x1;
	s0 =	simm.s32 @!p0 $0x3F  }
0x48: {  	_ =	swait.ge @!p0 [sflag:s0], s1  }
0x49: {  	s1 =	ssub.s32 @!p0 $0x0, s1;
	[sflag:s0] =	ssyncset.done @!p0 $0x0  }
0x4a: {  	[sflag:s0] =	ssyncadd.s32 @!p0 s1  }
0x4b: {  	[bflag:$0x3] =	sbarrier.arrive $0xFFFF  }
0x4c: {  	_ =	shalt  }
.Lfunc_end2:
execute1_lowered:
.L_overlay_start_2:
0x4d: {  	(tag) =	ssettag $0x2  }
0x4e: {  	s1 =	rddreg [dreg:$0x0]  }
0x4f: {  	s0 =	rddreg [dreg:$0x1]  }
0x50: {  	s6 =	stileid.u32;
	_ =	strace $0x8000005C;
	s2 =	simm.s32 $0x1  }
0x51: {  	v1 =	vimm.s32 $0xFFFFFFFF;
	s3 =	smin.u32 s6, $0x9;
	[sflag:s2] =	ssyncpa.u1 $0x0  }
0x52: {  	s3 =	sadd.s32 s6, s3;
	[tilespmem:$0x10] =	vst v1  }
0x53: {  	s4 =	simm.s32 $0x3520;
	v0 =	vimm.f32 $0.0e+00;
	p0 =	slt.u32 s6, $0x9;
	[tilespmem:$0x20] =	vst v1;
	s3 =	smul.u32 $0x1A90, s3  }
0x54: {  	s4 =	simm.s32 @!p0 $0x1A90;
	[tilespmem:$0x30] =	vst v0  }
0x55: {  	[tilespmem:$0x40] =	vst v0;
	s4 =	sadd.s32 s4, s3  }
0x56: {  	[tilespmem:$0x50] =	vst v0;
	s4 =	smin.u32 s4, $0x29810  }
0x57: {  	[tilespmem:$0x60] =	vst v1;
	s9 =	ssub.s32 s4, s3  }
0x58: {  	s7 =	simm.s32 $0x2;
	s8 =	simm.s32 $0x8;
	[tilespmem:$0x70] =	vst v1;
	p0 =	sgt.s32 s9, $0x0  }
0x59: {  	s31 =	simm.s32 $0x9;
	s16 =	simm.s32 $0x0;
	[tilespmem:$0x80] =	vst v1;
	s9 =	simm.s32 @!p0 $0x0  }
0x5a: {  	s17 =	simm.s32 $0xF0;
	s18 =	simm.s32 $0xFFFFFFFF;
	v1 =	vimm.s32 $0x0;
	[tilespmem:$0xB0] =	vst v0;
	s5 =	smulhi.u32 $0x134679AD, s9  }
0x5b: {  	s19 =	simm.s32 $0xFFFFCBE0;
	s20 =	simm.s32 $0xFFFFFFFE;
	s21 =	simm.s32 $0xF;
	[tilespmem:$0x90] =	vst v1  }
0x5c: {  	[tilespmem:$0xA0] =	vst v1;
	[sflag:s7] =	ssyncpa.u1 $0x0;
	s7 =	simm.s32 $0x7;
	s10 =	sshrl.u32 s5, $0x9  }
0x5d: {  	s25 =	simm.s32 $0x0;
	[sflag:s7] =	ssyncpa.u1 $0x0;
	s11 =	smul.u32 $0x1A90, s10  }
0x5e: {  	s24 =	simm.s32 $0x0;
	s14 =	sshllo.u32 s6, $0x1;
	[sflag:s8] =	ssyncpa.u1 $0x0  }
.Ltmp8:
0x5f: {  	s23 =	smov.u32 s3;
	p0 =	sne.s32 s9, s11;
	(pc) =	sbr.rel .LBB3_1-.Ltmp8, $4  }
0x60: {  	s5 =	sadd.s32 $0x46A00, s0;
	s0 =	sadd.s32 $0x4BE00, s0;
	s2 =	simm.s32 @!p0 $0x0  }
0x61: {  	[sflag:s31] =	ssyncpa.u1 $0x0;
	[dreg:$0x3] =	wrdreg s0;
	s9 =	sadd.s32 s2, s10  }
0x62: {  	vm0 =	vmmov $0xffff;
	v2 =	vlaneseq.u32;
	p0 =	por $0x0, $0x0;
	s10 =	sshll.u32 s6, $0x1;
	s11 =	sadd.s32 $0x1, s9  }
0x63: {  	vm1 =	vmxor vm1, vm1;
	vm2 =	vmmov $0x1;
	vm3 =	vcmask $0x3F3C;
	s12 =	sadd.s32 $0x2, s9;
	s13 =	sor.u32 $0x81, s10;
	s15 =	sor.u32 $0x80, s10  }
.LBB3_9:
0x64: {  	p1 =	slt.u32 s24, $0x3  }
0x65: {  	s0 =	simm.s32 @!p1 $0x2  }
0x66: {  	_ =	swait.ge @!p1 [sflag:s0], $0x1A90  }
0x67: {  	[sflag:s0] =	ssyncset.done @!p1 $0x0  }
0x68: {  	[sflag:s0] =	ssyncadd.s32 @!p1 $0xFFFFE570;
	s0 =	simm.s32 @!p1 $0x9  }
0x69: {  	_ =	swait.ge @!p1 [sflag:s0], $0x10  }
0x6a: {  	[sflag:s0] =	ssyncset.done @!p1 $0x0  }
0x6b: {  	[sflag:s0] =	ssyncadd.s32 @!p1 $0xFFFFFFF0;
	p1 =	sne.s32 s24, s12  }
.Ltmp9:
0x6c: {  	s2 =	sadd.s32 $0x1A90, s23;
	(pc) =	sbr.rel @!p1 .LBB3_10-.Ltmp9, $4  }
0x6d: {  	s6 =	smov.u32 s3;
	s31 =	sadd.s32 $0x1, s24;
	s17 =	sadd.s32 $0x1A90, s17  }
0x6e: {  	s18 =	sadd.s32 $0x1, s18;
	s25 =	smov.u32 s23;
	p2 =	slt.s32 s2, s4  }
0x6f: {  	p0 =	por !p0, !p0;
	s19 =	sadd.s32 $0x1A90, s19;
	s6 =	smov.u32 @p2 s2  }
0x70: {  	s20 =	sadd.s32 $0x1, s20;
	s23 =	smov.u32 s6;
	s24 =	smov.u32 s31  }
.LBB3_1:
0x71: {  	p1 =	sge.u32 s24, s9  }
0x72: {  	s0 =	smulhi.u32 @!p1 $0xAAAAAAAB, s24;
	_ =	sdelay $0x1  }
0x73: {  	s0 =	sshrl.u32 @!p1 s0, $0x1  }
0x74: {  	s0 =	smul.u32 @!p1 $0x3, s0;
	_ =	sdelay $0x1  }
0x75: {  	s0 =	ssub.s32 @!p1 s24, s0  }
0x76: {  	s0 =	smul.u32 @!p1 $0x6A40, s0;
	_ =	sdelay $0x1  }
0x77: {  	s2 =	sshrl.u32 @!p1 s23, $0x3;
	s0 =	sshrl.u32 @!p1 s0, $0x2  }
0x78: {  	s22 =	sand.u32 @!p1 $0x7, s23;
	s2 =	sadd.s32 @!p1 s5, s2;
	s0 =	sadd.s32 @!p1 $0x100, s0  }
0x79: {  	[tilespmem:s0], [sflag:$0x7] =	stream.linear.gather @!p1 [hbm4b:s2+s22], $0x1A90, $0x38;
	[tilespmem:$0xF030] =	vst v63  }
0x7a: {  	s0 =	sadd.s32 $0xFFFFFFFF, s24  }
0x7b: {  	p1 =	sge.u32 s0, s9  }
.Ltmp10:
0x7c: {  	_ = 	snop;
	(pc) =	sbr.rel @p1 .LBB3_5-.Ltmp10, $1  }
0x7d: {  	_ =	sdelay $0x3  }
0x7e: {  	s2 =	smulhi.u32 $0xAAAAAAAB, s0;
	_ =	sdelay $0x1  }
0x7f: {  	s2 =	sshrl.u32 s2, $0x1  }
0x80: {  	s2 =	smul.u32 $0x3, s2;
	_ =	sdelay $0x1  }
0x81: {  	s2 =	ssub.s32 s0, s2  }
0x82: {  	s2 =	smul.u32 $0x6A40, s2  }
0x83: {  	_ =	swait.ge [sflag:s7], $0x1A90  }
0x84: {  	[sflag:s7] =	ssyncset.done $0x0;
	s2 =	sshrl.u32 s2, $0x2  }
0x85: {  	[sflag:s7] =	ssyncadd.s32 $0xFFFFE570;
	(ifvalue) =	ssetifvalue $0xFFFFFFFF;
	v3 =	vld.msk [tilespmem:s2+$0x100 ss:$0x1], $0xffff;
	_ =	sdelay $0x2  }
0x86: {  	s30 =	smulhi.u32 $0xAAAAAAAB, s18;
	p1 =	sne.s32 s24, $0x1  }
0x87: {  	v4 =	vimm.s32 @!p1 $0x0  }
0x88: {  	s2 =	sshrl.u32 s30, $0x1;
	v4 =	vperm.xlane @!p1 v3, v4  }
0x89: {  	s22 =	sshll.u32 s24, $0x4;
	s2 =	smul.u32 $0xFFFEC140, s2;
	vm4 =	vlt.u32 v3, $0x2800  }
0x8a: {  	s22 =	sand.u32 $0x10, s22;
	v3 =	vnsel vm4, $0xFFFFFFFE, v3;
	vm4 =	vlt.u32 @!p1 v4, $0x2800  }
0x8b: {  	s2 =	sshra.s32 s2, $0x2;
	[tilespmem:s22+$0x60] =	vst v3;
	v3 =	vnsel @!p1 vm4, $0xFFFFFFFE, v4  }
0x8c: {  	s28 =	sadd.s32 s2, s17;
	[tilespmem:$0x80] =	vst @!p1 v3  }
0x8d: {  	v3 =	vld.msk [tilespmem:s28+$0x0 ss:$0x1], $0xffff;
	_ =	sdelay $0x4  }
0x8e: {  	(xrf1) =	vunique.msk.u32 $0xffff, v3;
	_ =	sdelay $0xd  }
0x8f: {  	v4 =	vimm.s32 $0xFFFFFFFF;
	v5, _, _ =	vpop (xrf1)  }
0x90: {  	vm5 =	vne.s32 v3, v4;
	vm4 =	veq.s32 v5, v2  }
0x91: {  	vm6 =	vlt.u32 v3, $0x2800;
	vm4 =	vmand vm5, vm4  }
0x92: {  	vm4 =	vmand vm6, vm4  }
0x93: {  	v4 =	vnsel vm4, $0xFFFFFFFF, v3  }
0x94: {  	s31 =	sand.u32 $0x1, s0  }
0x95: {  	s0 =	simm.s32 $0x1A90;
	p1 =	seq.s32 s31, $0x1  }
0x96: {  	s0 =	simm.s32 @!p1 $0x0  }
0x97: {  	s26 =	sadd.s32 $0x6B30, s0;
	(ifvalue) =	ssetifvalue $0xFFFFFFFF  }
0x98: {  	v3 =	vperm.xlane v3, v1;
	[tilespmem:s26], [sflag:$0x8] =	stream.indirect_vreg.gather [hbm4b:s1+s16], $0x1, v4, vm0, $0x4038;
	v4 =	vnsel vm6, $0xFFFFFFFE, v4;
	[tilespmem:$0xF030] =	vst v63  }
0x99: {  	s2 =	simm.s32 $0x0;
	s22 =	sadd.s32 $0xFFFFFFF0, s28;
	[tilespmem:s28+$0x0] =	vst v4  }
.LBB3_3:
0x9a: {  	v4 =	vld.msk [tilespmem:s22+$0x0 ss:$0x1], $0xffff;
	s2 =	sadd.s32 $0x10, s2;
	v5 =	vmov v3;
	s28 =	smov.u32 s22  }
0x9b: {  	p1 =	slt.u32 s2, $0x1A80;
	_ =	sdelay $0x4  }
0x9c: {  	v3 =	vperm.xlane v4, v1;
	(xrf1) =	vunique.msk.u32 $0xffff, v4;
	_ =	sdelay $0xd  }
0x9d: {  	v6, _, _ =	vpop (xrf1)  }
0x9e: {  	vm5 =	vne.s32 v4, v5;
	vm4 =	veq.s32 v6, v2  }
0x9f: {  	vm6 =	vlt.u32 v4, $0x2800;
	vm4 =	vmand vm5, vm4  }
0xa0: {  	vm4 =	vmand vm6, vm4  }
0xa1: {  	v4 =	vnsel vm4, $0xFFFFFFFF, v4  }
.Ltmp11:
0xa2: {  	v5 =	vnsel vm6, $0xFFFFFFFE, v4;
	(pc) =	sbr.rel @p1 .LBB3_3-.Ltmp11, $3  }
0xa3: {  	_ =	sdelay $0x1  }
0xa4: {  	s22 =	sadd.s32 $0xFFFFFFF0, s22;
	s26 =	sadd.s32 $0xFFFFFFF0, s26;
	(ifvalue) =	ssetifvalue $0xFFFFFFFF  }
0xa5: {  	[tilespmem:s26], [sflag:$0x8] =	stream.indirect_vreg.gather [hbm4b:s1+s16], $0x1, v4, vm0, $0x4038;
	[tilespmem:s28+$0x0] =	vst v5  }
0xa6: {  	s2 =	sshrl.u32 s25, $0x3;
	s6 =	rddreg [dreg:$0x3]  }
0xa7: {  	s0 =	sadd.s32 $0x85D0, s0;
	s2 =	sadd.s32 s6, s2  }
0xa8: {  	[tilespmem:s0], [sflag:$0x8] =	stream.linear.gather [hbm:s2], $0x1A90, $0x38;
	[tilespmem:$0xF030] =	vst v63  }
.LBB3_5:
0xa9: {  	p1 =	slt.u32 s24, $0x2  }
0xaa: {  	p2 =	sge.u32 @!p1 s24, s12  }
0xab: {  	p1 =	por p1, p2  }
.Ltmp12:
0xac: {  	_ = 	snop;
	(pc) =	sbr.rel @p1 .LBB3_9-.Ltmp12, $1  }
0xad: {  	_ =	sdelay $0x3  }
0xae: {  	s0 =	sadd.s32 $0xFFFFFFFE, s24  }
0xaf: {  	s2 =	smulhi.u32 $0xAAAAAAAB, s0;
	_ =	sdelay $0x1  }
0xb0: {  	s2 =	sshrl.u32 s2, $0x1  }
0xb1: {  	s2 =	smul.u32 $0x3, s2;
	_ =	sdelay $0x1  }
0xb2: {  	s0 =	ssub.s32 s0, s2  }
0xb3: {  	_ =	swait.ge [sflag:s8], $0x3520;
	s0 =	smul.u32 $0x1A90, s0  }
0xb4: {  	p1 =	sne.s32 s24, s11;
	[sflag:s8] =	ssyncset.done $0x0  }
0xb5: {  	[sflag:s8] =	ssyncadd.s32 $0xFFFFCAE0;
	s2 =	sadd.s32 @!p1 $0x1B8F, s0  }
0xb6: {  	[spmem:s13] =	stream.linear.scatter @!p1 [tilespmem:s2], [sflag:$0x1], $0x1, $0x38;
	[tilespmem:$0xF030] =	vst v63  }
0xb7: {  	s2 =	simm.s32 @!p1 $0x1  }
0xb8: {  	_ =	swait.ge @!p1 [sflag:s2], $0x1  }
0xb9: {  	s22 =	sshll.u32 s24, $0x4;
	[sflag:s2] =	ssyncset.done @!p1 $0x0  }
0xba: {  	s25 =	sand.u32 $0x10, s22;
	[sflag:s2] =	ssyncadd.s32 @!p1 $0xFFFFFFFF  }
0xbb: {  	s2 =	sxor.u32 $0x10, s25;
	v4 =	vld [tilespmem:s25+$0x10]  }
0xbc: {  	v5 =	vld [tilespmem:s2+$0x60]  }
0xbd: {  	v3 =	vld [tilespmem:$0x80];
	_ =	sdelay $0x2  }
0xbe: {  	(v2sf) =	vpush v4, $0x0  }
0xbf: {  	(v2sf) =	vpush v5, $0x0  }
0xc0: {  	(v2sf) =	vpush v3, $0x0;
	_ =	sdelay $0xc  }
0xc1: {  	s6 =	spop (v2sf)  }
0xc2: {  	s28 =	spop (v2sf)  }
0xc3: {  	s26 =	spop (v2sf)  }
0xc4: {  	p2 =	seq.s32 s6, s28;
	p3 =	seq.s32 s26, s6  }
0xc5: {  	p3 =	por p2, p3  }
0xc6: {  	s6 =	sand.u32 $0x1, s24;
	v4 =	vpsel p3, $0xFFFFFFFF, v4  }
0xc7: {  	s28 =	smul.u32 $0x1A90, s6;
	[tilespmem:s25+$0x10] =	vst.msk $0x1, v4  }
0xc8: {  	v4 =	vld [tilespmem:$0x30]  }
0xc9: {  	v5 =	vld [tilespmem:s28+$0x85D0]  }
0xca: {  	v6 =	vld [tilespmem:s25+$0x40];
	_ =	sdelay $0x3  }
0xcb: {  	vm4 =	vmmov vm1;
	v5 =	vadd.f32 v5, v4  }
0xcc: {  	vm5 =	vmmov vm2;
	vm4 =	vmmov @p2 vm2;
	v4 =	vadd.f32 v6, v4  }
0xcd: {  	s22 =	sshll.u32 s6, $0x4;
	vm5 =	vmmov @p3 vm1;
	[tilespmem:s28+$0x85D0] =	vst.msk vm4, v5  }
0xce: {  	[tilespmem:s22+$0xF010] =	vst.msk vm5, v4  }
0xcf: {  	v4 =	vld [tilespmem:s28+$0x6B30];
	_ =	sdelay $0x3  }
0xd0: {  	v5 =	vimm.f32 $0.0e+00  }
0xd1: {  	v4 =	vshift.insert v4, v5, s21  }
0xd2: {  	s29 =	sor.u32 $0x40, s2  }
0xd3: {  	[tilespmem:s29+$0x0] =	vst.msk $0x1, v4  }
0xd4: {  	[tilespmem:s28+$0x6B3F] =	vst.msk $0x1, v5  }
0xd5: {  	v4 =	vld [tilespmem:s0+$0x1B80];
	_ =	sdelay $0x1  }
0xd6: {  	s29 =	smulhi.u32 $0xAAAAAAAB, s20;
	s0 =	simm.s32 $0x1  }
0xd7: {  	s0 =	simm.s32 @!p0 $0x0  }
0xd8: {  	s29 =	sshrl.u32 s29, $0x1;
	s0 =	smul.u32 $0x6A40, s0  }
0xd9: {  	s29 =	smul.u32 $0xFFFEC140, s29;
	v4 =	vshift.insert v4, v1, s21  }
0xda: {  	s0 =	sshrl.u32 s0, $0x2  }
0xdb: {  	s29 =	sshra.s32 s29, $0x2;
	s30 =	sadd.s32 $0x85D0, s0;
	[tilespmem:s2+$0x10] =	vst.msk $0x1, v4  }
0xdc: {  	s6 =	sadd.s32 s29, s19;
	v6 =	vld [tilespmem:s30+$0x0]  }
0xdd: {  	v7 =	vld [tilespmem:s6+$0x0];
	_ =	sdelay $0x3  }
0xde: {  	v5 =	vadd.f32 v6, v5  }
0xdf: {  	vm4 =	vne.s32 v7, $0xFFFFFFFF  }
0xe0: {  	(xrf2) =	vadd.seg.scan.f32 vm4, v5;
	_ =	sdelay $0x3  }
0xe1: {  	s31 =	sadd.s32 $0x50B0, s0;
	v5 =	vperm.xlane v4, v1  }
0xe2: {  	v6 =	vld [tilespmem:s31+$0x0]  }
0xe3: {  	vm5 =	veq.s32 v7, v3;
	vm6 =	veq.s32 v7, v5  }
0xe4: {  	vm7 =	vgt.u32 v7, $0xFFFFFFFD;
	vm6 =	vmor vm6, vm5  }
0xe5: {  	vm6 =	vmor vm6, vm7  }
0xe6: {  	v9 =	vld [tilespmem:$0xA0];
	v7 =	vsel vm6, $0xFFFFFFFF, v7  }
0xe7: {  	v10 =	vld [tilespmem:$0x90];
	v6 =	vsel vm5, $0x0, v6;
	v8, _, _ =	vpop (xrf2)  }
0xe8: {  	v6 =	vadd.f32 v8, v6  }
0xe9: {  	s0 =	sadd.s32 $0xBAF0, s0  }
0xea: {  	vm4 =	vmand vm4, vm3;
	[tilespmem:s0+$0x0] =	vst v6;
	(ifvalue) =	ssetifvalue $0xFFFFFFFF  }
0xeb: {  	vm6 =	veq.s32 v9, $0x1;
	[hbm4b:s1+s16] =	stream.indirect_vreg.scatter [tilespmem:s0], [sflag:$0x2], $0x1, v7, vm0, $0x4038;
	v7 =	vsel vm4, $0x0, v8;
	[tilespmem:$0xF030] =	vst v63  }
0xec: {  	s29 =	sadd.s32 $0xF010, s22;
	s22 =	sadd.s32 $0x10, s6;
	s2 =	simm.s32 $0x0;
	vm4 =	vmor vm6, vm5;
	v6 =	vsel vm5, v8, v10;
	v7 =	vshift.insert v7, v0, s21  }
.LBB3_7:
0xed: {  	v8 =	vld [tilespmem:s22+$0x0];
	s30 =	sadd.s32 $0x10, s30  }
0xee: {  	s31 =	sadd.s32 $0x10, s31;
	v9 =	vld [tilespmem:s30+$0x0]  }
0xef: {  	s2 =	sadd.s32 $0x10, s2;
	v10 =	vld [tilespmem:s31+$0x0]  }
0xf0: {  	p2 =	slt.u32 s2, $0x1A80;
	_ =	sdelay $0x2  }
0xf1: {  	v7 =	vadd.f32 v9, v7  }
0xf2: {  	vm5 =	vne.s32 v8, $0xFFFFFFFF  }
0xf3: {  	vm6 =	vmand vm5, vm3;
	(xrf2) =	vadd.seg.scan.f32 vm5, v7;
	_ =	sdelay $0x5  }
0xf4: {  	vm7 =	veq.s32 v8, v5;
	vm5 =	veq.s32 v8, v3  }
0xf5: {  	vm8 =	vgt.u32 v8, $0xFFFFFFFD;
	vm4 =	vmor vm4, vm5;
	vm7 =	vmor vm7, vm5  }
0xf6: {  	vm7 =	vmor vm7, vm8  }
0xf7: {  	v8 =	vsel vm7, $0xFFFFFFFF, v8  }
.Ltmp13:
0xf8: {  	v7 =	vsel vm5, $0x0, v10;
	v9, _, _ =	vpop (xrf2);
	(pc) =	sbr.rel @p2 .LBB3_7-.Ltmp13, $4  }
0xf9: {  	v6 =	vsel vm5, v9, v6;
	v10 =	vadd.f32 v9, v7;
	v7 =	vsel vm6, $0x0, v9  }
0xfa: {  	s0 =	sadd.s32 $0x10, s0;
	v7 =	vshift.insert v7, v0, s21  }
0xfb: {  	s22 =	sadd.s32 $0x10, s22;
	[tilespmem:s0+$0x0] =	vst v10;
	(ifvalue) =	ssetifvalue $0xFFFFFFFF  }
0xfc: {  	[hbm4b:s1+s16] =	stream.indirect_vreg.scatter [tilespmem:s0], [sflag:$0x2], $0x1, v8, vm0, $0x4038;
	[tilespmem:$0xF030] =	vst v63  }
0xfd: {  	v3 =	vld [tilespmem:s28+$0xD570];
	_ =	sdelay $0x4  }
0xfe: {  	v3 =	vshift.insert v3, v0, s21  }
0xff: {  	s0 =	simm.s32 $0x30  }
0x100: {  	[tilespmem:s0+$0x0] =	vst.msk $0x1, v3  }
0x101: {  	v3 =	vsel vm4, $0x1, v1;
	[tilespmem:$0x90] =	vst v6  }
0x102: {  	s0 =	sadd.s32 @!p1 $0xD57F, s28;
	[tilespmem:$0xA0] =	vst v3  }
0x103: {  	[spmem:s14] =	stream.linear.scatter @!p1 [tilespmem:s0], [sflag:$0x1], $0x1, $0x38;
	[tilespmem:$0xF030] =	vst v63  }
0x104: {  	s0 =	simm.s32 @!p1 $0x1  }
0x105: {  	v3 =	vmctz.xlane @!p1 vm4;
	_ =	swait.ge @!p1 [sflag:s0], $0x1  }
0x106: {  	(v2sf) =	vpush @!p1 v4, $0x0  }
0x107: {  	(v2sf) =	vpush @!p1 v3, $0x0;
	_ =	sdelay $0xd  }
0x108: {  	s2 =	spop @!p1 (v2sf)  }
0x109: {  	s6 =	spop @!p1 (v2sf)  }
0x10a: {  	p2 =	sne.s32 @!p1 s26, s2;
	p3 =	slt.s32 @!p1 s6, $0xF  }
0x10b: {  	[sflag:s0] =	ssyncset.done @!p1 $0x0;
	p2 =	por p2, p1;
	p3 =	por !p3, p1  }
0x10c: {  	[sflag:s0] =	ssyncadd.s32 @!p1 $0xFFFFFFFF;
	v3 =	vimm.s32 @!p2 $0xFFFFFFFF;
	s6 =	simm.s32 @p3 $0xF  }
0x10d: {  	[tilespmem:$0x80] =	vst @!p2 v3;
	s2 =	sadd.s32 @!p1 $0x90, s6  }
0x10e: {  	[spmem:s10] =	stream.linear.scatter @!p1 [tilespmem:s2], [sflag:$0x1], $0x1, $0x38;
	[tilespmem:$0xF030] =	vst v63  }
0x10f: {  	_ =	swait.ge @!p1 [sflag:s0], $0x1  }
0x110: {  	[sflag:s0] =	ssyncset.done @!p1 $0x0  }
0x111: {  	s2 =	simm.s32 @!p1 $0x80;
	[sflag:s0] =	ssyncadd.s32 @!p1 $0xFFFFFFFF  }
0x112: {  	[spmem:s15] =	stream.linear.scatter @!p1 [tilespmem:s2], [sflag:$0x1], $0x1, $0x38;
	[tilespmem:$0xF030] =	vst v63  }
0x113: {  	_ =	swait.ge @!p1 [sflag:s0], $0x1  }
0x114: {  	[sflag:s0] =	ssyncset.done @!p1 $0x0  }
0x115: {  	[sflag:s0] =	ssyncadd.s32 @!p1 $0xFFFFFFFF;
	(ifvalue) =	ssetifvalue $0xFFFFFFFF;
	v3 =	vld [tilespmem:s25+$0x10];
	_ =	sdelay $0x3  }
.Ltmp14:
0x116: {  	_ = 	snop;
	(pc) =	sbr.rel .LBB3_9-.Ltmp14, $3  }
0x117: {  	_ =	sdelay $0x1  }
0x118: {  	(ifvalue) =	ssetifvalue $0xFFFFFFFF  }
0x119: {  	[hbm4b:s1+s16] =	stream.indirect_vreg.scatter [tilespmem:s29], [sflag:$0x9], $0x1, v3, vm0, $0x4038;
	[tilespmem:$0xF030] =	vst v63  }
.LBB3_10:
0x11a: {  	_ =	sfence.sel $0x180000  }
0x11b: {  	s0 =	simm.s32 $0x7;
	[bflag:$0x0] =	sbarrier.arrive $0xFFFF  }
0x11c: {  	s26 =	simm.s32 $0x8;
	[sflag:s0] =	ssyncpa.u1 $0x1  }
0x11d: {  	s28 =	simm.s32 $0x9;
	[sflag:s26] =	ssyncpa.u1 $0x1  }
0x11e: {  	[sflag:s28] =	ssyncpa.u1 $0x1  }
0x11f: {  	_ =	sfence.stream.spmem  }
0x120: {  	s29 =	simm.s32 $0x3;
	[bflag:$0x0] =	sbarrier.arrive $0xFFFF  }
0x121: {  	s30 =	simm.s32 $0x4;
	[sflag:s29] =	ssyncpa.u1 $0x1  }
0x122: {  	s31 =	simm.s32 $0x3C;
	s2 =	stileid.u32;
	[sflag:s30] =	ssyncpa.u1 $0x1  }
0x123: {  	p0 =	sne.s32 s2, $0x0;
	[sflag:s31] =	ssyncpa.u1 $0x1  }
0x124: {  	s0 =	simm.s32 @p0 $0x1;
	_ =	sfence @p0  }
0x125: {  	[sflag:s0] =	ssyncpa.u1 @p0 $0x1;
	s0 =	simm.s32 @p0 $0x2  }
0x126: {  	[sflag:s0] =	ssyncpa.u1 @p0 $0x1  }
0x127: {  	_ =	strace @p0 $0x9000005C  }
0x128: {  	[bflag:$0x2] =	sbarrier.arrive @p0 $0xFFFF  }
0x129: {  	_ =	shalt @p0  }
.LBB3_11:
0x12a: {  	_ =	sfence.stream.spmem;
	s0 =	simm.s32 $0x5  }
0x12b: {  	s2 =	simm.s32 $0x80;
	s3 =	simm.s32 $0xC0;
	[sflag:s0] =	ssyncpa.u1 $0x0  }
0x12c: {  	[tilespmem:s3], [sflag:$0x5] =	stream.linear.gather [spmem:s2], $0x20, $0x38;
	[tilespmem:$0xF030] =	vst v63  }
0x12d: {  	s2 =	simm.s32 $0x0;
	s3 =	simm.s32 $0xE0  }
0x12e: {  	[tilespmem:s3], [sflag:$0x5] =	stream.linear.gather [spmem:s2], $0x20, $0x38;
	[tilespmem:$0xF030] =	vst v63  }
.Ltmp15:
0x12f: {  	_ = 	snop;
	(pc) =	sbr.rel .LBB3_12-.Ltmp15, $4  }
0x130: {  	_ =	swait.ge [sflag:s0], $0x40  }
0x131: {  	[sflag:s0] =	ssyncset.done $0x0  }
0x132: {  	s31 =	simm.s32 $0x6;
	[sflag:s0] =	ssyncadd.s32 $0xFFFFFFC0  }
0x133: {  	s4 =	simm.s32 $0x0;
	[sflag:s31] =	ssyncpa.u1 $0x0  }
.LBB3_17:
0x134: {  	p0 =	sgt.u32 s5, $0x27FF  }
0x135: {  	s0 =	sshrl.u32 @!p0 s5, $0x3  }
0x136: {  	s5 =	sand.u32 @!p0 $0x7, s5;
	s6 =	simm.s32 @!p0 $0xB0;
	s0 =	sadd.s32 @!p0 s1, s0  }
0x137: {  	[tilespmem:s6], [sflag:$0x6] =	stream.linear.gather @!p0 [hbm4b:s0+s5], $0x1, $0x38;
	[tilespmem:$0xF030] =	vst v63  }
0x138: {  	s0 =	simm.s32 @!p0 $0x6  }
0x139: {  	_ =	swait.ge @!p0 [sflag:s0], $0x1  }
0x13a: {  	[sflag:s0] =	ssyncset.done @!p0 $0x0  }
0x13b: {  	[sflag:s0] =	ssyncadd.s32 @!p0 $0xFFFFFFFF  }
0x13c: {  	v2 =	vmov @!p0 s4;
	v1 =	vld.msk @!p0 [tilespmem:$0xB0], $0x1;
	_ =	sdelay $0x3  }
0x13d: {  	s0 =	simm.s32 @!p0 $0xE0  }
0x13e: {  	[tilespmem:v2+s0+$0x0], v1 =	vst.idx.ret.add.f32.msk @!p0 $0x1, v1  }
0x13f: {  	[tilespmem:s2+$0xC0] =	vst.msk $0x1, v0  }
0x140: {  	v0 =	vld.msk [tilespmem:s4+$0xE0], $0x1;
	_ =	sdelay $0x4  }
0x141: {  	[tilespmem:s2+$0xE0] =	vst.msk $0x1, v0;
	s2 =	sadd.s32 $0x1, s2  }
.LBB3_19:
0x142: {  	s4 =	sadd.s32 $0x1, s4  }
0x143: {  	p0 =	sne.s32 s4, $0x20  }
.Ltmp16:
0x144: {  	_ = 	snop;
	(pc) =	sbr.rel @!p0 .LBB3_20-.Ltmp16, $1  }
0x145: {  	_ =	sdelay $0x3  }
.LBB3_12:
0x146: {  	v0 =	vld.msk [tilespmem:s4+$0xC0], $0x1;
	_ =	sdelay $0x4  }
0x147: {  	(v2sf) =	vpush v0, $0x0;
	_ =	sdelay $0xe  }
0x148: {  	s5 =	spop (v2sf)  }
0x149: {  	p0 =	seq.s32 s5, $0xFFFFFFFF  }
.Ltmp17:
0x14a: {  	_ = 	snop;
	(pc) =	sbr.rel @p0 .LBB3_19-.Ltmp17, $1  }
0x14b: {  	_ =	sdelay $0x3  }
0x14c: {  	p0 =	slt.s32 s2, $0x1  }
.Ltmp18:
0x14d: {  	_ = 	snop;
	(pc) =	sbr.rel @p0 .LBB3_17-.Ltmp18, $1  }
0x14e: {  	_ =	sdelay $0x3  }
0x14f: {  	s0 =	simm.s32 $0xC0;
	p0 =	por $0x0, $0x0  }
0x150: {  	v1 =	vld.msk @!p0 [tilespmem:s0+$0x0], $0x1;
	_ =	sdelay $0x4  }
0x151: {  	(v2sf) =	vpush @!p0 v1, $0x0;
	_ =	sdelay $0xd  }
0x152: {  	p2 =	sne.s32 s2, $0x1  }
.Ltmp19:
0x153: {  	s6 =	spop @!p0 (v2sf);
	(pc) =	sbr.rel @!p2 .LBB3_16-.Ltmp19, $4  }
0x154: {  	p1 =	seq.s32 @!p0 s5, s6  }
0x155: {  	s6 =	simm.s32 $0x0;
	p1 =	por !p1, p0  }
0x156: {  	s8 =	simm.s32 $0xFFFFFFFF;
	s6 =	simm.s32 @p1 $0xFFFFFFFF  }
0x157: {  	s7 =	simm.s32 $0x1;
	s6 =	smov.u32 @p0 s8  }
.LBB3_15:
0x158: {  	s8 =	smov.u32 s6;
	p0 =	sne.s32 s6, $0xFFFFFFFF  }
0x159: {  	s0 =	sadd.s32 $0x1, s0;
	s6 =	smov.u32 s7;
	s7 =	sadd.s32 $0x1, s7  }
0x15a: {  	p1 =	sne.s32 s2, s7;
	v1 =	vld.msk @!p0 [tilespmem:s0+$0x0], $0x1;
	_ =	sdelay $0x4  }
0x15b: {  	(v2sf) =	vpush @!p0 v1, $0x0;
	_ =	sdelay $0xe  }
.Ltmp20:
0x15c: {  	s9 =	spop @!p0 (v2sf);
	(pc) =	sbr.rel @p1 .LBB3_15-.Ltmp20, $4  }
0x15d: {  	p2 =	seq.s32 @!p0 s5, s9  }
0x15e: {  	p2 =	por !p2, p0  }
0x15f: {  	s6 =	simm.s32 @p2 $0xFFFFFFFF  }
0x160: {  	s6 =	smov.u32 @p0 s8  }
.LBB3_16:
0x161: {  	p0 =	sne.s32 s6, $0xFFFFFFFF  }
.Ltmp21:
0x162: {  	_ = 	snop;
	(pc) =	sbr.rel @!p0 .LBB3_17-.Ltmp21, $1  }
0x163: {  	_ =	sdelay $0x3  }
0x164: {  	v0 =	vld.msk [tilespmem:s4+$0xE0], $0x1;
	v1 =	vmov s6  }
.Ltmp22:
0x165: {  	_ = 	snop;
	(pc) =	sbr.rel .LBB3_19-.Ltmp22, $2  }
0x166: {  	_ =	sdelay $0x2  }
0x167: {  	[tilespmem:v1+s3+$0x0], v0 =	vst.idx.ret.add.f32.msk $0x1, v0  }
.LBB3_20:
0x168: {  	p0 =	slt.s32 s2, $0x1  }
.Ltmp23:
0x169: {  	_ = 	snop;
	(pc) =	sbr.rel @p0 .LBB3_24-.Ltmp23, $3  }
0x16a: {  	_ =	sdelay $0x1  }
0x16b: {  	s0 =	simm.s32 $0x6  }
0x16c: {  	s3 =	simm.s32 $0x0;
	[sflag:s0] =	ssyncpa.u1 $0x1  }
0x16d: {  	s0 =	simm.s32 $0xC0  }
0x16e: {  	v0 =	vld.msk [tilespmem:s0+$0x0], $0x1;
	_ =	sdelay $0x4  }
0x16f: {  	(v2sf) =	vpush v0, $0x0;
	_ =	sdelay $0xe  }
0x170: {  	s2 =	sadd.s32 $0xFFFFFFFF, s2;
	s4 =	spop (v2sf)  }
0x171: {  	p1 =	sne.s32 s2, $0x0;
	p0 =	sgt.u32 s4, $0x27FF  }
.Ltmp24:
0x172: {  	s5 =	sshrl.u32 @!p0 s4, $0x3;
	(pc) =	sbr.rel @!p1 .LBB3_23-.Ltmp24, $4  }
0x173: {  	s0 =	simm.s32 $0xE0;
	s4 =	sand.u32 @!p0 $0x7, s4;
	s5 =	sadd.s32 @!p0 s1, s5  }
0x174: {  	[hbm4b:s5+s4] =	stream.linear.scatter @!p0 [tilespmem:s0], [sflag:$0x5], $0x1, $0x38;
	[tilespmem:$0xF030] =	vst v63  }
0x175: {  	s5 =	simm.s32 $0x0  }
0x176: {  	s4 =	simm.s32 $0xC1;
	s5 =	simm.s32 @!p0 $0x4  }
.LBB3_22:
0x177: {  	v0 =	vld.msk [tilespmem:s4+$0x0], $0x1;
	s2 =	sadd.s32 $0xFFFFFFFF, s2;
	s3 =	sadd.s32 s3, s5  }
0x178: {  	p0 =	sne.s32 s2, $0x0;
	_ =	sdelay $0x3  }
0x179: {  	(v2sf) =	vpush v0, $0x0;
	_ =	sdelay $0xe  }
.Ltmp25:
0x17a: {  	s6 =	spop (v2sf);
	(pc) =	sbr.rel @p0 .LBB3_22-.Ltmp25, $4  }
0x17b: {  	s5 =	simm.s32 $0x0;
	p1 =	sgt.u32 s6, $0x27FF  }
0x17c: {  	s0 =	sadd.s32 $0x1, s0;
	s5 =	simm.s32 @!p1 $0x4;
	s7 =	sshrl.u32 @!p1 s6, $0x3  }
0x17d: {  	s4 =	sadd.s32 $0x1, s4;
	s6 =	sand.u32 @!p1 $0x7, s6;
	s7 =	sadd.s32 @!p1 s1, s7  }
0x17e: {  	[hbm4b:s7+s6] =	stream.linear.scatter @!p1 [tilespmem:s0], [sflag:$0x5], $0x1, $0x38;
	[tilespmem:$0xF030] =	vst v63  }
.LBB3_23:
0x17f: {  	s0 =	sadd.s32 s3, s5  }
0x180: {  	s3 =	sshrl.u32 s0, $0x2  }
.LBB3_24:
0x181: {  	s0 =	simm.s32 $0x5  }
0x182: {  	_ =	swait.ge [sflag:s0], s3  }
0x183: {  	s1 =	ssub.s32 $0x0, s3;
	[sflag:s0] =	ssyncset.done $0x0  }
0x184: {  	[sflag:s0] =	ssyncadd.s32 s1  }
0x185: {  	[sflag:s0] =	ssyncpa.u1 $0x1  }
0x186: {  	s29 =	simm.s32 $0x1;
	_ =	sfence  }
0x187: {  	s30 =	simm.s32 $0x2;
	[sflag:s29] =	ssyncpa.u1 $0x1  }
0x188: {  	[sflag:s30] =	ssyncpa.u1 $0x1  }
0x189: {  	_ =	strace $0x9000005C  }
0x18a: {  	[bflag:$0x2] =	sbarrier.arrive $0xFFFF  }
0x18b: {  	s31 =	rddreg [dreg:$0x2]  }
0x18c: {  	s0 =	sadd.s32 $0x100000, s31  }
0x18d: {  	[sflag:s0] =	ssyncadd.tile.s32 $0x1;
	_ =	shalt  }
.Lfunc_end3:
_tile_overlayer_lowered:
.L_overlay_start_3:
0x18e: {  	(tag) =	ssettag $0x3  }
0x18f: {  	s0 =	rddreg [dreg:$0x0];
	s2 =	stileid.u32  }
0x190: {  	s1 =	rddreg [dreg:$0x1];
	p0 =	sne.s32 s2, $0x0  }
0x191: {  	s3 =	rddreg [dreg:$0x2];
	[bflag:$0x3] =	sbarrier.arrive $0xFFFF;
	s2 =	simm.s32 @!p0 $0x1C01  }
0x192: {  	[timem:s3], [sflag:s2] =	dma.local @!p0 [hbm:s0], s1  }
0x193: {  	s0 =	simm.s32 @!p0 $0x1  }
0x194: {  	_ =	swait.ge @!p0 [sflag:s0], s1  }
0x195: {  	s1 =	ssub.s32 @!p0 $0x0, s1;
	[sflag:s0] =	ssyncset.done @!p0 $0x0  }
0x196: {  	[sflag:s0] =	ssyncadd.s32 @!p0 s1  }
0x197: {  	[bflag:$0x3] =	sbarrier.arrive $0xFFFF  }
0x198: {  	_ =	shalt  }

// kernel: scatter_offload_async_start.5
scs
__scs_entry_jumppad:
0x0: {  	(pc) =	sbr.rel $0x88, $3  }
0x1: {  	(tag) =	ssettag $0x0;
	lr =	simm.s32 $0x1  }
0x2: {  	[smem:$0x3F93] =	sst lr;
	_ =	strace $0xD0000000  }
0x3: {  	_ = 	snop  }
0x4: {  	_ = 	snop  }
0x5: {  	_ = 	snop  }
0x6: {  	_ = 	snop  }
0x7: {  	_ = 	snop  }
__scs_overlays_trampoline_lowered:
0x8: {  	[smem:$0x3FA2] =	sst s0  }
0x9: {  	[smem:$0x3FA3] =	sst s1  }
0xa: {  	[smem:$0x3FA4] =	sst s2  }
0xb: {  	[smem:$0x3FA5] =	sst s3  }
0xc: {  	[smem:$0x3FA6] =	sst s4  }
0xd: {  	[smem:$0x3FA7] =	sst s5  }
0xe: {  	[smem:$0x3FA8] =	sst s6  }
0xf: {  	[smem:$0x3FA9] =	sst s7  }
0x10: {  	[smem:$0x3FAA] =	sst s8  }
0x11: {  	[smem:$0x3FAB] =	sst s9;
	s0 =	simm.s32 @!p0 $0x0  }
0x12: {  	s1 =	sld [smem:$0x3F91];
	s0 =	simm.s32 @p0 $0x1  }
0x13: {  	[smem:$0x3FAC] =	sst s0;
	s0 =	simm.s32 @!p1 $0x0  }
0x14: {  	s2 =	sld [smem:$0x3F90];
	s0 =	simm.s32 @p1 $0x1  }
0x15: {  	[smem:$0x3FAD] =	sst s0;
	s0 =	simm.s32 @!p2 $0x0  }
0x16: {  	s3 =	sld [smem:$0x3FDB];
	s0 =	simm.s32 @p2 $0x1  }
0x17: {  	s4 =	simm.s32 $0x1BF5;
	[smem:$0x3FAF] =	sst s0  }
0x18: {  	s0 =	sld [smem:$0x3F92];
	_ =	swait.ge [sflag:s4], $0x0  }
0x19: {  	s7 =	sld [smem:$0x3F93]  }
0x1a: {  	s8 =	sadd.s32 $0xFFFFE003, lr  }
0x1b: {  	s9 =	sadd.s32 $0xFFFFFEF7, lr;
	s5 =	simm.s32 $0xFFFFFFFF;
	p2 =	slt.u32 s8, $0xFFFFF086  }
0x1c: {  	p1 =	slt.u32 s9, $0xF7A;
	s5 =	simm.s32 @!p2 $0x0  }
0x1d: {  	s5 =	simm.s32 @p1 $0x1;
	p0 =	seq.s32 s7, s2  }
0x1e: {  	s7 =	smul.u32 @!p0 $0xF7A, s2;
	p2 =	seq.s32 @!p0 s5, $0x0  }
0x1f: {  	s9 =	smul.u32 $0xF7A, s1;
	s8 =	simm.s32 @!p0 $0x1BF5;
	p2 =	por !p2, p0  }
0x20: {  	[sflag:s8] =	ssyncset.s32 @!p0 $0xFFFFF086;
	s6 =	sadd.s32 @!p0 s3, s7;
	s7 =	simm.s32 @!p0 $0x108  }
0x21: {  	s3 =	sadd.s32 s3, s9;
	s6 =	sadd.s32 @!p0 $0x88, s6;
	s7 =	simm.s32 @p2 $0x1082  }
0x22: {  	[simem:s7], [sflag:s8] =	dma.local @!p0 [hbm:s6], $0xF7A  }
0x23: {  	s9 =	sor.u32 $0xD0000000, s2;
	s6 =	simm.s32 $0x108;
	_ =	swait.ge @!p0 [sflag:s8], $0x0  }
0x24: {  	s3 =	sadd.s32 $0x88, s3;
	s6 =	simm.s32 @!p1 $0x1082;
	[sflag:s4] =	ssyncset.s32 $0xFFFFF086  }
0x25: {  	[simem:s6], [sflag:s4] =	dma.local [hbm:s3], $0xF7A  }
0x26: {  	[smem:$0x3F93] =	sst s1;
	(tag) =	ssettag s2;
	_ =	strace s9  }
0x27: {  	s1 =	sld [smem:$0x3FA3]  }
0x28: {  	s2 =	sld [smem:$0x3FA4]  }
0x29: {  	s4 =	sld [smem:$0x3FA6]  }
0x2a: {  	p0 =	seq.s32 s5, $0x0;
	s5 =	sld [smem:$0x3FA7]  }
0x2b: {  	s6 =	sld [smem:$0x3FA8]  }
0x2c: {  	s7 =	sld [smem:$0x3FA9]  }
0x2d: {  	s3 =	simm.s32 $0x108;
	s8 =	sld [smem:$0x3FAA]  }
0x2e: {  	s3 =	simm.s32 @!p0 $0x1082;
	s9 =	sld [smem:$0x3FAB]  }
0x2f: {  	lr =	sadd.s32 s0, s3;
	s0 =	sld [smem:$0x3FA2]  }
0x30: {  	s3 =	sld [smem:$0x3FA5]  }
0x31: {  	[smem:$0x3FAE] =	sst s10  }
0x32: {  	s10 =	sld [smem:$0x3FAC];
	_ =	sdelay $0x3  }
0x33: {  	p0 =	seq.s32 s10, $0x1;
	s10 =	sld [smem:$0x3FAE];
	_ =	sdelay $0x3  }
0x34: {  	[smem:$0x3FAE] =	sst s10  }
0x35: {  	s10 =	sld [smem:$0x3FAD];
	_ =	sdelay $0x3  }
0x36: {  	p1 =	seq.s32 s10, $0x1;
	s10 =	sld [smem:$0x3FAE];
	_ =	sdelay $0x3  }
0x37: {  	[smem:$0x3FAE] =	sst s10  }
0x38: {  	s10 =	sld [smem:$0x3FAF]  }
0x39: {  	_ = 	snop;
	(pc) =	sbr.ind lr, $3  }
0x3a: {  	_ = 	snop  }
0x3b: {  	_ = 	snop  }
0x3c: {  	p2 =	seq.s32 s10, $0x1;
	s10 =	sld [smem:$0x3FAE]  }
0x3d: {  	_ =	shalt  }
0x3e: {  	_ =	shalt  }
0x3f: {  	_ =	shalt  }
0x40: {  	_ =	shalt  }
0x41: {  	_ =	shalt  }
0x42: {  	_ =	shalt  }
0x43: {  	_ =	shalt  }
0x44: {  	_ =	shalt  }
0x45: {  	_ =	shalt  }
0x46: {  	_ =	shalt  }
0x47: {  	_ =	shalt  }
0x48: {  	_ =	shalt  }
0x49: {  	_ =	shalt  }
0x4a: {  	_ =	shalt  }
0x4b: {  	_ =	shalt  }
0x4c: {  	_ =	shalt  }
0x4d: {  	_ =	shalt  }
0x4e: {  	_ =	shalt  }
0x4f: {  	_ =	shalt  }
0x50: {  	_ =	shalt  }
0x51: {  	_ =	shalt  }
0x52: {  	_ =	shalt  }
0x53: {  	_ =	shalt  }
0x54: {  	_ =	shalt  }
0x55: {  	_ =	shalt  }
0x56: {  	_ =	shalt  }
0x57: {  	_ =	shalt  }
0x58: {  	_ =	shalt  }
0x59: {  	_ =	shalt  }
0x5a: {  	_ =	shalt  }
0x5b: {  	_ =	shalt  }
0x5c: {  	_ =	shalt  }
0x5d: {  	_ =	shalt  }
0x5e: {  	_ =	shalt  }
0x5f: {  	_ =	shalt  }
0x60: {  	_ =	shalt  }
0x61: {  	_ =	shalt  }
0x62: {  	_ =	shalt  }
0x63: {  	_ =	shalt  }
0x64: {  	_ =	shalt  }
0x65: {  	_ =	shalt  }
0x66: {  	_ =	shalt  }
0x67: {  	_ =	shalt  }
0x68: {  	_ =	shalt  }
0x69: {  	_ =	shalt  }
0x6a: {  	_ =	shalt  }
0x6b: {  	_ =	shalt  }
0x6c: {  	_ =	shalt  }
0x6d: {  	_ =	shalt  }
0x6e: {  	_ =	shalt  }
0x6f: {  	_ =	shalt  }
0x70: {  	_ =	shalt  }
0x71: {  	_ =	shalt  }
0x72: {  	_ =	shalt  }
0x73: {  	_ =	shalt  }
0x74: {  	_ =	shalt  }
0x75: {  	_ =	shalt  }
0x76: {  	_ =	shalt  }
0x77: {  	_ =	shalt  }
0x78: {  	_ =	shalt  }
0x79: {  	_ =	shalt  }
0x7a: {  	_ =	shalt  }
0x7b: {  	_ =	shalt  }
0x7c: {  	_ =	shalt  }
0x7d: {  	_ =	shalt  }
0x7e: {  	_ =	shalt  }
0x7f: {  	_ =	shalt  }
0x80: {  	_ =	shalt  }
0x81: {  	_ =	shalt  }
0x82: {  	_ =	shalt  }
0x83: {  	_ =	shalt  }
0x84: {  	_ =	shalt  }
0x85: {  	_ =	shalt  }
0x86: {  	_ =	shalt  }
0x87: {  	_ =	shalt  }
.Lfunc_end0:
.L_simem_size_0:
called_computation.5_lowered:
.L_overlay_start_0:
0x88: {  	s0 =	sld [smem:$0x3FD9]  }
0x89: {  	s1 =	sld [smem:$0x3FFE];
	_ =	sdelay $0x3  }
0x8a: {  	s0 =	sadd.s32 s1, s0  }
0x8b: {  	[smem:$0x3FBA] =	sst s0  }
0x8c: {  	_ = 	snop  }
0x8d: {  	(tm) =	ssettm $0x1  }
0x8e: {  	s15 =	sld [smem:$0x3FFB];
	_ =	sdelay $0x3  }
0x8f: {  	_ =	strace s15  }
0x90: {  	s0 =	sld [smem:$0x3FFC];
	_ =	sdelay $0x3  }
0x91: {  	_ =	strace s0  }
0x92: {  	s0 =	sld [smem:$0x3FFD];
	_ =	sdelay $0x3  }
0x93: {  	_ =	strace s0  }
0x94: {  	_ =	strace $0x8FFFFFFF  }
0x95: {  	s16 =	sld [smem:$0x3FDB];
	_ =	sdelay $0x1  }
0x96: {  	s17 =	simm.s32 $_scs_section_size  }
0x97: {  	s2 =	simm.s32 $_size__tile_overlayer_lowered;
	s3 =	simm.s32 $_tile_overlayer_lowered  }
0x98: {  	s20 =	simm.s32 $0x1BFF;
	s19 =	sshll.u32 s3, $0x1;
	s0 =	sadd.s32 s17, s16  }
0x99: {  	s4 =	simm.s32 $0x0;
	s18 =	sshll.u32 s2, $0x1;
	s2 =	sadd.s32 s19, s0  }
0x9a: {  	[timem:s4], [sflag:s20] =	dma.local [hbm:s2], s18  }
0x9b: {  	_ =	swait.ge [sflag:s20], s18  }
0x9c: {  	s1 =	ssub.s32 $0x0, s18;
	[sflag:s20] =	ssyncset.done $0x0  }
0x9d: {  	[sflag:s20] =	ssyncadd.s32 s1;
	_ =	sdelay $0x1  }
0x9e: {  	s21 =	simm.s32 $0x1B8B  }
0x9f: {  	_ =	swait.ge [sflag:s21], $0x1  }
0xa0: {  	[sflag:s21] =	ssyncset.done $0x0  }
0xa1: {  	s23 =	simm.s32 $0x1B8E;
	s22 =	sld [smem:$0x3FFE];
	[sflag:s21] =	ssyncadd.s32 $0xFFFFFFFF  }
0xa2: {  	s24 =	simm.s32 $execute0_lowered;
	[smem:$0x3FD2] =	sst s23  }
0xa3: {  	s2 =	sshll.u32 s24, $0x1;
	_ =	strace $0x8000005E;
	[dreg:$0x1] =	wrdreg $0xFFFFFFFF  }
0xa4: {  	s25 =	simm.s32 $_size_execute0_lowered;
	s0 =	sadd.s32 s0, s2;
	[dreg:$0x0] =	wrdreg $0x0  }
0xa5: {  	s2 =	sshll.u32 s25, $0x1;
	[dreg:$0x2] =	wrdreg s0  }
0xa6: {  	[dreg:$0x3] =	wrdreg s2  }
0xa7: {  	[dreg:$0x4] =	wrdreg $0xC0  }
0xa8: {  	_ =	task [dreg:s4], $0x5FFFF  }
0xa9: {  	[dreg:$0x1] =	wrdreg $0xFFFFFFFF  }
0xaa: {  	[dreg:$0x0] =	wrdreg $0x60  }
0xab: {  	[dreg:$0x2] =	wrdreg s22  }
0xac: {  	[dreg:$0x3] =	wrdreg $0x9  }
0xad: {  	_ =	task.clear_ibuf [dreg:s4], $0x4FFFF;
	_ =	strace $0x9000005E  }
0xae: {  	s26 =	simm.s32 $0x9;
	_ =	strace $0x80000060  }
0xaf: {  	_ =	swait.ge [sflag:s26], $0x1  }
0xb0: {  	[sflag:s26] =	ssyncadd.s32 $0xFFFFFFFF  }
0xb1: {  	_ =	strace $0x90000060  }
0xb2: {  	_ =	sfence  }
0xb3: {  	s28 =	sld [smem:$0x0];
	_ =	sdelay $0x1  }
0xb4: {  	s29 =	srdreg.scid  }
0xb5: {  	s30 =	sshll.u32 s29, $0xD;
	s31 =	sshrl.u32 s29, $0x2  }
0xb6: {  	s1 =	sand.u32 $0x1, s29;
	s2 =	sand.u32 $0x4000, s30;
	s0 =	sadd.s32 s31, s28  }
0xb7: {  	s1 =	sor.u32 s2, s1;
	s0 =	sshll.u32 s0, $0x11  }
0xb8: {  	s0 =	sor.u32 s0, s1  }
0xb9: {  	s0 =	sadd.s32 $0x8F2B, s0  }
0xba: {  	[sflag:s0] =	ssyncadd.remote.s32 $0x1  }
0xbb: {  	_ =	sfence.sel $0xFFFF  }
0xbc: {  	[dreg:$0x0] =	wrdreg $0xFFFFFFFF;
	(pc) =	sbr.abs _section_cstart, $3  }
0xbd: {  	[dreg:$0x1] =	wrdreg $0xFFFFFFFF  }
0xbe: {  	_ =	task.clear_ibuf [dreg:s4], $0x2FFFF;
	_ =	strace $0x9FFFFFFF  }
0xbf: {  	(tm) =	ssettm $0x7FFFFFFF  }
tec
execute0_lowered:
.L_overlay_start_1:
0x0: {  	(tag) =	ssettag $0x1  }
0x1: {  	s0 =	rddreg [dreg:$0x0];
	_ =	strace $0x8000005F;
	s1 =	simm.s32 $0x1  }
0x2: {  	s8 =	simm.s32 $0x108;
	v0 =	vimm.s32 $0x0;
	[sflag:s1] =	ssyncpa.u1 $0x0  }
0x3: {  	[tilespmem:s8+$0x70] =	vst v0  }
0x4: {  	[tilespmem:s8+$0x60] =	vst v0  }
0x5: {  	[tilespmem:s8+$0x50] =	vst v0  }
0x6: {  	[tilespmem:s8+$0x40] =	vst v0  }
0x7: {  	[tilespmem:s8+$0x30] =	vst v0  }
0x8: {  	s2 =	simm.s32 $0x40;
	s1 =	sadd.s32 $0x2DEC00, s0;
	[tilespmem:s8+$0x20] =	vst v0  }
0x9: {  	s3 =	sadd.s32 $0x15000, s0;
	s4 =	sadd.s32 $0x305E00, s0;
	s5 =	sadd.s32 $0x1A400, s0;
	[tilespmem:s8+$0x10] =	vst v0  }
.LBB2_1:
0xa: {  	s2 =	sadd.s32 $0x40, s2;
	[tilespmem:s8+$0x0] =	vst v0;
	s8 =	sadd.s32 $0x80, s8  }
0xb: {  	p0 =	slt.u32 s2, $0x3C40;
	[tilespmem:s8+$0x70] =	vst v0  }
0xc: {  	[tilespmem:s8+$0x60] =	vst v0  }
.Ltmp0:
0xd: {  	[tilespmem:s8+$0x50] =	vst v0;
	(pc) =	sbr.rel @p0 .LBB2_1-.Ltmp0, $4  }
0xe: {  	[tilespmem:s8+$0x40] =	vst v0  }
0xf: {  	[tilespmem:s8+$0x30] =	vst v0  }
0x10: {  	[tilespmem:s8+$0x20] =	vst v0  }
0x11: {  	[tilespmem:s8+$0x10] =	vst v0  }
0x12: {  	s13 =	stileid.u32  }
0x13: {  	s0 =	smul.u32 $0x2C, s13  }
0x14: {  	s2 =	smin.u32 s13, $0x5  }
0x15: {  	s0 =	sadd.s32 s2, s0  }
0x16: {  	p0 =	slt.u32 s13, $0x5;
	s6 =	smul.u32 $0xF0, s0;
	s0 =	simm.s32 $0x2A30  }
0x17: {  	s0 =	simm.s32 @!p0 $0x2940  }
0x18: {  	s0 =	sadd.s32 s0, s6  }
0x19: {  	s7 =	smin.u32 s0, $0x29810  }
0x1a: {  	s0 =	ssub.s32 s7, s6  }
0x1b: {  	p0 =	sgt.s32 s0, $0x0  }
0x1c: {  	s0 =	simm.s32 @!p0 $0x0  }
0x1d: {  	s31 =	smulhi.u32 $0x88888889, s0  }
0x1e: {  	s30 =	simm.s32 $0x2;
	s9 =	simm.s32 $0x7;
	s10 =	simm.s32 $0x8  }
0x1f: {  	s19 =	simm.s32 $0x0;
	s15 =	simm.s32 $0xA;
	s2 =	sshrl.u32 s31, $0x7  }
0x20: {  	s17 =	simm.s32 $0x0;
	s18 =	simm.s32 $0x0;
	s11 =	smul.u32 $0xF0, s2  }
.Ltmp1:
0x21: {  	[tilespmem:s8+$0x0] =	vst v0;
	v0 =	vimm.s32 $0xFFFFFFFF;
	[sflag:s30] =	ssyncpa.u1 $0x0;
	s13 =	sshll.u32 s13, $0x8;
	(pc) =	sbr.rel .LBB2_3-.Ltmp1, $4  }
0x22: {  	[tilespmem:$0xF208] =	vst v0;
	[sflag:s9] =	ssyncpa.u1 $0x0;
	p0 =	sne.s32 s0, s11;
	s0 =	simm.s32 $0x1  }
0x23: {  	[sflag:s10] =	ssyncpa.u1 $0x0;
	s10 =	simm.s32 $0x9;
	s0 =	simm.s32 @!p0 $0x0  }
0x24: {  	[sflag:s10] =	ssyncpa.u1 $0x0;
	s16 =	smov.u32 s6;
	s12 =	sadd.s32 s0, s2  }
0x25: {  	v0 =	vlaneseq.u32;
	s11 =	simm.s32 $0x1;
	p0 =	por $0x0, $0x0;
	s14 =	sadd.s32 $0x1, s12  }
.LBB2_18:
0x26: {  	s0 =	sshrl.u32 s28, $0x2  }
.LBB2_20:
0x27: {  	_ =	swait.ge [sflag:s15], s0  }
0x28: {  	s31 =	ssub.s32 $0x0, s0;
	v1 =	vmov s21;
	vm0 =	veq.s32 v0, $0x0;
	[sflag:s15] =	ssyncset.done $0x0  }
0x29: {  	vm15 =	veq.s32 v0, $0x2;
	v1 =	vsel vm0, s26, v1;
	[sflag:s15] =	ssyncadd.s32 s31  }
0x2a: {  	v1 =	vsel vm15, s19, v1;
	[sflag:s15] =	ssyncpa.u1 $0x1  }
0x2b: {  	[tilespmem:$0xF208] =	vst v1  }
.LBB2_21:
0x2c: {  	s0 =	sadd.s32 $0xF0, s16  }
0x2d: {  	s2 =	smov.u32 s6;
	p1 =	slt.s32 s0, s7  }
0x2e: {  	s2 =	smov.u32 @p1 s0;
	p1 =	sne.s32 s18, s14  }
.Ltmp2:
0x2f: {  	_ = 	snop;
	(pc) =	sbr.rel @!p1 .LBB2_22-.Ltmp2, $3  }
0x30: {  	_ =	sdelay $0x1  }
0x31: {  	s19 =	smov.u32 s17;
	s31 =	sadd.s32 $0x1, s18;
	s17 =	smov.u32 s16  }
0x32: {  	p0 =	por !p0, !p0;
	s18 =	smov.u32 s31;
	s16 =	smov.u32 s2  }
.LBB2_3:
0x33: {  	p1 =	sge.u32 s18, s12  }
0x34: {  	s0 =	smulhi.u32 @!p1 $0xAAAAAAAB, s18  }
0x35: {  	s2 =	smov.u32 s16;
	p2 =	sgt.s32 @!p1 s16, $0x29720  }
0x36: {  	s20 =	sshra.s32 @!p1 s16, $0x1F;
	p2 =	por !p2, p1;
	s0 =	sshrl.u32 @!p1 s0, $0x1  }
0x37: {  	s20 =	sand.u32 @!p1 s20, s16;
	s2 =	simm.s32 @p2 $0x29720;
	s0 =	smul.u32 @!p1 $0x3, s0  }
0x38: {  	s2 =	ssub.s32 @!p1 s2, s20  }
0x39: {  	s2 =	sadd.s32 @!p1 $0xFFFD68E0, s2;
	s0 =	ssub.s32 @!p1 s18, s0  }
0x3a: {  	s20 =	sshll.u32 @!p1 s2, $0x2;
	p2 =	sgt.s32 @!p1 s2, $0xEF;
	s0 =	smul.u32 @!p1 $0x3C0, s0  }
0x3b: {  	s21 =	sand.u32 @!p1 $0x7, s16;
	s2 =	ssub.s32 @!p1 $0x3C0, s20;
	p2 =	por !p2, p1  }
0x3c: {  	s20 =	sshrl.u32 @!p1 s16, $0x3;
	s2 =	sshrl.u32 @!p1 s2, $0x2;
	s0 =	sshrl.u32 @!p1 s0, $0x2  }
0x3d: {  	s20 =	sadd.s32 @!p1 s5, s20;
	s2 =	simm.s32 @!p2 $0x0;
	s0 =	sadd.s32 @!p1 $0x10238, s0  }
0x3e: {  	[tilespmem:s0], [sflag:$0x8] =	stream.linear.gather @!p1 [hbm4b:s20+s21], s2, $0x38;
	[tilespmem:$0x1F6E8] =	vst v63  }
0x3f: {  	s0 =	sadd.s32 $0xFFFFFFFF, s18  }
0x40: {  	p1 =	sge.u32 s0, s12  }
0x41: {  	p2 =	sgt.s32 @!p1 s17, $0x29720  }
0x42: {  	s2 =	smov.u32 s17;
	s20 =	sshra.s32 @!p1 s17, $0x1F;
	p2 =	por !p2, p1  }
0x43: {  	s20 =	sand.u32 @!p1 s20, s17;
	s2 =	simm.s32 @p2 $0x29720  }
0x44: {  	s2 =	ssub.s32 @!p1 s2, s20  }
0x45: {  	s2 =	sadd.s32 @!p1 $0xFFFD68E0, s2  }
0x46: {  	s21 =	sand.u32 @!p1 $0x1, s0;
	s20 =	sshll.u32 @!p1 s2, $0x2  }
0x47: {  	p2 =	sgt.s32 @!p1 s2, $0xEF;
	s2 =	ssub.s32 @!p1 $0x3C0, s20;
	s20 =	smulhi.u32 @!p1 $0xAAAAAAAB, s0  }
0x48: {  	s23 =	smul.u32 @!p1 $0x3C0, s21;
	p2 =	por !p2, p1;
	s2 =	sshrl.u32 @!p1 s2, $0x2  }
0x49: {  	s22 =	simm.s32 @!p1 $0x8;
	s2 =	simm.s32 @!p2 $0x0;
	s20 =	sshrl.u32 @!p1 s20, $0x1  }
0x4a: {  	s23 =	sshrl.u32 @!p1 s23, $0x2;
	_ =	swait.ge @!p1 [sflag:s22], s2;
	s20 =	smul.u32 @!p1 $0x3, s20  }
0x4b: {  	s23 =	sor.u32 @!p1 $0x10508, s23;
	s24 =	ssub.s32 @!p1 $0x0, s2;
	[sflag:s22] =	ssyncset.done @!p1 $0x0  }
0x4c: {  	[sflag:s22] =	ssyncadd.s32 @!p1 s24;
	s22 =	sshrl.u32 @!p1 s17, $0x3;
	s0 =	ssub.s32 @!p1 s0, s20  }
0x4d: {  	s24 =	sand.u32 @!p1 $0x7, s17;
	s22 =	sadd.s32 @!p1 s3, s22;
	s0 =	smul.u32 @!p1 $0x3C0, s0  }
0x4e: {  	[tilespmem:s23], [sflag:$0x9] =	stream.linear.gather @!p1 [hbm4b:s22+s24], s2, $0x38;
	[tilespmem:$0x1F6E8] =	vst v63  }
0x4f: {  	s20 =	ssub.s32 @!p1 $0x29810, s17;
	s2 =	smul.u32 @!p1 $0x1E000, s21  }
0x50: {  	p2 =	slt.s32 @!p1 s20, $0xF0  }
0x51: {  	p2 =	por !p2, p1;
	s0 =	sshrl.u32 @!p1 s0, $0x2;
	s2 =	sshrl.u32 @!p1 s2, $0x2  }
0x52: {  	s20 =	simm.s32 @p2 $0xF0;
	s0 =	sadd.s32 @!p1 $0x10238, s0;
	s2 =	sor.u32 @!p1 $0x106E8, s2  }
0x53: {  	[tilespmem:s2], [sflag:$0x7] =	stream.indirect.gather @!p1 [hbm4b:s4+s20], $0x80, s0, s20, $0xb8;
	[tilespmem:$0x1F6E8] =	vst v63  }
0x54: {  	p1 =	slt.u32 s18, $0x2  }
.Ltmp3:
0x55: {  	_ = 	snop;
	(pc) =	sbr.rel @p1 .LBB2_21-.Ltmp3, $1  }
0x56: {  	_ =	sdelay $0x3  }
0x57: {  	p1 =	sgt.s32 s19, $0x29720;
	s0 =	smov.u32 s19  }
0x58: {  	s2 =	sshra.s32 s19, $0x1F;
	s20 =	ssub.s32 $0x29810, s19;
	s0 =	simm.s32 @!p1 $0x29720  }
0x59: {  	s2 =	sand.u32 s2, s19;
	p1 =	slt.s32 s20, $0xF0;
	s21 =	smov.u32 s20  }
0x5a: {  	s0 =	ssub.s32 s0, s2;
	s21 =	simm.s32 @!p1 $0xF0  }
0x5b: {  	s0 =	sadd.s32 $0xFFFD68E0, s0;
	s28 =	sshll.u32 s21, $0x7  }
0x5c: {  	s29 =	sshll.u32 s0, $0x2;
	s2 =	sand.u32 $0x3FFFFF80, s28  }
0x5d: {  	p1 =	sgt.s32 s0, $0xEF;
	s30 =	ssub.s32 $0x3C0, s29;
	_ =	swait.ge [sflag:s9], s2  }
0x5e: {  	s2 =	ssub.s32 $0x0, s2;
	[sflag:s9] =	ssyncset.done $0x0;
	s0 =	sshrl.u32 s30, $0x2  }
0x5f: {  	[sflag:s9] =	ssyncadd.s32 s2;
	s0 =	simm.s32 @p1 $0x0  }
0x60: {  	_ =	swait.ge [sflag:s10], s0  }
0x61: {  	s0 =	ssub.s32 $0x0, s0;
	[sflag:s10] =	ssyncset.done $0x0  }
0x62: {  	[sflag:s10] =	ssyncadd.s32 s0  }
0x63: {  	v1 =	vld [tilespmem:$0xF208];
	_ =	sdelay $0x4  }
0x64: {  	(v2sf) =	vpush v1, $0x0  }
0x65: {  	(v2sf) =	vpush v1, $0x1  }
0x66: {  	(v2sf) =	vpush v1, $0x2;
	_ =	sdelay $0x3  }
0x67: {  	s0 =	sadd.s32 $0xF0, s19  }
0x68: {  	p1 =	slt.s32 s7, s0  }
0x69: {  	s0 =	smov.u32 @p1 s7;
	p1 =	sgt.s32 s20, $0x0  }
0x6a: {  	s23 =	ssub.s32 s0, s19;
	s20 =	simm.s32 @!p1 $0x0  }
0x6b: {  	p1 =	slt.s32 s20, s23  }
0x6c: {  	s23 =	smov.u32 @p1 s20  }
0x6d: {  	s22 =	simm.s32 $0x1;
	p1 =	slt.s32 s23, $0x1  }
.Ltmp4:
0x6e: {  	s22 =	simm.s32 @!p0 $0x0;
	(pc) =	sbr.rel @p1 .LBB2_8-.Ltmp4, $4  }
0x6f: {  	s31 =	smul.u32 $0x3C0, s22  }
0x70: {  	s24 =	spop (v2sf)  }
0x71: {  	s0 =	sshrl.u32 s31, $0x2;
	s26 =	spop (v2sf)  }
0x72: {  	s20 =	sor.u32 $0x10508, s0;
	s19 =	spop (v2sf)  }
0x73: {  	s0 =	smin.u32 s23, $0x10  }
0x74: {  	v1 =	vmov s0  }
0x75: {  	p2 =	sgt.s32 s23, $0x10;
	vm1 =	vgt.u32 v1, v0  }
.Ltmp5:
0x76: {  	_ = 	snop;
	(pc) =	sbr.rel @!p2 .LBB2_7-.Ltmp5, $2  }
0x77: {  	_ =	sdelay $0x2  }
0x78: {  	s25 =	simm.s32 $0x10;
	s28 =	sadd.s32 $0xFFFFFFF0, s23;
	s21 =	smov.u32 s20;
	vm0 =	vmmov vm1  }
.LBB2_6:
0x79: {  	s0 =	smin.u32 s28, $0x10;
	s25 =	sadd.s32 $0x10, s25;
	v1 =	vld.msk [tilespmem:s21+$0x0 ss:$0x1], vm1  }
0x7a: {  	v2 =	vmov s0;
	p2 =	slt.s32 s25, s23  }
0x7b: {  	vm1 =	vgt.u32 v2, v0  }
.Ltmp6:
0x7c: {  	(pc) =	sbr.rel @p2 .LBB2_6-.Ltmp6, $3  }
0x7d: {  	_ =	sdelay $0x1  }
0x7e: {  	v1 =	vshll.u32 v1, $0x4  }
0x7f: {  	s28 =	sadd.s32 $0xFFFFFFF0, s28;
	[tilespmem:s21+$0x0] =	vst.msk vm0, v1;
	s21 =	sadd.s32 $0x10, s21;
	vm0 =	vmmov vm1  }
.LBB2_7:
0x80: {  	_ =	sdelay $0x4  }
0x81: {  	v1 =	vld.msk [tilespmem:s21+$0x0 ss:$0x1], vm1;
	_ =	sdelay $0x4  }
0x82: {  	v1 =	vshll.u32 v1, $0x4  }
0x83: {  	[tilespmem:s21+$0x0] =	vst.msk vm0, v1  }
.LBB2_8:
0x84: {  	s0 =	sand.u32 $0x1, s18  }
0x85: {  	s0 =	smul.u32 $0xF0, s0  }
0x86: {  	p2 =	sne.s32 s26, $0xFFFFFFFF  }
0x87: {  	v1 =	vld.msk @!p2 [tilespmem:s0+$0x10508], $0x1;
	_ =	sdelay $0x4  }
0x88: {  	(v2sf) =	vpush @!p2 v1, $0x0;
	_ =	sdelay $0xc  }
.Ltmp7:
0x89: {  	_ = 	snop;
	(pc) =	sbr.rel @p1 .LBB2_19-.Ltmp7, $4  }
0x8a: {  	_ = 	snop  }
0x8b: {  	s25 =	spop @!p2 (v2sf)  }
0x8c: {  	s19 =	simm.s32 @!p2 $0x0;
	s21 =	smov.u32 s25  }
0x8d: {  	[sflag:s15] =	ssyncpa.u1 $0x0;
	s25 =	smov.u32 @p2 s24;
	s21 =	smov.u32 @p2 s26  }
0x8e: {  	v1 =	vld.msk [tilespmem:s20+$0x0], $0x1;
	_ =	sdelay $0x4  }
0x8f: {  	(v2sf) =	vpush v1, $0x0;
	_ =	sdelay $0xe  }
0x90: {  	s0 =	smul.u32 $0x1E000, s22;
	s29 =	spop (v2sf)  }
0x91: {  	s23 =	ssub.s32 $0x0, s23;
	p1 =	seq.s32 s25, s29  }
0x92: {  	s26 =	sadd.s32 $0x1, s23;
	s0 =	sshrl.u32 s0, $0x2;
	p2 =	sgt.s32 @!p1 s25, $0x0  }
0x93: {  	s22 =	sor.u32 $0x10728, s0;
	s0 =	smov.u32 s25;
	p2 =	por !p2, p1  }
0x94: {  	s0 =	simm.s32 @p2 $0x0;
	p2 =	seq.s32 s26, $0x0  }
.Ltmp8:
0x95: {  	_ = 	snop;
	(pc) =	sbr.rel @p2 .LBB2_11-.Ltmp8, $4  }
0x96: {  	_ = 	snop  }
0x97: {  	s24 =	simm.s32 $0x0;
	s28 =	sadd.s32 $0x1, s20;
	s0 =	smin.u32 @!p1 s0, $0x270F0  }
0x98: {  	s30 =	simm.s32 @!p1 $0x1;
	s31 =	simm.s32 @!p1 $0x7988;
	s2 =	sand.u32 @!p1 $0x3FFF8, s0  }
0x99: {  	s30 =	smov.u32 @p1 s24;
	s0 =	sand.u32 @!p1 $0x7, s0;
	s2 =	sadd.s32 @!p1 s1, s2  }
.LBB2_10:
0x9a: {  	s8 =	smov.u32 s30  }
0x9b: {  	[tilespmem:s31], [sflag:$0x2] =	stream.linear.gather @!p1 [hbm4b:s2+s0], $0x80, $0x38;
	[tilespmem:$0x1F6E8] =	vst v63  }
0x9c: {  	s26 =	sadd.s32 $0x1, s26;
	s0 =	smov.u32 s29;
	v1 =	vld.msk [tilespmem:s28+$0x0], $0x1  }
0x9d: {  	p2 =	seq.s32 s26, $0x0;
	_ =	sdelay $0x3  }
0x9e: {  	(v2sf) =	vpush v1, $0x0;
	_ =	sdelay $0xe  }
0x9f: {  	s29 =	spop (v2sf)  }
0xa0: {  	p1 =	seq.s32 s0, s29  }
0xa1: {  	p3 =	sgt.s32 @!p1 s0, $0x0;
	s2 =	sshll.u32 @!p1 s30, $0x9;
	s30 =	sadd.s32 @!p1 $0x1, s30  }
.Ltmp9:
0xa2: {  	p3 =	por !p3, p1;
	s2 =	sshra.s32 @!p1 s2, $0x2;
	(pc) =	sbr.rel @!p2 .LBB2_10-.Ltmp9, $4  }
0xa3: {  	s30 =	smov.u32 @p1 s8;
	s0 =	simm.s32 @p3 $0x0;
	s31 =	sadd.s32 @!p1 $0x7988, s2  }
0xa4: {  	s0 =	smin.u32 @!p1 s0, $0x270F0  }
0xa5: {  	s2 =	sand.u32 @!p1 $0x3FFF8, s0;
	s0 =	sand.u32 @!p1 $0x7, s0  }
0xa6: {  	s28 =	sadd.s32 $0x1, s28;
	s2 =	sadd.s32 @!p1 s1, s2  }
.LBB2_11:
0xa7: {  	[tilespmem:s31], [sflag:$0x2] =	stream.linear.gather @!p1 [hbm4b:s2+s0], $0x80, $0x38;
	[tilespmem:$0x1F6E8] =	vst v63  }
.Ltmp10:
0xa8: {  	s30 =	sshll.u32 s30, $0x7;
	(pc) =	sbr.rel .LBB2_12-.Ltmp10, $4  }
0xa9: {  	s31 =	simm.s32 $0x2;
	s0 =	sand.u32 $0x3FFFFF80, s30  }
0xaa: {  	_ =	swait.ge [sflag:s31], s0  }
0xab: {  	s0 =	ssub.s32 $0x0, s0;
	[sflag:s31] =	ssyncset.done $0x0  }
0xac: {  	s28 =	simm.s32 $0x0;
	[sflag:s31] =	ssyncadd.s32 s0  }
.LBB2_13:
0xad: {  	v1 =	vld [tilespmem:s22+$0xFFFFFFC0];
	_ =	sdelay $0x3  }
0xae: {  	s0 =	sshra.s32 s0, $0x2  }
0xaf: {  	[tilespmem:s0+$0x108] =	vst.add.f32.msk $0xffff, v1  }
0xb0: {  	v1 =	vld [tilespmem:s22+$0xFFFFFFD0];
	_ =	sdelay $0x4  }
0xb1: {  	[tilespmem:s0+$0x118] =	vst.add.f32.msk $0xffff, v1  }
0xb2: {  	v1 =	vld [tilespmem:s22+$0xFFFFFFE0];
	_ =	sdelay $0x4  }
0xb3: {  	[tilespmem:s0+$0x128] =	vst.add.f32.msk $0xffff, v1  }
0xb4: {  	v1 =	vld [tilespmem:s22+$0xFFFFFFF0];
	_ =	sdelay $0x4  }
0xb5: {  	[tilespmem:s0+$0x138] =	vst.add.f32.msk $0xffff, v1  }
0xb6: {  	v1 =	vld [tilespmem:s22+$0x0];
	_ =	sdelay $0x4  }
0xb7: {  	[tilespmem:s0+$0x148] =	vst.add.f32.msk $0xffff, v1  }
0xb8: {  	v1 =	vld [tilespmem:s22+$0x10];
	_ =	sdelay $0x4  }
0xb9: {  	[tilespmem:s0+$0x158] =	vst.add.f32.msk $0xffff, v1  }
0xba: {  	v1 =	vld [tilespmem:s22+$0x20];
	_ =	sdelay $0x4  }
0xbb: {  	[tilespmem:s0+$0x168] =	vst.add.f32.msk $0xffff, v1  }
0xbc: {  	v1 =	vld [tilespmem:s22+$0x30];
	_ =	sdelay $0x4  }
0xbd: {  	[tilespmem:s0+$0x178] =	vst.add.f32.msk $0xffff, v1  }
.LBB2_17:
0xbe: {  	s23 =	sadd.s32 $0x1, s23  }
0xbf: {  	p1 =	seq.s32 s23, $0x0  }
.Ltmp11:
0xc0: {  	_ = 	snop;
	(pc) =	sbr.rel @p1 .LBB2_18-.Ltmp11, $2  }
0xc1: {  	_ =	sdelay $0x2  }
0xc2: {  	s20 =	sadd.s32 $0x1, s20;
	s22 =	sadd.s32 $0x80, s22;
	s25 =	smov.u32 s26  }
.LBB2_12:
0xc3: {  	v1 =	vld.msk [tilespmem:s20+$0x0], $0x1;
	_ =	sdelay $0x4  }
0xc4: {  	(v2sf) =	vpush v1, $0x0;
	_ =	sdelay $0xe  }
0xc5: {  	s26 =	spop (v2sf)  }
0xc6: {  	p1 =	sne.s32 s25, s26  }
.Ltmp12:
0xc7: {  	_ = 	snop;
	(pc) =	sbr.rel @!p1 .LBB2_13-.Ltmp12, $2  }
0xc8: {  	_ =	sdelay $0x2  }
0xc9: {  	s0 =	sshll.u32 s19, $0x9  }
0xca: {  	p1 =	seq.s32 s25, s21  }
.Ltmp13:
0xcb: {  	_ = 	snop;
	(pc) =	sbr.rel @!p1 .LBB2_15-.Ltmp13, $1  }
0xcc: {  	_ =	sdelay $0x3  }
0xcd: {  	s0 =	sshra.s32 s0, $0x2  }
.Ltmp14:
0xce: {  	s0 =	sadd.s32 $0x108, s0;
	(pc) =	sbr.rel .LBB2_16-.Ltmp14, $4  }
0xcf: {  	[spmem:s13] =	stream.linear.scatter [tilespmem:s0], [sflag:$0x1], $0x80, $0x38;
	[tilespmem:$0x1F6E8] =	vst v63  }
0xd0: {  	_ =	swait.ge [sflag:s11], $0x80  }
0xd1: {  	[sflag:s11] =	ssyncset.done $0x0  }
0xd2: {  	[sflag:s11] =	ssyncadd.s32 $0xFFFFFF80  }
.LBB2_15:
0xd3: {  	s2 =	sshll.u32 s24, $0x9  }
0xd4: {  	s2 =	sshra.s32 s2, $0x2  }
0xd5: {  	v1 =	vld [tilespmem:s2+$0x7988];
	_ =	sdelay $0x3  }
0xd6: {  	s0 =	sshra.s32 s0, $0x2  }
0xd7: {  	[tilespmem:s0+$0x108] =	vst.add.f32.msk $0xffff, v1  }
0xd8: {  	v1 =	vld [tilespmem:s2+$0x7998];
	_ =	sdelay $0x4  }
0xd9: {  	[tilespmem:s0+$0x118] =	vst.add.f32.msk $0xffff, v1  }
0xda: {  	v1 =	vld [tilespmem:s2+$0x79A8];
	_ =	sdelay $0x4  }
0xdb: {  	[tilespmem:s0+$0x128] =	vst.add.f32.msk $0xffff, v1  }
0xdc: {  	v1 =	vld [tilespmem:s2+$0x79B8];
	_ =	sdelay $0x4  }
0xdd: {  	[tilespmem:s0+$0x138] =	vst.add.f32.msk $0xffff, v1  }
0xde: {  	v1 =	vld [tilespmem:s2+$0x79C8];
	_ =	sdelay $0x4  }
0xdf: {  	[tilespmem:s0+$0x148] =	vst.add.f32.msk $0xffff, v1  }
0xe0: {  	v1 =	vld [tilespmem:s2+$0x79D8];
	_ =	sdelay $0x4  }
0xe1: {  	[tilespmem:s0+$0x158] =	vst.add.f32.msk $0xffff, v1  }
0xe2: {  	v1 =	vld [tilespmem:s2+$0x79E8];
	_ =	sdelay $0x4  }
0xe3: {  	[tilespmem:s0+$0x168] =	vst.add.f32.msk $0xffff, v1  }
0xe4: {  	v1 =	vld [tilespmem:s2+$0x79F8];
	_ =	sdelay $0x2  }
0xe5: {  	p1 =	sgt.u32 s25, $0x270F0  }
0xe6: {  	s2 =	sand.u32 @!p1 $0x3FFF8, s25  }
0xe7: {  	s8 =	sadd.s32 $0x108, s0;
	[tilespmem:s0+$0x178] =	vst.add.f32.msk $0xffff, v1;
	s0 =	sadd.s32 @!p1 s1, s2;
	s2 =	sand.u32 @!p1 $0x7, s25  }
0xe8: {  	[hbm4b:s0+s2] =	stream.linear.scatter @!p1 [tilespmem:s8], [sflag:$0xA], $0x80, $0x38;
	[tilespmem:$0x1F6E8] =	vst v63  }
0xe9: {  	s0 =	simm.s32 $0x0  }
0xea: {  	s0 =	simm.s32 @!p1 $0x200  }
0xeb: {  	s28 =	sadd.s32 s0, s28  }
.LBB2_16:
0xec: {  	s0 =	sadd.s32 $0x1, s19  }
0xed: {  	s2 =	smulhi.u32 $0x88888889, s0;
	_ =	sdelay $0x1  }
0xee: {  	v1 =	vld [tilespmem:s22+$0xFFFFFFC0];
	s2 =	sshrl.u32 s2, $0x7  }
0xef: {  	s2 =	smul.u32 $0xF0, s2;
	_ =	sdelay $0x1  }
0xf0: {  	s19 =	ssub.s32 s0, s2  }
0xf1: {  	s0 =	sshll.u32 s19, $0x7  }
0xf2: {  	[tilespmem:s0+$0x108] =	vst v1  }
0xf3: {  	v1 =	vld [tilespmem:s22+$0xFFFFFFD0];
	_ =	sdelay $0x4  }
0xf4: {  	[tilespmem:s0+$0x118] =	vst v1  }
0xf5: {  	v1 =	vld [tilespmem:s22+$0xFFFFFFE0];
	_ =	sdelay $0x4  }
0xf6: {  	[tilespmem:s0+$0x128] =	vst v1  }
0xf7: {  	v1 =	vld [tilespmem:s22+$0xFFFFFFF0];
	_ =	sdelay $0x4  }
0xf8: {  	[tilespmem:s0+$0x138] =	vst v1  }
0xf9: {  	v1 =	vld [tilespmem:s22+$0x0];
	_ =	sdelay $0x4  }
0xfa: {  	[tilespmem:s0+$0x148] =	vst v1  }
0xfb: {  	v1 =	vld [tilespmem:s22+$0x10];
	_ =	sdelay $0x4  }
0xfc: {  	[tilespmem:s0+$0x158] =	vst v1  }
0xfd: {  	v1 =	vld [tilespmem:s22+$0x20];
	_ =	sdelay $0x4  }
0xfe: {  	[tilespmem:s0+$0x168] =	vst v1  }
0xff: {  	v1 =	vld [tilespmem:s22+$0x30]  }
.Ltmp15:
0x100: {  	_ = 	snop;
	(pc) =	sbr.rel .LBB2_17-.Ltmp15, $2  }
0x101: {  	_ =	sdelay $0x2  }
0x102: {  	s24 =	sadd.s32 $0x1, s24;
	[tilespmem:s0+$0x178] =	vst v1  }
.LBB2_19:
.Ltmp16:
0x103: {  	(pc) =	sbr.rel .LBB2_20-.Ltmp16, $4  }
0x104: {  	_ = 	snop  }
0x105: {  	s0 =	simm.s32 $0x2  }
0x106: {  	_ =	swait.ge [sflag:s0], $0x0  }
0x107: {  	s26 =	smov.u32 s25;
	[sflag:s0] =	ssyncset.done $0x0;
	s0 =	simm.s32 $0x0  }
.LBB2_22:
0x108: {  	_ =	sfence.sel $0x180000  }
0x109: {  	s0 =	simm.s32 $0x7;
	[bflag:$0x0] =	sbarrier.arrive $0xFFFF  }
0x10a: {  	s25 =	simm.s32 $0x8;
	[sflag:s0] =	ssyncpa.u1 $0x1  }
0x10b: {  	s26 =	simm.s32 $0x9;
	[sflag:s25] =	ssyncpa.u1 $0x1  }
0x10c: {  	s28 =	simm.s32 $0x2;
	[sflag:s26] =	ssyncpa.u1 $0x1  }
0x10d: {  	[sflag:s28] =	ssyncpa.u1 $0x1  }
0x10e: {  	v0 =	vld [tilespmem:$0xF208];
	_ =	sdelay $0x4  }
0x10f: {  	(v2sf) =	vpush v0, $0x0  }
0x110: {  	(v2sf) =	vpush v0, $0x1;
	_ =	sdelay $0x1  }
0x111: {  	(v2sf) =	vpush v0, $0x2;
	_ =	sdelay $0xb  }
0x112: {  	s0 =	spop (v2sf)  }
0x113: {  	s2 =	spop (v2sf)  }
0x114: {  	s3 =	smov.u32 s0;
	p0 =	sne.s32 s0, s2  }
0x115: {  	s4 =	spop (v2sf);
	s3 =	simm.s32 @!p0 $0xFFFFFFFF  }
0x116: {  	v2 =	vimm.s32 $0x1;
	v3 =	vlaneseq.u32;
	p0 =	seq.s32 s4, $0xFFFFFFFF;
	v1 =	vmov s3  }
0x117: {  	s7 =	stileid.u32;
	v0 =	vperm.xlane v0, v2;
	p1 =	sne.s32 @!p0 s0, s2;
	v1 =	vperm.xlane v1, v3  }
0x118: {  	vm0 =	vcmask $0x3F04;
	s6 =	simm.s32 $0xF208;
	s0 =	simm.s32 @!p0 $0x1;
	p1 =	por !p1, p0  }
0x119: {  	s3 =	sshll.u32 s7, $0x1;
	s2 =	sshll.u32 @!p0 s4, $0x9;
	s0 =	simm.s32 @p1 $0x0;
	v0 =	vsel vm0, v1, v0  }
0x11a: {  	s5 =	sor.u32 $0x1000, s3;
	s2 =	sshra.s32 @!p0 s2, $0x2;
	s0 =	sor.u32 @!p0 s0, s3;
	[tilespmem:$0xF208] =	vst v0  }
0x11b: {  	[spmem:s5] =	stream.linear.scatter [tilespmem:s6], [sflag:$0x1], $0x2, $0x38;
	[tilespmem:$0x1F6E8] =	vst v63  }
0x11c: {  	s2 =	sadd.s32 @!p0 $0x108, s2;
	s0 =	sshll.u32 @!p0 s0, $0x7  }
0x11d: {  	[spmem:s0] =	stream.linear.scatter @!p0 [tilespmem:s2], [sflag:$0x1], $0x80, $0x38;
	[tilespmem:$0x1F6E8] =	vst v63  }
0x11e: {  	s0 =	simm.s32 @!p0 $0x82  }
0x11f: {  	s3 =	simm.s32 $0x1;
	s0 =	simm.s32 @p0 $0x2  }
0x120: {  	_ =	swait.ge [sflag:s3], s0  }
0x121: {  	s0 =	ssub.s32 $0x0, s0;
	[sflag:s3] =	ssyncset.done $0x0  }
0x122: {  	[sflag:s3] =	ssyncadd.s32 s0  }
0x123: {  	_ =	sfence.stream.spmem  }
0x124: {  	s29 =	simm.s32 $0x3;
	[bflag:$0x0] =	sbarrier.arrive $0xFFFF  }
0x125: {  	s30 =	simm.s32 $0x4;
	[sflag:s29] =	ssyncpa.u1 $0x1  }
0x126: {  	s31 =	simm.s32 $0x3C;
	[sflag:s30] =	ssyncpa.u1 $0x1  }
0x127: {  	p0 =	sne.s32 s7, $0x0;
	[sflag:s31] =	ssyncpa.u1 $0x1  }
0x128: {  	_ =	sfence @p0  }
0x129: {  	[sflag:s3] =	ssyncpa.u1 @p0 $0x1  }
0x12a: {  	_ =	strace @p0 $0x9000005F  }
0x12b: {  	[bflag:$0x2] =	sbarrier.arrive @p0 $0xFFFF  }
0x12c: {  	_ =	shalt @p0  }
.LBB2_23:
0x12d: {  	_ =	sfence.stream.spmem;
	s0 =	simm.s32 $0x5  }
0x12e: {  	s2 =	simm.s32 $0x1000;
	s3 =	simm.s32 $0xF218;
	[sflag:s0] =	ssyncpa.u1 $0x0  }
0x12f: {  	[tilespmem:s3], [sflag:$0x5] =	stream.linear.gather [spmem:s2], $0x20, $0x38;
	[tilespmem:$0x1F6E8] =	vst v63  }
0x130: {  	s30 =	simm.s32 $0xF238;
	s2 =	simm.s32 $0x0  }
0x131: {  	[tilespmem:s30], [sflag:$0x5] =	stream.linear.gather [spmem:s2], $0x1000, $0x38;
	[tilespmem:$0x1F6E8] =	vst v63  }
.Ltmp17:
0x132: {  	_ = 	snop;
	(pc) =	sbr.rel .LBB2_24-.Ltmp17, $4  }
0x133: {  	_ =	swait.ge [sflag:s0], $0x1020  }
0x134: {  	[sflag:s0] =	ssyncset.done $0x0  }
0x135: {  	s31 =	simm.s32 $0x6;
	[sflag:s0] =	ssyncadd.s32 $0xFFFFEFE0  }
0x136: {  	s3 =	simm.s32 $0x0;
	[sflag:s31] =	ssyncpa.u1 $0x0  }
.LBB2_30:
0x137: {  	p0 =	slt.u32 s4, $0x270F1  }
0x138: {  	s0 =	sand.u32 @p0 $0x3FFF8, s4  }
0x139: {  	s4 =	sand.u32 @p0 $0x7, s4;
	s5 =	simm.s32 @p0 $0xF188;
	s0 =	sadd.s32 @p0 s1, s0  }
0x13a: {  	[tilespmem:s5], [sflag:$0x6] =	stream.linear.gather @p0 [hbm4b:s0+s4], $0x80, $0x38;
	[tilespmem:$0x1F6E8] =	vst v63  }
0x13b: {  	s0 =	simm.s32 @p0 $0x6  }
0x13c: {  	_ =	swait.ge @p0 [sflag:s0], $0x80  }
0x13d: {  	[sflag:s0] =	ssyncset.done @p0 $0x0  }
0x13e: {  	[sflag:s0] =	ssyncadd.s32 @p0 $0xFFFFFF80  }
0x13f: {  	v1 =	vld @p0 [tilespmem:$0xF188];
	_ =	sdelay $0x2  }
0x140: {  	s0 =	sshll.u32 @p0 s3, $0x9  }
0x141: {  	s4 =	sshrl.u32 @p0 s0, $0x2  }
0x142: {  	[tilespmem:s4+$0xF238] =	vst.add.f32.msk @p0 $0xffff, v1  }
0x143: {  	v1 =	vld @p0 [tilespmem:$0xF198];
	_ =	sdelay $0x4  }
0x144: {  	[tilespmem:s4+$0xF248] =	vst.add.f32.msk @p0 $0xffff, v1  }
0x145: {  	v1 =	vld @p0 [tilespmem:$0xF1A8];
	_ =	sdelay $0x4  }
0x146: {  	[tilespmem:s4+$0xF258] =	vst.add.f32.msk @p0 $0xffff, v1  }
0x147: {  	v1 =	vld @p0 [tilespmem:$0xF1B8];
	_ =	sdelay $0x4  }
0x148: {  	[tilespmem:s4+$0xF268] =	vst.add.f32.msk @p0 $0xffff, v1  }
0x149: {  	v1 =	vld @p0 [tilespmem:$0xF1C8];
	_ =	sdelay $0x4  }
0x14a: {  	[tilespmem:s4+$0xF278] =	vst.add.f32.msk @p0 $0xffff, v1  }
0x14b: {  	v1 =	vld @p0 [tilespmem:$0xF1D8];
	_ =	sdelay $0x4  }
0x14c: {  	[tilespmem:s4+$0xF288] =	vst.add.f32.msk @p0 $0xffff, v1  }
0x14d: {  	v1 =	vld @p0 [tilespmem:$0xF1E8];
	_ =	sdelay $0x4  }
0x14e: {  	[tilespmem:s4+$0xF298] =	vst.add.f32.msk @p0 $0xffff, v1  }
0x14f: {  	v1 =	vld @p0 [tilespmem:$0xF1F8];
	_ =	sdelay $0x3  }
0x150: {  	s5 =	sshll.u32 @!p0 s3, $0x9  }
0x151: {  	s5 =	smov.u32 @p0 s0;
	[tilespmem:s4+$0xF2A8] =	vst.add.f32.msk @p0 $0xffff, v1  }
0x152: {  	s0 =	sshrl.u32 s5, $0x2;
	[tilespmem:s2+$0xF218] =	vst.msk $0x1, v0  }
0x153: {  	v0 =	vld [tilespmem:s0+$0xF238];
	_ =	sdelay $0x2  }
0x154: {  	s31 =	sshll.u32 s2, $0x9  }
0x155: {  	s4 =	sshra.s32 s31, $0x2  }
0x156: {  	[tilespmem:s4+$0xF238] =	vst v0  }
0x157: {  	v0 =	vld [tilespmem:s0+$0xF248];
	_ =	sdelay $0x4  }
0x158: {  	[tilespmem:s4+$0xF248] =	vst v0  }
0x159: {  	v0 =	vld [tilespmem:s0+$0xF258];
	_ =	sdelay $0x4  }
0x15a: {  	[tilespmem:s4+$0xF258] =	vst v0  }
0x15b: {  	v0 =	vld [tilespmem:s0+$0xF268];
	_ =	sdelay $0x4  }
0x15c: {  	[tilespmem:s4+$0xF268] =	vst v0  }
0x15d: {  	v0 =	vld [tilespmem:s0+$0xF278];
	_ =	sdelay $0x4  }
0x15e: {  	[tilespmem:s4+$0xF278] =	vst v0  }
0x15f: {  	v0 =	vld [tilespmem:s0+$0xF288];
	_ =	sdelay $0x4  }
0x160: {  	[tilespmem:s4+$0xF288] =	vst v0  }
0x161: {  	v0 =	vld [tilespmem:s0+$0xF298];
	_ =	sdelay $0x4  }
0x162: {  	[tilespmem:s4+$0xF298] =	vst v0  }
0x163: {  	v0 =	vld [tilespmem:s0+$0xF2A8];
	_ =	sdelay $0x4  }
0x164: {  	s2 =	sadd.s32 $0x1, s2;
	[tilespmem:s4+$0xF2A8] =	vst v0  }
.LBB2_31:
0x165: {  	s3 =	sadd.s32 $0x1, s3  }
0x166: {  	p0 =	sne.s32 s3, $0x20  }
.Ltmp18:
0x167: {  	_ = 	snop;
	(pc) =	sbr.rel @!p0 .LBB2_32-.Ltmp18, $1  }
0x168: {  	_ =	sdelay $0x3  }
.LBB2_24:
0x169: {  	v0 =	vld.msk [tilespmem:s3+$0xF218], $0x1;
	_ =	sdelay $0x4  }
0x16a: {  	(v2sf) =	vpush v0, $0x0;
	_ =	sdelay $0xe  }
0x16b: {  	s4 =	spop (v2sf)  }
0x16c: {  	p0 =	seq.s32 s4, $0xFFFFFFFF  }
.Ltmp19:
0x16d: {  	_ = 	snop;
	(pc) =	sbr.rel @p0 .LBB2_31-.Ltmp19, $1  }
0x16e: {  	_ =	sdelay $0x3  }
0x16f: {  	p0 =	slt.s32 s2, $0x1  }
.Ltmp20:
0x170: {  	_ = 	snop;
	(pc) =	sbr.rel @p0 .LBB2_30-.Ltmp20, $1  }
0x171: {  	_ =	sdelay $0x3  }
0x172: {  	s5 =	simm.s32 $0xF218;
	p0 =	por $0x0, $0x0  }
0x173: {  	v1 =	vld.msk @!p0 [tilespmem:s5+$0x0], $0x1;
	_ =	sdelay $0x4  }
0x174: {  	(v2sf) =	vpush @!p0 v1, $0x0;
	_ =	sdelay $0xd  }
0x175: {  	p2 =	sne.s32 s2, $0x1  }
.Ltmp21:
0x176: {  	s0 =	spop @!p0 (v2sf);
	(pc) =	sbr.rel @!p2 .LBB2_28-.Ltmp21, $4  }
0x177: {  	p1 =	seq.s32 @!p0 s4, s0  }
0x178: {  	s6 =	simm.s32 $0x0;
	p1 =	por !p1, p0  }
0x179: {  	s0 =	simm.s32 $0xFFFFFFFF;
	s6 =	simm.s32 @p1 $0xFFFFFFFF  }
0x17a: {  	s7 =	simm.s32 $0x1;
	s6 =	smov.u32 @p0 s0  }
.LBB2_27:
0x17b: {  	s0 =	smov.u32 s6;
	p0 =	sne.s32 s6, $0xFFFFFFFF  }
0x17c: {  	s5 =	sadd.s32 $0x1, s5;
	s6 =	smov.u32 s7;
	s7 =	sadd.s32 $0x1, s7  }
0x17d: {  	p1 =	sne.s32 s2, s7;
	v1 =	vld.msk @!p0 [tilespmem:s5+$0x0], $0x1;
	_ =	sdelay $0x4  }
0x17e: {  	(v2sf) =	vpush @!p0 v1, $0x0;
	_ =	sdelay $0xe  }
.Ltmp22:
0x17f: {  	s8 =	spop @!p0 (v2sf);
	(pc) =	sbr.rel @p1 .LBB2_27-.Ltmp22, $4  }
0x180: {  	p2 =	seq.s32 @!p0 s4, s8  }
0x181: {  	p2 =	por !p2, p0  }
0x182: {  	s6 =	simm.s32 @p2 $0xFFFFFFFF  }
0x183: {  	s6 =	smov.u32 @p0 s0  }
.LBB2_28:
0x184: {  	p0 =	seq.s32 s6, $0xFFFFFFFF  }
.Ltmp23:
0x185: {  	_ = 	snop;
	(pc) =	sbr.rel @p0 .LBB2_30-.Ltmp23, $1  }
0x186: {  	_ =	sdelay $0x3  }
0x187: {  	s0 =	sshll.u32 s3, $0x7  }
0x188: {  	s0 =	sand.u32 $0x3FFFFF80, s0  }
0x189: {  	v0 =	vld [tilespmem:s0+$0xF238];
	_ =	sdelay $0x2  }
0x18a: {  	s4 =	sshll.u32 s6, $0x9  }
0x18b: {  	s4 =	sshra.s32 s4, $0x2  }
0x18c: {  	[tilespmem:s4+$0xF238] =	vst.add.f32.msk $0xffff, v0  }
0x18d: {  	v0 =	vld [tilespmem:s0+$0xF248];
	_ =	sdelay $0x4  }
0x18e: {  	[tilespmem:s4+$0xF248] =	vst.add.f32.msk $0xffff, v0  }
0x18f: {  	v0 =	vld [tilespmem:s0+$0xF258];
	_ =	sdelay $0x4  }
0x190: {  	[tilespmem:s4+$0xF258] =	vst.add.f32.msk $0xffff, v0  }
0x191: {  	v0 =	vld [tilespmem:s0+$0xF268];
	_ =	sdelay $0x4  }
0x192: {  	[tilespmem:s4+$0xF268] =	vst.add.f32.msk $0xffff, v0  }
0x193: {  	v0 =	vld [tilespmem:s0+$0xF278];
	_ =	sdelay $0x4  }
0x194: {  	[tilespmem:s4+$0xF278] =	vst.add.f32.msk $0xffff, v0  }
0x195: {  	v0 =	vld [tilespmem:s0+$0xF288];
	_ =	sdelay $0x4  }
0x196: {  	[tilespmem:s4+$0xF288] =	vst.add.f32.msk $0xffff, v0  }
0x197: {  	v0 =	vld [tilespmem:s0+$0xF298];
	_ =	sdelay $0x4  }
0x198: {  	[tilespmem:s4+$0xF298] =	vst.add.f32.msk $0xffff, v0  }
0x199: {  	v0 =	vld [tilespmem:s0+$0xF2A8]  }
.Ltmp24:
0x19a: {  	_ = 	snop;
	(pc) =	sbr.rel .LBB2_31-.Ltmp24, $2  }
0x19b: {  	_ =	sdelay $0x2  }
0x19c: {  	[tilespmem:s4+$0xF2A8] =	vst.add.f32.msk $0xffff, v0  }
.LBB2_32:
0x19d: {  	p0 =	slt.s32 s2, $0x1  }
.Ltmp25:
0x19e: {  	_ = 	snop;
	(pc) =	sbr.rel @p0 .LBB2_36-.Ltmp25, $3  }
0x19f: {  	_ =	sdelay $0x1  }
0x1a0: {  	s0 =	simm.s32 $0x6  }
0x1a1: {  	s3 =	simm.s32 $0x0;
	[sflag:s0] =	ssyncpa.u1 $0x1  }
0x1a2: {  	s0 =	simm.s32 $0xF218  }
0x1a3: {  	v0 =	vld.msk [tilespmem:s0+$0x0], $0x1;
	_ =	sdelay $0x4  }
0x1a4: {  	(v2sf) =	vpush v0, $0x0;
	_ =	sdelay $0xd  }
0x1a5: {  	s2 =	sadd.s32 $0xFFFFFFFF, s2  }
0x1a6: {  	p1 =	sne.s32 s2, $0x0;
	s0 =	spop (v2sf)  }
.Ltmp26:
0x1a7: {  	p0 =	sgt.u32 s0, $0x270F0;
	(pc) =	sbr.rel @!p1 .LBB2_35-.Ltmp26, $4  }
0x1a8: {  	s4 =	simm.s32 $0xF238;
	s5 =	sand.u32 @!p0 $0x3FFF8, s0  }
0x1a9: {  	s6 =	simm.s32 $0x0;
	s0 =	sand.u32 @!p0 $0x7, s0;
	s5 =	sadd.s32 @!p0 s1, s5  }
0x1aa: {  	[hbm4b:s5+s0] =	stream.linear.scatter @!p0 [tilespmem:s4], [sflag:$0x5], $0x80, $0x38;
	[tilespmem:$0x1F6E8] =	vst v63  }
0x1ab: {  	s6 =	simm.s32 @!p0 $0x200;
	s5 =	simm.s32 $0xF219  }
.LBB2_34:
0x1ac: {  	v0 =	vld.msk [tilespmem:s5+$0x0], $0x1;
	s2 =	sadd.s32 $0xFFFFFFFF, s2;
	s3 =	sadd.s32 s3, s6  }
0x1ad: {  	p0 =	sne.s32 s2, $0x0;
	_ =	sdelay $0x3  }
0x1ae: {  	(v2sf) =	vpush v0, $0x0;
	_ =	sdelay $0xe  }
.Ltmp27:
0x1af: {  	s0 =	spop (v2sf);
	(pc) =	sbr.rel @p0 .LBB2_34-.Ltmp27, $4  }
0x1b0: {  	s6 =	simm.s32 $0x0;
	p1 =	sgt.u32 s0, $0x270F0  }
0x1b1: {  	s4 =	sadd.s32 $0x80, s4;
	s6 =	simm.s32 @!p1 $0x200;
	s7 =	sand.u32 @!p1 $0x3FFF8, s0  }
0x1b2: {  	s5 =	sadd.s32 $0x1, s5;
	s0 =	sand.u32 @!p1 $0x7, s0;
	s7 =	sadd.s32 @!p1 s1, s7  }
0x1b3: {  	[hbm4b:s7+s0] =	stream.linear.scatter @!p1 [tilespmem:s4], [sflag:$0x5], $0x80, $0x38;
	[tilespmem:$0x1F6E8] =	vst v63  }
.LBB2_35:
0x1b4: {  	s0 =	sadd.s32 s3, s6  }
0x1b5: {  	s3 =	sshrl.u32 s0, $0x2  }
.LBB2_36:
0x1b6: {  	s0 =	simm.s32 $0x5  }
0x1b7: {  	_ =	swait.ge [sflag:s0], s3  }
0x1b8: {  	s1 =	ssub.s32 $0x0, s3;
	[sflag:s0] =	ssyncset.done $0x0  }
0x1b9: {  	[sflag:s0] =	ssyncadd.s32 s1  }
0x1ba: {  	[sflag:s0] =	ssyncpa.u1 $0x1  }
0x1bb: {  	s30 =	simm.s32 $0x1;
	_ =	sfence  }
0x1bc: {  	[sflag:s30] =	ssyncpa.u1 $0x1  }
0x1bd: {  	_ =	strace $0x9000005F  }
0x1be: {  	[bflag:$0x2] =	sbarrier.arrive $0xFFFF  }
0x1bf: {  	s31 =	rddreg [dreg:$0x1]  }
0x1c0: {  	s0 =	sadd.s32 $0x100000, s31  }
0x1c1: {  	[sflag:s0] =	ssyncadd.tile.s32 $0x1;
	_ =	shalt  }
.Lfunc_end2:
_tile_overlayer_lowered:
.L_overlay_start_2:
0x1c2: {  	(tag) =	ssettag $0x2  }
0x1c3: {  	s0 =	rddreg [dreg:$0x0];
	s2 =	stileid.u32  }
0x1c4: {  	s1 =	rddreg [dreg:$0x1];
	p0 =	sne.s32 s2, $0x0  }
0x1c5: {  	s3 =	rddreg [dreg:$0x2];
	[bflag:$0x3] =	sbarrier.arrive $0xFFFF;
	s2 =	simm.s32 @!p0 $0x1C01  }
0x1c6: {  	[timem:s3], [sflag:s2] =	dma.local @!p0 [hbm:s0], s1  }
0x1c7: {  	s0 =	simm.s32 @!p0 $0x1  }
0x1c8: {  	_ =	swait.ge @!p0 [sflag:s0], s1  }
0x1c9: {  	s1 =	ssub.s32 @!p0 $0x0, s1;
	[sflag:s0] =	ssyncset.done @!p0 $0x0  }
0x1ca: {  	[sflag:s0] =	ssyncadd.s32 @!p0 s1  }
0x1cb: {  	[bflag:$0x3] =	sbarrier.arrive $0xFFFF  }
0x1cc: {  	_ =	shalt  }

// kernel: scatter_offload_async_start.6
scs
__scs_entry_jumppad:
0x0: {  	(pc) =	sbr.rel $0x88, $3  }
0x1: {  	(tag) =	ssettag $0x0;
	lr =	simm.s32 $0x1  }
0x2: {  	[smem:$0x3F93] =	sst lr;
	_ =	strace $0xD0000000  }
0x3: {  	_ = 	snop  }
0x4: {  	_ = 	snop  }
0x5: {  	_ = 	snop  }
0x6: {  	_ = 	snop  }
0x7: {  	_ = 	snop  }
__scs_overlays_trampoline_lowered:
0x8: {  	[smem:$0x3FA2] =	sst s0  }
0x9: {  	[smem:$0x3FA3] =	sst s1  }
0xa: {  	[smem:$0x3FA4] =	sst s2  }
0xb: {  	[smem:$0x3FA5] =	sst s3  }
0xc: {  	[smem:$0x3FA6] =	sst s4  }
0xd: {  	[smem:$0x3FA7] =	sst s5  }
0xe: {  	[smem:$0x3FA8] =	sst s6  }
0xf: {  	[smem:$0x3FA9] =	sst s7  }
0x10: {  	[smem:$0x3FAA] =	sst s8  }
0x11: {  	[smem:$0x3FAB] =	sst s9;
	s0 =	simm.s32 @!p0 $0x0  }
0x12: {  	s1 =	sld [smem:$0x3F91];
	s0 =	simm.s32 @p0 $0x1  }
0x13: {  	[smem:$0x3FAC] =	sst s0;
	s0 =	simm.s32 @!p1 $0x0  }
0x14: {  	s2 =	sld [smem:$0x3F90];
	s0 =	simm.s32 @p1 $0x1  }
0x15: {  	[smem:$0x3FAD] =	sst s0;
	s0 =	simm.s32 @!p2 $0x0  }
0x16: {  	s3 =	sld [smem:$0x3FDB];
	s0 =	simm.s32 @p2 $0x1  }
0x17: {  	s4 =	simm.s32 $0x1BF5;
	[smem:$0x3FAF] =	sst s0  }
0x18: {  	s0 =	sld [smem:$0x3F92];
	_ =	swait.ge [sflag:s4], $0x0  }
0x19: {  	s7 =	sld [smem:$0x3F93]  }
0x1a: {  	s8 =	sadd.s32 $0xFFFFE003, lr  }
0x1b: {  	s9 =	sadd.s32 $0xFFFFFEF7, lr;
	s5 =	simm.s32 $0xFFFFFFFF;
	p2 =	slt.u32 s8, $0xFFFFF086  }
0x1c: {  	p1 =	slt.u32 s9, $0xF7A;
	s5 =	simm.s32 @!p2 $0x0  }
0x1d: {  	s5 =	simm.s32 @p1 $0x1;
	p0 =	seq.s32 s7, s2  }
0x1e: {  	s7 =	smul.u32 @!p0 $0xF7A, s2;
	p2 =	seq.s32 @!p0 s5, $0x0  }
0x1f: {  	s9 =	smul.u32 $0xF7A, s1;
	s8 =	simm.s32 @!p0 $0x1BF5;
	p2 =	por !p2, p0  }
0x20: {  	[sflag:s8] =	ssyncset.s32 @!p0 $0xFFFFF086;
	s6 =	sadd.s32 @!p0 s3, s7;
	s7 =	simm.s32 @!p0 $0x108  }
0x21: {  	s3 =	sadd.s32 s3, s9;
	s6 =	sadd.s32 @!p0 $0x88, s6;
	s7 =	simm.s32 @p2 $0x1082  }
0x22: {  	[simem:s7], [sflag:s8] =	dma.local @!p0 [hbm:s6], $0xF7A  }
0x23: {  	s9 =	sor.u32 $0xD0000000, s2;
	s6 =	simm.s32 $0x108;
	_ =	swait.ge @!p0 [sflag:s8], $0x0  }
0x24: {  	s3 =	sadd.s32 $0x88, s3;
	s6 =	simm.s32 @!p1 $0x1082;
	[sflag:s4] =	ssyncset.s32 $0xFFFFF086  }
0x25: {  	[simem:s6], [sflag:s4] =	dma.local [hbm:s3], $0xF7A  }
0x26: {  	[smem:$0x3F93] =	sst s1;
	(tag) =	ssettag s2;
	_ =	strace s9  }
0x27: {  	s1 =	sld [smem:$0x3FA3]  }
0x28: {  	s2 =	sld [smem:$0x3FA4]  }
0x29: {  	s4 =	sld [smem:$0x3FA6]  }
0x2a: {  	p0 =	seq.s32 s5, $0x0;
	s5 =	sld [smem:$0x3FA7]  }
0x2b: {  	s6 =	sld [smem:$0x3FA8]  }
0x2c: {  	s7 =	sld [smem:$0x3FA9]  }
0x2d: {  	s3 =	simm.s32 $0x108;
	s8 =	sld [smem:$0x3FAA]  }
0x2e: {  	s3 =	simm.s32 @!p0 $0x1082;
	s9 =	sld [smem:$0x3FAB]  }
0x2f: {  	lr =	sadd.s32 s0, s3;
	s0 =	sld [smem:$0x3FA2]  }
0x30: {  	s3 =	sld [smem:$0x3FA5]  }
0x31: {  	[smem:$0x3FAE] =	sst s10  }
0x32: {  	s10 =	sld [smem:$0x3FAC];
	_ =	sdelay $0x3  }
0x33: {  	p0 =	seq.s32 s10, $0x1;
	s10 =	sld [smem:$0x3FAE];
	_ =	sdelay $0x3  }
0x34: {  	[smem:$0x3FAE] =	sst s10  }
0x35: {  	s10 =	sld [smem:$0x3FAD];
	_ =	sdelay $0x3  }
0x36: {  	p1 =	seq.s32 s10, $0x1;
	s10 =	sld [smem:$0x3FAE];
	_ =	sdelay $0x3  }
0x37: {  	[smem:$0x3FAE] =	sst s10  }
0x38: {  	s10 =	sld [smem:$0x3FAF]  }
0x39: {  	_ = 	snop;
	(pc) =	sbr.ind lr, $3  }
0x3a: {  	_ = 	snop  }
0x3b: {  	_ = 	snop  }
0x3c: {  	p2 =	seq.s32 s10, $0x1;
	s10 =	sld [smem:$0x3FAE]  }
0x3d: {  	_ =	shalt  }
0x3e: {  	_ =	shalt  }
0x3f: {  	_ =	shalt  }
0x40: {  	_ =	shalt  }
0x41: {  	_ =	shalt  }
0x42: {  	_ =	shalt  }
0x43: {  	_ =	shalt  }
0x44: {  	_ =	shalt  }
0x45: {  	_ =	shalt  }
0x46: {  	_ =	shalt  }
0x47: {  	_ =	shalt  }
0x48: {  	_ =	shalt  }
0x49: {  	_ =	shalt  }
0x4a: {  	_ =	shalt  }
0x4b: {  	_ =	shalt  }
0x4c: {  	_ =	shalt  }
0x4d: {  	_ =	shalt  }
0x4e: {  	_ =	shalt  }
0x4f: {  	_ =	shalt  }
0x50: {  	_ =	shalt  }
0x51: {  	_ =	shalt  }
0x52: {  	_ =	shalt  }
0x53: {  	_ =	shalt  }
0x54: {  	_ =	shalt  }
0x55: {  	_ =	shalt  }
0x56: {  	_ =	shalt  }
0x57: {  	_ =	shalt  }
0x58: {  	_ =	shalt  }
0x59: {  	_ =	shalt  }
0x5a: {  	_ =	shalt  }
0x5b: {  	_ =	shalt  }
0x5c: {  	_ =	shalt  }
0x5d: {  	_ =	shalt  }
0x5e: {  	_ =	shalt  }
0x5f: {  	_ =	shalt  }
0x60: {  	_ =	shalt  }
0x61: {  	_ =	shalt  }
0x62: {  	_ =	shalt  }
0x63: {  	_ =	shalt  }
0x64: {  	_ =	shalt  }
0x65: {  	_ =	shalt  }
0x66: {  	_ =	shalt  }
0x67: {  	_ =	shalt  }
0x68: {  	_ =	shalt  }
0x69: {  	_ =	shalt  }
0x6a: {  	_ =	shalt  }
0x6b: {  	_ =	shalt  }
0x6c: {  	_ =	shalt  }
0x6d: {  	_ =	shalt  }
0x6e: {  	_ =	shalt  }
0x6f: {  	_ =	shalt  }
0x70: {  	_ =	shalt  }
0x71: {  	_ =	shalt  }
0x72: {  	_ =	shalt  }
0x73: {  	_ =	shalt  }
0x74: {  	_ =	shalt  }
0x75: {  	_ =	shalt  }
0x76: {  	_ =	shalt  }
0x77: {  	_ =	shalt  }
0x78: {  	_ =	shalt  }
0x79: {  	_ =	shalt  }
0x7a: {  	_ =	shalt  }
0x7b: {  	_ =	shalt  }
0x7c: {  	_ =	shalt  }
0x7d: {  	_ =	shalt  }
0x7e: {  	_ =	shalt  }
0x7f: {  	_ =	shalt  }
0x80: {  	_ =	shalt  }
0x81: {  	_ =	shalt  }
0x82: {  	_ =	shalt  }
0x83: {  	_ =	shalt  }
0x84: {  	_ =	shalt  }
0x85: {  	_ =	shalt  }
0x86: {  	_ =	shalt  }
0x87: {  	_ =	shalt  }
.Lfunc_end0:
.L_simem_size_0:
called_computation.6_lowered:
.L_overlay_start_0:
0x88: {  	s0 =	sld [smem:$0x3FD9]  }
0x89: {  	s1 =	sld [smem:$0x3FFE];
	_ =	sdelay $0x3  }
0x8a: {  	s0 =	sadd.s32 s1, s0  }
0x8b: {  	[smem:$0x3FBA] =	sst s0  }
0x8c: {  	_ = 	snop  }
0x8d: {  	s0 =	sld [smem:$0x3FD0];
	_ =	sdelay $0x2  }
0x8e: {  	s13 =	simm.s32 $0xB;
	s2 =	simm.s32 $0x10  }
0x8f: {  	[smem:s2], [sflag:s13] =	dma.local [hbm:s0], $0x1  }
0x90: {  	_ =	swait.eq [sflag:s13], $0x1  }
0x91: {  	[sflag:s13] =	ssyncset.done $0x0  }
0x92: {  	[sflag:s13] =	ssyncadd.s32 $0xFFFFFFFF  }
0x93: {  	s14 =	sld [smem:$0x13];
	(tm) =	ssettm $0x1  }
0x94: {  	s15 =	sld [smem:$0x3FFB];
	_ =	sdelay $0x3  }
0x95: {  	_ =	strace s15  }
0x96: {  	s1 =	sld [smem:$0x3FFC];
	_ =	sdelay $0x3  }
0x97: {  	_ =	strace s1  }
0x98: {  	s1 =	sld [smem:$0x3FFD];
	_ =	sdelay $0x3  }
0x99: {  	_ =	strace s1  }
0x9a: {  	_ =	strace $0x8FFFFFFF  }
0x9b: {  	s16 =	sld [smem:$0x3FDB];
	_ =	sdelay $0x1  }
0x9c: {  	s17 =	simm.s32 $_scs_section_size  }
0x9d: {  	s3 =	simm.s32 $_size__tile_overlayer_lowered;
	s4 =	simm.s32 $_tile_overlayer_lowered  }
0x9e: {  	s20 =	simm.s32 $0x1BFF;
	s19 =	sshll.u32 s4, $0x1;
	s1 =	sadd.s32 s17, s16  }
0x9f: {  	s5 =	simm.s32 $0x0;
	s18 =	sshll.u32 s3, $0x1;
	s3 =	sadd.s32 s19, s1  }
0xa0: {  	[timem:s5], [sflag:s20] =	dma.local [hbm:s3], s18  }
0xa1: {  	_ =	swait.ge [sflag:s20], s18  }
0xa2: {  	s2 =	ssub.s32 $0x0, s18;
	[sflag:s20] =	ssyncset.done $0x0  }
0xa3: {  	[sflag:s20] =	ssyncadd.s32 s2;
	_ =	sdelay $0x1  }
0xa4: {  	s21 =	simm.s32 $0x1B8B  }
0xa5: {  	_ =	swait.ge [sflag:s21], $0x1  }
0xa6: {  	[sflag:s21] =	ssyncset.done $0x0  }
0xa7: {  	s23 =	simm.s32 $0x1B8E;
	s22 =	sld [smem:$0x3FFE];
	[sflag:s21] =	ssyncadd.s32 $0xFFFFFFFF  }
0xa8: {  	s24 =	simm.s32 $execute0_lowered;
	[smem:$0x3FD2] =	sst s23  }
0xa9: {  	s3 =	sshll.u32 s24, $0x1;
	_ =	strace $0x80000061;
	[dreg:$0x1] =	wrdreg $0xFFFFFFFF  }
0xaa: {  	s25 =	simm.s32 $_size_execute0_lowered;
	s1 =	sadd.s32 s1, s3;
	[dreg:$0x0] =	wrdreg $0x0  }
0xab: {  	s3 =	sshll.u32 s25, $0x1;
	[dreg:$0x2] =	wrdreg s1  }
0xac: {  	[dreg:$0x3] =	wrdreg s3  }
0xad: {  	[dreg:$0x4] =	wrdreg $0xC0  }
0xae: {  	_ =	task [dreg:s5], $0x5FFFF  }
0xaf: {  	[dreg:$0x1] =	wrdreg $0xFFFFFFFF  }
0xb0: {  	[dreg:$0x0] =	wrdreg $0x60  }
0xb1: {  	[dreg:$0x2] =	wrdreg s14  }
0xb2: {  	[dreg:$0x3] =	wrdreg s22  }
0xb3: {  	[dreg:$0x4] =	wrdreg $0x9  }
0xb4: {  	_ =	task.clear_ibuf [dreg:s5], $0x5FFFF;
	_ =	strace $0x90000061  }
0xb5: {  	s26 =	simm.s32 $0x9;
	_ =	strace $0x80000063  }
0xb6: {  	_ =	swait.ge [sflag:s26], $0x1  }
0xb7: {  	[sflag:s26] =	ssyncadd.s32 $0xFFFFFFFF  }
0xb8: {  	_ =	strace $0x90000063  }
0xb9: {  	_ =	sfence  }
0xba: {  	s28 =	sld [smem:$0x0];
	_ =	sdelay $0x1  }
0xbb: {  	s29 =	srdreg.scid  }
0xbc: {  	s30 =	sshll.u32 s29, $0xD;
	s31 =	sshrl.u32 s29, $0x2  }
0xbd: {  	s2 =	sand.u32 $0x4000, s30;
	s1 =	sand.u32 $0x1, s29;
	s0 =	sadd.s32 s31, s28  }
0xbe: {  	s1 =	sor.u32 s2, s1;
	s0 =	sshll.u32 s0, $0x11  }
0xbf: {  	s0 =	sor.u32 s0, s1  }
0xc0: {  	s0 =	sadd.s32 $0x8F2B, s0  }
0xc1: {  	[sflag:s0] =	ssyncadd.remote.s32 $0x1  }
0xc2: {  	_ =	sfence.sel $0xFFFF  }
0xc3: {  	[dreg:$0x0] =	wrdreg $0xFFFFFFFF;
	(pc) =	sbr.abs _section_cstart, $3  }
0xc4: {  	[dreg:$0x1] =	wrdreg $0xFFFFFFFF  }
0xc5: {  	_ =	task.clear_ibuf [dreg:s5], $0x2FFFF;
	_ =	strace $0x9FFFFFFF  }
0xc6: {  	(tm) =	ssettm $0x7FFFFFFF  }
0xc7: {  	_ =	shalt  }
tec
execute0_lowered:
.L_overlay_start_1:
0x0: {  	(tag) =	ssettag $0x1  }
0x1: {  	s1 =	rddreg [dreg:$0x0]  }
0x2: {  	s8 =	rddreg [dreg:$0x1]  }
0x3: {  	s3 =	stileid.u32;
	_ =	strace $0x80000062;
	s0 =	simm.s32 $0x1  }
0x4: {  	v1 =	vimm.s32 $0xFFFFFFFF;
	s2 =	smin.u32 s3, $0x9;
	[sflag:s0] =	ssyncpa.u1 $0x0  }
0x5: {  	s2 =	sadd.s32 s3, s2;
	[tilespmem:$0x10] =	vst v1  }
0x6: {  	v0 =	vimm.f32 $0.0e+00;
	p0 =	slt.u32 s3, $0x9;
	[tilespmem:$0x20] =	vst v1;
	s4 =	smul.u32 $0x1A90, s2;
	s2 =	simm.s32 $0x3520  }
0x7: {  	[tilespmem:$0x30] =	vst v0;
	s2 =	simm.s32 @!p0 $0x1A90  }
0x8: {  	[tilespmem:$0x40] =	vst v0;
	s2 =	sadd.s32 s2, s4  }
0x9: {  	[tilespmem:$0x50] =	vst v0;
	s5 =	smin.u32 s2, $0x29810  }
0xa: {  	s7 =	simm.s32 $0x2;
	[tilespmem:$0x60] =	vst v1;
	s2 =	ssub.s32 s5, s4  }
0xb: {  	s31 =	simm.s32 $0x9;
	s16 =	simm.s32 $0x0;
	[tilespmem:$0x70] =	vst v1;
	p0 =	sgt.s32 s2, $0x0  }
0xc: {  	s17 =	simm.s32 $0xF0;
	s18 =	simm.s32 $0xFFFFFFFF;
	[tilespmem:$0x80] =	vst v1;
	s2 =	simm.s32 @!p0 $0x0  }
0xd: {  	s19 =	simm.s32 $0xFFFFCBE0;
	s20 =	simm.s32 $0xFFFFFFFE;
	v1 =	vimm.s32 $0x0;
	[tilespmem:$0xB0] =	vst v0;
	s6 =	smulhi.u32 $0x134679AD, s2  }
0xe: {  	s21 =	simm.s32 $0xF;
	s25 =	simm.s32 $0x0;
	s24 =	simm.s32 $0x0;
	[tilespmem:$0x90] =	vst v1  }
0xf: {  	[tilespmem:$0xA0] =	vst v1;
	[sflag:s7] =	ssyncpa.u1 $0x0;
	s7 =	simm.s32 $0x7;
	s9 =	sshrl.u32 s6, $0x9  }
0x10: {  	s14 =	sshllo.u32 s3, $0x1;
	[sflag:s7] =	ssyncpa.u1 $0x0;
	s10 =	smul.u32 $0x1A90, s9  }
.Ltmp0:
0x11: {  	s6 =	sadd.s32 $0x15000, s8;
	s8 =	simm.s32 $0x8;
	(pc) =	sbr.rel .LBB2_1-.Ltmp0, $4  }
0x12: {  	s23 =	smov.u32 s4;
	[sflag:s8] =	ssyncpa.u1 $0x0;
	p0 =	sne.s32 s2, s10  }
0x13: {  	[sflag:s31] =	ssyncpa.u1 $0x0;
	s10 =	sshll.u32 s3, $0x1;
	s0 =	simm.s32 @!p0 $0x0  }
0x14: {  	vm0 =	vmmov $0xffff;
	v2 =	vlaneseq.u32;
	s13 =	sor.u32 $0x81, s10;
	s15 =	sor.u32 $0x80, s10;
	s9 =	sadd.s32 s0, s9  }
0x15: {  	vm1 =	vmxor vm1, vm1;
	vm2 =	vmmov $0x1;
	vm3 =	vcmask $0x3F3C;
	p0 =	por $0x0, $0x0;
	s11 =	sadd.s32 $0x1, s9;
	s12 =	sadd.s32 $0x2, s9  }
.LBB2_9:
0x16: {  	p1 =	slt.u32 s24, $0x3  }
0x17: {  	s0 =	simm.s32 @!p1 $0x2  }
0x18: {  	_ =	swait.ge @!p1 [sflag:s0], $0x1A90  }
0x19: {  	[sflag:s0] =	ssyncset.done @!p1 $0x0  }
0x1a: {  	[sflag:s0] =	ssyncadd.s32 @!p1 $0xFFFFE570;
	s0 =	simm.s32 @!p1 $0x9  }
0x1b: {  	_ =	swait.ge @!p1 [sflag:s0], $0x10  }
0x1c: {  	[sflag:s0] =	ssyncset.done @!p1 $0x0  }
0x1d: {  	[sflag:s0] =	ssyncadd.s32 @!p1 $0xFFFFFFF0;
	p1 =	sne.s32 s24, s12  }
.Ltmp1:
0x1e: {  	s2 =	sadd.s32 $0x1A90, s23;
	(pc) =	sbr.rel @!p1 .LBB2_10-.Ltmp1, $4  }
0x1f: {  	s3 =	smov.u32 s4;
	s31 =	sadd.s32 $0x1, s24;
	s17 =	sadd.s32 $0x1A90, s17  }
0x20: {  	s18 =	sadd.s32 $0x1, s18;
	s25 =	smov.u32 s23;
	p2 =	slt.s32 s2, s5  }
0x21: {  	p0 =	por !p0, !p0;
	s19 =	sadd.s32 $0x1A90, s19;
	s3 =	smov.u32 @p2 s2  }
0x22: {  	s20 =	sadd.s32 $0x1, s20;
	s23 =	smov.u32 s3;
	s24 =	smov.u32 s31  }
.LBB2_1:
0x23: {  	p1 =	sge.u32 s24, s9  }
0x24: {  	s0 =	smulhi.u32 @!p1 $0xAAAAAAAB, s24;
	_ =	sdelay $0x1  }
0x25: {  	s0 =	sshrl.u32 @!p1 s0, $0x1  }
0x26: {  	s0 =	smul.u32 @!p1 $0x3, s0;
	_ =	sdelay $0x1  }
0x27: {  	s0 =	ssub.s32 @!p1 s24, s0  }
0x28: {  	s0 =	smul.u32 @!p1 $0x6A40, s0;
	_ =	sdelay $0x1  }
0x29: {  	s3 =	rddreg [dreg:$0x1];
	s2 =	sshrl.u32 @!p1 s23, $0x3;
	s0 =	sshrl.u32 @!p1 s0, $0x2  }
0x2a: {  	s22 =	sand.u32 @!p1 $0x7, s23;
	s2 =	sadd.s32 @!p1 s3, s2;
	s0 =	sadd.s32 @!p1 $0x100, s0  }
0x2b: {  	[tilespmem:s0], [sflag:$0x7] =	stream.linear.gather @!p1 [hbm4b:s2+s22], $0x1A90, $0x38;
	[tilespmem:$0xF030] =	vst v63  }
0x2c: {  	s0 =	sadd.s32 $0xFFFFFFFF, s24  }
0x2d: {  	p1 =	sge.u32 s0, s9  }
.Ltmp2:
0x2e: {  	_ = 	snop;
	(pc) =	sbr.rel @p1 .LBB2_5-.Ltmp2, $1  }
0x2f: {  	_ =	sdelay $0x3  }
0x30: {  	s2 =	smulhi.u32 $0xAAAAAAAB, s0;
	_ =	sdelay $0x1  }
0x31: {  	s2 =	sshrl.u32 s2, $0x1  }
0x32: {  	s2 =	smul.u32 $0x3, s2;
	_ =	sdelay $0x1  }
0x33: {  	s2 =	ssub.s32 s0, s2  }
0x34: {  	s2 =	smul.u32 $0x6A40, s2  }
0x35: {  	_ =	swait.ge [sflag:s7], $0x1A90  }
0x36: {  	[sflag:s7] =	ssyncset.done $0x0;
	s2 =	sshrl.u32 s2, $0x2  }
0x37: {  	[sflag:s7] =	ssyncadd.s32 $0xFFFFE570;
	(ifvalue) =	ssetifvalue $0xFFFFFFFF;
	v3 =	vld.msk [tilespmem:s2+$0x100 ss:$0x1], $0xffff;
	_ =	sdelay $0x2  }
0x38: {  	s30 =	smulhi.u32 $0xAAAAAAAB, s18;
	p1 =	sne.s32 s24, $0x1  }
0x39: {  	v4 =	vimm.s32 @!p1 $0x0  }
0x3a: {  	s2 =	sshrl.u32 s30, $0x1;
	v4 =	vperm.xlane @!p1 v3, v4  }
0x3b: {  	s22 =	sshll.u32 s24, $0x4;
	s2 =	smul.u32 $0xFFFEC140, s2;
	vm4 =	vlt.u32 v3, $0x2800  }
0x3c: {  	s22 =	sand.u32 $0x10, s22;
	v3 =	vnsel vm4, $0xFFFFFFFE, v3;
	vm4 =	vlt.u32 @!p1 v4, $0x2800  }
0x3d: {  	s2 =	sshra.s32 s2, $0x2;
	[tilespmem:s22+$0x60] =	vst v3;
	v3 =	vnsel @!p1 vm4, $0xFFFFFFFE, v4  }
0x3e: {  	s28 =	sadd.s32 s2, s17;
	[tilespmem:$0x80] =	vst @!p1 v3  }
0x3f: {  	v3 =	vld.msk [tilespmem:s28+$0x0 ss:$0x1], $0xffff;
	_ =	sdelay $0x4  }
0x40: {  	(xrf1) =	vunique.msk.u32 $0xffff, v3;
	_ =	sdelay $0xd  }
0x41: {  	v4 =	vimm.s32 $0xFFFFFFFF;
	v5, _, _ =	vpop (xrf1)  }
0x42: {  	vm5 =	vne.s32 v3, v4;
	vm4 =	veq.s32 v5, v2  }
0x43: {  	vm6 =	vlt.u32 v3, $0x2800;
	vm4 =	vmand vm5, vm4  }
0x44: {  	vm4 =	vmand vm6, vm4  }
0x45: {  	v4 =	vnsel vm4, $0xFFFFFFFF, v3  }
0x46: {  	s31 =	sand.u32 $0x1, s0  }
0x47: {  	s0 =	simm.s32 $0x1A90;
	p1 =	seq.s32 s31, $0x1  }
0x48: {  	s0 =	simm.s32 @!p1 $0x0  }
0x49: {  	s26 =	sadd.s32 $0x6B30, s0;
	(ifvalue) =	ssetifvalue $0xFFFFFFFF  }
0x4a: {  	v3 =	vperm.xlane v3, v1;
	[tilespmem:s26], [sflag:$0x8] =	stream.indirect_vreg.gather [hbm4b:s1+s16], $0x1, v4, vm0, $0x4038;
	v4 =	vnsel vm6, $0xFFFFFFFE, v4;
	[tilespmem:$0xF030] =	vst v63  }
0x4b: {  	s2 =	simm.s32 $0x0;
	s22 =	sadd.s32 $0xFFFFFFF0, s28;
	[tilespmem:s28+$0x0] =	vst v4  }
.LBB2_3:
0x4c: {  	v4 =	vld.msk [tilespmem:s22+$0x0 ss:$0x1], $0xffff;
	s2 =	sadd.s32 $0x10, s2;
	v5 =	vmov v3;
	s28 =	smov.u32 s22  }
0x4d: {  	p1 =	slt.u32 s2, $0x1A80;
	_ =	sdelay $0x4  }
0x4e: {  	v3 =	vperm.xlane v4, v1;
	(xrf1) =	vunique.msk.u32 $0xffff, v4;
	_ =	sdelay $0xd  }
0x4f: {  	v6, _, _ =	vpop (xrf1)  }
0x50: {  	vm5 =	vne.s32 v4, v5;
	vm4 =	veq.s32 v6, v2  }
0x51: {  	vm6 =	vlt.u32 v4, $0x2800;
	vm4 =	vmand vm5, vm4  }
0x52: {  	vm4 =	vmand vm6, vm4  }
0x53: {  	v4 =	vnsel vm4, $0xFFFFFFFF, v4  }
.Ltmp3:
0x54: {  	v5 =	vnsel vm6, $0xFFFFFFFE, v4;
	(pc) =	sbr.rel @p1 .LBB2_3-.Ltmp3, $3  }
0x55: {  	_ =	sdelay $0x1  }
0x56: {  	s22 =	sadd.s32 $0xFFFFFFF0, s22;
	s26 =	sadd.s32 $0xFFFFFFF0, s26;
	(ifvalue) =	ssetifvalue $0xFFFFFFFF  }
0x57: {  	[tilespmem:s26], [sflag:$0x8] =	stream.indirect_vreg.gather [hbm4b:s1+s16], $0x1, v4, vm0, $0x4038;
	[tilespmem:s28+$0x0] =	vst v5  }
0x58: {  	s2 =	sshrl.u32 s25, $0x3  }
0x59: {  	s0 =	sadd.s32 $0x85D0, s0;
	s2 =	sadd.s32 s6, s2  }
0x5a: {  	[tilespmem:s0], [sflag:$0x8] =	stream.linear.gather [hbm:s2], $0x1A90, $0x38;
	[tilespmem:$0xF030] =	vst v63  }
.LBB2_5:
0x5b: {  	p1 =	slt.u32 s24, $0x2  }
0x5c: {  	p2 =	sge.u32 @!p1 s24, s12  }
0x5d: {  	p1 =	por p1, p2  }
.Ltmp4:
0x5e: {  	_ = 	snop;
	(pc) =	sbr.rel @p1 .LBB2_9-.Ltmp4, $1  }
0x5f: {  	_ =	sdelay $0x3  }
0x60: {  	s0 =	sadd.s32 $0xFFFFFFFE, s24  }
0x61: {  	s2 =	smulhi.u32 $0xAAAAAAAB, s0;
	_ =	sdelay $0x1  }
0x62: {  	s2 =	sshrl.u32 s2, $0x1  }
0x63: {  	s2 =	smul.u32 $0x3, s2;
	_ =	sdelay $0x1  }
0x64: {  	s0 =	ssub.s32 s0, s2  }
0x65: {  	_ =	swait.ge [sflag:s8], $0x3520;
	s0 =	smul.u32 $0x1A90, s0  }
0x66: {  	p1 =	sne.s32 s24, s11;
	[sflag:s8] =	ssyncset.done $0x0  }
0x67: {  	[sflag:s8] =	ssyncadd.s32 $0xFFFFCAE0;
	s2 =	sadd.s32 @!p1 $0x1B8F, s0  }
0x68: {  	[spmem:s13] =	stream.linear.scatter @!p1 [tilespmem:s2], [sflag:$0x1], $0x1, $0x38;
	[tilespmem:$0xF030] =	vst v63  }
0x69: {  	s2 =	simm.s32 @!p1 $0x1  }
0x6a: {  	_ =	swait.ge @!p1 [sflag:s2], $0x1  }
0x6b: {  	s22 =	sshll.u32 s24, $0x4;
	[sflag:s2] =	ssyncset.done @!p1 $0x0  }
0x6c: {  	s25 =	sand.u32 $0x10, s22;
	[sflag:s2] =	ssyncadd.s32 @!p1 $0xFFFFFFFF  }
0x6d: {  	s2 =	sxor.u32 $0x10, s25;
	v4 =	vld [tilespmem:s25+$0x10]  }
0x6e: {  	v5 =	vld [tilespmem:s2+$0x60]  }
0x6f: {  	v3 =	vld [tilespmem:$0x80];
	_ =	sdelay $0x2  }
0x70: {  	(v2sf) =	vpush v4, $0x0  }
0x71: {  	(v2sf) =	vpush v5, $0x0  }
0x72: {  	(v2sf) =	vpush v3, $0x0;
	_ =	sdelay $0xc  }
0x73: {  	s3 =	spop (v2sf)  }
0x74: {  	s28 =	spop (v2sf)  }
0x75: {  	s26 =	spop (v2sf)  }
0x76: {  	p2 =	seq.s32 s3, s28;
	p3 =	seq.s32 s26, s3  }
0x77: {  	p3 =	por p2, p3  }
0x78: {  	s3 =	sand.u32 $0x1, s24;
	v4 =	vpsel p3, $0xFFFFFFFF, v4  }
0x79: {  	s28 =	smul.u32 $0x1A90, s3;
	[tilespmem:s25+$0x10] =	vst.msk $0x1, v4  }
0x7a: {  	v4 =	vld [tilespmem:$0x30]  }
0x7b: {  	v5 =	vld [tilespmem:s28+$0x85D0]  }
0x7c: {  	v6 =	vld [tilespmem:s25+$0x40];
	_ =	sdelay $0x3  }
0x7d: {  	vm4 =	vmmov vm1;
	v5 =	vadd.f32 v5, v4  }
0x7e: {  	vm5 =	vmmov vm2;
	vm4 =	vmmov @p2 vm2;
	v4 =	vadd.f32 v6, v4  }
0x7f: {  	s22 =	sshll.u32 s3, $0x4;
	vm5 =	vmmov @p3 vm1;
	[tilespmem:s28+$0x85D0] =	vst.msk vm4, v5  }
0x80: {  	[tilespmem:s22+$0xF010] =	vst.msk vm5, v4  }
0x81: {  	v4 =	vld [tilespmem:s28+$0x6B30];
	_ =	sdelay $0x3  }
0x82: {  	v5 =	vimm.f32 $0.0e+00  }
0x83: {  	v4 =	vshift.insert v4, v5, s21  }
0x84: {  	s29 =	sor.u32 $0x40, s2  }
0x85: {  	[tilespmem:s29+$0x0] =	vst.msk $0x1, v4  }
0x86: {  	[tilespmem:s28+$0x6B3F] =	vst.msk $0x1, v5  }
0x87: {  	v4 =	vld [tilespmem:s0+$0x1B80];
	_ =	sdelay $0x1  }
0x88: {  	s29 =	smulhi.u32 $0xAAAAAAAB, s20;
	s0 =	simm.s32 $0x1  }
0x89: {  	s0 =	simm.s32 @!p0 $0x0  }
0x8a: {  	s29 =	sshrl.u32 s29, $0x1;
	s0 =	smul.u32 $0x6A40, s0  }
0x8b: {  	s29 =	smul.u32 $0xFFFEC140, s29;
	v4 =	vshift.insert v4, v1, s21  }
0x8c: {  	s0 =	sshrl.u32 s0, $0x2  }
0x8d: {  	s29 =	sshra.s32 s29, $0x2;
	s30 =	sadd.s32 $0x85D0, s0;
	[tilespmem:s2+$0x10] =	vst.msk $0x1, v4  }
0x8e: {  	s3 =	sadd.s32 s29, s19;
	v6 =	vld [tilespmem:s30+$0x0]  }
0x8f: {  	v7 =	vld [tilespmem:s3+$0x0];
	_ =	sdelay $0x3  }
0x90: {  	v5 =	vadd.f32 v6, v5  }
0x91: {  	vm4 =	vne.s32 v7, $0xFFFFFFFF  }
0x92: {  	(xrf2) =	vadd.seg.scan.f32 vm4, v5;
	_ =	sdelay $0x3  }
0x93: {  	s31 =	sadd.s32 $0x50B0, s0;
	v5 =	vperm.xlane v4, v1  }
0x94: {  	v6 =	vld [tilespmem:s31+$0x0]  }
0x95: {  	vm5 =	veq.s32 v7, v3;
	vm6 =	veq.s32 v7, v5  }
0x96: {  	vm7 =	vgt.u32 v7, $0xFFFFFFFD;
	vm6 =	vmor vm6, vm5  }
0x97: {  	vm6 =	vmor vm6, vm7  }
0x98: {  	v9 =	vld [tilespmem:$0xA0];
	v7 =	vsel vm6, $0xFFFFFFFF, v7  }
0x99: {  	v10 =	vld [tilespmem:$0x90];
	v6 =	vsel vm5, $0x0, v6;
	v8, _, _ =	vpop (xrf2)  }
0x9a: {  	v6 =	vadd.f32 v8, v6  }
0x9b: {  	s0 =	sadd.s32 $0xBAF0, s0  }
0x9c: {  	vm4 =	vmand vm4, vm3;
	[tilespmem:s0+$0x0] =	vst v6;
	(ifvalue) =	ssetifvalue $0xFFFFFFFF  }
0x9d: {  	vm6 =	veq.s32 v9, $0x1;
	[hbm4b:s1+s16] =	stream.indirect_vreg.scatter [tilespmem:s0], [sflag:$0x2], $0x1, v7, vm0, $0x4038;
	v7 =	vsel vm4, $0x0, v8;
	[tilespmem:$0xF030] =	vst v63  }
0x9e: {  	s29 =	sadd.s32 $0xF010, s22;
	s22 =	sadd.s32 $0x10, s3;
	s2 =	simm.s32 $0x0;
	vm4 =	vmor vm6, vm5;
	v6 =	vsel vm5, v8, v10;
	v7 =	vshift.insert v7, v0, s21  }
.LBB2_7:
0x9f: {  	v8 =	vld [tilespmem:s22+$0x0];
	s30 =	sadd.s32 $0x10, s30  }
0xa0: {  	s31 =	sadd.s32 $0x10, s31;
	v9 =	vld [tilespmem:s30+$0x0]  }
0xa1: {  	s2 =	sadd.s32 $0x10, s2;
	v10 =	vld [tilespmem:s31+$0x0]  }
0xa2: {  	p2 =	slt.u32 s2, $0x1A80;
	_ =	sdelay $0x2  }
0xa3: {  	v7 =	vadd.f32 v9, v7  }
0xa4: {  	vm5 =	vne.s32 v8, $0xFFFFFFFF  }
0xa5: {  	vm6 =	vmand vm5, vm3;
	(xrf2) =	vadd.seg.scan.f32 vm5, v7;
	_ =	sdelay $0x5  }
0xa6: {  	vm7 =	veq.s32 v8, v5;
	vm5 =	veq.s32 v8, v3  }
0xa7: {  	vm8 =	vgt.u32 v8, $0xFFFFFFFD;
	vm4 =	vmor vm4, vm5;
	vm7 =	vmor vm7, vm5  }
0xa8: {  	vm7 =	vmor vm7, vm8  }
0xa9: {  	v8 =	vsel vm7, $0xFFFFFFFF, v8  }
.Ltmp5:
0xaa: {  	v7 =	vsel vm5, $0x0, v10;
	v9, _, _ =	vpop (xrf2);
	(pc) =	sbr.rel @p2 .LBB2_7-.Ltmp5, $4  }
0xab: {  	v6 =	vsel vm5, v9, v6;
	v10 =	vadd.f32 v9, v7;
	v7 =	vsel vm6, $0x0, v9  }
0xac: {  	s0 =	sadd.s32 $0x10, s0;
	v7 =	vshift.insert v7, v0, s21  }
0xad: {  	s22 =	sadd.s32 $0x10, s22;
	[tilespmem:s0+$0x0] =	vst v10;
	(ifvalue) =	ssetifvalue $0xFFFFFFFF  }
0xae: {  	[hbm4b:s1+s16] =	stream.indirect_vreg.scatter [tilespmem:s0], [sflag:$0x2], $0x1, v8, vm0, $0x4038;
	[tilespmem:$0xF030] =	vst v63  }
0xaf: {  	v3 =	vld [tilespmem:s28+$0xD570];
	_ =	sdelay $0x4  }
0xb0: {  	v3 =	vshift.insert v3, v0, s21  }
0xb1: {  	s0 =	simm.s32 $0x30  }
0xb2: {  	[tilespmem:s0+$0x0] =	vst.msk $0x1, v3  }
0xb3: {  	v3 =	vsel vm4, $0x1, v1;
	[tilespmem:$0x90] =	vst v6  }
0xb4: {  	s0 =	sadd.s32 @!p1 $0xD57F, s28;
	[tilespmem:$0xA0] =	vst v3  }
0xb5: {  	[spmem:s14] =	stream.linear.scatter @!p1 [tilespmem:s0], [sflag:$0x1], $0x1, $0x38;
	[tilespmem:$0xF030] =	vst v63  }
0xb6: {  	s0 =	simm.s32 @!p1 $0x1  }
0xb7: {  	v3 =	vmctz.xlane @!p1 vm4;
	_ =	swait.ge @!p1 [sflag:s0], $0x1  }
0xb8: {  	(v2sf) =	vpush @!p1 v4, $0x0  }
0xb9: {  	(v2sf) =	vpush @!p1 v3, $0x0;
	_ =	sdelay $0xd  }
0xba: {  	s2 =	spop @!p1 (v2sf)  }
0xbb: {  	s3 =	spop @!p1 (v2sf)  }
0xbc: {  	p2 =	sne.s32 @!p1 s26, s2;
	p3 =	slt.s32 @!p1 s3, $0xF  }
0xbd: {  	[sflag:s0] =	ssyncset.done @!p1 $0x0;
	p2 =	por p2, p1;
	p3 =	por !p3, p1  }
0xbe: {  	[sflag:s0] =	ssyncadd.s32 @!p1 $0xFFFFFFFF;
	v3 =	vimm.s32 @!p2 $0xFFFFFFFF;
	s3 =	simm.s32 @p3 $0xF  }
0xbf: {  	[tilespmem:$0x80] =	vst @!p2 v3;
	s2 =	sadd.s32 @!p1 $0x90, s3  }
0xc0: {  	[spmem:s10] =	stream.linear.scatter @!p1 [tilespmem:s2], [sflag:$0x1], $0x1, $0x38;
	[tilespmem:$0xF030] =	vst v63  }
0xc1: {  	_ =	swait.ge @!p1 [sflag:s0], $0x1  }
0xc2: {  	[sflag:s0] =	ssyncset.done @!p1 $0x0  }
0xc3: {  	s2 =	simm.s32 @!p1 $0x80;
	[sflag:s0] =	ssyncadd.s32 @!p1 $0xFFFFFFFF  }
0xc4: {  	[spmem:s15] =	stream.linear.scatter @!p1 [tilespmem:s2], [sflag:$0x1], $0x1, $0x38;
	[tilespmem:$0xF030] =	vst v63  }
0xc5: {  	_ =	swait.ge @!p1 [sflag:s0], $0x1  }
0xc6: {  	[sflag:s0] =	ssyncset.done @!p1 $0x0  }
0xc7: {  	[sflag:s0] =	ssyncadd.s32 @!p1 $0xFFFFFFFF;
	(ifvalue) =	ssetifvalue $0xFFFFFFFF;
	v3 =	vld [tilespmem:s25+$0x10];
	_ =	sdelay $0x3  }
.Ltmp6:
0xc8: {  	_ = 	snop;
	(pc) =	sbr.rel .LBB2_9-.Ltmp6, $3  }
0xc9: {  	_ =	sdelay $0x1  }
0xca: {  	(ifvalue) =	ssetifvalue $0xFFFFFFFF  }
0xcb: {  	[hbm4b:s1+s16] =	stream.indirect_vreg.scatter [tilespmem:s29], [sflag:$0x9], $0x1, v3, vm0, $0x4038;
	[tilespmem:$0xF030] =	vst v63  }
.LBB2_10:
0xcc: {  	_ =	sfence.sel $0x180000  }
0xcd: {  	s0 =	simm.s32 $0x7;
	[bflag:$0x0] =	sbarrier.arrive $0xFFFF  }
0xce: {  	s26 =	simm.s32 $0x8;
	[sflag:s0] =	ssyncpa.u1 $0x1  }
0xcf: {  	s28 =	simm.s32 $0x9;
	[sflag:s26] =	ssyncpa.u1 $0x1  }
0xd0: {  	[sflag:s28] =	ssyncpa.u1 $0x1  }
0xd1: {  	_ =	sfence.stream.spmem  }
0xd2: {  	s29 =	simm.s32 $0x3;
	[bflag:$0x0] =	sbarrier.arrive $0xFFFF  }
0xd3: {  	s30 =	simm.s32 $0x4;
	[sflag:s29] =	ssyncpa.u1 $0x1  }
0xd4: {  	s31 =	simm.s32 $0x3C;
	s2 =	stileid.u32;
	[sflag:s30] =	ssyncpa.u1 $0x1  }
0xd5: {  	p0 =	sne.s32 s2, $0x0;
	[sflag:s31] =	ssyncpa.u1 $0x1  }
0xd6: {  	s0 =	simm.s32 @p0 $0x1;
	_ =	sfence @p0  }
0xd7: {  	[sflag:s0] =	ssyncpa.u1 @p0 $0x1;
	s0 =	simm.s32 @p0 $0x2  }
0xd8: {  	[sflag:s0] =	ssyncpa.u1 @p0 $0x1  }
0xd9: {  	_ =	strace @p0 $0x90000062  }
0xda: {  	[bflag:$0x2] =	sbarrier.arrive @p0 $0xFFFF  }
0xdb: {  	_ =	shalt @p0  }
.LBB2_11:
0xdc: {  	_ =	sfence.stream.spmem;
	s0 =	simm.s32 $0x5  }
0xdd: {  	s2 =	simm.s32 $0x80;
	s3 =	simm.s32 $0xC0;
	[sflag:s0] =	ssyncpa.u1 $0x0  }
0xde: {  	[tilespmem:s3], [sflag:$0x5] =	stream.linear.gather [spmem:s2], $0x20, $0x38;
	[tilespmem:$0xF030] =	vst v63  }
0xdf: {  	s2 =	simm.s32 $0x0;
	s3 =	simm.s32 $0xE0  }
0xe0: {  	[tilespmem:s3], [sflag:$0x5] =	stream.linear.gather [spmem:s2], $0x20, $0x38;
	[tilespmem:$0xF030] =	vst v63  }
.Ltmp7:
0xe1: {  	_ = 	snop;
	(pc) =	sbr.rel .LBB2_12-.Ltmp7, $4  }
0xe2: {  	_ =	swait.ge [sflag:s0], $0x40  }
0xe3: {  	[sflag:s0] =	ssyncset.done $0x0  }
0xe4: {  	s31 =	simm.s32 $0x6;
	[sflag:s0] =	ssyncadd.s32 $0xFFFFFFC0  }
0xe5: {  	s4 =	simm.s32 $0x0;
	[sflag:s31] =	ssyncpa.u1 $0x0  }
.LBB2_17:
0xe6: {  	p0 =	sgt.u32 s5, $0x27FF  }
0xe7: {  	s0 =	sshrl.u32 @!p0 s5, $0x3  }
0xe8: {  	s5 =	sand.u32 @!p0 $0x7, s5;
	s6 =	simm.s32 @!p0 $0xB0;
	s0 =	sadd.s32 @!p0 s1, s0  }
0xe9: {  	[tilespmem:s6], [sflag:$0x6] =	stream.linear.gather @!p0 [hbm4b:s0+s5], $0x1, $0x38;
	[tilespmem:$0xF030] =	vst v63  }
0xea: {  	s0 =	simm.s32 @!p0 $0x6  }
0xeb: {  	_ =	swait.ge @!p0 [sflag:s0], $0x1  }
0xec: {  	[sflag:s0] =	ssyncset.done @!p0 $0x0  }
0xed: {  	[sflag:s0] =	ssyncadd.s32 @!p0 $0xFFFFFFFF  }
0xee: {  	v2 =	vmov @!p0 s4;
	v1 =	vld.msk @!p0 [tilespmem:$0xB0], $0x1;
	_ =	sdelay $0x3  }
0xef: {  	s0 =	simm.s32 @!p0 $0xE0  }
0xf0: {  	[tilespmem:v2+s0+$0x0], v1 =	vst.idx.ret.add.f32.msk @!p0 $0x1, v1  }
0xf1: {  	[tilespmem:s2+$0xC0] =	vst.msk $0x1, v0  }
0xf2: {  	v0 =	vld.msk [tilespmem:s4+$0xE0], $0x1;
	_ =	sdelay $0x4  }
0xf3: {  	[tilespmem:s2+$0xE0] =	vst.msk $0x1, v0;
	s2 =	sadd.s32 $0x1, s2  }
.LBB2_19:
0xf4: {  	s4 =	sadd.s32 $0x1, s4  }
0xf5: {  	p0 =	sne.s32 s4, $0x20  }
.Ltmp8:
0xf6: {  	_ = 	snop;
	(pc) =	sbr.rel @!p0 .LBB2_20-.Ltmp8, $1  }
0xf7: {  	_ =	sdelay $0x3  }
.LBB2_12:
0xf8: {  	v0 =	vld.msk [tilespmem:s4+$0xC0], $0x1;
	_ =	sdelay $0x4  }
0xf9: {  	(v2sf) =	vpush v0, $0x0;
	_ =	sdelay $0xe  }
0xfa: {  	s5 =	spop (v2sf)  }
0xfb: {  	p0 =	seq.s32 s5, $0xFFFFFFFF  }
.Ltmp9:
0xfc: {  	_ = 	snop;
	(pc) =	sbr.rel @p0 .LBB2_19-.Ltmp9, $1  }
0xfd: {  	_ =	sdelay $0x3  }
0xfe: {  	p0 =	slt.s32 s2, $0x1  }
.Ltmp10:
0xff: {  	_ = 	snop;
	(pc) =	sbr.rel @p0 .LBB2_17-.Ltmp10, $1  }
0x100: {  	_ =	sdelay $0x3  }
0x101: {  	s0 =	simm.s32 $0xC0;
	p0 =	por $0x0, $0x0  }
0x102: {  	v1 =	vld.msk @!p0 [tilespmem:s0+$0x0], $0x1;
	_ =	sdelay $0x4  }
0x103: {  	(v2sf) =	vpush @!p0 v1, $0x0;
	_ =	sdelay $0xd  }
0x104: {  	p2 =	sne.s32 s2, $0x1  }
.Ltmp11:
0x105: {  	s6 =	spop @!p0 (v2sf);
	(pc) =	sbr.rel @!p2 .LBB2_16-.Ltmp11, $4  }
0x106: {  	p1 =	seq.s32 @!p0 s5, s6  }
0x107: {  	s6 =	simm.s32 $0x0;
	p1 =	por !p1, p0  }
0x108: {  	s8 =	simm.s32 $0xFFFFFFFF;
	s6 =	simm.s32 @p1 $0xFFFFFFFF  }
0x109: {  	s7 =	simm.s32 $0x1;
	s6 =	smov.u32 @p0 s8  }
.LBB2_15:
0x10a: {  	s8 =	smov.u32 s6;
	p0 =	sne.s32 s6, $0xFFFFFFFF  }
0x10b: {  	s0 =	sadd.s32 $0x1, s0;
	s6 =	smov.u32 s7;
	s7 =	sadd.s32 $0x1, s7  }
0x10c: {  	p1 =	sne.s32 s2, s7;
	v1 =	vld.msk @!p0 [tilespmem:s0+$0x0], $0x1;
	_ =	sdelay $0x4  }
0x10d: {  	(v2sf) =	vpush @!p0 v1, $0x0;
	_ =	sdelay $0xe  }
.Ltmp12:
0x10e: {  	s9 =	spop @!p0 (v2sf);
	(pc) =	sbr.rel @p1 .LBB2_15-.Ltmp12, $4  }
0x10f: {  	p2 =	seq.s32 @!p0 s5, s9  }
0x110: {  	p2 =	por !p2, p0  }
0x111: {  	s6 =	simm.s32 @p2 $0xFFFFFFFF  }
0x112: {  	s6 =	smov.u32 @p0 s8  }
.LBB2_16:
0x113: {  	p0 =	sne.s32 s6, $0xFFFFFFFF  }
.Ltmp13:
0x114: {  	_ = 	snop;
	(pc) =	sbr.rel @!p0 .LBB2_17-.Ltmp13, $1  }
0x115: {  	_ =	sdelay $0x3  }
0x116: {  	v0 =	vld.msk [tilespmem:s4+$0xE0], $0x1;
	v1 =	vmov s6  }
.Ltmp14:
0x117: {  	_ = 	snop;
	(pc) =	sbr.rel .LBB2_19-.Ltmp14, $2  }
0x118: {  	_ =	sdelay $0x2  }
0x119: {  	[tilespmem:v1+s3+$0x0], v0 =	vst.idx.ret.add.f32.msk $0x1, v0  }
.LBB2_20:
0x11a: {  	p0 =	slt.s32 s2, $0x1  }
.Ltmp15:
0x11b: {  	_ = 	snop;
	(pc) =	sbr.rel @p0 .LBB2_24-.Ltmp15, $3  }
0x11c: {  	_ =	sdelay $0x1  }
0x11d: {  	s0 =	simm.s32 $0x6  }
0x11e: {  	s3 =	simm.s32 $0x0;
	[sflag:s0] =	ssyncpa.u1 $0x1  }
0x11f: {  	s0 =	simm.s32 $0xC0  }
0x120: {  	v0 =	vld.msk [tilespmem:s0+$0x0], $0x1;
	_ =	sdelay $0x4  }
0x121: {  	(v2sf) =	vpush v0, $0x0;
	_ =	sdelay $0xe  }
0x122: {  	s2 =	sadd.s32 $0xFFFFFFFF, s2;
	s4 =	spop (v2sf)  }
0x123: {  	p1 =	sne.s32 s2, $0x0;
	p0 =	sgt.u32 s4, $0x27FF  }
.Ltmp16:
0x124: {  	s5 =	sshrl.u32 @!p0 s4, $0x3;
	(pc) =	sbr.rel @!p1 .LBB2_23-.Ltmp16, $4  }
0x125: {  	s0 =	simm.s32 $0xE0;
	s4 =	sand.u32 @!p0 $0x7, s4;
	s5 =	sadd.s32 @!p0 s1, s5  }
0x126: {  	[hbm4b:s5+s4] =	stream.linear.scatter @!p0 [tilespmem:s0], [sflag:$0x5], $0x1, $0x38;
	[tilespmem:$0xF030] =	vst v63  }
0x127: {  	s5 =	simm.s32 $0x0  }
0x128: {  	s4 =	simm.s32 $0xC1;
	s5 =	simm.s32 @!p0 $0x4  }
.LBB2_22:
0x129: {  	v0 =	vld.msk [tilespmem:s4+$0x0], $0x1;
	s2 =	sadd.s32 $0xFFFFFFFF, s2;
	s3 =	sadd.s32 s3, s5  }
0x12a: {  	p0 =	sne.s32 s2, $0x0;
	_ =	sdelay $0x3  }
0x12b: {  	(v2sf) =	vpush v0, $0x0;
	_ =	sdelay $0xe  }
.Ltmp17:
0x12c: {  	s6 =	spop (v2sf);
	(pc) =	sbr.rel @p0 .LBB2_22-.Ltmp17, $4  }
0x12d: {  	s5 =	simm.s32 $0x0;
	p1 =	sgt.u32 s6, $0x27FF  }
0x12e: {  	s0 =	sadd.s32 $0x1, s0;
	s5 =	simm.s32 @!p1 $0x4;
	s7 =	sshrl.u32 @!p1 s6, $0x3  }
0x12f: {  	s4 =	sadd.s32 $0x1, s4;
	s6 =	sand.u32 @!p1 $0x7, s6;
	s7 =	sadd.s32 @!p1 s1, s7  }
0x130: {  	[hbm4b:s7+s6] =	stream.linear.scatter @!p1 [tilespmem:s0], [sflag:$0x5], $0x1, $0x38;
	[tilespmem:$0xF030] =	vst v63  }
.LBB2_23:
0x131: {  	s0 =	sadd.s32 s3, s5  }
0x132: {  	s3 =	sshrl.u32 s0, $0x2  }
.LBB2_24:
0x133: {  	s0 =	simm.s32 $0x5  }
0x134: {  	_ =	swait.ge [sflag:s0], s3  }
0x135: {  	s1 =	ssub.s32 $0x0, s3;
	[sflag:s0] =	ssyncset.done $0x0  }
0x136: {  	[sflag:s0] =	ssyncadd.s32 s1  }
0x137: {  	[sflag:s0] =	ssyncpa.u1 $0x1  }
0x138: {  	s29 =	simm.s32 $0x1;
	_ =	sfence  }
0x139: {  	s30 =	simm.s32 $0x2;
	[sflag:s29] =	ssyncpa.u1 $0x1  }
0x13a: {  	[sflag:s30] =	ssyncpa.u1 $0x1  }
0x13b: {  	_ =	strace $0x90000062  }
0x13c: {  	[bflag:$0x2] =	sbarrier.arrive $0xFFFF  }
0x13d: {  	s31 =	rddreg [dreg:$0x2]  }
0x13e: {  	s0 =	sadd.s32 $0x100000, s31  }
0x13f: {  	[sflag:s0] =	ssyncadd.tile.s32 $0x1;
	_ =	shalt  }
.Lfunc_end2:
_tile_overlayer_lowered:
.L_overlay_start_2:
0x140: {  	(tag) =	ssettag $0x2  }
0x141: {  	s0 =	rddreg [dreg:$0x0];
	s2 =	stileid.u32  }
0x142: {  	s1 =	rddreg [dreg:$0x1];
	p0 =	sne.s32 s2, $0x0  }
0x143: {  	s3 =	rddreg [dreg:$0x2];
	[bflag:$0x3] =	sbarrier.arrive $0xFFFF;
	s2 =	simm.s32 @!p0 $0x1C01  }
0x144: {  	[timem:s3], [sflag:s2] =	dma.local @!p0 [hbm:s0], s1  }
0x145: {  	s0 =	simm.s32 @!p0 $0x1  }
0x146: {  	_ =	swait.ge @!p0 [sflag:s0], s1  }
0x147: {  	s1 =	ssub.s32 @!p0 $0x0, s1;
	[sflag:s0] =	ssyncset.done @!p0 $0x0  }
0x148: {  	[sflag:s0] =	ssyncadd.s32 @!p0 s1  }
0x149: {  	[bflag:$0x3] =	sbarrier.arrive $0xFFFF  }
0x14a: {  	_ =	shalt  }

// kernel: scatter_offload_async_start.7
scs
__scs_entry_jumppad:
0x0: {  	(pc) =	sbr.rel $0x88, $3  }
0x1: {  	(tag) =	ssettag $0x0;
	lr =	simm.s32 $0x1  }
0x2: {  	[smem:$0x3F93] =	sst lr;
	_ =	strace $0xD0000000  }
0x3: {  	_ = 	snop  }
0x4: {  	_ = 	snop  }
0x5: {  	_ = 	snop  }
0x6: {  	_ = 	snop  }
0x7: {  	_ = 	snop  }
__scs_overlays_trampoline_lowered:
0x8: {  	[smem:$0x3FA2] =	sst s0  }
0x9: {  	[smem:$0x3FA3] =	sst s1  }
0xa: {  	[smem:$0x3FA4] =	sst s2  }
0xb: {  	[smem:$0x3FA5] =	sst s3  }
0xc: {  	[smem:$0x3FA6] =	sst s4  }
0xd: {  	[smem:$0x3FA7] =	sst s5  }
0xe: {  	[smem:$0x3FA8] =	sst s6  }
0xf: {  	[smem:$0x3FA9] =	sst s7  }
0x10: {  	[smem:$0x3FAA] =	sst s8  }
0x11: {  	[smem:$0x3FAB] =	sst s9;
	s0 =	simm.s32 @!p0 $0x0  }
0x12: {  	s1 =	sld [smem:$0x3F91];
	s0 =	simm.s32 @p0 $0x1  }
0x13: {  	[smem:$0x3FAC] =	sst s0;
	s0 =	simm.s32 @!p1 $0x0  }
0x14: {  	s2 =	sld [smem:$0x3F90];
	s0 =	simm.s32 @p1 $0x1  }
0x15: {  	[smem:$0x3FAD] =	sst s0;
	s0 =	simm.s32 @!p2 $0x0  }
0x16: {  	s3 =	sld [smem:$0x3FDB];
	s0 =	simm.s32 @p2 $0x1  }
0x17: {  	s4 =	simm.s32 $0x1BF5;
	[smem:$0x3FAF] =	sst s0  }
0x18: {  	s0 =	sld [smem:$0x3F92];
	_ =	swait.ge [sflag:s4], $0x0  }
0x19: {  	s7 =	sld [smem:$0x3F93]  }
0x1a: {  	s8 =	sadd.s32 $0xFFFFE003, lr  }
0x1b: {  	s9 =	sadd.s32 $0xFFFFFEF7, lr;
	s5 =	simm.s32 $0xFFFFFFFF;
	p2 =	slt.u32 s8, $0xFFFFF086  }
0x1c: {  	p1 =	slt.u32 s9, $0xF7A;
	s5 =	simm.s32 @!p2 $0x0  }
0x1d: {  	s5 =	simm.s32 @p1 $0x1;
	p0 =	seq.s32 s7, s2  }
0x1e: {  	s7 =	smul.u32 @!p0 $0xF7A, s2;
	p2 =	seq.s32 @!p0 s5, $0x0  }
0x1f: {  	s9 =	smul.u32 $0xF7A, s1;
	s8 =	simm.s32 @!p0 $0x1BF5;
	p2 =	por !p2, p0  }
0x20: {  	[sflag:s8] =	ssyncset.s32 @!p0 $0xFFFFF086;
	s6 =	sadd.s32 @!p0 s3, s7;
	s7 =	simm.s32 @!p0 $0x108  }
0x21: {  	s3 =	sadd.s32 s3, s9;
	s6 =	sadd.s32 @!p0 $0x88, s6;
	s7 =	simm.s32 @p2 $0x1082  }
0x22: {  	[simem:s7], [sflag:s8] =	dma.local @!p0 [hbm:s6], $0xF7A  }
0x23: {  	s9 =	sor.u32 $0xD0000000, s2;
	s6 =	simm.s32 $0x108;
	_ =	swait.ge @!p0 [sflag:s8], $0x0  }
0x24: {  	s3 =	sadd.s32 $0x88, s3;
	s6 =	simm.s32 @!p1 $0x1082;
	[sflag:s4] =	ssyncset.s32 $0xFFFFF086  }
0x25: {  	[simem:s6], [sflag:s4] =	dma.local [hbm:s3], $0xF7A  }
0x26: {  	[smem:$0x3F93] =	sst s1;
	(tag) =	ssettag s2;
	_ =	strace s9  }
0x27: {  	s1 =	sld [smem:$0x3FA3]  }
0x28: {  	s2 =	sld [smem:$0x3FA4]  }
0x29: {  	s4 =	sld [smem:$0x3FA6]  }
0x2a: {  	p0 =	seq.s32 s5, $0x0;
	s5 =	sld [smem:$0x3FA7]  }
0x2b: {  	s6 =	sld [smem:$0x3FA8]  }
0x2c: {  	s7 =	sld [smem:$0x3FA9]  }
0x2d: {  	s3 =	simm.s32 $0x108;
	s8 =	sld [smem:$0x3FAA]  }
0x2e: {  	s3 =	simm.s32 @!p0 $0x1082;
	s9 =	sld [smem:$0x3FAB]  }
0x2f: {  	lr =	sadd.s32 s0, s3;
	s0 =	sld [smem:$0x3FA2]  }
0x30: {  	s3 =	sld [smem:$0x3FA5]  }
0x31: {  	[smem:$0x3FAE] =	sst s10  }
0x32: {  	s10 =	sld [smem:$0x3FAC];
	_ =	sdelay $0x3  }
0x33: {  	p0 =	seq.s32 s10, $0x1;
	s10 =	sld [smem:$0x3FAE];
	_ =	sdelay $0x3  }
0x34: {  	[smem:$0x3FAE] =	sst s10  }
0x35: {  	s10 =	sld [smem:$0x3FAD];
	_ =	sdelay $0x3  }
0x36: {  	p1 =	seq.s32 s10, $0x1;
	s10 =	sld [smem:$0x3FAE];
	_ =	sdelay $0x3  }
0x37: {  	[smem:$0x3FAE] =	sst s10  }
0x38: {  	s10 =	sld [smem:$0x3FAF]  }
0x39: {  	_ = 	snop;
	(pc) =	sbr.ind lr, $3  }
0x3a: {  	_ = 	snop  }
0x3b: {  	_ = 	snop  }
0x3c: {  	p2 =	seq.s32 s10, $0x1;
	s10 =	sld [smem:$0x3FAE]  }
0x3d: {  	_ =	shalt  }
0x3e: {  	_ =	shalt  }
0x3f: {  	_ =	shalt  }
0x40: {  	_ =	shalt  }
0x41: {  	_ =	shalt  }
0x42: {  	_ =	shalt  }
0x43: {  	_ =	shalt  }
0x44: {  	_ =	shalt  }
0x45: {  	_ =	shalt  }
0x46: {  	_ =	shalt  }
0x47: {  	_ =	shalt  }
0x48: {  	_ =	shalt  }
0x49: {  	_ =	shalt  }
0x4a: {  	_ =	shalt  }
0x4b: {  	_ =	shalt  }
0x4c: {  	_ =	shalt  }
0x4d: {  	_ =	shalt  }
0x4e: {  	_ =	shalt  }
0x4f: {  	_ =	shalt  }
0x50: {  	_ =	shalt  }
0x51: {  	_ =	shalt  }
0x52: {  	_ =	shalt  }
0x53: {  	_ =	shalt  }
0x54: {  	_ =	shalt  }
0x55: {  	_ =	shalt  }
0x56: {  	_ =	shalt  }
0x57: {  	_ =	shalt  }
0x58: {  	_ =	shalt  }
0x59: {  	_ =	shalt  }
0x5a: {  	_ =	shalt  }
0x5b: {  	_ =	shalt  }
0x5c: {  	_ =	shalt  }
0x5d: {  	_ =	shalt  }
0x5e: {  	_ =	shalt  }
0x5f: {  	_ =	shalt  }
0x60: {  	_ =	shalt  }
0x61: {  	_ =	shalt  }
0x62: {  	_ =	shalt  }
0x63: {  	_ =	shalt  }
0x64: {  	_ =	shalt  }
0x65: {  	_ =	shalt  }
0x66: {  	_ =	shalt  }
0x67: {  	_ =	shalt  }
0x68: {  	_ =	shalt  }
0x69: {  	_ =	shalt  }
0x6a: {  	_ =	shalt  }
0x6b: {  	_ =	shalt  }
0x6c: {  	_ =	shalt  }
0x6d: {  	_ =	shalt  }
0x6e: {  	_ =	shalt  }
0x6f: {  	_ =	shalt  }
0x70: {  	_ =	shalt  }
0x71: {  	_ =	shalt  }
0x72: {  	_ =	shalt  }
0x73: {  	_ =	shalt  }
0x74: {  	_ =	shalt  }
0x75: {  	_ =	shalt  }
0x76: {  	_ =	shalt  }
0x77: {  	_ =	shalt  }
0x78: {  	_ =	shalt  }
0x79: {  	_ =	shalt  }
0x7a: {  	_ =	shalt  }
0x7b: {  	_ =	shalt  }
0x7c: {  	_ =	shalt  }
0x7d: {  	_ =	shalt  }
0x7e: {  	_ =	shalt  }
0x7f: {  	_ =	shalt  }
0x80: {  	_ =	shalt  }
0x81: {  	_ =	shalt  }
0x82: {  	_ =	shalt  }
0x83: {  	_ =	shalt  }
0x84: {  	_ =	shalt  }
0x85: {  	_ =	shalt  }
0x86: {  	_ =	shalt  }
0x87: {  	_ =	shalt  }
.Lfunc_end0:
.L_simem_size_0:
called_computation.7_lowered:
.L_overlay_start_0:
0x88: {  	s0 =	sld [smem:$0x3FD9]  }
0x89: {  	s1 =	sld [smem:$0x3FFE];
	_ =	sdelay $0x3  }
0x8a: {  	s0 =	sadd.s32 s1, s0  }
0x8b: {  	[smem:$0x3FBA] =	sst s0  }
0x8c: {  	_ = 	snop  }
0x8d: {  	(tm) =	ssettm $0x1  }
0x8e: {  	s15 =	sld [smem:$0x3FFB];
	_ =	sdelay $0x3  }
0x8f: {  	_ =	strace s15  }
0x90: {  	s0 =	sld [smem:$0x3FFC];
	_ =	sdelay $0x3  }
0x91: {  	_ =	strace s0  }
0x92: {  	s0 =	sld [smem:$0x3FFD];
	_ =	sdelay $0x3  }
0x93: {  	_ =	strace s0  }
0x94: {  	_ =	strace $0x8FFFFFFF  }
0x95: {  	s16 =	sld [smem:$0x3FDB];
	_ =	sdelay $0x1  }
0x96: {  	s17 =	simm.s32 $_scs_section_size  }
0x97: {  	s2 =	simm.s32 $_size__tile_overlayer_lowered;
	s3 =	simm.s32 $_tile_overlayer_lowered  }
0x98: {  	s20 =	simm.s32 $0x1BFF;
	s19 =	sshll.u32 s3, $0x1;
	s0 =	sadd.s32 s17, s16  }
0x99: {  	s4 =	simm.s32 $0x0;
	s18 =	sshll.u32 s2, $0x1;
	s2 =	sadd.s32 s19, s0  }
0x9a: {  	[timem:s4], [sflag:s20] =	dma.local [hbm:s2], s18  }
0x9b: {  	_ =	swait.ge [sflag:s20], s18  }
0x9c: {  	s1 =	ssub.s32 $0x0, s18;
	[sflag:s20] =	ssyncset.done $0x0  }
0x9d: {  	[sflag:s20] =	ssyncadd.s32 s1;
	_ =	sdelay $0x1  }
0x9e: {  	s21 =	simm.s32 $0x1B8B  }
0x9f: {  	_ =	swait.ge [sflag:s21], $0x1  }
0xa0: {  	[sflag:s21] =	ssyncset.done $0x0  }
0xa1: {  	s23 =	simm.s32 $0x1B8E;
	s22 =	sld [smem:$0x3FFE];
	[sflag:s21] =	ssyncadd.s32 $0xFFFFFFFF  }
0xa2: {  	s24 =	simm.s32 $execute0_lowered;
	[smem:$0x3FD2] =	sst s23  }
0xa3: {  	s2 =	sshll.u32 s24, $0x1;
	_ =	strace $0x80000064;
	[dreg:$0x1] =	wrdreg $0xFFFFFFFF  }
0xa4: {  	s25 =	simm.s32 $_size_execute0_lowered;
	s0 =	sadd.s32 s0, s2;
	[dreg:$0x0] =	wrdreg $0x0  }
0xa5: {  	s2 =	sshll.u32 s25, $0x1;
	[dreg:$0x2] =	wrdreg s0  }
0xa6: {  	[dreg:$0x3] =	wrdreg s2  }
0xa7: {  	[dreg:$0x4] =	wrdreg $0xC0  }
0xa8: {  	_ =	task [dreg:s4], $0x5FFFF  }
0xa9: {  	[dreg:$0x1] =	wrdreg $0xFFFFFFFF  }
0xaa: {  	[dreg:$0x0] =	wrdreg $0x60  }
0xab: {  	[dreg:$0x2] =	wrdreg s22  }
0xac: {  	[dreg:$0x3] =	wrdreg $0x9  }
0xad: {  	_ =	task.clear_ibuf [dreg:s4], $0x4FFFF;
	_ =	strace $0x90000064  }
0xae: {  	s26 =	simm.s32 $0x9;
	_ =	strace $0x80000066  }
0xaf: {  	_ =	swait.ge [sflag:s26], $0x1  }
0xb0: {  	[sflag:s26] =	ssyncadd.s32 $0xFFFFFFFF  }
0xb1: {  	_ =	strace $0x90000066  }
0xb2: {  	_ =	sfence  }
0xb3: {  	s28 =	sld [smem:$0x0];
	_ =	sdelay $0x1  }
0xb4: {  	s29 =	srdreg.scid  }
0xb5: {  	s30 =	sshll.u32 s29, $0xD;
	s31 =	sshrl.u32 s29, $0x2  }
0xb6: {  	s1 =	sand.u32 $0x1, s29;
	s2 =	sand.u32 $0x4000, s30;
	s0 =	sadd.s32 s31, s28  }
0xb7: {  	s1 =	sor.u32 s2, s1;
	s0 =	sshll.u32 s0, $0x11  }
0xb8: {  	s0 =	sor.u32 s0, s1  }
0xb9: {  	s0 =	sadd.s32 $0x8F2B, s0  }
0xba: {  	[sflag:s0] =	ssyncadd.remote.s32 $0x1  }
0xbb: {  	_ =	sfence.sel $0xFFFF  }
0xbc: {  	[dreg:$0x0] =	wrdreg $0xFFFFFFFF;
	(pc) =	sbr.abs _section_cstart, $3  }
0xbd: {  	[dreg:$0x1] =	wrdreg $0xFFFFFFFF  }
0xbe: {  	_ =	task.clear_ibuf [dreg:s4], $0x2FFFF;
	_ =	strace $0x9FFFFFFF  }
0xbf: {  	(tm) =	ssettm $0x7FFFFFFF  }
tec
execute0_lowered:
.L_overlay_start_1:
0x0: {  	(tag) =	ssettag $0x1  }
0x1: {  	s6 =	rddreg [dreg:$0x0]  }
0x2: {  	s3 =	stileid.u32;
	_ =	strace $0x80000065;
	s0 =	simm.s32 $0x1  }
0x3: {  	v1 =	vimm.s32 $0xFFFFFFFF;
	s1 =	smin.u32 s3, $0x9;
	[sflag:s0] =	ssyncpa.u1 $0x0  }
0x4: {  	s1 =	sadd.s32 s3, s1;
	[tilespmem:$0x10] =	vst v1  }
0x5: {  	v0 =	vimm.f32 $0.0e+00;
	p0 =	slt.u32 s3, $0x9;
	[tilespmem:$0x20] =	vst v1;
	s4 =	smul.u32 $0x1A90, s1;
	s1 =	simm.s32 $0x3520  }
0x6: {  	[tilespmem:$0x30] =	vst v0;
	s1 =	simm.s32 @!p0 $0x1A90  }
0x7: {  	[tilespmem:$0x40] =	vst v0;
	s1 =	sadd.s32 s1, s4  }
0x8: {  	[tilespmem:$0x50] =	vst v0;
	s5 =	smin.u32 s1, $0x29810  }
0x9: {  	s7 =	simm.s32 $0x2;
	s8 =	simm.s32 $0x8;
	[tilespmem:$0x60] =	vst v1;
	s2 =	ssub.s32 s5, s4  }
0xa: {  	s31 =	simm.s32 $0x9;
	s16 =	simm.s32 $0x0;
	[tilespmem:$0x70] =	vst v1;
	p0 =	sgt.s32 s2, $0x0  }
0xb: {  	s17 =	simm.s32 $0xF0;
	s18 =	simm.s32 $0xFFFFFFFF;
	[tilespmem:$0x80] =	vst v1;
	s2 =	simm.s32 @!p0 $0x0  }
0xc: {  	s19 =	simm.s32 $0xFFFFCBE0;
	s20 =	simm.s32 $0xFFFFFFFE;
	v1 =	vimm.s32 $0x0;
	[tilespmem:$0xB0] =	vst v0;
	s30 =	smulhi.u32 $0x134679AD, s2  }
0xd: {  	s21 =	simm.s32 $0xF;
	s25 =	simm.s32 $0x0;
	s24 =	simm.s32 $0x0;
	[tilespmem:$0x90] =	vst v1  }
0xe: {  	[tilespmem:$0xA0] =	vst v1;
	[sflag:s7] =	ssyncpa.u1 $0x0;
	s7 =	simm.s32 $0x7;
	s9 =	sshrl.u32 s30, $0x9  }
0xf: {  	s14 =	sshllo.u32 s3, $0x1;
	[sflag:s7] =	ssyncpa.u1 $0x0;
	s10 =	smul.u32 $0x1A90, s9  }
.Ltmp0:
0x10: {  	[sflag:s8] =	ssyncpa.u1 $0x0;
	s23 =	smov.u32 s4;
	(pc) =	sbr.rel .LBB2_1-.Ltmp0, $4  }
0x11: {  	s1 =	sadd.s32 $0x15000, s6;
	s6 =	sadd.s32 $0xFC00, s6;
	p0 =	sne.s32 s2, s10  }
0x12: {  	[sflag:s31] =	ssyncpa.u1 $0x0;
	s10 =	sshll.u32 s3, $0x1;
	s0 =	simm.s32 @!p0 $0x0  }
0x13: {  	vm0 =	vmmov $0xffff;
	v2 =	vlaneseq.u32;
	s13 =	sor.u32 $0x81, s10;
	s15 =	sor.u32 $0x80, s10;
	s9 =	sadd.s32 s0, s9  }
0x14: {  	vm1 =	vmxor vm1, vm1;
	vm2 =	vmmov $0x1;
	vm3 =	vcmask $0x3F3C;
	p0 =	por $0x0, $0x0;
	s11 =	sadd.s32 $0x1, s9;
	s12 =	sadd.s32 $0x2, s9  }
.LBB2_9:
0x15: {  	p1 =	slt.u32 s24, $0x3  }
0x16: {  	s0 =	simm.s32 @!p1 $0x2  }
0x17: {  	_ =	swait.ge @!p1 [sflag:s0], $0x1A90  }
0x18: {  	[sflag:s0] =	ssyncset.done @!p1 $0x0  }
0x19: {  	[sflag:s0] =	ssyncadd.s32 @!p1 $0xFFFFE570;
	s0 =	simm.s32 @!p1 $0x9  }
0x1a: {  	_ =	swait.ge @!p1 [sflag:s0], $0x10  }
0x1b: {  	[sflag:s0] =	ssyncset.done @!p1 $0x0  }
0x1c: {  	[sflag:s0] =	ssyncadd.s32 @!p1 $0xFFFFFFF0;
	p1 =	sne.s32 s24, s12  }
.Ltmp1:
0x1d: {  	s2 =	sadd.s32 $0x1A90, s23;
	(pc) =	sbr.rel @!p1 .LBB2_10-.Ltmp1, $4  }
0x1e: {  	s3 =	smov.u32 s4;
	s31 =	sadd.s32 $0x1, s24;
	s17 =	sadd.s32 $0x1A90, s17  }
0x1f: {  	s18 =	sadd.s32 $0x1, s18;
	s25 =	smov.u32 s23;
	p2 =	slt.s32 s2, s5  }
0x20: {  	p0 =	por !p0, !p0;
	s19 =	sadd.s32 $0x1A90, s19;
	s3 =	smov.u32 @p2 s2  }
0x21: {  	s20 =	sadd.s32 $0x1, s20;
	s23 =	smov.u32 s3;
	s24 =	smov.u32 s31  }
.LBB2_1:
0x22: {  	p1 =	sge.u32 s24, s9  }
0x23: {  	s0 =	smulhi.u32 @!p1 $0xAAAAAAAB, s24;
	_ =	sdelay $0x1  }
0x24: {  	s0 =	sshrl.u32 @!p1 s0, $0x1  }
0x25: {  	s0 =	smul.u32 @!p1 $0x3, s0;
	_ =	sdelay $0x1  }
0x26: {  	s0 =	ssub.s32 @!p1 s24, s0  }
0x27: {  	s0 =	smul.u32 @!p1 $0x6A40, s0;
	_ =	sdelay $0x1  }
0x28: {  	s3 =	rddreg [dreg:$0x0];
	s2 =	sshrl.u32 @!p1 s23, $0x3;
	s0 =	sshrl.u32 @!p1 s0, $0x2  }
0x29: {  	s22 =	sand.u32 @!p1 $0x7, s23;
	s2 =	sadd.s32 @!p1 s3, s2;
	s0 =	sadd.s32 @!p1 $0x100, s0  }
0x2a: {  	[tilespmem:s0], [sflag:$0x7] =	stream.linear.gather @!p1 [hbm4b:s2+s22], $0x1A90, $0x38;
	[tilespmem:$0xF030] =	vst v63  }
0x2b: {  	s0 =	sadd.s32 $0xFFFFFFFF, s24  }
0x2c: {  	p1 =	sge.u32 s0, s9  }
.Ltmp2:
0x2d: {  	_ = 	snop;
	(pc) =	sbr.rel @p1 .LBB2_5-.Ltmp2, $1  }
0x2e: {  	_ =	sdelay $0x3  }
0x2f: {  	s2 =	smulhi.u32 $0xAAAAAAAB, s0;
	_ =	sdelay $0x1  }
0x30: {  	s2 =	sshrl.u32 s2, $0x1  }
0x31: {  	s2 =	smul.u32 $0x3, s2;
	_ =	sdelay $0x1  }
0x32: {  	s2 =	ssub.s32 s0, s2  }
0x33: {  	s2 =	smul.u32 $0x6A40, s2  }
0x34: {  	_ =	swait.ge [sflag:s7], $0x1A90  }
0x35: {  	[sflag:s7] =	ssyncset.done $0x0;
	s2 =	sshrl.u32 s2, $0x2  }
0x36: {  	[sflag:s7] =	ssyncadd.s32 $0xFFFFE570;
	(ifvalue) =	ssetifvalue $0xFFFFFFFF;
	v3 =	vld.msk [tilespmem:s2+$0x100 ss:$0x1], $0xffff;
	_ =	sdelay $0x2  }
0x37: {  	s30 =	smulhi.u32 $0xAAAAAAAB, s18;
	p1 =	sne.s32 s24, $0x1  }
0x38: {  	v4 =	vimm.s32 @!p1 $0x0  }
0x39: {  	s2 =	sshrl.u32 s30, $0x1;
	v4 =	vperm.xlane @!p1 v3, v4  }
0x3a: {  	s22 =	sshll.u32 s24, $0x4;
	s2 =	smul.u32 $0xFFFEC140, s2;
	vm4 =	vlt.u32 v3, $0x138800  }
0x3b: {  	s22 =	sand.u32 $0x10, s22;
	v3 =	vnsel vm4, $0xFFFFFFFE, v3;
	vm4 =	vlt.u32 @!p1 v4, $0x138800  }
0x3c: {  	s2 =	sshra.s32 s2, $0x2;
	[tilespmem:s22+$0x60] =	vst v3;
	v3 =	vnsel @!p1 vm4, $0xFFFFFFFE, v4  }
0x3d: {  	s28 =	sadd.s32 s2, s17;
	[tilespmem:$0x80] =	vst @!p1 v3  }
0x3e: {  	v3 =	vld.msk [tilespmem:s28+$0x0 ss:$0x1], $0xffff;
	_ =	sdelay $0x4  }
0x3f: {  	(xrf1) =	vunique.msk.u32 $0xffff, v3;
	_ =	sdelay $0xd  }
0x40: {  	v4 =	vimm.s32 $0xFFFFFFFF;
	v5, _, _ =	vpop (xrf1)  }
0x41: {  	vm5 =	vne.s32 v3, v4;
	vm4 =	veq.s32 v5, v2  }
0x42: {  	vm6 =	vlt.u32 v3, $0x138800;
	vm4 =	vmand vm5, vm4  }
0x43: {  	vm4 =	vmand vm6, vm4  }
0x44: {  	v4 =	vnsel vm4, $0xFFFFFFFF, v3  }
0x45: {  	s31 =	sand.u32 $0x1, s0  }
0x46: {  	s0 =	simm.s32 $0x1A90;
	p1 =	seq.s32 s31, $0x1  }
0x47: {  	s0 =	simm.s32 @!p1 $0x0  }
0x48: {  	s26 =	sadd.s32 $0x6B30, s0;
	(ifvalue) =	ssetifvalue $0xFFFFFFFF  }
0x49: {  	v3 =	vperm.xlane v3, v1;
	[tilespmem:s26], [sflag:$0x8] =	stream.indirect_vreg.gather [hbm4b:s1+s16], $0x1, v4, vm0, $0x4038;
	v4 =	vnsel vm6, $0xFFFFFFFE, v4;
	[tilespmem:$0xF030] =	vst v63  }
0x4a: {  	s2 =	simm.s32 $0x0;
	s22 =	sadd.s32 $0xFFFFFFF0, s28;
	[tilespmem:s28+$0x0] =	vst v4  }
.LBB2_3:
0x4b: {  	v4 =	vld.msk [tilespmem:s22+$0x0 ss:$0x1], $0xffff;
	s2 =	sadd.s32 $0x10, s2;
	v5 =	vmov v3;
	s28 =	smov.u32 s22  }
0x4c: {  	p1 =	slt.u32 s2, $0x1A80;
	_ =	sdelay $0x4  }
0x4d: {  	v3 =	vperm.xlane v4, v1;
	(xrf1) =	vunique.msk.u32 $0xffff, v4;
	_ =	sdelay $0xd  }
0x4e: {  	v6, _, _ =	vpop (xrf1)  }
0x4f: {  	vm5 =	vne.s32 v4, v5;
	vm4 =	veq.s32 v6, v2  }
0x50: {  	vm6 =	vlt.u32 v4, $0x138800;
	vm4 =	vmand vm5, vm4  }
0x51: {  	vm4 =	vmand vm6, vm4  }
0x52: {  	v4 =	vnsel vm4, $0xFFFFFFFF, v4  }
.Ltmp3:
0x53: {  	v5 =	vnsel vm6, $0xFFFFFFFE, v4;
	(pc) =	sbr.rel @p1 .LBB2_3-.Ltmp3, $3  }
0x54: {  	_ =	sdelay $0x1  }
0x55: {  	s22 =	sadd.s32 $0xFFFFFFF0, s22;
	s26 =	sadd.s32 $0xFFFFFFF0, s26;
	(ifvalue) =	ssetifvalue $0xFFFFFFFF  }
0x56: {  	[tilespmem:s26], [sflag:$0x8] =	stream.indirect_vreg.gather [hbm4b:s1+s16], $0x1, v4, vm0, $0x4038;
	[tilespmem:s28+$0x0] =	vst v5  }
0x57: {  	s2 =	sshrl.u32 s25, $0x3  }
0x58: {  	s0 =	sadd.s32 $0x85D0, s0;
	s2 =	sadd.s32 s6, s2  }
0x59: {  	[tilespmem:s0], [sflag:$0x8] =	stream.linear.gather [hbm:s2], $0x1A90, $0x38;
	[tilespmem:$0xF030] =	vst v63  }
.LBB2_5:
0x5a: {  	p1 =	slt.u32 s24, $0x2  }
0x5b: {  	p2 =	sge.u32 @!p1 s24, s12  }
0x5c: {  	p1 =	por p1, p2  }
.Ltmp4:
0x5d: {  	_ = 	snop;
	(pc) =	sbr.rel @p1 .LBB2_9-.Ltmp4, $1  }
0x5e: {  	_ =	sdelay $0x3  }
0x5f: {  	s0 =	sadd.s32 $0xFFFFFFFE, s24  }
0x60: {  	s2 =	smulhi.u32 $0xAAAAAAAB, s0;
	_ =	sdelay $0x1  }
0x61: {  	s2 =	sshrl.u32 s2, $0x1  }
0x62: {  	s2 =	smul.u32 $0x3, s2;
	_ =	sdelay $0x1  }
0x63: {  	s0 =	ssub.s32 s0, s2  }
0x64: {  	_ =	swait.ge [sflag:s8], $0x3520;
	s0 =	smul.u32 $0x1A90, s0  }
0x65: {  	p1 =	sne.s32 s24, s11;
	[sflag:s8] =	ssyncset.done $0x0  }
0x66: {  	[sflag:s8] =	ssyncadd.s32 $0xFFFFCAE0;
	s2 =	sadd.s32 @!p1 $0x1B8F, s0  }
0x67: {  	[spmem:s13] =	stream.linear.scatter @!p1 [tilespmem:s2], [sflag:$0x1], $0x1, $0x38;
	[tilespmem:$0xF030] =	vst v63  }
0x68: {  	s2 =	simm.s32 @!p1 $0x1  }
0x69: {  	_ =	swait.ge @!p1 [sflag:s2], $0x1  }
0x6a: {  	s22 =	sshll.u32 s24, $0x4;
	[sflag:s2] =	ssyncset.done @!p1 $0x0  }
0x6b: {  	s25 =	sand.u32 $0x10, s22;
	[sflag:s2] =	ssyncadd.s32 @!p1 $0xFFFFFFFF  }
0x6c: {  	s2 =	sxor.u32 $0x10, s25;
	v4 =	vld [tilespmem:s25+$0x10]  }
0x6d: {  	v5 =	vld [tilespmem:s2+$0x60]  }
0x6e: {  	v3 =	vld [tilespmem:$0x80];
	_ =	sdelay $0x2  }
0x6f: {  	(v2sf) =	vpush v4, $0x0  }
0x70: {  	(v2sf) =	vpush v5, $0x0  }
0x71: {  	(v2sf) =	vpush v3, $0x0;
	_ =	sdelay $0xc  }
0x72: {  	s3 =	spop (v2sf)  }
0x73: {  	s28 =	spop (v2sf)  }
0x74: {  	s26 =	spop (v2sf)  }
0x75: {  	p2 =	seq.s32 s3, s28;
	p3 =	seq.s32 s26, s3  }
0x76: {  	p3 =	por p2, p3  }
0x77: {  	s3 =	sand.u32 $0x1, s24;
	v4 =	vpsel p3, $0xFFFFFFFF, v4  }
0x78: {  	s28 =	smul.u32 $0x1A90, s3;
	[tilespmem:s25+$0x10] =	vst.msk $0x1, v4  }
0x79: {  	v4 =	vld [tilespmem:$0x30]  }
0x7a: {  	v5 =	vld [tilespmem:s28+$0x85D0]  }
0x7b: {  	v6 =	vld [tilespmem:s25+$0x40];
	_ =	sdelay $0x3  }
0x7c: {  	vm4 =	vmmov vm1;
	v5 =	vadd.f32 v5, v4  }
0x7d: {  	vm5 =	vmmov vm2;
	vm4 =	vmmov @p2 vm2;
	v4 =	vadd.f32 v6, v4  }
0x7e: {  	s22 =	sshll.u32 s3, $0x4;
	vm5 =	vmmov @p3 vm1;
	[tilespmem:s28+$0x85D0] =	vst.msk vm4, v5  }
0x7f: {  	[tilespmem:s22+$0xF010] =	vst.msk vm5, v4  }
0x80: {  	v4 =	vld [tilespmem:s28+$0x6B30];
	_ =	sdelay $0x3  }
0x81: {  	v5 =	vimm.f32 $0.0e+00  }
0x82: {  	v4 =	vshift.insert v4, v5, s21  }
0x83: {  	s29 =	sor.u32 $0x40, s2  }
0x84: {  	[tilespmem:s29+$0x0] =	vst.msk $0x1, v4  }
0x85: {  	[tilespmem:s28+$0x6B3F] =	vst.msk $0x1, v5  }
0x86: {  	v4 =	vld [tilespmem:s0+$0x1B80];
	_ =	sdelay $0x1  }
0x87: {  	s29 =	smulhi.u32 $0xAAAAAAAB, s20;
	s0 =	simm.s32 $0x1  }
0x88: {  	s0 =	simm.s32 @!p0 $0x0  }
0x89: {  	s29 =	sshrl.u32 s29, $0x1;
	s0 =	smul.u32 $0x6A40, s0  }
0x8a: {  	s29 =	smul.u32 $0xFFFEC140, s29;
	v4 =	vshift.insert v4, v1, s21  }
0x8b: {  	s0 =	sshrl.u32 s0, $0x2  }
0x8c: {  	s29 =	sshra.s32 s29, $0x2;
	s30 =	sadd.s32 $0x85D0, s0;
	[tilespmem:s2+$0x10] =	vst.msk $0x1, v4  }
0x8d: {  	s3 =	sadd.s32 s29, s19;
	v6 =	vld [tilespmem:s30+$0x0]  }
0x8e: {  	v7 =	vld [tilespmem:s3+$0x0];
	_ =	sdelay $0x3  }
0x8f: {  	v5 =	vadd.f32 v6, v5  }
0x90: {  	vm4 =	vne.s32 v7, $0xFFFFFFFF  }
0x91: {  	(xrf2) =	vadd.seg.scan.f32 vm4, v5;
	_ =	sdelay $0x3  }
0x92: {  	s31 =	sadd.s32 $0x50B0, s0;
	v5 =	vperm.xlane v4, v1  }
0x93: {  	v6 =	vld [tilespmem:s31+$0x0]  }
0x94: {  	vm5 =	veq.s32 v7, v3;
	vm6 =	veq.s32 v7, v5  }
0x95: {  	vm7 =	vgt.u32 v7, $0xFFFFFFFD;
	vm6 =	vmor vm6, vm5  }
0x96: {  	vm6 =	vmor vm6, vm7  }
0x97: {  	v9 =	vld [tilespmem:$0xA0];
	v7 =	vsel vm6, $0xFFFFFFFF, v7  }
0x98: {  	v10 =	vld [tilespmem:$0x90];
	v6 =	vsel vm5, $0x0, v6;
	v8, _, _ =	vpop (xrf2)  }
0x99: {  	v6 =	vadd.f32 v8, v6  }
0x9a: {  	s0 =	sadd.s32 $0xBAF0, s0  }
0x9b: {  	vm4 =	vmand vm4, vm3;
	[tilespmem:s0+$0x0] =	vst v6;
	(ifvalue) =	ssetifvalue $0xFFFFFFFF  }
0x9c: {  	vm6 =	veq.s32 v9, $0x1;
	[hbm4b:s1+s16] =	stream.indirect_vreg.scatter [tilespmem:s0], [sflag:$0x2], $0x1, v7, vm0, $0x4038;
	v7 =	vsel vm4, $0x0, v8;
	[tilespmem:$0xF030] =	vst v63  }
0x9d: {  	s29 =	sadd.s32 $0xF010, s22;
	s22 =	sadd.s32 $0x10, s3;
	s2 =	simm.s32 $0x0;
	vm4 =	vmor vm6, vm5;
	v6 =	vsel vm5, v8, v10;
	v7 =	vshift.insert v7, v0, s21  }
.LBB2_7:
0x9e: {  	v8 =	vld [tilespmem:s22+$0x0];
	s30 =	sadd.s32 $0x10, s30  }
0x9f: {  	s31 =	sadd.s32 $0x10, s31;
	v9 =	vld [tilespmem:s30+$0x0]  }
0xa0: {  	s2 =	sadd.s32 $0x10, s2;
	v10 =	vld [tilespmem:s31+$0x0]  }
0xa1: {  	p2 =	slt.u32 s2, $0x1A80;
	_ =	sdelay $0x2  }
0xa2: {  	v7 =	vadd.f32 v9, v7  }
0xa3: {  	vm5 =	vne.s32 v8, $0xFFFFFFFF  }
0xa4: {  	vm6 =	vmand vm5, vm3;
	(xrf2) =	vadd.seg.scan.f32 vm5, v7;
	_ =	sdelay $0x5  }
0xa5: {  	vm7 =	veq.s32 v8, v5;
	vm5 =	veq.s32 v8, v3  }
0xa6: {  	vm8 =	vgt.u32 v8, $0xFFFFFFFD;
	vm4 =	vmor vm4, vm5;
	vm7 =	vmor vm7, vm5  }
0xa7: {  	vm7 =	vmor vm7, vm8  }
0xa8: {  	v8 =	vsel vm7, $0xFFFFFFFF, v8  }
.Ltmp5:
0xa9: {  	v7 =	vsel vm5, $0x0, v10;
	v9, _, _ =	vpop (xrf2);
	(pc) =	sbr.rel @p2 .LBB2_7-.Ltmp5, $4  }
0xaa: {  	v6 =	vsel vm5, v9, v6;
	v10 =	vadd.f32 v9, v7;
	v7 =	vsel vm6, $0x0, v9  }
0xab: {  	s0 =	sadd.s32 $0x10, s0;
	v7 =	vshift.insert v7, v0, s21  }
0xac: {  	s22 =	sadd.s32 $0x10, s22;
	[tilespmem:s0+$0x0] =	vst v10;
	(ifvalue) =	ssetifvalue $0xFFFFFFFF  }
0xad: {  	[hbm4b:s1+s16] =	stream.indirect_vreg.scatter [tilespmem:s0], [sflag:$0x2], $0x1, v8, vm0, $0x4038;
	[tilespmem:$0xF030] =	vst v63  }
0xae: {  	v3 =	vld [tilespmem:s28+$0xD570];
	_ =	sdelay $0x4  }
0xaf: {  	v3 =	vshift.insert v3, v0, s21  }
0xb0: {  	s0 =	simm.s32 $0x30  }
0xb1: {  	[tilespmem:s0+$0x0] =	vst.msk $0x1, v3  }
0xb2: {  	v3 =	vsel vm4, $0x1, v1;
	[tilespmem:$0x90] =	vst v6  }
0xb3: {  	s0 =	sadd.s32 @!p1 $0xD57F, s28;
	[tilespmem:$0xA0] =	vst v3  }
0xb4: {  	[spmem:s14] =	stream.linear.scatter @!p1 [tilespmem:s0], [sflag:$0x1], $0x1, $0x38;
	[tilespmem:$0xF030] =	vst v63  }
0xb5: {  	s0 =	simm.s32 @!p1 $0x1  }
0xb6: {  	v3 =	vmctz.xlane @!p1 vm4;
	_ =	swait.ge @!p1 [sflag:s0], $0x1  }
0xb7: {  	(v2sf) =	vpush @!p1 v4, $0x0  }
0xb8: {  	(v2sf) =	vpush @!p1 v3, $0x0;
	_ =	sdelay $0xd  }
0xb9: {  	s2 =	spop @!p1 (v2sf)  }
0xba: {  	s3 =	spop @!p1 (v2sf)  }
0xbb: {  	p2 =	sne.s32 @!p1 s26, s2;
	p3 =	slt.s32 @!p1 s3, $0xF  }
0xbc: {  	[sflag:s0] =	ssyncset.done @!p1 $0x0;
	p2 =	por p2, p1;
	p3 =	por !p3, p1  }
0xbd: {  	[sflag:s0] =	ssyncadd.s32 @!p1 $0xFFFFFFFF;
	v3 =	vimm.s32 @!p2 $0xFFFFFFFF;
	s3 =	simm.s32 @p3 $0xF  }
0xbe: {  	[tilespmem:$0x80] =	vst @!p2 v3;
	s2 =	sadd.s32 @!p1 $0x90, s3  }
0xbf: {  	[spmem:s10] =	stream.linear.scatter @!p1 [tilespmem:s2], [sflag:$0x1], $0x1, $0x38;
	[tilespmem:$0xF030] =	vst v63  }
0xc0: {  	_ =	swait.ge @!p1 [sflag:s0], $0x1  }
0xc1: {  	[sflag:s0] =	ssyncset.done @!p1 $0x0  }
0xc2: {  	s2 =	simm.s32 @!p1 $0x80;
	[sflag:s0] =	ssyncadd.s32 @!p1 $0xFFFFFFFF  }
0xc3: {  	[spmem:s15] =	stream.linear.scatter @!p1 [tilespmem:s2], [sflag:$0x1], $0x1, $0x38;
	[tilespmem:$0xF030] =	vst v63  }
0xc4: {  	_ =	swait.ge @!p1 [sflag:s0], $0x1  }
0xc5: {  	[sflag:s0] =	ssyncset.done @!p1 $0x0  }
0xc6: {  	[sflag:s0] =	ssyncadd.s32 @!p1 $0xFFFFFFFF;
	(ifvalue) =	ssetifvalue $0xFFFFFFFF;
	v3 =	vld [tilespmem:s25+$0x10];
	_ =	sdelay $0x3  }
.Ltmp6:
0xc7: {  	_ = 	snop;
	(pc) =	sbr.rel .LBB2_9-.Ltmp6, $3  }
0xc8: {  	_ =	sdelay $0x1  }
0xc9: {  	(ifvalue) =	ssetifvalue $0xFFFFFFFF  }
0xca: {  	[hbm4b:s1+s16] =	stream.indirect_vreg.scatter [tilespmem:s29], [sflag:$0x9], $0x1, v3, vm0, $0x4038;
	[tilespmem:$0xF030] =	vst v63  }
.LBB2_10:
0xcb: {  	_ =	sfence.sel $0x180000  }
0xcc: {  	s0 =	simm.s32 $0x7;
	[bflag:$0x0] =	sbarrier.arrive $0xFFFF  }
0xcd: {  	s26 =	simm.s32 $0x8;
	[sflag:s0] =	ssyncpa.u1 $0x1  }
0xce: {  	s28 =	simm.s32 $0x9;
	[sflag:s26] =	ssyncpa.u1 $0x1  }
0xcf: {  	[sflag:s28] =	ssyncpa.u1 $0x1  }
0xd0: {  	_ =	sfence.stream.spmem  }
0xd1: {  	s29 =	simm.s32 $0x3;
	[bflag:$0x0] =	sbarrier.arrive $0xFFFF  }
0xd2: {  	s30 =	simm.s32 $0x4;
	[sflag:s29] =	ssyncpa.u1 $0x1  }
0xd3: {  	s31 =	simm.s32 $0x3C;
	s2 =	stileid.u32;
	[sflag:s30] =	ssyncpa.u1 $0x1  }
0xd4: {  	p0 =	sne.s32 s2, $0x0;
	[sflag:s31] =	ssyncpa.u1 $0x1  }
0xd5: {  	s0 =	simm.s32 @p0 $0x1;
	_ =	sfence @p0  }
0xd6: {  	[sflag:s0] =	ssyncpa.u1 @p0 $0x1;
	s0 =	simm.s32 @p0 $0x2  }
0xd7: {  	[sflag:s0] =	ssyncpa.u1 @p0 $0x1  }
0xd8: {  	_ =	strace @p0 $0x90000065  }
0xd9: {  	[bflag:$0x2] =	sbarrier.arrive @p0 $0xFFFF  }
0xda: {  	_ =	shalt @p0  }
.LBB2_11:
0xdb: {  	_ =	sfence.stream.spmem;
	s0 =	simm.s32 $0x5  }
0xdc: {  	s2 =	simm.s32 $0x80;
	s3 =	simm.s32 $0xC0;
	[sflag:s0] =	ssyncpa.u1 $0x0  }
0xdd: {  	[tilespmem:s3], [sflag:$0x5] =	stream.linear.gather [spmem:s2], $0x20, $0x38;
	[tilespmem:$0xF030] =	vst v63  }
0xde: {  	s2 =	simm.s32 $0x0;
	s3 =	simm.s32 $0xE0  }
0xdf: {  	[tilespmem:s3], [sflag:$0x5] =	stream.linear.gather [spmem:s2], $0x20, $0x38;
	[tilespmem:$0xF030] =	vst v63  }
.Ltmp7:
0xe0: {  	_ = 	snop;
	(pc) =	sbr.rel .LBB2_12-.Ltmp7, $4  }
0xe1: {  	_ =	swait.ge [sflag:s0], $0x40  }
0xe2: {  	[sflag:s0] =	ssyncset.done $0x0  }
0xe3: {  	s31 =	simm.s32 $0x6;
	[sflag:s0] =	ssyncadd.s32 $0xFFFFFFC0  }
0xe4: {  	s4 =	simm.s32 $0x0;
	[sflag:s31] =	ssyncpa.u1 $0x0  }
.LBB2_17:
0xe5: {  	p0 =	sgt.u32 s5, $0x1387FF  }
0xe6: {  	s0 =	sshrl.u32 @!p0 s5, $0x3  }
0xe7: {  	s5 =	sand.u32 @!p0 $0x7, s5;
	s6 =	simm.s32 @!p0 $0xB0;
	s0 =	sadd.s32 @!p0 s1, s0  }
0xe8: {  	[tilespmem:s6], [sflag:$0x6] =	stream.linear.gather @!p0 [hbm4b:s0+s5], $0x1, $0x38;
	[tilespmem:$0xF030] =	vst v63  }
0xe9: {  	s0 =	simm.s32 @!p0 $0x6  }
0xea: {  	_ =	swait.ge @!p0 [sflag:s0], $0x1  }
0xeb: {  	[sflag:s0] =	ssyncset.done @!p0 $0x0  }
0xec: {  	[sflag:s0] =	ssyncadd.s32 @!p0 $0xFFFFFFFF  }
0xed: {  	v2 =	vmov @!p0 s4;
	v1 =	vld.msk @!p0 [tilespmem:$0xB0], $0x1;
	_ =	sdelay $0x3  }
0xee: {  	s0 =	simm.s32 @!p0 $0xE0  }
0xef: {  	[tilespmem:v2+s0+$0x0], v1 =	vst.idx.ret.add.f32.msk @!p0 $0x1, v1  }
0xf0: {  	[tilespmem:s2+$0xC0] =	vst.msk $0x1, v0  }
0xf1: {  	v0 =	vld.msk [tilespmem:s4+$0xE0], $0x1;
	_ =	sdelay $0x4  }
0xf2: {  	[tilespmem:s2+$0xE0] =	vst.msk $0x1, v0;
	s2 =	sadd.s32 $0x1, s2  }
.LBB2_19:
0xf3: {  	s4 =	sadd.s32 $0x1, s4  }
0xf4: {  	p0 =	sne.s32 s4, $0x20  }
.Ltmp8:
0xf5: {  	_ = 	snop;
	(pc) =	sbr.rel @!p0 .LBB2_20-.Ltmp8, $1  }
0xf6: {  	_ =	sdelay $0x3  }
.LBB2_12:
0xf7: {  	v0 =	vld.msk [tilespmem:s4+$0xC0], $0x1;
	_ =	sdelay $0x4  }
0xf8: {  	(v2sf) =	vpush v0, $0x0;
	_ =	sdelay $0xe  }
0xf9: {  	s5 =	spop (v2sf)  }
0xfa: {  	p0 =	seq.s32 s5, $0xFFFFFFFF  }
.Ltmp9:
0xfb: {  	_ = 	snop;
	(pc) =	sbr.rel @p0 .LBB2_19-.Ltmp9, $1  }
0xfc: {  	_ =	sdelay $0x3  }
0xfd: {  	p0 =	slt.s32 s2, $0x1  }
.Ltmp10:
0xfe: {  	_ = 	snop;
	(pc) =	sbr.rel @p0 .LBB2_17-.Ltmp10, $1  }
0xff: {  	_ =	sdelay $0x3  }
0x100: {  	s0 =	simm.s32 $0xC0;
	p0 =	por $0x0, $0x0  }
0x101: {  	v1 =	vld.msk @!p0 [tilespmem:s0+$0x0], $0x1;
	_ =	sdelay $0x4  }
0x102: {  	(v2sf) =	vpush @!p0 v1, $0x0;
	_ =	sdelay $0xd  }
0x103: {  	p2 =	sne.s32 s2, $0x1  }
.Ltmp11:
0x104: {  	s6 =	spop @!p0 (v2sf);
	(pc) =	sbr.rel @!p2 .LBB2_16-.Ltmp11, $4  }
0x105: {  	p1 =	seq.s32 @!p0 s5, s6  }
0x106: {  	s6 =	simm.s32 $0x0;
	p1 =	por !p1, p0  }
0x107: {  	s8 =	simm.s32 $0xFFFFFFFF;
	s6 =	simm.s32 @p1 $0xFFFFFFFF  }
0x108: {  	s7 =	simm.s32 $0x1;
	s6 =	smov.u32 @p0 s8  }
.LBB2_15:
0x109: {  	s8 =	smov.u32 s6;
	p0 =	sne.s32 s6, $0xFFFFFFFF  }
0x10a: {  	s0 =	sadd.s32 $0x1, s0;
	s6 =	smov.u32 s7;
	s7 =	sadd.s32 $0x1, s7  }
0x10b: {  	p1 =	sne.s32 s2, s7;
	v1 =	vld.msk @!p0 [tilespmem:s0+$0x0], $0x1;
	_ =	sdelay $0x4  }
0x10c: {  	(v2sf) =	vpush @!p0 v1, $0x0;
	_ =	sdelay $0xe  }
.Ltmp12:
0x10d: {  	s9 =	spop @!p0 (v2sf);
	(pc) =	sbr.rel @p1 .LBB2_15-.Ltmp12, $4  }
0x10e: {  	p2 =	seq.s32 @!p0 s5, s9  }
0x10f: {  	p2 =	por !p2, p0  }
0x110: {  	s6 =	simm.s32 @p2 $0xFFFFFFFF  }
0x111: {  	s6 =	smov.u32 @p0 s8  }
.LBB2_16:
0x112: {  	p0 =	sne.s32 s6, $0xFFFFFFFF  }
.Ltmp13:
0x113: {  	_ = 	snop;
	(pc) =	sbr.rel @!p0 .LBB2_17-.Ltmp13, $1  }
0x114: {  	_ =	sdelay $0x3  }
0x115: {  	v0 =	vld.msk [tilespmem:s4+$0xE0], $0x1;
	v1 =	vmov s6  }
.Ltmp14:
0x116: {  	_ = 	snop;
	(pc) =	sbr.rel .LBB2_19-.Ltmp14, $2  }
0x117: {  	_ =	sdelay $0x2  }
0x118: {  	[tilespmem:v1+s3+$0x0], v0 =	vst.idx.ret.add.f32.msk $0x1, v0  }
.LBB2_20:
0x119: {  	p0 =	slt.s32 s2, $0x1  }
.Ltmp15:
0x11a: {  	_ = 	snop;
	(pc) =	sbr.rel @p0 .LBB2_24-.Ltmp15, $3  }
0x11b: {  	_ =	sdelay $0x1  }
0x11c: {  	s0 =	simm.s32 $0x6  }
0x11d: {  	s3 =	simm.s32 $0x0;
	[sflag:s0] =	ssyncpa.u1 $0x1  }
0x11e: {  	s0 =	simm.s32 $0xC0  }
0x11f: {  	v0 =	vld.msk [tilespmem:s0+$0x0], $0x1;
	_ =	sdelay $0x4  }
0x120: {  	(v2sf) =	vpush v0, $0x0;
	_ =	sdelay $0xe  }
0x121: {  	s2 =	sadd.s32 $0xFFFFFFFF, s2;
	s4 =	spop (v2sf)  }
0x122: {  	p1 =	sne.s32 s2, $0x0;
	p0 =	sgt.u32 s4, $0x1387FF  }
.Ltmp16:
0x123: {  	s5 =	sshrl.u32 @!p0 s4, $0x3;
	(pc) =	sbr.rel @!p1 .LBB2_23-.Ltmp16, $4  }
0x124: {  	s0 =	simm.s32 $0xE0;
	s4 =	sand.u32 @!p0 $0x7, s4;
	s5 =	sadd.s32 @!p0 s1, s5  }
0x125: {  	[hbm4b:s5+s4] =	stream.linear.scatter @!p0 [tilespmem:s0], [sflag:$0x5], $0x1, $0x38;
	[tilespmem:$0xF030] =	vst v63  }
0x126: {  	s5 =	simm.s32 $0x0  }
0x127: {  	s4 =	simm.s32 $0xC1;
	s5 =	simm.s32 @!p0 $0x4  }
.LBB2_22:
0x128: {  	v0 =	vld.msk [tilespmem:s4+$0x0], $0x1;
	s2 =	sadd.s32 $0xFFFFFFFF, s2;
	s3 =	sadd.s32 s3, s5  }
0x129: {  	p0 =	sne.s32 s2, $0x0;
	_ =	sdelay $0x3  }
0x12a: {  	(v2sf) =	vpush v0, $0x0;
	_ =	sdelay $0xe  }
.Ltmp17:
0x12b: {  	s6 =	spop (v2sf);
	(pc) =	sbr.rel @p0 .LBB2_22-.Ltmp17, $4  }
0x12c: {  	s5 =	simm.s32 $0x0;
	p1 =	sgt.u32 s6, $0x1387FF  }
0x12d: {  	s0 =	sadd.s32 $0x1, s0;
	s5 =	simm.s32 @!p1 $0x4;
	s7 =	sshrl.u32 @!p1 s6, $0x3  }
0x12e: {  	s4 =	sadd.s32 $0x1, s4;
	s6 =	sand.u32 @!p1 $0x7, s6;
	s7 =	sadd.s32 @!p1 s1, s7  }
0x12f: {  	[hbm4b:s7+s6] =	stream.linear.scatter @!p1 [tilespmem:s0], [sflag:$0x5], $0x1, $0x38;
	[tilespmem:$0xF030] =	vst v63  }
.LBB2_23:
0x130: {  	s0 =	sadd.s32 s3, s5  }
0x131: {  	s3 =	sshrl.u32 s0, $0x2  }
.LBB2_24:
0x132: {  	s0 =	simm.s32 $0x5  }
0x133: {  	_ =	swait.ge [sflag:s0], s3  }
0x134: {  	s1 =	ssub.s32 $0x0, s3;
	[sflag:s0] =	ssyncset.done $0x0  }
0x135: {  	[sflag:s0] =	ssyncadd.s32 s1  }
0x136: {  	[sflag:s0] =	ssyncpa.u1 $0x1  }
0x137: {  	s29 =	simm.s32 $0x1;
	_ =	sfence  }
0x138: {  	s30 =	simm.s32 $0x2;
	[sflag:s29] =	ssyncpa.u1 $0x1  }
0x139: {  	[sflag:s30] =	ssyncpa.u1 $0x1  }
0x13a: {  	_ =	strace $0x90000065  }
0x13b: {  	[bflag:$0x2] =	sbarrier.arrive $0xFFFF  }
0x13c: {  	s31 =	rddreg [dreg:$0x1]  }
0x13d: {  	s0 =	sadd.s32 $0x100000, s31  }
0x13e: {  	[sflag:s0] =	ssyncadd.tile.s32 $0x1;
	_ =	shalt  }
.Lfunc_end2:
_tile_overlayer_lowered:
.L_overlay_start_2:
0x13f: {  	(tag) =	ssettag $0x2  }
0x140: {  	s0 =	rddreg [dreg:$0x0];
	s2 =	stileid.u32  }
0x141: {  	s1 =	rddreg [dreg:$0x1];
	p0 =	sne.s32 s2, $0x0  }
0x142: {  	s3 =	rddreg [dreg:$0x2];
	[bflag:$0x3] =	sbarrier.arrive $0xFFFF;
	s2 =	simm.s32 @!p0 $0x1C01  }
0x143: {  	[timem:s3], [sflag:s2] =	dma.local @!p0 [hbm:s0], s1  }
0x144: {  	s0 =	simm.s32 @!p0 $0x1  }
0x145: {  	_ =	swait.ge @!p0 [sflag:s0], s1  }
0x146: {  	s1 =	ssub.s32 @!p0 $0x0, s1;
	[sflag:s0] =	ssyncset.done @!p0 $0x0  }
0x147: {  	[sflag:s0] =	ssyncadd.s32 @!p0 s1  }
0x148: {  	[bflag:$0x3] =	sbarrier.arrive $0xFFFF  }
0x149: {  	_ =	shalt  }

// kernel: scatter_offload_async_start
scs
__scs_entry_jumppad:
0x0: {  	(pc) =	sbr.rel $0x88, $3  }
0x1: {  	(tag) =	ssettag $0x0;
	lr =	simm.s32 $0x1  }
0x2: {  	[smem:$0x3F93] =	sst lr;
	_ =	strace $0xD0000000  }
0x3: {  	_ = 	snop  }
0x4: {  	_ = 	snop  }
0x5: {  	_ = 	snop  }
0x6: {  	_ = 	snop  }
0x7: {  	_ = 	snop  }
__scs_overlays_trampoline_lowered:
0x8: {  	[smem:$0x3FA2] =	sst s0  }
0x9: {  	[smem:$0x3FA3] =	sst s1  }
0xa: {  	[smem:$0x3FA4] =	sst s2  }
0xb: {  	[smem:$0x3FA5] =	sst s3  }
0xc: {  	[smem:$0x3FA6] =	sst s4  }
0xd: {  	[smem:$0x3FA7] =	sst s5  }
0xe: {  	[smem:$0x3FA8] =	sst s6  }
0xf: {  	[smem:$0x3FA9] =	sst s7  }
0x10: {  	[smem:$0x3FAA] =	sst s8  }
0x11: {  	[smem:$0x3FAB] =	sst s9;
	s0 =	simm.s32 @!p0 $0x0  }
0x12: {  	s1 =	sld [smem:$0x3F91];
	s0 =	simm.s32 @p0 $0x1  }
0x13: {  	[smem:$0x3FAC] =	sst s0;
	s0 =	simm.s32 @!p1 $0x0  }
0x14: {  	s2 =	sld [smem:$0x3F90];
	s0 =	simm.s32 @p1 $0x1  }
0x15: {  	[smem:$0x3FAD] =	sst s0;
	s0 =	simm.s32 @!p2 $0x0  }
0x16: {  	s3 =	sld [smem:$0x3FDB];
	s0 =	simm.s32 @p2 $0x1  }
0x17: {  	s4 =	simm.s32 $0x1BF5;
	[smem:$0x3FAF] =	sst s0  }
0x18: {  	s0 =	sld [smem:$0x3F92];
	_ =	swait.ge [sflag:s4], $0x0  }
0x19: {  	s7 =	sld [smem:$0x3F93]  }
0x1a: {  	s8 =	sadd.s32 $0xFFFFE003, lr  }
0x1b: {  	s9 =	sadd.s32 $0xFFFFFEF7, lr;
	s5 =	simm.s32 $0xFFFFFFFF;
	p2 =	slt.u32 s8, $0xFFFFF086  }
0x1c: {  	p1 =	slt.u32 s9, $0xF7A;
	s5 =	simm.s32 @!p2 $0x0  }
0x1d: {  	s5 =	simm.s32 @p1 $0x1;
	p0 =	seq.s32 s7, s2  }
0x1e: {  	s7 =	smul.u32 @!p0 $0xF7A, s2;
	p2 =	seq.s32 @!p0 s5, $0x0  }
0x1f: {  	s9 =	smul.u32 $0xF7A, s1;
	s8 =	simm.s32 @!p0 $0x1BF5;
	p2 =	por !p2, p0  }
0x20: {  	[sflag:s8] =	ssyncset.s32 @!p0 $0xFFFFF086;
	s6 =	sadd.s32 @!p0 s3, s7;
	s7 =	simm.s32 @!p0 $0x108  }
0x21: {  	s3 =	sadd.s32 s3, s9;
	s6 =	sadd.s32 @!p0 $0x88, s6;
	s7 =	simm.s32 @p2 $0x1082  }
0x22: {  	[simem:s7], [sflag:s8] =	dma.local @!p0 [hbm:s6], $0xF7A  }
0x23: {  	s9 =	sor.u32 $0xD0000000, s2;
	s6 =	simm.s32 $0x108;
	_ =	swait.ge @!p0 [sflag:s8], $0x0  }
0x24: {  	s3 =	sadd.s32 $0x88, s3;
	s6 =	simm.s32 @!p1 $0x1082;
	[sflag:s4] =	ssyncset.s32 $0xFFFFF086  }
0x25: {  	[simem:s6], [sflag:s4] =	dma.local [hbm:s3], $0xF7A  }
0x26: {  	[smem:$0x3F93] =	sst s1;
	(tag) =	ssettag s2;
	_ =	strace s9  }
0x27: {  	s1 =	sld [smem:$0x3FA3]  }
0x28: {  	s2 =	sld [smem:$0x3FA4]  }
0x29: {  	s4 =	sld [smem:$0x3FA6]  }
0x2a: {  	p0 =	seq.s32 s5, $0x0;
	s5 =	sld [smem:$0x3FA7]  }
0x2b: {  	s6 =	sld [smem:$0x3FA8]  }
0x2c: {  	s7 =	sld [smem:$0x3FA9]  }
0x2d: {  	s3 =	simm.s32 $0x108;
	s8 =	sld [smem:$0x3FAA]  }
0x2e: {  	s3 =	simm.s32 @!p0 $0x1082;
	s9 =	sld [smem:$0x3FAB]  }
0x2f: {  	lr =	sadd.s32 s0, s3;
	s0 =	sld [smem:$0x3FA2]  }
0x30: {  	s3 =	sld [smem:$0x3FA5]  }
0x31: {  	[smem:$0x3FAE] =	sst s10  }
0x32: {  	s10 =	sld [smem:$0x3FAC];
	_ =	sdelay $0x3  }
0x33: {  	p0 =	seq.s32 s10, $0x1;
	s10 =	sld [smem:$0x3FAE];
	_ =	sdelay $0x3  }
0x34: {  	[smem:$0x3FAE] =	sst s10  }
0x35: {  	s10 =	sld [smem:$0x3FAD];
	_ =	sdelay $0x3  }
0x36: {  	p1 =	seq.s32 s10, $0x1;
	s10 =	sld [smem:$0x3FAE];
	_ =	sdelay $0x3  }
0x37: {  	[smem:$0x3FAE] =	sst s10  }
0x38: {  	s10 =	sld [smem:$0x3FAF]  }
0x39: {  	_ = 	snop;
	(pc) =	sbr.ind lr, $3  }
0x3a: {  	_ = 	snop  }
0x3b: {  	_ = 	snop  }
0x3c: {  	p2 =	seq.s32 s10, $0x1;
	s10 =	sld [smem:$0x3FAE]  }
0x3d: {  	_ =	shalt  }
0x3e: {  	_ =	shalt  }
0x3f: {  	_ =	shalt  }
0x40: {  	_ =	shalt  }
0x41: {  	_ =	shalt  }
0x42: {  	_ =	shalt  }
0x43: {  	_ =	shalt  }
0x44: {  	_ =	shalt  }
0x45: {  	_ =	shalt  }
0x46: {  	_ =	shalt  }
0x47: {  	_ =	shalt  }
0x48: {  	_ =	shalt  }
0x49: {  	_ =	shalt  }
0x4a: {  	_ =	shalt  }
0x4b: {  	_ =	shalt  }
0x4c: {  	_ =	shalt  }
0x4d: {  	_ =	shalt  }
0x4e: {  	_ =	shalt  }
0x4f: {  	_ =	shalt  }
0x50: {  	_ =	shalt  }
0x51: {  	_ =	shalt  }
0x52: {  	_ =	shalt  }
0x53: {  	_ =	shalt  }
0x54: {  	_ =	shalt  }
0x55: {  	_ =	shalt  }
0x56: {  	_ =	shalt  }
0x57: {  	_ =	shalt  }
0x58: {  	_ =	shalt  }
0x59: {  	_ =	shalt  }
0x5a: {  	_ =	shalt  }
0x5b: {  	_ =	shalt  }
0x5c: {  	_ =	shalt  }
0x5d: {  	_ =	shalt  }
0x5e: {  	_ =	shalt  }
0x5f: {  	_ =	shalt  }
0x60: {  	_ =	shalt  }
0x61: {  	_ =	shalt  }
0x62: {  	_ =	shalt  }
0x63: {  	_ =	shalt  }
0x64: {  	_ =	shalt  }
0x65: {  	_ =	shalt  }
0x66: {  	_ =	shalt  }
0x67: {  	_ =	shalt  }
0x68: {  	_ =	shalt  }
0x69: {  	_ =	shalt  }
0x6a: {  	_ =	shalt  }
0x6b: {  	_ =	shalt  }
0x6c: {  	_ =	shalt  }
0x6d: {  	_ =	shalt  }
0x6e: {  	_ =	shalt  }
0x6f: {  	_ =	shalt  }
0x70: {  	_ =	shalt  }
0x71: {  	_ =	shalt  }
0x72: {  	_ =	shalt  }
0x73: {  	_ =	shalt  }
0x74: {  	_ =	shalt  }
0x75: {  	_ =	shalt  }
0x76: {  	_ =	shalt  }
0x77: {  	_ =	shalt  }
0x78: {  	_ =	shalt  }
0x79: {  	_ =	shalt  }
0x7a: {  	_ =	shalt  }
0x7b: {  	_ =	shalt  }
0x7c: {  	_ =	shalt  }
0x7d: {  	_ =	shalt  }
0x7e: {  	_ =	shalt  }
0x7f: {  	_ =	shalt  }
0x80: {  	_ =	shalt  }
0x81: {  	_ =	shalt  }
0x82: {  	_ =	shalt  }
0x83: {  	_ =	shalt  }
0x84: {  	_ =	shalt  }
0x85: {  	_ =	shalt  }
0x86: {  	_ =	shalt  }
0x87: {  	_ =	shalt  }
.Lfunc_end0:
.L_simem_size_0:
called_computation_lowered:
.L_overlay_start_0:
0x88: {  	s0 =	sld [smem:$0x3FD9]  }
0x89: {  	s1 =	sld [smem:$0x3FFE];
	_ =	sdelay $0x3  }
0x8a: {  	s0 =	sadd.s32 s1, s0  }
0x8b: {  	[smem:$0x3FBA] =	sst s0  }
0x8c: {  	_ = 	snop  }
0x8d: {  	s0 =	sld [smem:$0x3FD0];
	_ =	sdelay $0x2  }
0x8e: {  	s3 =	simm.s32 $0xB;
	s13 =	simm.s32 $0x10  }
0x8f: {  	[smem:s13], [sflag:s3] =	dma.local [hbm:s0], $0x1  }
0x90: {  	_ =	swait.eq [sflag:s3], $0x1  }
0x91: {  	s14 =	sld [smem:$0x11]  }
0x92: {  	s4 =	sld [smem:$0x13];
	[sflag:s3] =	ssyncset.done $0x0  }
0x93: {  	s2 =	sld [smem:$0x14];
	[sflag:s3] =	ssyncadd.s32 $0xFFFFFFFF  }
0x94: {  	s15 =	sld [smem:$0x15];
	(tm) =	ssettm $0x1  }
0x95: {  	s16 =	sld [smem:$0x3FFB];
	_ =	sdelay $0x3  }
0x96: {  	_ =	strace s16  }
0x97: {  	s0 =	sld [smem:$0x3FFC];
	_ =	sdelay $0x3  }
0x98: {  	_ =	strace s0  }
0x99: {  	s0 =	sld [smem:$0x3FFD];
	_ =	sdelay $0x3  }
0x9a: {  	_ =	strace s0  }
0x9b: {  	_ =	strace $0x8FFFFFFF  }
0x9c: {  	s17 =	sld [smem:$0x3FDB];
	_ =	sdelay $0x1  }
0x9d: {  	s5 =	simm.s32 $_scs_section_size  }
0x9e: {  	s6 =	simm.s32 $_size__tile_overlayer_lowered;
	s7 =	simm.s32 $_tile_overlayer_lowered  }
0x9f: {  	s8 =	simm.s32 $0x1BFF;
	s18 =	sshll.u32 s7, $0x1;
	s5 =	sadd.s32 s5, s17  }
0xa0: {  	s19 =	simm.s32 $0x0;
	s6 =	sshll.u32 s6, $0x1;
	s7 =	sadd.s32 s18, s5  }
0xa1: {  	[timem:s19], [sflag:s8] =	dma.local [hbm:s7], s6  }
0xa2: {  	_ =	swait.ge [sflag:s8], s6  }
0xa3: {  	s6 =	ssub.s32 $0x0, s6;
	[sflag:s8] =	ssyncset.done $0x0  }
0xa4: {  	[sflag:s8] =	ssyncadd.s32 s6;
	_ =	sdelay $0x1  }
0xa5: {  	s20 =	simm.s32 $0x1B8B  }
0xa6: {  	_ =	swait.ge [sflag:s20], $0x1  }
0xa7: {  	[sflag:s20] =	ssyncset.done $0x0  }
0xa8: {  	s21 =	simm.s32 $0x1B8E;
	[sflag:s20] =	ssyncadd.s32 $0xFFFFFFFF  }
0xa9: {  	s22 =	simm.s32 $execute0_lowered;
	[smem:$0x3FD2] =	sst s21  }
0xaa: {  	s6 =	sshll.u32 s22, $0x1;
	_ =	strace $0x80000046;
	[dreg:$0x1] =	wrdreg $0xFFFFFFFF  }
0xab: {  	s23 =	simm.s32 $_size_execute0_lowered;
	s6 =	sadd.s32 s5, s6;
	[dreg:$0x0] =	wrdreg $0x0  }
0xac: {  	s7 =	sshll.u32 s23, $0x1;
	[dreg:$0x2] =	wrdreg s6  }
0xad: {  	[dreg:$0x3] =	wrdreg s7  }
0xae: {  	[dreg:$0x4] =	wrdreg $0xC0  }
0xaf: {  	s24 =	simm.s32 $execute1_lowered;
	_ =	task [dreg:s19], $0x5FFFF  }
0xb0: {  	s6 =	sshll.u32 s24, $0x1;
	[dreg:$0x1] =	wrdreg $0xFFFFFFFF  }
0xb1: {  	s5 =	sadd.s32 s5, s6;
	[dreg:$0x0] =	wrdreg $0x60  }
0xb2: {  	[dreg:$0x2] =	wrdreg s5  }
0xb3: {  	[dreg:$0x3] =	wrdreg s4  }
0xb4: {  	[dreg:$0x4] =	wrdreg s14  }
0xb5: {  	[dreg:$0x5] =	wrdreg $0x9  }
0xb6: {  	_ =	task.clear_ibuf [dreg:s19], $0x6FFFF;
	_ =	strace $0x90000046  }
0xb7: {  	s25 =	simm.s32 $0x9;
	_ =	strace $0x80000048  }
0xb8: {  	_ =	swait.ge [sflag:s25], $0x1  }
0xb9: {  	[sflag:s25] =	ssyncadd.s32 $0xFFFFFFFF  }
0xba: {  	_ =	strace $0x90000048  }
0xbb: {  	_ =	strace $0x80000049;
	[dreg:$0x1] =	wrdreg $0xFFFFFFFF  }
0xbc: {  	[dreg:$0x0] =	wrdreg $0x2030  }
0xbd: {  	[dreg:$0x2] =	wrdreg s14  }
0xbe: {  	[dreg:$0x3] =	wrdreg s2  }
0xbf: {  	[dreg:$0x4] =	wrdreg s15  }
0xc0: {  	[dreg:$0x5] =	wrdreg $0xA  }
0xc1: {  	_ =	task.clear_ibuf [dreg:s19], $0x6FFFF;
	_ =	strace $0x90000049  }
0xc2: {  	s26 =	simm.s32 $0xA;
	_ =	strace $0x8000004B  }
0xc3: {  	_ =	swait.ge [sflag:s26], $0x1  }
0xc4: {  	[sflag:s26] =	ssyncadd.s32 $0xFFFFFFFF  }
0xc5: {  	_ =	strace $0x9000004B  }
0xc6: {  	_ =	sfence  }
0xc7: {  	s28 =	sld [smem:$0x0];
	_ =	sdelay $0x1  }
0xc8: {  	s29 =	srdreg.scid  }
0xc9: {  	s30 =	sshll.u32 s29, $0xD;
	s31 =	sshrl.u32 s29, $0x2  }
0xca: {  	s3 =	sand.u32 $0x4000, s30;
	s2 =	sand.u32 $0x1, s29;
	s1 =	sadd.s32 s31, s28  }
0xcb: {  	s2 =	sor.u32 s3, s2;
	s1 =	sshll.u32 s1, $0x11  }
0xcc: {  	s1 =	sor.u32 s1, s2  }
0xcd: {  	s1 =	sadd.s32 $0x8F2B, s1  }
0xce: {  	[sflag:s1] =	ssyncadd.remote.s32 $0x1  }
0xcf: {  	_ =	sfence.sel $0xFFFF  }
0xd0: {  	[dreg:$0x0] =	wrdreg $0xFFFFFFFF;
	(pc) =	sbr.abs _section_cstart, $3  }
0xd1: {  	[dreg:$0x1] =	wrdreg $0xFFFFFFFF  }
0xd2: {  	_ =	task.clear_ibuf [dreg:s19], $0x2FFFF;
	_ =	strace $0x9FFFFFFF  }
0xd3: {  	(tm) =	ssettm $0x7FFFFFFF  }
tec
execute0_lowered:
.L_overlay_start_1:
0x0: {  	(tag) =	ssettag $0x1  }
0x1: {  	s3 =	rddreg [dreg:$0x0]  }
0x2: {  	s5 =	rddreg [dreg:$0x1]  }
0x3: {  	s2 =	rddreg [dreg:$0x2]  }
0x4: {  	s0 =	rddreg [dreg:$0x3];
	s4 =	stileid.u32  }
0x5: {  	[bflag:$0x3] =	sbarrier.arrive $0xFFFF;
	s1 =	simm.s32 $_size_execute1_lowered;
	p0 =	sne.s32 s4, $0x0  }
0x6: {  	s1 =	sshll.u32 s1, $0x1;
	s6 =	simm.s32 @!p0 $0x1C3F;
	s7 =	simm.s32 @!p0 $0x4060  }
0x7: {  	[timem:s7], [sflag:s6] =	dma.local @!p0 [hbm:s3], s1  }
.Ltmp0:
0x8: {  	s30 =	simm.s32 $0x2;
	(pc) =	sbr.rel .LBB2_1-.Ltmp0, $4  }
0x9: {  	s8 =	simm.s32 $0x780;
	s10 =	simm.s32 $0x0;
	s3 =	smul.u32 $0x280, s4  }
0xa: {  	s9 =	simm.s32 $0x0;
	s4 =	simm.s32 $0x1;
	_ =	strace $0x80000047  }
0xb: {  	s6 =	simm.s32 $0x0;
	[sflag:s4] =	ssyncpa.u1 $0x0;
	s31 =	sshrl.u32 s3, $0x3  }
0xc: {  	s7 =	simm.s32 $0x280;
	[sflag:s30] =	ssyncpa.u1 $0x0;
	s5 =	sadd.s32 s31, s5  }
.LBB2_8:
0xd: {  	p1 =	seq.s32 s9, $0x2  }
.Ltmp1:
0xe: {  	_ = 	snop;
	(pc) =	sbr.rel @p1 .LBB2_10-.Ltmp1, $1  }
0xf: {  	_ =	sdelay $0x3  }
.LBB2_9:
0x10: {  	s9 =	sadd.s32 $0x1, s9;
	s10 =	smov.u32 s3  }
.LBB2_1:
0x11: {  	p1 =	sne.s32 s9, $0x0  }
.Ltmp2:
0x12: {  	_ = 	snop;
	(pc) =	sbr.rel @!p1 .LBB2_2-.Ltmp2, $1  }
0x13: {  	_ =	sdelay $0x3  }
0x14: {  	s11 =	sand.u32 $0x1, s9  }
0x15: {  	p1 =	seq.s32 s11, $0x0  }
.Ltmp3:
0x16: {  	_ = 	snop;
	(pc) =	sbr.rel @p1 .LBB2_8-.Ltmp3, $1  }
0x17: {  	_ =	sdelay $0x3  }
0x18: {  	_ =	swait.ge [sflag:s4], $0x280  }
0x19: {  	[sflag:s4] =	ssyncset.done $0x0  }
0x1a: {  	s11 =	simm.s32 $0x0;
	p1 =	por $0x1, $0x1;
	[sflag:s4] =	ssyncadd.s32 $0xFFFFFD80  }
.LBB2_5:
0x1b: {  	v0 =	vld [tilespmem:s11+$0x280]  }
0x1c: {  	v1 =	vld [tilespmem:s11+$0x290]  }
0x1d: {  	v2 =	vld [tilespmem:s11+$0x2A0]  }
0x1e: {  	v3 =	vld [tilespmem:s11+$0x2B0]  }
0x1f: {  	v4 =	vld [tilespmem:s11+$0x2C0]  }
0x20: {  	v53 =	vld [tilespmem:s11+$0x2D0];
	[tilespmem:s11+$0x780] =	vst v0  }
0x21: {  	v54 =	vld [tilespmem:s11+$0x2E0];
	[tilespmem:s11+$0x790] =	vst v1  }
0x22: {  	v55 =	vld [tilespmem:s11+$0x2F0];
	[tilespmem:s11+$0x7A0] =	vst v2  }
0x23: {  	v56 =	vld [tilespmem:s11+$0x300];
	[tilespmem:s11+$0x7B0] =	vst v3  }
0x24: {  	v57 =	vld [tilespmem:s11+$0x310];
	[tilespmem:s11+$0x7C0] =	vst v4  }
0x25: {  	v58 =	vld [tilespmem:s11+$0x320];
	[tilespmem:s11+$0x7D0] =	vst v53  }
0x26: {  	v59 =	vld [tilespmem:s11+$0x330];
	[tilespmem:s11+$0x7E0] =	vst v54  }
0x27: {  	v60 =	vld [tilespmem:s11+$0x340];
	[tilespmem:s11+$0x7F0] =	vst v55  }
0x28: {  	v61 =	vld [tilespmem:s11+$0x350];
	[tilespmem:s11+$0x800] =	vst v56  }
0x29: {  	v62 =	vld [tilespmem:s11+$0x360];
	[tilespmem:s11+$0x810] =	vst v57  }
0x2a: {  	v63 =	vld [tilespmem:s11+$0x370];
	p2 =	por p1, p1;
	[tilespmem:s11+$0x820] =	vst v58  }
.Ltmp4:
0x2b: {  	[tilespmem:s11+$0x830] =	vst v59;
	(pc) =	sbr.rel @p2 .LBB2_5-.Ltmp4, $4  }
0x2c: {  	[tilespmem:s11+$0x840] =	vst v60  }
0x2d: {  	[tilespmem:s11+$0x850] =	vst v61  }
0x2e: {  	s12 =	simm.s32 $0x1F0;
	s13 =	simm.s32 $0x980;
	[tilespmem:s11+$0x860] =	vst v62  }
0x2f: {  	s14 =	simm.s32 $0x480;
	p1 =	por $0x0, $0x0;
	[tilespmem:s11+$0x870] =	vst v63;
	s11 =	simm.s32 $0x100  }
.LBB2_6:
0x30: {  	s12 =	sadd.s32 $0x10, s12  }
0x31: {  	v0 =	vld [tilespmem:s14+$0x0];
	p1 =	slt.u32 s12, $0x270  }
.Ltmp5:
0x32: {  	_ = 	snop;
	(pc) =	sbr.rel @p1 .LBB2_6-.Ltmp5, $2  }
0x33: {  	_ =	sdelay $0x2  }
0x34: {  	s14 =	sadd.s32 $0x10, s14;
	[tilespmem:s13+$0x0] =	vst v0;
	s13 =	sadd.s32 $0x10, s13  }
.Ltmp6:
0x35: {  	(pc) =	sbr.rel .LBB2_8-.Ltmp6, $4  }
0x36: {  	_ = 	snop  }
0x37: {  	s10 =	sshrl.u32 s10, $0x3  }
0x38: {  	s10 =	sadd.s32 s2, s10  }
0x39: {  	[hbm4b:s10+s6] =	stream.linear.scatter [tilespmem:s8], [sflag:$0x2], $0x280, $0x38;
	[tilespmem:$0xA00] =	vst v63  }
.LBB2_2:
.Ltmp7:
0x3a: {  	(pc) =	sbr.rel .LBB2_9-.Ltmp7, $2  }
0x3b: {  	_ =	sdelay $0x2  }
0x3c: {  	[tilespmem:s7], [sflag:$0x1] =	stream.linear.gather [hbm4b:s5+s6], $0x280, $0x38;
	[tilespmem:$0xA00] =	vst v63  }
.LBB2_10:
0x3d: {  	s2 =	simm.s32 $0x2  }
0x3e: {  	_ =	swait.ge [sflag:s2], $0x280  }
0x3f: {  	[sflag:s2] =	ssyncset.done $0x0  }
0x40: {  	[sflag:s2] =	ssyncadd.s32 $0xFFFFFD80  }
0x41: {  	_ =	sfence.sel $0x180000  }
0x42: {  	s3 =	simm.s32 $0x1;
	[bflag:$0x0] =	sbarrier.arrive $0xFFFF  }
0x43: {  	[sflag:s3] =	ssyncpa.u1 $0x1  }
0x44: {  	[sflag:s2] =	ssyncpa.u1 $0x1  }
0x45: {  	_ =	strace $0x90000047  }
0x46: {  	s0 =	sadd.s32 @!p0 $0x100000, s0;
	[bflag:$0x2] =	sbarrier.arrive $0xFFFF  }
0x47: {  	[sflag:s0] =	ssyncadd.tile.s32 @!p0 $0x1;
	s0 =	simm.s32 @!p0 $0x3F  }
0x48: {  	_ =	swait.ge @!p0 [sflag:s0], s1  }
0x49: {  	s1 =	ssub.s32 @!p0 $0x0, s1;
	[sflag:s0] =	ssyncset.done @!p0 $0x0  }
0x4a: {  	[sflag:s0] =	ssyncadd.s32 @!p0 s1  }
0x4b: {  	[bflag:$0x3] =	sbarrier.arrive $0xFFFF  }
0x4c: {  	_ =	shalt  }
.Lfunc_end2:
execute1_lowered:
.L_overlay_start_2:
0x4d: {  	(tag) =	ssettag $0x2  }
0x4e: {  	s1 =	rddreg [dreg:$0x0]  }
0x4f: {  	s3 =	rddreg [dreg:$0x1];
	s14 =	stileid.u32  }
0x50: {  	_ =	strace $0x8000004A;
	s0 =	simm.s32 $0x1;
	s2 =	smin.u32 s14, $0x9  }
0x51: {  	[sflag:s0] =	ssyncpa.u1 $0x0;
	s2 =	sadd.s32 s14, s2  }
0x52: {  	v1 =	vimm.s32 $0xFFFFFFFF;
	p0 =	slt.u32 s14, $0x9;
	s5 =	smul.u32 $0x1A90, s2;
	s2 =	simm.s32 $0x3520  }
0x53: {  	[tilespmem:$0x10] =	vst v1;
	s2 =	simm.s32 @!p0 $0x1A90  }
0x54: {  	v0 =	vimm.f32 $0.0e+00;
	[tilespmem:$0x20] =	vst v1;
	s2 =	sadd.s32 s2, s5  }
0x55: {  	[tilespmem:$0x30] =	vst v0;
	s6 =	smin.u32 s2, $0x29810  }
0x56: {  	[tilespmem:$0x40] =	vst v0;
	s2 =	ssub.s32 s6, s5  }
0x57: {  	s7 =	simm.s32 $0x2;
	s8 =	simm.s32 $0x8;
	[tilespmem:$0x50] =	vst v0;
	p0 =	sgt.s32 s2, $0x0  }
0x58: {  	s31 =	simm.s32 $0x9;
	s16 =	simm.s32 $0x0;
	[tilespmem:$0x60] =	vst v1;
	s2 =	simm.s32 @!p0 $0x0  }
0x59: {  	s17 =	simm.s32 $0xF0;
	s18 =	simm.s32 $0xFFFFFFFF;
	[tilespmem:$0x70] =	vst v1;
	s4 =	smulhi.u32 $0x134679AD, s2  }
0x5a: {  	s19 =	simm.s32 $0xFFFFCBE0;
	s20 =	simm.s32 $0xFFFFFFFE;
	s21 =	simm.s32 $0xF;
	[tilespmem:$0x80] =	vst v1  }
0x5b: {  	s25 =	simm.s32 $0x0;
	s10 =	sshll.u32 s14, $0x1;
	v1 =	vimm.s32 $0x0;
	[tilespmem:$0xB0] =	vst v0;
	s4 =	sshrl.u32 s4, $0x9  }
0x5c: {  	s24 =	simm.s32 $0x0;
	s13 =	sor.u32 $0x81, s10;
	[tilespmem:$0x90] =	vst v1;
	s9 =	smul.u32 $0x1A90, s4  }
.Ltmp8:
0x5d: {  	[tilespmem:$0xA0] =	vst v1;
	[sflag:s7] =	ssyncpa.u1 $0x0;
	s7 =	simm.s32 $0x7;
	(pc) =	sbr.rel .LBB3_1-.Ltmp8, $4  }
0x5e: {  	s14 =	sshllo.u32 s14, $0x1;
	[sflag:s7] =	ssyncpa.u1 $0x0;
	p0 =	sne.s32 s2, s9  }
0x5f: {  	s15 =	sor.u32 $0x80, s10;
	[sflag:s8] =	ssyncpa.u1 $0x0;
	s0 =	simm.s32 @!p0 $0x0  }
0x60: {  	vm0 =	vmmov $0xffff;
	v2 =	vlaneseq.u32;
	s23 =	smov.u32 s5;
	[sflag:s31] =	ssyncpa.u1 $0x0;
	s9 =	sadd.s32 s0, s4  }
0x61: {  	vm1 =	vmxor vm1, vm1;
	vm2 =	vmmov $0x1;
	vm3 =	vcmask $0x3F3C;
	p0 =	por $0x0, $0x0;
	s11 =	sadd.s32 $0x1, s9;
	s12 =	sadd.s32 $0x2, s9  }
.LBB3_9:
0x62: {  	p1 =	slt.u32 s24, $0x3  }
0x63: {  	s0 =	simm.s32 @!p1 $0x2  }
0x64: {  	_ =	swait.ge @!p1 [sflag:s0], $0x1A90  }
0x65: {  	[sflag:s0] =	ssyncset.done @!p1 $0x0  }
0x66: {  	[sflag:s0] =	ssyncadd.s32 @!p1 $0xFFFFE570;
	s0 =	simm.s32 @!p1 $0x9  }
0x67: {  	_ =	swait.ge @!p1 [sflag:s0], $0x10  }
0x68: {  	[sflag:s0] =	ssyncset.done @!p1 $0x0  }
0x69: {  	[sflag:s0] =	ssyncadd.s32 @!p1 $0xFFFFFFF0;
	p1 =	sne.s32 s24, s12  }
.Ltmp9:
0x6a: {  	s2 =	sadd.s32 $0x1A90, s23;
	(pc) =	sbr.rel @!p1 .LBB3_10-.Ltmp9, $4  }
0x6b: {  	s4 =	smov.u32 s5;
	s31 =	sadd.s32 $0x1, s24;
	s17 =	sadd.s32 $0x1A90, s17  }
0x6c: {  	s18 =	sadd.s32 $0x1, s18;
	s25 =	smov.u32 s23;
	p2 =	slt.s32 s2, s6  }
0x6d: {  	p0 =	por !p0, !p0;
	s19 =	sadd.s32 $0x1A90, s19;
	s4 =	smov.u32 @p2 s2  }
0x6e: {  	s20 =	sadd.s32 $0x1, s20;
	s23 =	smov.u32 s4;
	s24 =	smov.u32 s31  }
.LBB3_1:
0x6f: {  	p1 =	sge.u32 s24, s9  }
0x70: {  	s0 =	smulhi.u32 @!p1 $0xAAAAAAAB, s24;
	_ =	sdelay $0x1  }
0x71: {  	s0 =	sshrl.u32 @!p1 s0, $0x1  }
0x72: {  	s0 =	smul.u32 @!p1 $0x3, s0;
	_ =	sdelay $0x1  }
0x73: {  	s0 =	ssub.s32 @!p1 s24, s0  }
0x74: {  	s0 =	smul.u32 @!p1 $0x6A40, s0;
	_ =	sdelay $0x1  }
0x75: {  	s2 =	sshrl.u32 @!p1 s23, $0x3;
	s0 =	sshrl.u32 @!p1 s0, $0x2  }
0x76: {  	s4 =	sand.u32 @!p1 $0x7, s23;
	s2 =	sadd.s32 @!p1 s3, s2;
	s0 =	sadd.s32 @!p1 $0x100, s0  }
0x77: {  	[tilespmem:s0], [sflag:$0x7] =	stream.linear.gather @!p1 [hbm4b:s2+s4], $0x1A90, $0x38;
	[tilespmem:$0xF030] =	vst v63  }
0x78: {  	s0 =	sadd.s32 $0xFFFFFFFF, s24  }
0x79: {  	p1 =	sge.u32 s0, s9  }
.Ltmp10:
0x7a: {  	_ = 	snop;
	(pc) =	sbr.rel @p1 .LBB3_5-.Ltmp10, $1  }
0x7b: {  	_ =	sdelay $0x3  }
0x7c: {  	s2 =	smulhi.u32 $0xAAAAAAAB, s0;
	_ =	sdelay $0x1  }
0x7d: {  	s2 =	sshrl.u32 s2, $0x1  }
0x7e: {  	s2 =	smul.u32 $0x3, s2;
	_ =	sdelay $0x1  }
0x7f: {  	s2 =	ssub.s32 s0, s2  }
0x80: {  	s2 =	smul.u32 $0x6A40, s2  }
0x81: {  	_ =	swait.ge [sflag:s7], $0x1A90  }
0x82: {  	[sflag:s7] =	ssyncset.done $0x0;
	s2 =	sshrl.u32 s2, $0x2  }
0x83: {  	[sflag:s7] =	ssyncadd.s32 $0xFFFFE570;
	(ifvalue) =	ssetifvalue $0xFFFFFFFF;
	v3 =	vld.msk [tilespmem:s2+$0x100 ss:$0x1], $0xffff;
	_ =	sdelay $0x2  }
0x84: {  	s30 =	smulhi.u32 $0xAAAAAAAB, s18;
	p1 =	sne.s32 s24, $0x1  }
0x85: {  	v4 =	vimm.s32 @!p1 $0x0  }
0x86: {  	s2 =	sshrl.u32 s30, $0x1;
	v4 =	vperm.xlane @!p1 v3, v4  }
0x87: {  	s4 =	sshll.u32 s24, $0x4;
	s2 =	smul.u32 $0xFFFEC140, s2;
	vm4 =	vlt.u32 v3, $0x2800  }
0x88: {  	s4 =	sand.u32 $0x10, s4;
	v3 =	vnsel vm4, $0xFFFFFFFE, v3;
	vm4 =	vlt.u32 @!p1 v4, $0x2800  }
0x89: {  	s2 =	sshra.s32 s2, $0x2;
	[tilespmem:s4+$0x60] =	vst v3;
	v3 =	vnsel @!p1 vm4, $0xFFFFFFFE, v4  }
0x8a: {  	s28 =	sadd.s32 s2, s17;
	[tilespmem:$0x80] =	vst @!p1 v3  }
0x8b: {  	v3 =	vld.msk [tilespmem:s28+$0x0 ss:$0x1], $0xffff;
	_ =	sdelay $0x4  }
0x8c: {  	(xrf1) =	vunique.msk.u32 $0xffff, v3;
	_ =	sdelay $0xd  }
0x8d: {  	v4 =	vimm.s32 $0xFFFFFFFF;
	v5, _, _ =	vpop (xrf1)  }
0x8e: {  	vm5 =	vne.s32 v3, v4;
	vm4 =	veq.s32 v5, v2  }
0x8f: {  	vm6 =	vlt.u32 v3, $0x2800;
	vm4 =	vmand vm5, vm4  }
0x90: {  	vm4 =	vmand vm6, vm4  }
0x91: {  	v4 =	vnsel vm4, $0xFFFFFFFF, v3  }
0x92: {  	s31 =	sand.u32 $0x1, s0  }
0x93: {  	s0 =	simm.s32 $0x1A90;
	p1 =	seq.s32 s31, $0x1  }
0x94: {  	s0 =	simm.s32 @!p1 $0x0  }
0x95: {  	s26 =	sadd.s32 $0x6B30, s0;
	(ifvalue) =	ssetifvalue $0xFFFFFFFF  }
0x96: {  	v3 =	vperm.xlane v3, v1;
	[tilespmem:s26], [sflag:$0x8] =	stream.indirect_vreg.gather [hbm4b:s1+s16], $0x1, v4, vm0, $0x4038;
	v4 =	vnsel vm6, $0xFFFFFFFE, v4;
	[tilespmem:$0xF030] =	vst v63  }
0x97: {  	s2 =	simm.s32 $0x0;
	s4 =	sadd.s32 $0xFFFFFFF0, s28;
	[tilespmem:s28+$0x0] =	vst v4  }
.LBB3_3:
0x98: {  	v4 =	vld.msk [tilespmem:s4+$0x0 ss:$0x1], $0xffff;
	s2 =	sadd.s32 $0x10, s2;
	v5 =	vmov v3;
	s28 =	smov.u32 s4  }
0x99: {  	p1 =	slt.u32 s2, $0x1A80;
	_ =	sdelay $0x4  }
0x9a: {  	v3 =	vperm.xlane v4, v1;
	(xrf1) =	vunique.msk.u32 $0xffff, v4;
	_ =	sdelay $0xd  }
0x9b: {  	v6, _, _ =	vpop (xrf1)  }
0x9c: {  	vm5 =	vne.s32 v4, v5;
	vm4 =	veq.s32 v6, v2  }
0x9d: {  	vm6 =	vlt.u32 v4, $0x2800;
	vm4 =	vmand vm5, vm4  }
0x9e: {  	vm4 =	vmand vm6, vm4  }
0x9f: {  	v4 =	vnsel vm4, $0xFFFFFFFF, v4  }
.Ltmp11:
0xa0: {  	v5 =	vnsel vm6, $0xFFFFFFFE, v4;
	(pc) =	sbr.rel @p1 .LBB3_3-.Ltmp11, $3  }
0xa1: {  	_ =	sdelay $0x1  }
0xa2: {  	s4 =	sadd.s32 $0xFFFFFFF0, s4;
	s26 =	sadd.s32 $0xFFFFFFF0, s26;
	(ifvalue) =	ssetifvalue $0xFFFFFFFF  }
0xa3: {  	[tilespmem:s26], [sflag:$0x8] =	stream.indirect_vreg.gather [hbm4b:s1+s16], $0x1, v4, vm0, $0x4038;
	[tilespmem:s28+$0x0] =	vst v5  }
0xa4: {  	s2 =	sshrl.u32 s25, $0x3;
	s4 =	rddreg [dreg:$0x2]  }
0xa5: {  	s0 =	sadd.s32 $0x85D0, s0;
	s2 =	sadd.s32 s4, s2  }
0xa6: {  	[tilespmem:s0], [sflag:$0x8] =	stream.linear.gather [hbm:s2], $0x1A90, $0x38;
	[tilespmem:$0xF030] =	vst v63  }
.LBB3_5:
0xa7: {  	p1 =	slt.u32 s24, $0x2  }
0xa8: {  	p2 =	sge.u32 @!p1 s24, s12  }
0xa9: {  	p1 =	por p1, p2  }
.Ltmp12:
0xaa: {  	_ = 	snop;
	(pc) =	sbr.rel @p1 .LBB3_9-.Ltmp12, $1  }
0xab: {  	_ =	sdelay $0x3  }
0xac: {  	s0 =	sadd.s32 $0xFFFFFFFE, s24  }
0xad: {  	s2 =	smulhi.u32 $0xAAAAAAAB, s0;
	_ =	sdelay $0x1  }
0xae: {  	s2 =	sshrl.u32 s2, $0x1  }
0xaf: {  	s2 =	smul.u32 $0x3, s2;
	_ =	sdelay $0x1  }
0xb0: {  	s0 =	ssub.s32 s0, s2  }
0xb1: {  	_ =	swait.ge [sflag:s8], $0x3520;
	s0 =	smul.u32 $0x1A90, s0  }
0xb2: {  	p1 =	sne.s32 s24, s11;
	[sflag:s8] =	ssyncset.done $0x0  }
0xb3: {  	[sflag:s8] =	ssyncadd.s32 $0xFFFFCAE0;
	s2 =	sadd.s32 @!p1 $0x1B8F, s0  }
0xb4: {  	[spmem:s13] =	stream.linear.scatter @!p1 [tilespmem:s2], [sflag:$0x1], $0x1, $0x38;
	[tilespmem:$0xF030] =	vst v63  }
0xb5: {  	s2 =	simm.s32 @!p1 $0x1  }
0xb6: {  	_ =	swait.ge @!p1 [sflag:s2], $0x1  }
0xb7: {  	s4 =	sshll.u32 s24, $0x4;
	[sflag:s2] =	ssyncset.done @!p1 $0x0  }
0xb8: {  	s25 =	sand.u32 $0x10, s4;
	[sflag:s2] =	ssyncadd.s32 @!p1 $0xFFFFFFFF  }
0xb9: {  	s2 =	sxor.u32 $0x10, s25;
	v4 =	vld [tilespmem:s25+$0x10]  }
0xba: {  	v5 =	vld [tilespmem:s2+$0x60]  }
0xbb: {  	v3 =	vld [tilespmem:$0x80];
	_ =	sdelay $0x2  }
0xbc: {  	(v2sf) =	vpush v4, $0x0  }
0xbd: {  	(v2sf) =	vpush v5, $0x0  }
0xbe: {  	(v2sf) =	vpush v3, $0x0;
	_ =	sdelay $0xc  }
0xbf: {  	s22 =	spop (v2sf)  }
0xc0: {  	s28 =	spop (v2sf)  }
0xc1: {  	s26 =	spop (v2sf)  }
0xc2: {  	p2 =	seq.s32 s22, s28;
	p3 =	seq.s32 s26, s22  }
0xc3: {  	p3 =	por p2, p3  }
0xc4: {  	s22 =	sand.u32 $0x1, s24;
	v4 =	vpsel p3, $0xFFFFFFFF, v4  }
0xc5: {  	s28 =	smul.u32 $0x1A90, s22;
	[tilespmem:s25+$0x10] =	vst.msk $0x1, v4  }
0xc6: {  	v4 =	vld [tilespmem:$0x30]  }
0xc7: {  	v5 =	vld [tilespmem:s28+$0x85D0]  }
0xc8: {  	v6 =	vld [tilespmem:s25+$0x40];
	_ =	sdelay $0x3  }
0xc9: {  	vm4 =	vmmov vm1;
	v5 =	vadd.f32 v5, v4  }
0xca: {  	vm5 =	vmmov vm2;
	vm4 =	vmmov @p2 vm2;
	v4 =	vadd.f32 v6, v4  }
0xcb: {  	s4 =	sshll.u32 s22, $0x4;
	vm5 =	vmmov @p3 vm1;
	[tilespmem:s28+$0x85D0] =	vst.msk vm4, v5  }
0xcc: {  	[tilespmem:s4+$0xF010] =	vst.msk vm5, v4  }
0xcd: {  	v4 =	vld [tilespmem:s28+$0x6B30];
	_ =	sdelay $0x3  }
0xce: {  	v5 =	vimm.f32 $0.0e+00  }
0xcf: {  	v4 =	vshift.insert v4, v5, s21  }
0xd0: {  	s29 =	sor.u32 $0x40, s2  }
0xd1: {  	[tilespmem:s29+$0x0] =	vst.msk $0x1, v4  }
0xd2: {  	[tilespmem:s28+$0x6B3F] =	vst.msk $0x1, v5  }
0xd3: {  	v4 =	vld [tilespmem:s0+$0x1B80];
	_ =	sdelay $0x1  }
0xd4: {  	s29 =	smulhi.u32 $0xAAAAAAAB, s20;
	s0 =	simm.s32 $0x1  }
0xd5: {  	s0 =	simm.s32 @!p0 $0x0  }
0xd6: {  	s29 =	sshrl.u32 s29, $0x1;
	s0 =	smul.u32 $0x6A40, s0  }
0xd7: {  	s29 =	smul.u32 $0xFFFEC140, s29;
	v4 =	vshift.insert v4, v1, s21  }
0xd8: {  	s0 =	sshrl.u32 s0, $0x2  }
0xd9: {  	s29 =	sshra.s32 s29, $0x2;
	s30 =	sadd.s32 $0x85D0, s0;
	[tilespmem:s2+$0x10] =	vst.msk $0x1, v4  }
0xda: {  	s22 =	sadd.s32 s29, s19;
	v6 =	vld [tilespmem:s30+$0x0]  }
0xdb: {  	v7 =	vld [tilespmem:s22+$0x0];
	_ =	sdelay $0x3  }
0xdc: {  	v5 =	vadd.f32 v6, v5  }
0xdd: {  	vm4 =	vne.s32 v7, $0xFFFFFFFF  }
0xde: {  	(xrf2) =	vadd.seg.scan.f32 vm4, v5;
	_ =	sdelay $0x3  }
0xdf: {  	s31 =	sadd.s32 $0x50B0, s0;
	v5 =	vperm.xlane v4, v1  }
0xe0: {  	v6 =	vld [tilespmem:s31+$0x0]  }
0xe1: {  	vm5 =	veq.s32 v7, v3;
	vm6 =	veq.s32 v7, v5  }
0xe2: {  	vm7 =	vgt.u32 v7, $0xFFFFFFFD;
	vm6 =	vmor vm6, vm5  }
0xe3: {  	vm6 =	vmor vm6, vm7  }
0xe4: {  	v9 =	vld [tilespmem:$0xA0];
	v7 =	vsel vm6, $0xFFFFFFFF, v7  }
0xe5: {  	v10 =	vld [tilespmem:$0x90];
	v6 =	vsel vm5, $0x0, v6;
	v8, _, _ =	vpop (xrf2)  }
0xe6: {  	v6 =	vadd.f32 v8, v6  }
0xe7: {  	s0 =	sadd.s32 $0xBAF0, s0  }
0xe8: {  	vm4 =	vmand vm4, vm3;
	[tilespmem:s0+$0x0] =	vst v6;
	(ifvalue) =	ssetifvalue $0xFFFFFFFF  }
0xe9: {  	vm6 =	veq.s32 v9, $0x1;
	[hbm4b:s1+s16] =	stream.indirect_vreg.scatter [tilespmem:s0], [sflag:$0x2], $0x1, v7, vm0, $0x4038;
	v7 =	vsel vm4, $0x0, v8;
	[tilespmem:$0xF030] =	vst v63  }
0xea: {  	s29 =	sadd.s32 $0xF010, s4;
	s4 =	sadd.s32 $0x10, s22;
	s2 =	simm.s32 $0x0;
	vm4 =	vmor vm6, vm5;
	v6 =	vsel vm5, v8, v10;
	v7 =	vshift.insert v7, v0, s21  }
.LBB3_7:
0xeb: {  	v8 =	vld [tilespmem:s4+$0x0];
	s30 =	sadd.s32 $0x10, s30  }
0xec: {  	s31 =	sadd.s32 $0x10, s31;
	v9 =	vld [tilespmem:s30+$0x0]  }
0xed: {  	s2 =	sadd.s32 $0x10, s2;
	v10 =	vld [tilespmem:s31+$0x0]  }
0xee: {  	p2 =	slt.u32 s2, $0x1A80;
	_ =	sdelay $0x2  }
0xef: {  	v7 =	vadd.f32 v9, v7  }
0xf0: {  	vm5 =	vne.s32 v8, $0xFFFFFFFF  }
0xf1: {  	vm6 =	vmand vm5, vm3;
	(xrf2) =	vadd.seg.scan.f32 vm5, v7;
	_ =	sdelay $0x5  }
0xf2: {  	vm7 =	veq.s32 v8, v5;
	vm5 =	veq.s32 v8, v3  }
0xf3: {  	vm8 =	vgt.u32 v8, $0xFFFFFFFD;
	vm4 =	vmor vm4, vm5;
	vm7 =	vmor vm7, vm5  }
0xf4: {  	vm7 =	vmor vm7, vm8  }
0xf5: {  	v8 =	vsel vm7, $0xFFFFFFFF, v8  }
.Ltmp13:
0xf6: {  	v7 =	vsel vm5, $0x0, v10;
	v9, _, _ =	vpop (xrf2);
	(pc) =	sbr.rel @p2 .LBB3_7-.Ltmp13, $4  }
0xf7: {  	v6 =	vsel vm5, v9, v6;
	v10 =	vadd.f32 v9, v7;
	v7 =	vsel vm6, $0x0, v9  }
0xf8: {  	s0 =	sadd.s32 $0x10, s0;
	v7 =	vshift.insert v7, v0, s21  }
0xf9: {  	s4 =	sadd.s32 $0x10, s4;
	[tilespmem:s0+$0x0] =	vst v10;
	(ifvalue) =	ssetifvalue $0xFFFFFFFF  }
0xfa: {  	[hbm4b:s1+s16] =	stream.indirect_vreg.scatter [tilespmem:s0], [sflag:$0x2], $0x1, v8, vm0, $0x4038;
	[tilespmem:$0xF030] =	vst v63  }
0xfb: {  	v3 =	vld [tilespmem:s28+$0xD570];
	_ =	sdelay $0x4  }
0xfc: {  	v3 =	vshift.insert v3, v0, s21  }
0xfd: {  	s0 =	simm.s32 $0x30  }
0xfe: {  	[tilespmem:s0+$0x0] =	vst.msk $0x1, v3  }
0xff: {  	v3 =	vsel vm4, $0x1, v1;
	[tilespmem:$0x90] =	vst v6  }
0x100: {  	s0 =	sadd.s32 @!p1 $0xD57F, s28;
	[tilespmem:$0xA0] =	vst v3  }
0x101: {  	[spmem:s14] =	stream.linear.scatter @!p1 [tilespmem:s0], [sflag:$0x1], $0x1, $0x38;
	[tilespmem:$0xF030] =	vst v63  }
0x102: {  	s0 =	simm.s32 @!p1 $0x1  }
0x103: {  	v3 =	vmctz.xlane @!p1 vm4;
	_ =	swait.ge @!p1 [sflag:s0], $0x1  }
0x104: {  	(v2sf) =	vpush @!p1 v4, $0x0  }
0x105: {  	(v2sf) =	vpush @!p1 v3, $0x0;
	_ =	sdelay $0xd  }
0x106: {  	s2 =	spop @!p1 (v2sf)  }
0x107: {  	s4 =	spop @!p1 (v2sf)  }
0x108: {  	p2 =	sne.s32 @!p1 s26, s2;
	p3 =	slt.s32 @!p1 s4, $0xF  }
0x109: {  	[sflag:s0] =	ssyncset.done @!p1 $0x0;
	p2 =	por p2, p1;
	p3 =	por !p3, p1  }
0x10a: {  	[sflag:s0] =	ssyncadd.s32 @!p1 $0xFFFFFFFF;
	v3 =	vimm.s32 @!p2 $0xFFFFFFFF;
	s4 =	simm.s32 @p3 $0xF  }
0x10b: {  	[tilespmem:$0x80] =	vst @!p2 v3;
	s2 =	sadd.s32 @!p1 $0x90, s4  }
0x10c: {  	[spmem:s10] =	stream.linear.scatter @!p1 [tilespmem:s2], [sflag:$0x1], $0x1, $0x38;
	[tilespmem:$0xF030] =	vst v63  }
0x10d: {  	_ =	swait.ge @!p1 [sflag:s0], $0x1  }
0x10e: {  	[sflag:s0] =	ssyncset.done @!p1 $0x0  }
0x10f: {  	s2 =	simm.s32 @!p1 $0x80;
	[sflag:s0] =	ssyncadd.s32 @!p1 $0xFFFFFFFF  }
0x110: {  	[spmem:s15] =	stream.linear.scatter @!p1 [tilespmem:s2], [sflag:$0x1], $0x1, $0x38;
	[tilespmem:$0xF030] =	vst v63  }
0x111: {  	_ =	swait.ge @!p1 [sflag:s0], $0x1  }
0x112: {  	[sflag:s0] =	ssyncset.done @!p1 $0x0  }
0x113: {  	[sflag:s0] =	ssyncadd.s32 @!p1 $0xFFFFFFFF;
	(ifvalue) =	ssetifvalue $0xFFFFFFFF;
	v3 =	vld [tilespmem:s25+$0x10];
	_ =	sdelay $0x3  }
.Ltmp14:
0x114: {  	_ = 	snop;
	(pc) =	sbr.rel .LBB3_9-.Ltmp14, $3  }
0x115: {  	_ =	sdelay $0x1  }
0x116: {  	(ifvalue) =	ssetifvalue $0xFFFFFFFF  }
0x117: {  	[hbm4b:s1+s16] =	stream.indirect_vreg.scatter [tilespmem:s29], [sflag:$0x9], $0x1, v3, vm0, $0x4038;
	[tilespmem:$0xF030] =	vst v63  }
.LBB3_10:
0x118: {  	_ =	sfence.sel $0x180000  }
0x119: {  	s0 =	simm.s32 $0x7;
	[bflag:$0x0] =	sbarrier.arrive $0xFFFF  }
0x11a: {  	s26 =	simm.s32 $0x8;
	[sflag:s0] =	ssyncpa.u1 $0x1  }
0x11b: {  	s28 =	simm.s32 $0x9;
	[sflag:s26] =	ssyncpa.u1 $0x1  }
0x11c: {  	[sflag:s28] =	ssyncpa.u1 $0x1  }
0x11d: {  	_ =	sfence.stream.spmem  }
0x11e: {  	s29 =	simm.s32 $0x3;
	[bflag:$0x0] =	sbarrier.arrive $0xFFFF  }
0x11f: {  	s30 =	simm.s32 $0x4;
	[sflag:s29] =	ssyncpa.u1 $0x1  }
0x120: {  	s31 =	simm.s32 $0x3C;
	s2 =	stileid.u32;
	[sflag:s30] =	ssyncpa.u1 $0x1  }
0x121: {  	p0 =	sne.s32 s2, $0x0;
	[sflag:s31] =	ssyncpa.u1 $0x1  }
0x122: {  	s0 =	simm.s32 @p0 $0x1;
	_ =	sfence @p0  }
0x123: {  	[sflag:s0] =	ssyncpa.u1 @p0 $0x1;
	s0 =	simm.s32 @p0 $0x2  }
0x124: {  	[sflag:s0] =	ssyncpa.u1 @p0 $0x1  }
0x125: {  	_ =	strace @p0 $0x9000004A  }
0x126: {  	[bflag:$0x2] =	sbarrier.arrive @p0 $0xFFFF  }
0x127: {  	_ =	shalt @p0  }
.LBB3_11:
0x128: {  	_ =	sfence.stream.spmem;
	s0 =	simm.s32 $0x5  }
0x129: {  	s2 =	simm.s32 $0x80;
	s3 =	simm.s32 $0xC0;
	[sflag:s0] =	ssyncpa.u1 $0x0  }
0x12a: {  	[tilespmem:s3], [sflag:$0x5] =	stream.linear.gather [spmem:s2], $0x20, $0x38;
	[tilespmem:$0xF030] =	vst v63  }
0x12b: {  	s2 =	simm.s32 $0x0;
	s3 =	simm.s32 $0xE0  }
0x12c: {  	[tilespmem:s3], [sflag:$0x5] =	stream.linear.gather [spmem:s2], $0x20, $0x38;
	[tilespmem:$0xF030] =	vst v63  }
.Ltmp15:
0x12d: {  	_ = 	snop;
	(pc) =	sbr.rel .LBB3_12-.Ltmp15, $4  }
0x12e: {  	_ =	swait.ge [sflag:s0], $0x40  }
0x12f: {  	[sflag:s0] =	ssyncset.done $0x0  }
0x130: {  	s31 =	simm.s32 $0x6;
	[sflag:s0] =	ssyncadd.s32 $0xFFFFFFC0  }
0x131: {  	s4 =	simm.s32 $0x0;
	[sflag:s31] =	ssyncpa.u1 $0x0  }
.LBB3_17:
0x132: {  	p0 =	sgt.u32 s5, $0x27FF  }
0x133: {  	s0 =	sshrl.u32 @!p0 s5, $0x3  }
0x134: {  	s5 =	sand.u32 @!p0 $0x7, s5;
	s6 =	simm.s32 @!p0 $0xB0;
	s0 =	sadd.s32 @!p0 s1, s0  }
0x135: {  	[tilespmem:s6], [sflag:$0x6] =	stream.linear.gather @!p0 [hbm4b:s0+s5], $0x1, $0x38;
	[tilespmem:$0xF030] =	vst v63  }
0x136: {  	s0 =	simm.s32 @!p0 $0x6  }
0x137: {  	_ =	swait.ge @!p0 [sflag:s0], $0x1  }
0x138: {  	[sflag:s0] =	ssyncset.done @!p0 $0x0  }
0x139: {  	[sflag:s0] =	ssyncadd.s32 @!p0 $0xFFFFFFFF  }
0x13a: {  	v2 =	vmov @!p0 s4;
	v1 =	vld.msk @!p0 [tilespmem:$0xB0], $0x1;
	_ =	sdelay $0x3  }
0x13b: {  	s0 =	simm.s32 @!p0 $0xE0  }
0x13c: {  	[tilespmem:v2+s0+$0x0], v1 =	vst.idx.ret.add.f32.msk @!p0 $0x1, v1  }
0x13d: {  	[tilespmem:s2+$0xC0] =	vst.msk $0x1, v0  }
0x13e: {  	v0 =	vld.msk [tilespmem:s4+$0xE0], $0x1;
	_ =	sdelay $0x4  }
0x13f: {  	[tilespmem:s2+$0xE0] =	vst.msk $0x1, v0;
	s2 =	sadd.s32 $0x1, s2  }
.LBB3_19:
0x140: {  	s4 =	sadd.s32 $0x1, s4  }
0x141: {  	p0 =	sne.s32 s4, $0x20  }
.Ltmp16:
0x142: {  	_ = 	snop;
	(pc) =	sbr.rel @!p0 .LBB3_20-.Ltmp16, $1  }
0x143: {  	_ =	sdelay $0x3  }
.LBB3_12:
0x144: {  	v0 =	vld.msk [tilespmem:s4+$0xC0], $0x1;
	_ =	sdelay $0x4  }
0x145: {  	(v2sf) =	vpush v0, $0x0;
	_ =	sdelay $0xe  }
0x146: {  	s5 =	spop (v2sf)  }
0x147: {  	p0 =	seq.s32 s5, $0xFFFFFFFF  }
.Ltmp17:
0x148: {  	_ = 	snop;
	(pc) =	sbr.rel @p0 .LBB3_19-.Ltmp17, $1  }
0x149: {  	_ =	sdelay $0x3  }
0x14a: {  	p0 =	slt.s32 s2, $0x1  }
.Ltmp18:
0x14b: {  	_ = 	snop;
	(pc) =	sbr.rel @p0 .LBB3_17-.Ltmp18, $1  }
0x14c: {  	_ =	sdelay $0x3  }
0x14d: {  	s0 =	simm.s32 $0xC0;
	p0 =	por $0x0, $0x0  }
0x14e: {  	v1 =	vld.msk @!p0 [tilespmem:s0+$0x0], $0x1;
	_ =	sdelay $0x4  }
0x14f: {  	(v2sf) =	vpush @!p0 v1, $0x0;
	_ =	sdelay $0xd  }
0x150: {  	p2 =	sne.s32 s2, $0x1  }
.Ltmp19:
0x151: {  	s6 =	spop @!p0 (v2sf);
	(pc) =	sbr.rel @!p2 .LBB3_16-.Ltmp19, $4  }
0x152: {  	p1 =	seq.s32 @!p0 s5, s6  }
0x153: {  	s6 =	simm.s32 $0x0;
	p1 =	por !p1, p0  }
0x154: {  	s8 =	simm.s32 $0xFFFFFFFF;
	s6 =	simm.s32 @p1 $0xFFFFFFFF  }
0x155: {  	s7 =	simm.s32 $0x1;
	s6 =	smov.u32 @p0 s8  }
.LBB3_15:
0x156: {  	s8 =	smov.u32 s6;
	p0 =	sne.s32 s6, $0xFFFFFFFF  }
0x157: {  	s0 =	sadd.s32 $0x1, s0;
	s6 =	smov.u32 s7;
	s7 =	sadd.s32 $0x1, s7  }
0x158: {  	p1 =	sne.s32 s2, s7;
	v1 =	vld.msk @!p0 [tilespmem:s0+$0x0], $0x1;
	_ =	sdelay $0x4  }
0x159: {  	(v2sf) =	vpush @!p0 v1, $0x0;
	_ =	sdelay $0xe  }
.Ltmp20:
0x15a: {  	s9 =	spop @!p0 (v2sf);
	(pc) =	sbr.rel @p1 .LBB3_15-.Ltmp20, $4  }
0x15b: {  	p2 =	seq.s32 @!p0 s5, s9  }
0x15c: {  	p2 =	por !p2, p0  }
0x15d: {  	s6 =	simm.s32 @p2 $0xFFFFFFFF  }
0x15e: {  	s6 =	smov.u32 @p0 s8  }
.LBB3_16:
0x15f: {  	p0 =	sne.s32 s6, $0xFFFFFFFF  }
.Ltmp21:
0x160: {  	_ = 	snop;
	(pc) =	sbr.rel @!p0 .LBB3_17-.Ltmp21, $1  }
0x161: {  	_ =	sdelay $0x3  }
0x162: {  	v0 =	vld.msk [tilespmem:s4+$0xE0], $0x1;
	v1 =	vmov s6  }
.Ltmp22:
0x163: {  	_ = 	snop;
	(pc) =	sbr.rel .LBB3_19-.Ltmp22, $2  }
0x164: {  	_ =	sdelay $0x2  }
0x165: {  	[tilespmem:v1+s3+$0x0], v0 =	vst.idx.ret.add.f32.msk $0x1, v0  }
.LBB3_20:
0x166: {  	p0 =	slt.s32 s2, $0x1  }
.Ltmp23:
0x167: {  	_ = 	snop;
	(pc) =	sbr.rel @p0 .LBB3_24-.Ltmp23, $3  }
0x168: {  	_ =	sdelay $0x1  }
0x169: {  	s0 =	simm.s32 $0x6  }
0x16a: {  	s3 =	simm.s32 $0x0;
	[sflag:s0] =	ssyncpa.u1 $0x1  }
0x16b: {  	s0 =	simm.s32 $0xC0  }
0x16c: {  	v0 =	vld.msk [tilespmem:s0+$0x0], $0x1;
	_ =	sdelay $0x4  }
0x16d: {  	(v2sf) =	vpush v0, $0x0;
	_ =	sdelay $0xe  }
0x16e: {  	s2 =	sadd.s32 $0xFFFFFFFF, s2;
	s4 =	spop (v2sf)  }
0x16f: {  	p1 =	sne.s32 s2, $0x0;
	p0 =	sgt.u32 s4, $0x27FF  }
.Ltmp24:
0x170: {  	s5 =	sshrl.u32 @!p0 s4, $0x3;
	(pc) =	sbr.rel @!p1 .LBB3_23-.Ltmp24, $4  }
0x171: {  	s0 =	simm.s32 $0xE0;
	s4 =	sand.u32 @!p0 $0x7, s4;
	s5 =	sadd.s32 @!p0 s1, s5  }
0x172: {  	[hbm4b:s5+s4] =	stream.linear.scatter @!p0 [tilespmem:s0], [sflag:$0x5], $0x1, $0x38;
	[tilespmem:$0xF030] =	vst v63  }
0x173: {  	s5 =	simm.s32 $0x0  }
0x174: {  	s4 =	simm.s32 $0xC1;
	s5 =	simm.s32 @!p0 $0x4  }
.LBB3_22:
0x175: {  	v0 =	vld.msk [tilespmem:s4+$0x0], $0x1;
	s2 =	sadd.s32 $0xFFFFFFFF, s2;
	s3 =	sadd.s32 s3, s5  }
0x176: {  	p0 =	sne.s32 s2, $0x0;
	_ =	sdelay $0x3  }
0x177: {  	(v2sf) =	vpush v0, $0x0;
	_ =	sdelay $0xe  }
.Ltmp25:
0x178: {  	s6 =	spop (v2sf);
	(pc) =	sbr.rel @p0 .LBB3_22-.Ltmp25, $4  }
0x179: {  	s5 =	simm.s32 $0x0;
	p1 =	sgt.u32 s6, $0x27FF  }
0x17a: {  	s0 =	sadd.s32 $0x1, s0;
	s5 =	simm.s32 @!p1 $0x4;
	s7 =	sshrl.u32 @!p1 s6, $0x3  }
0x17b: {  	s4 =	sadd.s32 $0x1, s4;
	s6 =	sand.u32 @!p1 $0x7, s6;
	s7 =	sadd.s32 @!p1 s1, s7  }
0x17c: {  	[hbm4b:s7+s6] =	stream.linear.scatter @!p1 [tilespmem:s0], [sflag:$0x5], $0x1, $0x38;
	[tilespmem:$0xF030] =	vst v63  }
.LBB3_23:
0x17d: {  	s0 =	sadd.s32 s3, s5  }
0x17e: {  	s3 =	sshrl.u32 s0, $0x2  }
.LBB3_24:
0x17f: {  	s0 =	simm.s32 $0x5  }
0x180: {  	_ =	swait.ge [sflag:s0], s3  }
0x181: {  	s1 =	ssub.s32 $0x0, s3;
	[sflag:s0] =	ssyncset.done $0x0  }
0x182: {  	[sflag:s0] =	ssyncadd.s32 s1  }
0x183: {  	[sflag:s0] =	ssyncpa.u1 $0x1  }
0x184: {  	s29 =	simm.s32 $0x1;
	_ =	sfence  }
0x185: {  	s30 =	simm.s32 $0x2;
	[sflag:s29] =	ssyncpa.u1 $0x1  }
0x186: {  	[sflag:s30] =	ssyncpa.u1 $0x1  }
0x187: {  	_ =	strace $0x9000004A  }
0x188: {  	[bflag:$0x2] =	sbarrier.arrive $0xFFFF  }
0x189: {  	s31 =	rddreg [dreg:$0x3]  }
0x18a: {  	s0 =	sadd.s32 $0x100000, s31  }
0x18b: {  	[sflag:s0] =	ssyncadd.tile.s32 $0x1;
	_ =	shalt  }
.Lfunc_end3:
_tile_overlayer_lowered:
.L_overlay_start_3:
0x18c: {  	(tag) =	ssettag $0x3  }
0x18d: {  	s0 =	rddreg [dreg:$0x0];
	s2 =	stileid.u32  }
0x18e: {  	s1 =	rddreg [dreg:$0x1];
	p0 =	sne.s32 s2, $0x0  }
0x18f: {  	s3 =	rddreg [dreg:$0x2];
	[bflag:$0x3] =	sbarrier.arrive $0xFFFF;
	s2 =	simm.s32 @!p0 $0x1C01  }
0x190: {  	[timem:s3], [sflag:s2] =	dma.local @!p0 [hbm:s0], s1  }
0x191: {  	s0 =	simm.s32 @!p0 $0x1  }
0x192: {  	_ =	swait.ge @!p0 [sflag:s0], s1  }
0x193: {  	s1 =	ssub.s32 @!p0 $0x0, s1;
	[sflag:s0] =	ssyncset.done @!p0 $0x0  }
0x194: {  	[sflag:s0] =	ssyncadd.s32 @!p0 s1  }
0x195: {  	[bflag:$0x3] =	sbarrier.arrive $0xFFFF  }
0x196: {  	_ =	shalt  }

</sc_bundles>
